<compile_context>
chip_gen: v7x
topology: tpu7x:2x2x1
jax: 0.10.2.dev20260603
libtpu: 0.0.44.dev20260713+nightly
codegen_flags: <defaults>
</compile_context>

<pallas_src>
import functools

import jax
import jax.numpy as jnp
from jax import lax
from jax.experimental import pallas as pl
from jax.experimental.pallas import tpu as pltpu
from jax.experimental.pallas import tpu_sc as plsc

N = 10000
E = 320000
F_IN = 128
H = 128
OUT = 64

NPAD = 10240
NC = 2
NS = 16
NW = NC * NS
EPT = E // NW
CHUNK = 120
NCH = 84
EPAD = NW * NCH * CHUNK
RPT = NPAD // NS
ZR = 64

_mesh = plsc.VectorSubcoreMesh(core_axis_name="c", subcore_axis_name="s")
_sc_params = pltpu.CompilerParams(needs_layout_passes=False)


def _deg_body(col_hbm, out_hbm, colbuf, hist):
    cid = lax.axis_index("c")
    sid = lax.axis_index("s")
    wid = sid * NC + cid
    pltpu.sync_copy(col_hbm.at[wid], colbuf)

    def zero(j, carry):
        hist[pl.ds(j * 16, 16)] = jnp.zeros((16,), jnp.float32)
        return carry

    lax.fori_loop(0, NPAD // 16, zero, 0)

    ones = jnp.ones((16,), jnp.float32)

    def body(j, carry):
        for u in range(5):
            idx = colbuf[pl.ds((5 * j + u) * 16, 16)]
            plsc.addupdate_scatter(hist, [idx], ones)
        return carry

    lax.fori_loop(0, EPT // 80, body, 0)
    pltpu.sync_copy(hist, out_hbm.at[wid])


_deg = pl.kernel(
    _deg_body,
    mesh=_mesh,
    out_type=jax.ShapeDtypeStruct((NW, NPAD), jnp.float32),
    scratch_types=[
        pltpu.VMEM((EPT,), jnp.int32),
        pltpu.VMEM((NPAD,), jnp.float32),
    ],
    compiler_params=_sc_params,
)


def _scatter_body(feat, g_hbm, rc_hbm, out_hbm,
                  ibuf, gbuf, s_sh,
                  gsem0, gsem1, gsem2, ssem0, ssem1, ssem2,
                  isem0, isem1, isem2, isem3, isem4, isem5):
    cid = lax.axis_index("c")
    sid = lax.axis_index("s")
    wid = sid * NC + cid
    base = wid * NCH
    gsems = (gsem0, gsem1, gsem2)
    ssems = (ssem0, ssem1, ssem2)
    isems = (isem0, isem1, isem2, isem3, isem4, isem5)

    for q in range(4):
        pltpu.async_copy(rc_hbm.at[base + q], ibuf.at[q], isems[q])

    def zrow(r, carry):
        def zcol(c, carry2):
            gbuf[2, r, pl.ds(c * 16, 16)] = jnp.zeros((16,), jnp.float32)
            return carry2

        return lax.fori_loop(0, feat // 16, zcol, carry)

    lax.fori_loop(0, CHUNK, zrow, 0)

    def zfill(r, carry):
        pltpu.sync_copy(gbuf.at[2],
                        s_sh.at[pl.ds(sid * RPT + r * CHUNK, CHUNK)])
        return carry

    lax.fori_loop(0, RPT // CHUNK, zfill, 0)
    if RPT % CHUNK:
        pltpu.sync_copy(
            gbuf.at[2].at[pl.ds(0, RPT % CHUNK)],
            s_sh.at[pl.ds(sid * RPT + (RPT // CHUNK) * CHUNK, RPT % CHUNK)])

    for u in range(2):
        pltpu.make_async_copy(rc_hbm.at[base + u], ibuf.at[u],
                              isems[u]).wait()
        pltpu.async_copy(g_hbm.at[ibuf.at[u, 0]], gbuf.at[u], gsems[u])
    plsc.subcore_barrier()

    def six(p, carry):
        j0 = 6 * p
        for u in range(6):
            j = j0 + u
            b = u % 3
            b2 = (u + 2) % 3
            q2 = (u + 2) % 6
            q4 = (u + 4) % 6
            pltpu.make_async_copy(g_hbm.at[ibuf.at[u, 0]], gbuf.at[b],
                                  gsems[b]).wait()
            pltpu.async_copy(gbuf.at[b], s_sh.at[ibuf.at[u, 1]],
                             ssems[b], add=True)

            @pl.when(j + 2 < NCH)
            def _():
                @pl.when(j >= 1)
                def _():
                    pltpu.make_async_copy(gbuf.at[b2], s_sh.at[ibuf.at[u, 1]],
                                          ssems[b2]).wait()

                pltpu.make_async_copy(rc_hbm.at[base + j + 2], ibuf.at[q2],
                                      isems[q2]).wait()
                pltpu.async_copy(g_hbm.at[ibuf.at[q2, 0]], gbuf.at[b2],
                                 gsems[b2])

            @pl.when(j + 4 < NCH)
            def _():
                pltpu.async_copy(rc_hbm.at[base + j + 4], ibuf.at[q4],
                                 isems[q4])

        return carry

    lax.fori_loop(0, NCH // 6, six, 0)
    for j in (NCH - 3, NCH - 2, NCH - 1):
        b = j % 3
        pltpu.make_async_copy(gbuf.at[b], s_sh.at[ibuf.at[j % 6, 1]],
                              ssems[b]).wait()
    plsc.subcore_barrier()

    def out(r, carry):
        sl = pl.ds(sid * RPT + r * ZR, ZR)
        pltpu.sync_copy(s_sh.at[sl], out_hbm.at[cid, sl])
        return carry

    lax.fori_loop(0, RPT // ZR, out, 0)


def _make_scatter(feat):
    return pl.kernel(
        functools.partial(_scatter_body, feat),
        mesh=_mesh,
        out_type=jax.ShapeDtypeStruct((NC, NPAD, feat), jnp.float32),
        scratch_types=[
            pltpu.VMEM((6, 2, CHUNK), jnp.int32),
            pltpu.VMEM((3, CHUNK, feat), jnp.float32),
            pltpu.VMEM_SHARED((NPAD, feat), jnp.float32),
        ] + [pltpu.SemaphoreType.DMA] * 12,
        compiler_params=_sc_params,
    )


_scatter_h = _make_scatter(H)


NB = 1024


def _dinv_of(hist_ref):
    deg = jnp.sum(hist_ref[...], axis=0) + 1.0
    return lax.rsqrt(deg)[:, None]


def _tc1_body(hist_ref, x_ref, w_ref, g_ref):
    h = jnp.dot(x_ref[...], w_ref[...], preferred_element_type=jnp.float32)
    g_ref[...] = h * _dinv_of(hist_ref)


def _tc2_body(hist_ref, s_ref, g1_ref, b1_ref, w2_ref, g2_ref):
    dinv = _dinv_of(hist_ref)
    s = s_ref[0] + s_ref[1] + g1_ref[...]
    h1 = jnp.maximum(s * dinv + b1_ref[...], 0.0)
    g2_ref[...] = jnp.dot(h1, w2_ref[...],
                          preferred_element_type=jnp.float32) * dinv


def _tc3_body(hist_ref, s_ref, g2_ref, b2_ref, z_ref):
    s = s_ref[0] + s_ref[1] + g2_ref[...]
    z_ref[...] = (s * _dinv_of(hist_ref))[:, :OUT] + b2_ref[...]


_GRID = (NPAD // NB,)
_hist_spec = pl.BlockSpec((NW, NB), lambda i: (0, i))


def _row_spec(f):
    return pl.BlockSpec((NB, f), lambda i: (i, 0))


def _part_spec(f):
    return pl.BlockSpec((NC, NB, f), lambda i: (0, i, 0))


def _full_spec(r, c):
    return pl.BlockSpec((r, c), lambda i: (0, 0))


_tc1 = pl.pallas_call(
    _tc1_body,
    grid=_GRID,
    in_specs=[_hist_spec, _row_spec(F_IN), _full_spec(F_IN, H)],
    out_specs=_row_spec(H),
    out_shape=jax.ShapeDtypeStruct((NPAD, H), jnp.float32),
)

_tc2 = pl.pallas_call(
    _tc2_body,
    grid=_GRID,
    in_specs=[_hist_spec, _part_spec(H), _row_spec(H),
              _full_spec(1, H), _full_spec(H, H)],
    out_specs=_row_spec(H),
    out_shape=jax.ShapeDtypeStruct((NPAD, H), jnp.float32),
)

_tc3 = pl.pallas_call(
    _tc3_body,
    grid=_GRID,
    in_specs=[_hist_spec, _part_spec(H), _row_spec(H), _full_spec(1, OUT)],
    out_specs=_row_spec(OUT),
    out_shape=jax.ShapeDtypeStruct((N, OUT), jnp.float32),
)


def kernel(x, edge_index, W1, b1, W2, b2):
    ei = edge_index.astype(jnp.int32)
    col_t = ei[1].reshape(NW, EPT)
    sent = N + jnp.arange(EPAD - E, dtype=jnp.int32) % (NPAD - N)
    eip = jnp.concatenate(
        [ei, jnp.broadcast_to(sent, (2, EPAD - E))], axis=1)
    rc = eip.reshape(2, NW, NCH, CHUNK).transpose(1, 2, 0, 3).reshape(
        NW * NCH, 2, CHUNK)

    w2p = jnp.pad(W2, ((0, 0), (0, H - OUT)))

    hist = _deg(col_t)
    g1 = _tc1(hist, x, W1)
    s1 = _scatter_h(g1, rc)
    g2 = _tc2(hist, s1, g1, b1.reshape(1, H), w2p)
    s2 = _scatter_h(g2, rc)
    return _tc3(hist, s2, g2, b2.reshape(1, OUT))

# --- scband reference (transcript-rebuilt; emitter-appended) ---
"""Pipeline reference for scband-net-48249662603297 (READ-ONLY COPY).

The authoritative reference and input builder live on the scoring server;
editing this copy changes nothing except your own understanding.
"""

import jax, jax.numpy as jnp
import numpy as np

N = 10000
E = 320000
F_IN = 128
H = 128
OUT = 64


def gcn_conv(x, edge_index, W, b, num_nodes):
    # linear transform first (PyG GCNConv semantics)
    x = x @ W
    # add self loops
    loop = jnp.arange(num_nodes, dtype=edge_index.dtype)
    row = jnp.concatenate([edge_index[0], loop])
    col = jnp.concatenate([edge_index[1], loop])
    # symmetric normalization D^-1/2 (A+I) D^-1/2
    deg = jnp.zeros((num_nodes,), dtype=x.dtype).at[col].add(1.0)
    dinv = jnp.where(deg > 0, jax.lax.rsqrt(deg), 0.0)
    norm = dinv[row] * dinv[col]
    # gather messages from source nodes, scale, scatter-add to targets
    msg = jnp.take(x, row, axis=0) * norm[:, None]
    out = jnp.zeros((num_nodes, x.shape[1]), dtype=x.dtype).at[col].add(msg)
    return out + b


def setup_inputs(seed: int = 0) -> dict:
    key = jax.random.key(seed)
    k1, k2, k3, k4, k5 = jax.random.split(key, 5)
    x = jax.random.normal(k1, (N, F_IN), dtype=jnp.float32)
    edge_index = jax.random.randint(k2, (2, E), 0, N, dtype=jnp.int64)
    W1 = jax.random.normal(k3, (F_IN, H), dtype=jnp.float32) * (1.0 / np.sqrt(F_IN))
    b1 = jnp.zeros((H,), dtype=jnp.float32)
    W2 = jax.random.normal(k4, (H, OUT), dtype=jnp.float32) * (1.0 / np.sqrt(H))
    b2 = jnp.zeros((OUT,), dtype=jnp.float32)
    return {"x": x, "edge_index": edge_index, "W1": W1, "b1": b1, "W2": W2, "b2": b2}


def reference(x, edge_index, W1, b1, W2, b2):
    # Net.encode: conv1 -> relu -> conv2
    h = gcn_conv(x, edge_index, W1, b1, N)
    h = jax.nn.relu(h)
    z = gcn_conv(h, edge_index, W2, b2, N)
    return z

if __name__ == "__main__":
    import jax
    _d = setup_inputs()
    print(jax.jit(kernel)(*tuple(_d.values())))

</pallas_src>

<mosaic_0001>
#map = affine_map<(d0, d1) -> (0, 0)>
#map1 = affine_map<(d0, d1) -> (0, 0, 0)>
module attributes {stable_mosaic.version = 14 : i64} {
  func.func @_scatter_body(%arg0: i32, %arg1: i32, %arg2: memref<10240x128xf32, #tpu.memory_space<hbm>>, %arg3: memref<2688x2x120xi32, #tpu.memory_space<hbm>>, %arg4: memref<2x10240x128xf32, #tpu.memory_space<hbm>>, %arg5: memref<6x2x120xi32, #tpu.memory_space<vmem>>, %arg6: memref<3x120x128xf32, #tpu.memory_space<vmem>>, %arg7: memref<10240x128xf32, #tpu.memory_space<vmem_shared>>, %arg8: memref<!tpu.dma_semaphore, #tpu.memory_space<semaphore_mem>>, %arg9: memref<!tpu.dma_semaphore, #tpu.memory_space<semaphore_mem>>, %arg10: memref<!tpu.dma_semaphore, #tpu.memory_space<semaphore_mem>>, %arg11: memref<!tpu.dma_semaphore, #tpu.memory_space<semaphore_mem>>, %arg12: memref<!tpu.dma_semaphore, #tpu.memory_space<semaphore_mem>>, %arg13: memref<!tpu.dma_semaphore, #tpu.memory_space<semaphore_mem>>, %arg14: memref<!tpu.dma_semaphore, #tpu.memory_space<semaphore_mem>>, %arg15: memref<!tpu.dma_semaphore, #tpu.memory_space<semaphore_mem>>, %arg16: memref<!tpu.dma_semaphore, #tpu.memory_space<semaphore_mem>>, %arg17: memref<!tpu.dma_semaphore, #tpu.memory_space<semaphore_mem>>, %arg18: memref<!tpu.dma_semaphore, #tpu.memory_space<semaphore_mem>>, %arg19: memref<!tpu.dma_semaphore, #tpu.memory_space<semaphore_mem>>) attributes {dimension_semantics = [#tpu.dimension_semantics<core_parallel>, #tpu.dimension_semantics<subcore_parallel>], iteration_bounds = array<i64: 2, 16>, scalar_prefetch = 0 : i64, scratch_operands = 15 : i64, tpu.core_type = #tpu.core_type<sc_vector_subcore>, window_params = [{transform_indices = #map}, {transform_indices = #map1}, {transform_indices = #map1}]} {
    %mul3A = arith.constant 2 : i32
    %mul3A_0 = arith.muli %arg1, %mul3A : i32
    %add3A = arith.addi %mul3A_0, %arg0 : i32
    %mul3A_1 = arith.constant 84 : i32
    %mul3A_2 = arith.muli %add3A, %mul3A_1 : i32
    %add3A_3 = arith.constant 0 : i32
    %add3A_4 = arith.addi %mul3A_2, %add3A_3 : i32
    %dma_start3A = arith.constant 0 : i32
    %dma_start3A_5 = arith.constant 0 : i32
    %dma_start3A_6 = arith.constant 0 : i32
    %dma_start3A_7 = tpu.memref_slice %arg5[%dma_start3A, %dma_start3A_5, %dma_start3A_6] : memref<6x2x120xi32, #tpu.memory_space<vmem>> -> memref<1x2x120xi32, #tpu.memory_space<vmem>>
    %dma_start3A_8 = tpu.memref_squeeze %dma_start3A_7 : memref<1x2x120xi32, #tpu.memory_space<vmem>> -> memref<2x120xi32, #tpu.memory_space<vmem>>
    %dma_start3A_9 = arith.constant 0 : i32
    %dma_start3A_10 = arith.constant 0 : i32
    %dma_start3A_11 = tpu.memref_slice %arg3[%add3A_4, %dma_start3A_9, %dma_start3A_10] : memref<2688x2x120xi32, #tpu.memory_space<hbm>> -> memref<1x2x120xi32, #tpu.memory_space<hbm>>
    %dma_start3A_12 = tpu.memref_squeeze %dma_start3A_11 : memref<1x2x120xi32, #tpu.memory_space<hbm>> -> memref<2x120xi32, #tpu.memory_space<hbm>>
    %dma_start3A_13 = arith.constant 0 : i32
    %dma_start3A_14 = arith.constant 0 : i32
    %dma_start3A_15 = tpu.memref_slice %arg5[%dma_start3A, %dma_start3A_13, %dma_start3A_14] : memref<6x2x120xi32, #tpu.memory_space<vmem>> -> memref<1x2x120xi32, #tpu.memory_space<vmem>>
    %dma_start3A_16 = tpu.memref_squeeze %dma_start3A_15 : memref<1x2x120xi32, #tpu.memory_space<vmem>> -> memref<2x120xi32, #tpu.memory_space<vmem>>
    %dma_start3A_17 = arith.constant 0 : i32
    %dma_start3A_18 = arith.constant 0 : i32
    %dma_start3A_19 = tpu.memref_slice %arg3[%add3A_4, %dma_start3A_17, %dma_start3A_18] : memref<2688x2x120xi32, #tpu.memory_space<hbm>> -> memref<1x2x120xi32, #tpu.memory_space<hbm>>
    %dma_start3A_20 = tpu.memref_squeeze %dma_start3A_19 : memref<1x2x120xi32, #tpu.memory_space<hbm>> -> memref<2x120xi32, #tpu.memory_space<hbm>>
    tpu.enqueue_dma source(%dma_start3A_20 : memref<2x120xi32, #tpu.memory_space<hbm>>) target(%dma_start3A_16 : memref<2x120xi32, #tpu.memory_space<vmem>>) target_semaphore(%arg14 : memref<!tpu.dma_semaphore, #tpu.memory_space<semaphore_mem>>)
    %add3A_21 = arith.constant 1 : i32
    %add3A_22 = arith.addi %mul3A_2, %add3A_21 : i32
    %dma_start3A_23 = arith.constant 1 : i32
    %dma_start3A_24 = arith.constant 0 : i32
    %dma_start3A_25 = arith.constant 0 : i32
    %dma_start3A_26 = tpu.memref_slice %arg5[%dma_start3A_23, %dma_start3A_24, %dma_start3A_25] : memref<6x2x120xi32, #tpu.memory_space<vmem>> -> memref<1x2x120xi32, #tpu.memory_space<vmem>>
    %dma_start3A_27 = tpu.memref_squeeze %dma_start3A_26 : memref<1x2x120xi32, #tpu.memory_space<vmem>> -> memref<2x120xi32, #tpu.memory_space<vmem>>
    %dma_start3A_28 = arith.constant 0 : i32
    %dma_start3A_29 = arith.constant 0 : i32
    %dma_start3A_30 = tpu.memref_slice %arg3[%add3A_22, %dma_start3A_28, %dma_start3A_29] : memref<2688x2x120xi32, #tpu.memory_space<hbm>> -> memref<1x2x120xi32, #tpu.memory_space<hbm>>
    %dma_start3A_31 = tpu.memref_squeeze %dma_start3A_30 : memref<1x2x120xi32, #tpu.memory_space<hbm>> -> memref<2x120xi32, #tpu.memory_space<hbm>>
    %dma_start3A_32 = arith.constant 0 : i32
    %dma_start3A_33 = arith.constant 0 : i32
    %dma_start3A_34 = tpu.memref_slice %arg5[%dma_start3A_23, %dma_start3A_32, %dma_start3A_33] : memref<6x2x120xi32, #tpu.memory_space<vmem>> -> memref<1x2x120xi32, #tpu.memory_space<vmem>>
    %dma_start3A_35 = tpu.memref_squeeze %dma_start3A_34 : memref<1x2x120xi32, #tpu.memory_space<vmem>> -> memref<2x120xi32, #tpu.memory_space<vmem>>
    %dma_start3A_36 = arith.constant 0 : i32
    %dma_start3A_37 = arith.constant 0 : i32
    %dma_start3A_38 = tpu.memref_slice %arg3[%add3A_22, %dma_start3A_36, %dma_start3A_37] : memref<2688x2x120xi32, #tpu.memory_space<hbm>> -> memref<1x2x120xi32, #tpu.memory_space<hbm>>
    %dma_start3A_39 = tpu.memref_squeeze %dma_start3A_38 : memref<1x2x120xi32, #tpu.memory_space<hbm>> -> memref<2x120xi32, #tpu.memory_space<hbm>>
    tpu.enqueue_dma source(%dma_start3A_39 : memref<2x120xi32, #tpu.memory_space<hbm>>) target(%dma_start3A_35 : memref<2x120xi32, #tpu.memory_space<vmem>>) target_semaphore(%arg15 : memref<!tpu.dma_semaphore, #tpu.memory_space<semaphore_mem>>)
    %add3A_40 = arith.constant 2 : i32
    %add3A_41 = arith.addi %mul3A_2, %add3A_40 : i32
    %dma_start3A_42 = arith.constant 2 : i32
    %dma_start3A_43 = arith.constant 0 : i32
    %dma_start3A_44 = arith.constant 0 : i32
    %dma_start3A_45 = tpu.memref_slice %arg5[%dma_start3A_42, %dma_start3A_43, %dma_start3A_44] : memref<6x2x120xi32, #tpu.memory_space<vmem>> -> memref<1x2x120xi32, #tpu.memory_space<vmem>>
    %dma_start3A_46 = tpu.memref_squeeze %dma_start3A_45 : memref<1x2x120xi32, #tpu.memory_space<vmem>> -> memref<2x120xi32, #tpu.memory_space<vmem>>
    %dma_start3A_47 = arith.constant 0 : i32
    %dma_start3A_48 = arith.constant 0 : i32
    %dma_start3A_49 = tpu.memref_slice %arg3[%add3A_41, %dma_start3A_47, %dma_start3A_48] : memref<2688x2x120xi32, #tpu.memory_space<hbm>> -> memref<1x2x120xi32, #tpu.memory_space<hbm>>
    %dma_start3A_50 = tpu.memref_squeeze %dma_start3A_49 : memref<1x2x120xi32, #tpu.memory_space<hbm>> -> memref<2x120xi32, #tpu.memory_space<hbm>>
    %dma_start3A_51 = arith.constant 0 : i32
    %dma_start3A_52 = arith.constant 0 : i32
    %dma_start3A_53 = tpu.memref_slice %arg5[%dma_start3A_42, %dma_start3A_51, %dma_start3A_52] : memref<6x2x120xi32, #tpu.memory_space<vmem>> -> memref<1x2x120xi32, #tpu.memory_space<vmem>>
    %dma_start3A_54 = tpu.memref_squeeze %dma_start3A_53 : memref<1x2x120xi32, #tpu.memory_space<vmem>> -> memref<2x120xi32, #tpu.memory_space<vmem>>
    %dma_start3A_55 = arith.constant 0 : i32
    %dma_start3A_56 = arith.constant 0 : i32
    %dma_start3A_57 = tpu.memref_slice %arg3[%add3A_41, %dma_start3A_55, %dma_start3A_56] : memref<2688x2x120xi32, #tpu.memory_space<hbm>> -> memref<1x2x120xi32, #tpu.memory_space<hbm>>
    %dma_start3A_58 = tpu.memref_squeeze %dma_start3A_57 : memref<1x2x120xi32, #tpu.memory_space<hbm>> -> memref<2x120xi32, #tpu.memory_space<hbm>>
    tpu.enqueue_dma source(%dma_start3A_58 : memref<2x120xi32, #tpu.memory_space<hbm>>) target(%dma_start3A_54 : memref<2x120xi32, #tpu.memory_space<vmem>>) target_semaphore(%arg16 : memref<!tpu.dma_semaphore, #tpu.memory_space<semaphore_mem>>)
    %add3A_59 = arith.constant 3 : i32
    %add3A_60 = arith.addi %mul3A_2, %add3A_59 : i32
    %dma_start3A_61 = arith.constant 3 : i32
    %dma_start3A_62 = arith.constant 0 : i32
    %dma_start3A_63 = arith.constant 0 : i32
    %dma_start3A_64 = tpu.memref_slice %arg5[%dma_start3A_61, %dma_start3A_62, %dma_start3A_63] : memref<6x2x120xi32, #tpu.memory_space<vmem>> -> memref<1x2x120xi32, #tpu.memory_space<vmem>>
    %dma_start3A_65 = tpu.memref_squeeze %dma_start3A_64 : memref<1x2x120xi32, #tpu.memory_space<vmem>> -> memref<2x120xi32, #tpu.memory_space<vmem>>
    %dma_start3A_66 = arith.constant 0 : i32
    %dma_start3A_67 = arith.constant 0 : i32
    %dma_start3A_68 = tpu.memref_slice %arg3[%add3A_60, %dma_start3A_66, %dma_start3A_67] : memref<2688x2x120xi32, #tpu.memory_space<hbm>> -> memref<1x2x120xi32, #tpu.memory_space<hbm>>
    %dma_start3A_69 = tpu.memref_squeeze %dma_start3A_68 : memref<1x2x120xi32, #tpu.memory_space<hbm>> -> memref<2x120xi32, #tpu.memory_space<hbm>>
    %dma_start3A_70 = arith.constant 0 : i32
    %dma_start3A_71 = arith.constant 0 : i32
    %dma_start3A_72 = tpu.memref_slice %arg5[%dma_start3A_61, %dma_start3A_70, %dma_start3A_71] : memref<6x2x120xi32, #tpu.memory_space<vmem>> -> memref<1x2x120xi32, #tpu.memory_space<vmem>>
    %dma_start3A_73 = tpu.memref_squeeze %dma_start3A_72 : memref<1x2x120xi32, #tpu.memory_space<vmem>> -> memref<2x120xi32, #tpu.memory_space<vmem>>
    %dma_start3A_74 = arith.constant 0 : i32
    %dma_start3A_75 = arith.constant 0 : i32
    %dma_start3A_76 = tpu.memref_slice %arg3[%add3A_60, %dma_start3A_74, %dma_start3A_75] : memref<2688x2x120xi32, #tpu.memory_space<hbm>> -> memref<1x2x120xi32, #tpu.memory_space<hbm>>
    %dma_start3A_77 = tpu.memref_squeeze %dma_start3A_76 : memref<1x2x120xi32, #tpu.memory_space<hbm>> -> memref<2x120xi32, #tpu.memory_space<hbm>>
    tpu.enqueue_dma source(%dma_start3A_77 : memref<2x120xi32, #tpu.memory_space<hbm>>) target(%dma_start3A_73 : memref<2x120xi32, #tpu.memory_space<vmem>>) target_semaphore(%arg17 : memref<!tpu.dma_semaphore, #tpu.memory_space<semaphore_mem>>)
    %scan3A = arith.constant 0 : i32
    %scan3A_78 = arith.constant 0 : i32
    %scan3A_79 = arith.constant 120 : i32
    %scan3A_80 = arith.addi %scan3A_78, %scan3A_79 : i32
    %scan3A_81 = arith.constant 1 : i32
    scf.for %scan3A_208 = %scan3A_78 to %scan3A_80 step %scan3A_81  : i32 {
      %scan3A_209 = arith.constant 0 : i32
      %scan3A_210 = arith.constant 8 : i32
      %scan3A_211 = arith.addi %scan3A_209, %scan3A_210 : i32
      %scan3A_212 = arith.constant 1 : i32
      scf.for %scan3A_214 = %scan3A_209 to %scan3A_211 step %scan3A_212  : i32 {
        %broadcast_in_dim3A = arith.constant 0.000000e+00 : f32
        %broadcast_in_dim3A_215 = vector.broadcast %broadcast_in_dim3A : f32 to vector<16xf32>
        %mul3A_216 = arith.constant 16 : i32
        %mul3A_217 = arith.muli %scan3A_214, %mul3A_216 : i32
        %swap3A = arith.constant 2 : i32
        %swap3A_218 = arith.index_cast %swap3A : i32 to index
        %swap3A_219 = arith.index_cast %scan3A_208 : i32 to index
        %swap3A_220 = arith.index_cast %mul3A_217 : i32 to index
        %swap3A_221 = tpu.vector_load %arg6[%swap3A_218, %swap3A_219, %swap3A_220] {strides = array<i32>} : memref<3x120x128xf32, #tpu.memory_space<vmem>>, vector<16xf32>,
        tpu.vector_store %arg6[%swap3A_218, %swap3A_219, %swap3A_220], %broadcast_in_dim3A_215 {strides = array<i32>} : memref<3x120x128xf32, #tpu.memory_space<vmem>>, vector<16xf32>,
      }
      %scan3A_213 = arith.constant 8 : i32
    }
    %scan3A_82 = arith.constant 120 : i32
    %scan3A_83 = arith.constant 0 : i32
    %scan3A_84 = arith.constant 0 : i32
    %scan3A_85 = arith.constant 5 : i32
    %scan3A_86 = arith.addi %scan3A_84, %scan3A_85 : i32
    %scan3A_87 = arith.constant 1 : i32
    scf.for %scan3A_208 = %scan3A_84 to %scan3A_86 step %scan3A_87  : i32 {
      %mul3A_209 = arith.constant 640 : i32
      %mul3A_210 = arith.muli %arg1, %mul3A_209 : i32
      %mul3A_211 = arith.constant 120 : i32
      %mul3A_212 = arith.muli %scan3A_208, %mul3A_211 : i32
      %add3A_213 = arith.addi %mul3A_210, %mul3A_212 : i32
      %run_scoped3A_214 = arith.constant 2 : i32
      "tpu.region"() ({
        %run_scoped3A_215 = tpu.sem_alloc : memref<!tpu.dma_semaphore, #tpu.memory_space<semaphore_mem>>
        %dma_start3A_216 = arith.constant 0 : i32
        %dma_start3A_217 = arith.constant 0 : i32
        %dma_start3A_218 = tpu.memref_slice %arg6[%run_scoped3A_214, %dma_start3A_216, %dma_start3A_217] : memref<3x120x128xf32, #tpu.memory_space<vmem>> -> memref<1x120x128xf32, #tpu.memory_space<vmem>>
        %dma_start3A_219 = tpu.memref_squeeze %dma_start3A_218 : memref<1x120x128xf32, #tpu.memory_space<vmem>> -> memref<120x128xf32, #tpu.memory_space<vmem>>
        %dma_start3A_220 = arith.constant 0 : i32
        %dma_start3A_221 = tpu.memref_slice %arg7[%add3A_213, %dma_start3A_220] : memref<10240x128xf32, #tpu.memory_space<vmem_shared>> -> memref<120x128xf32, #tpu.memory_space<vmem_shared>>
        %dma_start3A_222 = arith.constant 0 : i32
        %dma_start3A_223 = tpu.memref_slice %arg7[%add3A_213, %dma_start3A_222] : memref<10240x128xf32, #tpu.memory_space<vmem_shared>> -> memref<120x128xf32, #tpu.memory_space<vmem_shared>>
        %dma_start3A_224 = arith.constant 0 : i32
        %dma_start3A_225 = arith.constant 0 : i32
        %dma_start3A_226 = tpu.memref_slice %arg6[%run_scoped3A_214, %dma_start3A_224, %dma_start3A_225] : memref<3x120x128xf32, #tpu.memory_space<vmem>> -> memref<1x120x128xf32, #tpu.memory_space<vmem>>
        %dma_start3A_227 = tpu.memref_squeeze %dma_start3A_226 : memref<1x120x128xf32, #tpu.memory_space<vmem>> -> memref<120x128xf32, #tpu.memory_space<vmem>>
        tpu.enqueue_dma source(%dma_start3A_227 : memref<120x128xf32, #tpu.memory_space<vmem>>) target(%dma_start3A_223 : memref<120x128xf32, #tpu.memory_space<vmem_shared>>) target_semaphore(%run_scoped3A_215 : memref<!tpu.dma_semaphore, #tpu.memory_space<semaphore_mem>>)
        %dma_wait3A_228 = arith.constant 0 : i32
        %dma_wait3A_229 = arith.constant 0 : i32
        %dma_wait3A_230 = tpu.memref_slice %arg6[%run_scoped3A_214, %dma_wait3A_228, %dma_wait3A_229] : memref<3x120x128xf32, #tpu.memory_space<vmem>> -> memref<1x120x128xf32, #tpu.memory_space<vmem>>
        %dma_wait3A_231 = tpu.memref_squeeze %dma_wait3A_230 : memref<1x120x128xf32, #tpu.memory_space<vmem>> -> memref<120x128xf32, #tpu.memory_space<vmem>>
        %dma_wait3A_232 = arith.constant 0 : i32
        %dma_wait3A_233 = tpu.memref_slice %arg7[%add3A_213, %dma_wait3A_232] : memref<10240x128xf32, #tpu.memory_space<vmem_shared>> -> memref<120x128xf32, #tpu.memory_space<vmem_shared>>
        %dma_wait3A_234 = arith.constant 0 : i32
        %dma_wait3A_235 = tpu.memref_slice %arg7[%add3A_213, %dma_wait3A_234] : memref<10240x128xf32, #tpu.memory_space<vmem_shared>> -> memref<120x128xf32, #tpu.memory_space<vmem_shared>>
        %dma_wait3A_236 = arith.constant 0 : i32
        %dma_wait3A_237 = arith.constant 0 : i32
        %dma_wait3A_238 = tpu.memref_slice %arg6[%run_scoped3A_214, %dma_wait3A_236, %dma_wait3A_237] : memref<3x120x128xf32, #tpu.memory_space<vmem>> -> memref<1x120x128xf32, #tpu.memory_space<vmem>>
        %dma_wait3A_239 = tpu.memref_squeeze %dma_wait3A_238 : memref<1x120x128xf32, #tpu.memory_space<vmem>> -> memref<120x128xf32, #tpu.memory_space<vmem>>
        tpu.wait_dma2 semaphore(%run_scoped3A_215 : memref<!tpu.dma_semaphore, #tpu.memory_space<semaphore_mem>>) src(%dma_wait3A_239 : memref<120x128xf32, #tpu.memory_space<vmem>>) dst(%dma_wait3A_235 : memref<120x128xf32, #tpu.memory_space<vmem_shared>>)
        tpu.yield
      }) : () -> ()
    }
    %scan3A_88 = arith.constant 5 : i32
    %mul3A_89 = arith.constant 640 : i32
    %mul3A_90 = arith.muli %arg1, %mul3A_89 : i32
    %add3A_91 = arith.constant 600 : i32
    %add3A_92 = arith.addi %mul3A_90, %add3A_91 : i32
    %run_scoped3A = arith.constant 2 : i32
    "tpu.region"() ({
      %run_scoped3A_208 = tpu.sem_alloc : memref<!tpu.dma_semaphore, #tpu.memory_space<semaphore_mem>>
      %dma_start3A_209 = arith.constant 0 : i32
      %dma_start3A_210 = arith.constant 0 : i32
      %dma_start3A_211 = tpu.memref_slice %arg6[%run_scoped3A, %dma_start3A_209, %dma_start3A_210] : memref<3x120x128xf32, #tpu.memory_space<vmem>> -> memref<1x120x128xf32, #tpu.memory_space<vmem>>
      %dma_start3A_212 = tpu.memref_squeeze %dma_start3A_211 : memref<1x120x128xf32, #tpu.memory_space<vmem>> -> memref<120x128xf32, #tpu.memory_space<vmem>>
      %dma_start3A_213 = arith.constant 0 : i32
      %dma_start3A_214 = arith.constant 0 : i32
      %dma_start3A_215 = tpu.memref_slice %dma_start3A_212[%dma_start3A_213, %dma_start3A_214] : memref<120x128xf32, #tpu.memory_space<vmem>> -> memref<40x128xf32, #tpu.memory_space<vmem>>
      %dma_start3A_216 = arith.constant 0 : i32
      %dma_start3A_217 = tpu.memref_slice %arg7[%add3A_92, %dma_start3A_216] : memref<10240x128xf32, #tpu.memory_space<vmem_shared>> -> memref<40x128xf32, #tpu.memory_space<vmem_shared>>
      %dma_start3A_218 = arith.constant 0 : i32
      %dma_start3A_219 = tpu.memref_slice %arg7[%add3A_92, %dma_start3A_218] : memref<10240x128xf32, #tpu.memory_space<vmem_shared>> -> memref<40x128xf32, #tpu.memory_space<vmem_shared>>
      %dma_start3A_220 = arith.constant 0 : i32
      %dma_start3A_221 = arith.constant 0 : i32
      %dma_start3A_222 = tpu.memref_slice %arg6[%run_scoped3A, %dma_start3A_220, %dma_start3A_221] : memref<3x120x128xf32, #tpu.memory_space<vmem>> -> memref<1x120x128xf32, #tpu.memory_space<vmem>>
      %dma_start3A_223 = tpu.memref_squeeze %dma_start3A_222 : memref<1x120x128xf32, #tpu.memory_space<vmem>> -> memref<120x128xf32, #tpu.memory_space<vmem>>
      %dma_start3A_224 = arith.constant 0 : i32
      %dma_start3A_225 = arith.constant 0 : i32
      %dma_start3A_226 = tpu.memref_slice %dma_start3A_223[%dma_start3A_224, %dma_start3A_225] : memref<120x128xf32, #tpu.memory_space<vmem>> -> memref<40x128xf32, #tpu.memory_space<vmem>>
      tpu.enqueue_dma source(%dma_start3A_226 : memref<40x128xf32, #tpu.memory_space<vmem>>) target(%dma_start3A_219 : memref<40x128xf32, #tpu.memory_space<vmem_shared>>) target_semaphore(%run_scoped3A_208 : memref<!tpu.dma_semaphore, #tpu.memory_space<semaphore_mem>>)
      %dma_wait3A_227 = arith.constant 0 : i32
      %dma_wait3A_228 = arith.constant 0 : i32
      %dma_wait3A_229 = tpu.memref_slice %arg6[%run_scoped3A, %dma_wait3A_227, %dma_wait3A_228] : memref<3x120x128xf32, #tpu.memory_space<vmem>> -> memref<1x120x128xf32, #tpu.memory_space<vmem>>
      %dma_wait3A_230 = tpu.memref_squeeze %dma_wait3A_229 : memref<1x120x128xf32, #tpu.memory_space<vmem>> -> memref<120x128xf32, #tpu.memory_space<vmem>>
      %dma_wait3A_231 = arith.constant 0 : i32
      %dma_wait3A_232 = arith.constant 0 : i32
      %dma_wait3A_233 = tpu.memref_slice %dma_wait3A_230[%dma_wait3A_231, %dma_wait3A_232] : memref<120x128xf32, #tpu.memory_space<vmem>> -> memref<40x128xf32, #tpu.memory_space<vmem>>
      %dma_wait3A_234 = arith.constant 0 : i32
      %dma_wait3A_235 = tpu.memref_slice %arg7[%add3A_92, %dma_wait3A_234] : memref<10240x128xf32, #tpu.memory_space<vmem_shared>> -> memref<40x128xf32, #tpu.memory_space<vmem_shared>>
      %dma_wait3A_236 = arith.constant 0 : i32
      %dma_wait3A_237 = tpu.memref_slice %arg7[%add3A_92, %dma_wait3A_236] : memref<10240x128xf32, #tpu.memory_space<vmem_shared>> -> memref<40x128xf32, #tpu.memory_space<vmem_shared>>
      %dma_wait3A_238 = arith.constant 0 : i32
      %dma_wait3A_239 = arith.constant 0 : i32
      %dma_wait3A_240 = tpu.memref_slice %arg6[%run_scoped3A, %dma_wait3A_238, %dma_wait3A_239] : memref<3x120x128xf32, #tpu.memory_space<vmem>> -> memref<1x120x128xf32, #tpu.memory_space<vmem>>
      %dma_wait3A_241 = tpu.memref_squeeze %dma_wait3A_240 : memref<1x120x128xf32, #tpu.memory_space<vmem>> -> memref<120x128xf32, #tpu.memory_space<vmem>>
      %dma_wait3A_242 = arith.constant 0 : i32
      %dma_wait3A_243 = arith.constant 0 : i32
      %dma_wait3A_244 = tpu.memref_slice %dma_wait3A_241[%dma_wait3A_242, %dma_wait3A_243] : memref<120x128xf32, #tpu.memory_space<vmem>> -> memref<40x128xf32, #tpu.memory_space<vmem>>
      tpu.wait_dma2 semaphore(%run_scoped3A_208 : memref<!tpu.dma_semaphore, #tpu.memory_space<semaphore_mem>>) src(%dma_wait3A_244 : memref<40x128xf32, #tpu.memory_space<vmem>>) dst(%dma_wait3A_237 : memref<40x128xf32, #tpu.memory_space<vmem_shared>>)
      tpu.yield
    }) : () -> ()
    %add3A_93 = arith.constant 0 : i32
    %add3A_94 = arith.addi %mul3A_2, %add3A_93 : i32
    %dma_wait3A = arith.constant 0 : i32
    %dma_wait3A_95 = arith.constant 0 : i32
    %dma_wait3A_96 = arith.constant 0 : i32
    %dma_wait3A_97 = tpu.memref_slice %arg5[%dma_wait3A, %dma_wait3A_95, %dma_wait3A_96] : memref<6x2x120xi32, #tpu.memory_space<vmem>> -> memref<1x2x120xi32, #tpu.memory_space<vmem>>
    %dma_wait3A_98 = tpu.memref_squeeze %dma_wait3A_97 : memref<1x2x120xi32, #tpu.memory_space<vmem>> -> memref<2x120xi32, #tpu.memory_space<vmem>>
    %dma_wait3A_99 = arith.constant 0 : i32
    %dma_wait3A_100 = arith.constant 0 : i32
    %dma_wait3A_101 = tpu.memref_slice %arg3[%add3A_94, %dma_wait3A_99, %dma_wait3A_100] : memref<2688x2x120xi32, #tpu.memory_space<hbm>> -> memref<1x2x120xi32, #tpu.memory_space<hbm>>
    %dma_wait3A_102 = tpu.memref_squeeze %dma_wait3A_101 : memref<1x2x120xi32, #tpu.memory_space<hbm>> -> memref<2x120xi32, #tpu.memory_space<hbm>>
    %dma_wait3A_103 = arith.constant 0 : i32
    %dma_wait3A_104 = arith.constant 0 : i32
    %dma_wait3A_105 = tpu.memref_slice %arg5[%dma_wait3A, %dma_wait3A_103, %dma_wait3A_104] : memref<6x2x120xi32, #tpu.memory_space<vmem>> -> memref<1x2x120xi32, #tpu.memory_space<vmem>>
    %dma_wait3A_106 = tpu.memref_squeeze %dma_wait3A_105 : memref<1x2x120xi32, #tpu.memory_space<vmem>> -> memref<2x120xi32, #tpu.memory_space<vmem>>
    %dma_wait3A_107 = arith.constant 0 : i32
    %dma_wait3A_108 = arith.constant 0 : i32
    %dma_wait3A_109 = tpu.memref_slice %arg3[%add3A_94, %dma_wait3A_107, %dma_wait3A_108] : memref<2688x2x120xi32, #tpu.memory_space<hbm>> -> memref<1x2x120xi32, #tpu.memory_space<hbm>>
    %dma_wait3A_110 = tpu.memref_squeeze %dma_wait3A_109 : memref<1x2x120xi32, #tpu.memory_space<hbm>> -> memref<2x120xi32, #tpu.memory_space<hbm>>
    tpu.wait_dma2 semaphore(%arg14 : memref<!tpu.dma_semaphore, #tpu.memory_space<semaphore_mem>>) src(%dma_wait3A_110 : memref<2x120xi32, #tpu.memory_space<hbm>>) dst(%dma_wait3A_106 : memref<2x120xi32, #tpu.memory_space<vmem>>)
    %dma_start3A_111 = arith.constant 0 : i32
    %dma_start3A_112 = arith.constant 0 : i32
    %dma_start3A_113 = arith.constant 0 : i32
    %dma_start3A_114 = arith.constant 0 : i32
    %dma_start3A_115 = arith.constant 0 : i32
    %dma_start3A_116 = tpu.memref_slice %arg6[%dma_start3A_113, %dma_start3A_114, %dma_start3A_115] : memref<3x120x128xf32, #tpu.memory_space<vmem>> -> memref<1x120x128xf32, #tpu.memory_space<vmem>>
    %dma_start3A_117 = tpu.memref_squeeze %dma_start3A_116 : memref<1x120x128xf32, #tpu.memory_space<vmem>> -> memref<120x128xf32, #tpu.memory_space<vmem>>
    %dma_start3A_118 = arith.constant 0 : i32
    %dma_start3A_119 = tpu.memref_slice %arg5[%dma_start3A_111, %dma_start3A_112, %dma_start3A_118] : memref<6x2x120xi32, #tpu.memory_space<vmem>> -> memref<1x1x120xi32, #tpu.memory_space<vmem>>
    %dma_start3A_120 = tpu.memref_squeeze %dma_start3A_119 : memref<1x1x120xi32, #tpu.memory_space<vmem>> -> memref<120xi32, #tpu.memory_space<vmem>>
    %dma_start3A_121 = arith.constant 0 : i32
    %dma_start3A_122 = arith.constant 0 : i32
    %dma_start3A_123 = tpu.memref_slice %arg2[%dma_start3A_121, %dma_start3A_122] : memref<10240x128xf32, #tpu.memory_space<hbm>> -> memref<10240x128xf32, #tpu.memory_space<hbm>>
    tpu.enqueue_indirect_dma source(%dma_start3A_123 : memref<10240x128xf32, #tpu.memory_space<hbm>>) target(%dma_start3A_117 : memref<120x128xf32, #tpu.memory_space<vmem>>) offsets(%dma_start3A_120 : memref<120xi32, #tpu.memory_space<vmem>>) semaphore(%arg8 : memref<!tpu.dma_semaphore, #tpu.memory_space<semaphore_mem>>)
    %add3A_124 = arith.constant 1 : i32
    %add3A_125 = arith.addi %mul3A_2, %add3A_124 : i32
    %dma_wait3A_126 = arith.constant 1 : i32
    %dma_wait3A_127 = arith.constant 0 : i32
    %dma_wait3A_128 = arith.constant 0 : i32
    %dma_wait3A_129 = tpu.memref_slice %arg5[%dma_wait3A_126, %dma_wait3A_127, %dma_wait3A_128] : memref<6x2x120xi32, #tpu.memory_space<vmem>> -> memref<1x2x120xi32, #tpu.memory_space<vmem>>
    %dma_wait3A_130 = tpu.memref_squeeze %dma_wait3A_129 : memref<1x2x120xi32, #tpu.memory_space<vmem>> -> memref<2x120xi32, #tpu.memory_space<vmem>>
    %dma_wait3A_131 = arith.constant 0 : i32
    %dma_wait3A_132 = arith.constant 0 : i32
    %dma_wait3A_133 = tpu.memref_slice %arg3[%add3A_125, %dma_wait3A_131, %dma_wait3A_132] : memref<2688x2x120xi32, #tpu.memory_space<hbm>> -> memref<1x2x120xi32, #tpu.memory_space<hbm>>
    %dma_wait3A_134 = tpu.memref_squeeze %dma_wait3A_133 : memref<1x2x120xi32, #tpu.memory_space<hbm>> -> memref<2x120xi32, #tpu.memory_space<hbm>>
    %dma_wait3A_135 = arith.constant 0 : i32
    %dma_wait3A_136 = arith.constant 0 : i32
    %dma_wait3A_137 = tpu.memref_slice %arg5[%dma_wait3A_126, %dma_wait3A_135, %dma_wait3A_136] : memref<6x2x120xi32, #tpu.memory_space<vmem>> -> memref<1x2x120xi32, #tpu.memory_space<vmem>>
    %dma_wait3A_138 = tpu.memref_squeeze %dma_wait3A_137 : memref<1x2x120xi32, #tpu.memory_space<vmem>> -> memref<2x120xi32, #tpu.memory_space<vmem>>
    %dma_wait3A_139 = arith.constant 0 : i32
    %dma_wait3A_140 = arith.constant 0 : i32
    %dma_wait3A_141 = tpu.memref_slice %arg3[%add3A_125, %dma_wait3A_139, %dma_wait3A_140] : memref<2688x2x120xi32, #tpu.memory_space<hbm>> -> memref<1x2x120xi32, #tpu.memory_space<hbm>>
    %dma_wait3A_142 = tpu.memref_squeeze %dma_wait3A_141 : memref<1x2x120xi32, #tpu.memory_space<hbm>> -> memref<2x120xi32, #tpu.memory_space<hbm>>
    tpu.wait_dma2 semaphore(%arg15 : memref<!tpu.dma_semaphore, #tpu.memory_space<semaphore_mem>>) src(%dma_wait3A_142 : memref<2x120xi32, #tpu.memory_space<hbm>>) dst(%dma_wait3A_138 : memref<2x120xi32, #tpu.memory_space<vmem>>)
    %dma_start3A_143 = arith.constant 1 : i32
    %dma_start3A_144 = arith.constant 0 : i32
    %dma_start3A_145 = arith.constant 1 : i32
    %dma_start3A_146 = arith.constant 0 : i32
    %dma_start3A_147 = arith.constant 0 : i32
    %dma_start3A_148 = tpu.memref_slice %arg6[%dma_start3A_145, %dma_start3A_146, %dma_start3A_147] : memref<3x120x128xf32, #tpu.memory_space<vmem>> -> memref<1x120x128xf32, #tpu.memory_space<vmem>>
    %dma_start3A_149 = tpu.memref_squeeze %dma_start3A_148 : memref<1x120x128xf32, #tpu.memory_space<vmem>> -> memref<120x128xf32, #tpu.memory_space<vmem>>
    %dma_start3A_150 = arith.constant 0 : i32
    %dma_start3A_151 = tpu.memref_slice %arg5[%dma_start3A_143, %dma_start3A_144, %dma_start3A_150] : memref<6x2x120xi32, #tpu.memory_space<vmem>> -> memref<1x1x120xi32, #tpu.memory_space<vmem>>
    %dma_start3A_152 = tpu.memref_squeeze %dma_start3A_151 : memref<1x1x120xi32, #tpu.memory_space<vmem>> -> memref<120xi32, #tpu.memory_space<vmem>>
    %dma_start3A_153 = arith.constant 0 : i32
    %dma_start3A_154 = arith.constant 0 : i32
    %dma_start3A_155 = tpu.memref_slice %arg2[%dma_start3A_153, %dma_start3A_154] : memref<10240x128xf32, #tpu.memory_space<hbm>> -> memref<10240x128xf32, #tpu.memory_space<hbm>>
    tpu.enqueue_indirect_dma source(%dma_start3A_155 : memref<10240x128xf32, #tpu.memory_space<hbm>>) target(%dma_start3A_149 : memref<120x128xf32, #tpu.memory_space<vmem>>) offsets(%dma_start3A_152 : memref<120xi32, #tpu.memory_space<vmem>>) semaphore(%arg9 : memref<!tpu.dma_semaphore, #tpu.memory_space<semaphore_mem>>)
    %barrier3A = arith.constant 0 : index
    tpu.barrier barrier_id(%barrier3A)
    %scan3A_156 = arith.constant 0 : i32
    %scan3A_157 = arith.constant 0 : i32
    %scan3A_158 = arith.constant 14 : i32
    %scan3A_159 = arith.addi %scan3A_157, %scan3A_158 : i32
    %scan3A_160 = arith.constant 1 : i32
    scf.for %scan3A_208 = %scan3A_157 to %scan3A_159 step %scan3A_160  : i32 {
      %mul3A_209 = arith.constant 6 : i32
      %mul3A_210 = arith.muli %mul3A_209, %scan3A_208 : i32
      %add3A_211 = arith.constant 0 : i32
      %add3A_212 = arith.addi %mul3A_210, %add3A_211 : i32
      %dma_wait3A_213 = arith.constant 0 : i32
      %dma_wait3A_214 = arith.constant 0 : i32
      %dma_wait3A_215 = arith.constant 0 : i32
      %dma_wait3A_216 = arith.constant 0 : i32
      %dma_wait3A_217 = arith.constant 0 : i32
      %dma_wait3A_218 = tpu.memref_slice %arg6[%dma_wait3A_215, %dma_wait3A_216, %dma_wait3A_217] : memref<3x120x128xf32, #tpu.memory_space<vmem>> -> memref<1x120x128xf32, #tpu.memory_space<vmem>>
      %dma_wait3A_219 = tpu.memref_squeeze %dma_wait3A_218 : memref<1x120x128xf32, #tpu.memory_space<vmem>> -> memref<120x128xf32, #tpu.memory_space<vmem>>
      %dma_wait3A_220 = arith.constant 0 : i32
      %dma_wait3A_221 = tpu.memref_slice %arg5[%dma_wait3A_213, %dma_wait3A_214, %dma_wait3A_220] : memref<6x2x120xi32, #tpu.memory_space<vmem>> -> memref<1x1x120xi32, #tpu.memory_space<vmem>>
      %dma_wait3A_222 = tpu.memref_squeeze %dma_wait3A_221 : memref<1x1x120xi32, #tpu.memory_space<vmem>> -> memref<120xi32, #tpu.memory_space<vmem>>
      %dma_wait3A_223 = arith.constant 0 : i32
      %dma_wait3A_224 = arith.constant 0 : i32
      %dma_wait3A_225 = tpu.memref_slice %arg2[%dma_wait3A_223, %dma_wait3A_224] : memref<10240x128xf32, #tpu.memory_space<hbm>> -> memref<10240x128xf32, #tpu.memory_space<hbm>>
      tpu.wait_indirect_dma semaphore(%arg8 : memref<!tpu.dma_semaphore, #tpu.memory_space<semaphore_mem>>) src(%dma_wait3A_225 : memref<10240x128xf32, #tpu.memory_space<hbm>>) dst(%dma_wait3A_219 : memref<120x128xf32, #tpu.memory_space<vmem>>)
      %dma_start3A_226 = arith.constant 0 : i32
      %dma_start3A_227 = arith.constant 0 : i32
      %dma_start3A_228 = arith.constant 1 : i32
      %dma_start3A_229 = arith.constant 0 : i32
      %dma_start3A_230 = arith.constant 0 : i32
      %dma_start3A_231 = tpu.memref_slice %arg6[%dma_start3A_226, %dma_start3A_229, %dma_start3A_230] : memref<3x120x128xf32, #tpu.memory_space<vmem>> -> memref<1x120x128xf32, #tpu.memory_space<vmem>>
      %dma_start3A_232 = tpu.memref_squeeze %dma_start3A_231 : memref<1x120x128xf32, #tpu.memory_space<vmem>> -> memref<120x128xf32, #tpu.memory_space<vmem>>
      %dma_start3A_233 = arith.constant 0 : i32
      %dma_start3A_234 = tpu.memref_slice %arg5[%dma_start3A_227, %dma_start3A_228, %dma_start3A_233] : memref<6x2x120xi32, #tpu.memory_space<vmem>> -> memref<1x1x120xi32, #tpu.memory_space<vmem>>
      %dma_start3A_235 = tpu.memref_squeeze %dma_start3A_234 : memref<1x1x120xi32, #tpu.memory_space<vmem>> -> memref<120xi32, #tpu.memory_space<vmem>>
      %dma_start3A_236 = arith.constant 0 : i32
      %dma_start3A_237 = arith.constant 0 : i32
      %dma_start3A_238 = tpu.memref_slice %arg7[%dma_start3A_236, %dma_start3A_237] : memref<10240x128xf32, #tpu.memory_space<vmem_shared>> -> memref<10240x128xf32, #tpu.memory_space<vmem_shared>>
      tpu.enqueue_indirect_dma source(%dma_start3A_232 : memref<120x128xf32, #tpu.memory_space<vmem>>) target(%dma_start3A_238 : memref<10240x128xf32, #tpu.memory_space<vmem_shared>>) offsets(%dma_start3A_235 : memref<120xi32, #tpu.memory_space<vmem>>) semaphore(%arg11 : memref<!tpu.dma_semaphore, #tpu.memory_space<semaphore_mem>>) {add = true}
      %add3A_239 = arith.constant 2 : i32
      %add3A_240 = arith.addi %add3A_212, %add3A_239 : i32
      %lt3A = arith.constant 84 : i32
      %lt3A_241 = arith.cmpi slt, %add3A_240, %lt3A : i32
      %convert_element_type3A = arith.extui %lt3A_241 : i1 to i32
      %cond3A = arith.constant 0 : i32
      %cond3A_242 = arith.cmpi ne, %convert_element_type3A, %cond3A : i32
      scf.if %cond3A_242 {
        %ge3A = arith.constant 1 : i32
        %ge3A_460 = arith.cmpi sge, %add3A_212, %ge3A : i32
        %convert_element_type3A_461 = arith.extui %ge3A_460 : i1 to i32
        %cond3A_462 = arith.constant 0 : i32
        %cond3A_463 = arith.cmpi ne, %convert_element_type3A_461, %cond3A_462 : i32
        scf.if %cond3A_463 {
          %dma_wait3A_497 = arith.constant 2 : i32
          %dma_wait3A_498 = arith.constant 0 : i32
          %dma_wait3A_499 = arith.constant 1 : i32
          %dma_wait3A_500 = arith.constant 0 : i32
          %dma_wait3A_501 = arith.constant 0 : i32
          %dma_wait3A_502 = tpu.memref_slice %arg6[%dma_wait3A_497, %dma_wait3A_500, %dma_wait3A_501] : memref<3x120x128xf32, #tpu.memory_space<vmem>> -> memref<1x120x128xf32, #tpu.memory_space<vmem>>
          %dma_wait3A_503 = tpu.memref_squeeze %dma_wait3A_502 : memref<1x120x128xf32, #tpu.memory_space<vmem>> -> memref<120x128xf32, #tpu.memory_space<vmem>>
          %dma_wait3A_504 = arith.constant 0 : i32
          %dma_wait3A_505 = tpu.memref_slice %arg5[%dma_wait3A_498, %dma_wait3A_499, %dma_wait3A_504] : memref<6x2x120xi32, #tpu.memory_space<vmem>> -> memref<1x1x120xi32, #tpu.memory_space<vmem>>
          %dma_wait3A_506 = tpu.memref_squeeze %dma_wait3A_505 : memref<1x1x120xi32, #tpu.memory_space<vmem>> -> memref<120xi32, #tpu.memory_space<vmem>>
          %dma_wait3A_507 = arith.constant 0 : i32
          %dma_wait3A_508 = arith.constant 0 : i32
          %dma_wait3A_509 = tpu.memref_slice %arg7[%dma_wait3A_507, %dma_wait3A_508] : memref<10240x128xf32, #tpu.memory_space<vmem_shared>> -> memref<10240x128xf32, #tpu.memory_space<vmem_shared>>
          tpu.wait_indirect_dma semaphore(%arg13 : memref<!tpu.dma_semaphore, #tpu.memory_space<semaphore_mem>>) src(%dma_wait3A_503 : memref<120x128xf32, #tpu.memory_space<vmem>>) dst(%dma_wait3A_509 : memref<10240x128xf32, #tpu.memory_space<vmem_shared>>)
        } else {
        }
        %add3A_464 = arith.addi %mul3A_2, %add3A_212 : i32
        %add3A_465 = arith.constant 2 : i32
        %add3A_466 = arith.addi %add3A_464, %add3A_465 : i32
        %dma_wait3A_467 = arith.constant 2 : i32
        %dma_wait3A_468 = arith.constant 0 : i32
        %dma_wait3A_469 = arith.constant 0 : i32
        %dma_wait3A_470 = tpu.memref_slice %arg5[%dma_wait3A_467, %dma_wait3A_468, %dma_wait3A_469] : memref<6x2x120xi32, #tpu.memory_space<vmem>> -> memref<1x2x120xi32, #tpu.memory_space<vmem>>
        %dma_wait3A_471 = tpu.memref_squeeze %dma_wait3A_470 : memref<1x2x120xi32, #tpu.memory_space<vmem>> -> memref<2x120xi32, #tpu.memory_space<vmem>>
        %dma_wait3A_472 = arith.constant 0 : i32
        %dma_wait3A_473 = arith.constant 0 : i32
        %dma_wait3A_474 = tpu.memref_slice %arg3[%add3A_466, %dma_wait3A_472, %dma_wait3A_473] : memref<2688x2x120xi32, #tpu.memory_space<hbm>> -> memref<1x2x120xi32, #tpu.memory_space<hbm>>
        %dma_wait3A_475 = tpu.memref_squeeze %dma_wait3A_474 : memref<1x2x120xi32, #tpu.memory_space<hbm>> -> memref<2x120xi32, #tpu.memory_space<hbm>>
        %dma_wait3A_476 = arith.constant 0 : i32
        %dma_wait3A_477 = arith.constant 0 : i32
        %dma_wait3A_478 = tpu.memref_slice %arg5[%dma_wait3A_467, %dma_wait3A_476, %dma_wait3A_477] : memref<6x2x120xi32, #tpu.memory_space<vmem>> -> memref<1x2x120xi32, #tpu.memory_space<vmem>>
        %dma_wait3A_479 = tpu.memref_squeeze %dma_wait3A_478 : memref<1x2x120xi32, #tpu.memory_space<vmem>> -> memref<2x120xi32, #tpu.memory_space<vmem>>
        %dma_wait3A_480 = arith.constant 0 : i32
        %dma_wait3A_481 = arith.constant 0 : i32
        %dma_wait3A_482 = tpu.memref_slice %arg3[%add3A_466, %dma_wait3A_480, %dma_wait3A_481] : memref<2688x2x120xi32, #tpu.memory_space<hbm>> -> memref<1x2x120xi32, #tpu.memory_space<hbm>>
        %dma_wait3A_483 = tpu.memref_squeeze %dma_wait3A_482 : memref<1x2x120xi32, #tpu.memory_space<hbm>> -> memref<2x120xi32, #tpu.memory_space<hbm>>
        tpu.wait_dma2 semaphore(%arg16 : memref<!tpu.dma_semaphore, #tpu.memory_space<semaphore_mem>>) src(%dma_wait3A_483 : memref<2x120xi32, #tpu.memory_space<hbm>>) dst(%dma_wait3A_479 : memref<2x120xi32, #tpu.memory_space<vmem>>)
        %dma_start3A_484 = arith.constant 2 : i32
        %dma_start3A_485 = arith.constant 0 : i32
        %dma_start3A_486 = arith.constant 2 : i32
        %dma_start3A_487 = arith.constant 0 : i32
        %dma_start3A_488 = arith.constant 0 : i32
        %dma_start3A_489 = tpu.memref_slice %arg6[%dma_start3A_486, %dma_start3A_487, %dma_start3A_488] : memref<3x120x128xf32, #tpu.memory_space<vmem>> -> memref<1x120x128xf32, #tpu.memory_space<vmem>>
        %dma_start3A_490 = tpu.memref_squeeze %dma_start3A_489 : memref<1x120x128xf32, #tpu.memory_space<vmem>> -> memref<120x128xf32, #tpu.memory_space<vmem>>
        %dma_start3A_491 = arith.constant 0 : i32
        %dma_start3A_492 = tpu.memref_slice %arg5[%dma_start3A_484, %dma_start3A_485, %dma_start3A_491] : memref<6x2x120xi32, #tpu.memory_space<vmem>> -> memref<1x1x120xi32, #tpu.memory_space<vmem>>
        %dma_start3A_493 = tpu.memref_squeeze %dma_start3A_492 : memref<1x1x120xi32, #tpu.memory_space<vmem>> -> memref<120xi32, #tpu.memory_space<vmem>>
        %dma_start3A_494 = arith.constant 0 : i32
        %dma_start3A_495 = arith.constant 0 : i32
        %dma_start3A_496 = tpu.memref_slice %arg2[%dma_start3A_494, %dma_start3A_495] : memref<10240x128xf32, #tpu.memory_space<hbm>> -> memref<10240x128xf32, #tpu.memory_space<hbm>>
        tpu.enqueue_indirect_dma source(%dma_start3A_496 : memref<10240x128xf32, #tpu.memory_space<hbm>>) target(%dma_start3A_490 : memref<120x128xf32, #tpu.memory_space<vmem>>) offsets(%dma_start3A_493 : memref<120xi32, #tpu.memory_space<vmem>>) semaphore(%arg10 : memref<!tpu.dma_semaphore, #tpu.memory_space<semaphore_mem>>)
      } else {
      }
      %add3A_243 = arith.constant 4 : i32
      %add3A_244 = arith.addi %add3A_212, %add3A_243 : i32
      %lt3A_245 = arith.constant 84 : i32
      %lt3A_246 = arith.cmpi slt, %add3A_244, %lt3A_245 : i32
      %convert_element_type3A_247 = arith.extui %lt3A_246 : i1 to i32
      %cond3A_248 = arith.constant 0 : i32
      %cond3A_249 = arith.cmpi ne, %convert_element_type3A_247, %cond3A_248 : i32
      scf.if %cond3A_249 {
        %add3A_460 = arith.addi %mul3A_2, %add3A_212 : i32
        %add3A_461 = arith.constant 4 : i32
        %add3A_462 = arith.addi %add3A_460, %add3A_461 : i32
        %dma_start3A_463 = arith.constant 4 : i32
        %dma_start3A_464 = arith.constant 0 : i32
        %dma_start3A_465 = arith.constant 0 : i32
        %dma_start3A_466 = tpu.memref_slice %arg5[%dma_start3A_463, %dma_start3A_464, %dma_start3A_465] : memref<6x2x120xi32, #tpu.memory_space<vmem>> -> memref<1x2x120xi32, #tpu.memory_space<vmem>>
        %dma_start3A_467 = tpu.memref_squeeze %dma_start3A_466 : memref<1x2x120xi32, #tpu.memory_space<vmem>> -> memref<2x120xi32, #tpu.memory_space<vmem>>
        %dma_start3A_468 = arith.constant 0 : i32
        %dma_start3A_469 = arith.constant 0 : i32
        %dma_start3A_470 = tpu.memref_slice %arg3[%add3A_462, %dma_start3A_468, %dma_start3A_469] : memref<2688x2x120xi32, #tpu.memory_space<hbm>> -> memref<1x2x120xi32, #tpu.memory_space<hbm>>
        %dma_start3A_471 = tpu.memref_squeeze %dma_start3A_470 : memref<1x2x120xi32, #tpu.memory_space<hbm>> -> memref<2x120xi32, #tpu.memory_space<hbm>>
        %dma_start3A_472 = arith.constant 0 : i32
        %dma_start3A_473 = arith.constant 0 : i32
        %dma_start3A_474 = tpu.memref_slice %arg5[%dma_start3A_463, %dma_start3A_472, %dma_start3A_473] : memref<6x2x120xi32, #tpu.memory_space<vmem>> -> memref<1x2x120xi32, #tpu.memory_space<vmem>>
        %dma_start3A_475 = tpu.memref_squeeze %dma_start3A_474 : memref<1x2x120xi32, #tpu.memory_space<vmem>> -> memref<2x120xi32, #tpu.memory_space<vmem>>
        %dma_start3A_476 = arith.constant 0 : i32
        %dma_start3A_477 = arith.constant 0 : i32
        %dma_start3A_478 = tpu.memref_slice %arg3[%add3A_462, %dma_start3A_476, %dma_start3A_477] : memref<2688x2x120xi32, #tpu.memory_space<hbm>> -> memref<1x2x120xi32, #tpu.memory_space<hbm>>
        %dma_start3A_479 = tpu.memref_squeeze %dma_start3A_478 : memref<1x2x120xi32, #tpu.memory_space<hbm>> -> memref<2x120xi32, #tpu.memory_space<hbm>>
        tpu.enqueue_dma source(%dma_start3A_479 : memref<2x120xi32, #tpu.memory_space<hbm>>) target(%dma_start3A_475 : memref<2x120xi32, #tpu.memory_space<vmem>>) target_semaphore(%arg18 : memref<!tpu.dma_semaphore, #tpu.memory_space<semaphore_mem>>)
      } else {
      }
      %add3A_250 = arith.constant 1 : i32
      %add3A_251 = arith.addi %mul3A_210, %add3A_250 : i32
      %dma_wait3A_252 = arith.constant 1 : i32
      %dma_wait3A_253 = arith.constant 0 : i32
      %dma_wait3A_254 = arith.constant 1 : i32
      %dma_wait3A_255 = arith.constant 0 : i32
      %dma_wait3A_256 = arith.constant 0 : i32
      %dma_wait3A_257 = tpu.memref_slice %arg6[%dma_wait3A_254, %dma_wait3A_255, %dma_wait3A_256] : memref<3x120x128xf32, #tpu.memory_space<vmem>> -> memref<1x120x128xf32, #tpu.memory_space<vmem>>
      %dma_wait3A_258 = tpu.memref_squeeze %dma_wait3A_257 : memref<1x120x128xf32, #tpu.memory_space<vmem>> -> memref<120x128xf32, #tpu.memory_space<vmem>>
      %dma_wait3A_259 = arith.constant 0 : i32
      %dma_wait3A_260 = tpu.memref_slice %arg5[%dma_wait3A_252, %dma_wait3A_253, %dma_wait3A_259] : memref<6x2x120xi32, #tpu.memory_space<vmem>> -> memref<1x1x120xi32, #tpu.memory_space<vmem>>
      %dma_wait3A_261 = tpu.memref_squeeze %dma_wait3A_260 : memref<1x1x120xi32, #tpu.memory_space<vmem>> -> memref<120xi32, #tpu.memory_space<vmem>>
      %dma_wait3A_262 = arith.constant 0 : i32
      %dma_wait3A_263 = arith.constant 0 : i32
      %dma_wait3A_264 = tpu.memref_slice %arg2[%dma_wait3A_262, %dma_wait3A_263] : memref<10240x128xf32, #tpu.memory_space<hbm>> -> memref<10240x128xf32, #tpu.memory_space<hbm>>
      tpu.wait_indirect_dma semaphore(%arg9 : memref<!tpu.dma_semaphore, #tpu.memory_space<semaphore_mem>>) src(%dma_wait3A_264 : memref<10240x128xf32, #tpu.memory_space<hbm>>) dst(%dma_wait3A_258 : memref<120x128xf32, #tpu.memory_space<vmem>>)
      %dma_start3A_265 = arith.constant 1 : i32
      %dma_start3A_266 = arith.constant 1 : i32
      %dma_start3A_267 = arith.constant 1 : i32
      %dma_start3A_268 = arith.constant 0 : i32
      %dma_start3A_269 = arith.constant 0 : i32
      %dma_start3A_270 = tpu.memref_slice %arg6[%dma_start3A_265, %dma_start3A_268, %dma_start3A_269] : memref<3x120x128xf32, #tpu.memory_space<vmem>> -> memref<1x120x128xf32, #tpu.memory_space<vmem>>
      %dma_start3A_271 = tpu.memref_squeeze %dma_start3A_270 : memref<1x120x128xf32, #tpu.memory_space<vmem>> -> memref<120x128xf32, #tpu.memory_space<vmem>>
      %dma_start3A_272 = arith.constant 0 : i32
      %dma_start3A_273 = tpu.memref_slice %arg5[%dma_start3A_266, %dma_start3A_267, %dma_start3A_272] : memref<6x2x120xi32, #tpu.memory_space<vmem>> -> memref<1x1x120xi32, #tpu.memory_space<vmem>>
      %dma_start3A_274 = tpu.memref_squeeze %dma_start3A_273 : memref<1x1x120xi32, #tpu.memory_space<vmem>> -> memref<120xi32, #tpu.memory_space<vmem>>
      %dma_start3A_275 = arith.constant 0 : i32
      %dma_start3A_276 = arith.constant 0 : i32
      %dma_start3A_277 = tpu.memref_slice %arg7[%dma_start3A_275, %dma_start3A_276] : memref<10240x128xf32, #tpu.memory_space<vmem_shared>> -> memref<10240x128xf32, #tpu.memory_space<vmem_shared>>
      tpu.enqueue_indirect_dma source(%dma_start3A_271 : memref<120x128xf32, #tpu.memory_space<vmem>>) target(%dma_start3A_277 : memref<10240x128xf32, #tpu.memory_space<vmem_shared>>) offsets(%dma_start3A_274 : memref<120xi32, #tpu.memory_space<vmem>>) semaphore(%arg12 : memref<!tpu.dma_semaphore, #tpu.memory_space<semaphore_mem>>) {add = true}
      %add3A_278 = arith.constant 2 : i32
      %add3A_279 = arith.addi %add3A_251, %add3A_278 : i32
      %lt3A_280 = arith.constant 84 : i32
      %lt3A_281 = arith.cmpi slt, %add3A_279, %lt3A_280 : i32
      %convert_element_type3A_282 = arith.extui %lt3A_281 : i1 to i32
      %cond3A_283 = arith.constant 0 : i32
      %cond3A_284 = arith.cmpi ne, %convert_element_type3A_282, %cond3A_283 : i32
      scf.if %cond3A_284 {
        %ge3A = arith.constant 1 : i32
        %ge3A_460 = arith.cmpi sge, %add3A_251, %ge3A : i32
        %convert_element_type3A_461 = arith.extui %ge3A_460 : i1 to i32
        %cond3A_462 = arith.constant 0 : i32
        %cond3A_463 = arith.cmpi ne, %convert_element_type3A_461, %cond3A_462 : i32
        scf.if %cond3A_463 {
          %dma_wait3A_497 = arith.constant 0 : i32
          %dma_wait3A_498 = arith.constant 1 : i32
          %dma_wait3A_499 = arith.constant 1 : i32
          %dma_wait3A_500 = arith.constant 0 : i32
          %dma_wait3A_501 = arith.constant 0 : i32
          %dma_wait3A_502 = tpu.memref_slice %arg6[%dma_wait3A_497, %dma_wait3A_500, %dma_wait3A_501] : memref<3x120x128xf32, #tpu.memory_space<vmem>> -> memref<1x120x128xf32, #tpu.memory_space<vmem>>
          %dma_wait3A_503 = tpu.memref_squeeze %dma_wait3A_502 : memref<1x120x128xf32, #tpu.memory_space<vmem>> -> memref<120x128xf32, #tpu.memory_space<vmem>>
          %dma_wait3A_504 = arith.constant 0 : i32
          %dma_wait3A_505 = tpu.memref_slice %arg5[%dma_wait3A_498, %dma_wait3A_499, %dma_wait3A_504] : memref<6x2x120xi32, #tpu.memory_space<vmem>> -> memref<1x1x120xi32, #tpu.memory_space<vmem>>
          %dma_wait3A_506 = tpu.memref_squeeze %dma_wait3A_505 : memref<1x1x120xi32, #tpu.memory_space<vmem>> -> memref<120xi32, #tpu.memory_space<vmem>>
          %dma_wait3A_507 = arith.constant 0 : i32
          %dma_wait3A_508 = arith.constant 0 : i32
          %dma_wait3A_509 = tpu.memref_slice %arg7[%dma_wait3A_507, %dma_wait3A_508] : memref<10240x128xf32, #tpu.memory_space<vmem_shared>> -> memref<10240x128xf32, #tpu.memory_space<vmem_shared>>
          tpu.wait_indirect_dma semaphore(%arg11 : memref<!tpu.dma_semaphore, #tpu.memory_space<semaphore_mem>>) src(%dma_wait3A_503 : memref<120x128xf32, #tpu.memory_space<vmem>>) dst(%dma_wait3A_509 : memref<10240x128xf32, #tpu.memory_space<vmem_shared>>)
        } else {
        }
        %add3A_464 = arith.addi %mul3A_2, %add3A_251 : i32
        %add3A_465 = arith.constant 2 : i32
        %add3A_466 = arith.addi %add3A_464, %add3A_465 : i32
        %dma_wait3A_467 = arith.constant 3 : i32
        %dma_wait3A_468 = arith.constant 0 : i32
        %dma_wait3A_469 = arith.constant 0 : i32
        %dma_wait3A_470 = tpu.memref_slice %arg5[%dma_wait3A_467, %dma_wait3A_468, %dma_wait3A_469] : memref<6x2x120xi32, #tpu.memory_space<vmem>> -> memref<1x2x120xi32, #tpu.memory_space<vmem>>
        %dma_wait3A_471 = tpu.memref_squeeze %dma_wait3A_470 : memref<1x2x120xi32, #tpu.memory_space<vmem>> -> memref<2x120xi32, #tpu.memory_space<vmem>>
        %dma_wait3A_472 = arith.constant 0 : i32
        %dma_wait3A_473 = arith.constant 0 : i32
        %dma_wait3A_474 = tpu.memref_slice %arg3[%add3A_466, %dma_wait3A_472, %dma_wait3A_473] : memref<2688x2x120xi32, #tpu.memory_space<hbm>> -> memref<1x2x120xi32, #tpu.memory_space<hbm>>
        %dma_wait3A_475 = tpu.memref_squeeze %dma_wait3A_474 : memref<1x2x120xi32, #tpu.memory_space<hbm>> -> memref<2x120xi32, #tpu.memory_space<hbm>>
        %dma_wait3A_476 = arith.constant 0 : i32
        %dma_wait3A_477 = arith.constant 0 : i32
        %dma_wait3A_478 = tpu.memref_slice %arg5[%dma_wait3A_467, %dma_wait3A_476, %dma_wait3A_477] : memref<6x2x120xi32, #tpu.memory_space<vmem>> -> memref<1x2x120xi32, #tpu.memory_space<vmem>>
        %dma_wait3A_479 = tpu.memref_squeeze %dma_wait3A_478 : memref<1x2x120xi32, #tpu.memory_space<vmem>> -> memref<2x120xi32, #tpu.memory_space<vmem>>
        %dma_wait3A_480 = arith.constant 0 : i32
        %dma_wait3A_481 = arith.constant 0 : i32
        %dma_wait3A_482 = tpu.memref_slice %arg3[%add3A_466, %dma_wait3A_480, %dma_wait3A_481] : memref<2688x2x120xi32, #tpu.memory_space<hbm>> -> memref<1x2x120xi32, #tpu.memory_space<hbm>>
        %dma_wait3A_483 = tpu.memref_squeeze %dma_wait3A_482 : memref<1x2x120xi32, #tpu.memory_space<hbm>> -> memref<2x120xi32, #tpu.memory_space<hbm>>
        tpu.wait_dma2 semaphore(%arg17 : memref<!tpu.dma_semaphore, #tpu.memory_space<semaphore_mem>>) src(%dma_wait3A_483 : memref<2x120xi32, #tpu.memory_space<hbm>>) dst(%dma_wait3A_479 : memref<2x120xi32, #tpu.memory_space<vmem>>)
        %dma_start3A_484 = arith.constant 3 : i32
        %dma_start3A_485 = arith.constant 0 : i32
        %dma_start3A_486 = arith.constant 0 : i32
        %dma_start3A_487 = arith.constant 0 : i32
        %dma_start3A_488 = arith.constant 0 : i32
        %dma_start3A_489 = tpu.memref_slice %arg6[%dma_start3A_486, %dma_start3A_487, %dma_start3A_488] : memref<3x120x128xf32, #tpu.memory_space<vmem>> -> memref<1x120x128xf32, #tpu.memory_space<vmem>>
        %dma_start3A_490 = tpu.memref_squeeze %dma_start3A_489 : memref<1x120x128xf32, #tpu.memory_space<vmem>> -> memref<120x128xf32, #tpu.memory_space<vmem>>
        %dma_start3A_491 = arith.constant 0 : i32
        %dma_start3A_492 = tpu.memref_slice %arg5[%dma_start3A_484, %dma_start3A_485, %dma_start3A_491] : memref<6x2x120xi32, #tpu.memory_space<vmem>> -> memref<1x1x120xi32, #tpu.memory_space<vmem>>
        %dma_start3A_493 = tpu.memref_squeeze %dma_start3A_492 : memref<1x1x120xi32, #tpu.memory_space<vmem>> -> memref<120xi32, #tpu.memory_space<vmem>>
        %dma_start3A_494 = arith.constant 0 : i32
        %dma_start3A_495 = arith.constant 0 : i32
        %dma_start3A_496 = tpu.memref_slice %arg2[%dma_start3A_494, %dma_start3A_495] : memref<10240x128xf32, #tpu.memory_space<hbm>> -> memref<10240x128xf32, #tpu.memory_space<hbm>>
        tpu.enqueue_indirect_dma source(%dma_start3A_496 : memref<10240x128xf32, #tpu.memory_space<hbm>>) target(%dma_start3A_490 : memref<120x128xf32, #tpu.memory_space<vmem>>) offsets(%dma_start3A_493 : memref<120xi32, #tpu.memory_space<vmem>>) semaphore(%arg8 : memref<!tpu.dma_semaphore, #tpu.memory_space<semaphore_mem>>)
      } else {
      }
      %add3A_285 = arith.constant 4 : i32
      %add3A_286 = arith.addi %add3A_251, %add3A_285 : i32
      %lt3A_287 = arith.constant 84 : i32
      %lt3A_288 = arith.cmpi slt, %add3A_286, %lt3A_287 : i32
      %convert_element_type3A_289 = arith.extui %lt3A_288 : i1 to i32
      %cond3A_290 = arith.constant 0 : i32
      %cond3A_291 = arith.cmpi ne, %convert_element_type3A_289, %cond3A_290 : i32
      scf.if %cond3A_291 {
        %add3A_460 = arith.addi %mul3A_2, %add3A_251 : i32
        %add3A_461 = arith.constant 4 : i32
        %add3A_462 = arith.addi %add3A_460, %add3A_461 : i32
        %dma_start3A_463 = arith.constant 5 : i32
        %dma_start3A_464 = arith.constant 0 : i32
        %dma_start3A_465 = arith.constant 0 : i32
        %dma_start3A_466 = tpu.memref_slice %arg5[%dma_start3A_463, %dma_start3A_464, %dma_start3A_465] : memref<6x2x120xi32, #tpu.memory_space<vmem>> -> memref<1x2x120xi32, #tpu.memory_space<vmem>>
        %dma_start3A_467 = tpu.memref_squeeze %dma_start3A_466 : memref<1x2x120xi32, #tpu.memory_space<vmem>> -> memref<2x120xi32, #tpu.memory_space<vmem>>
        %dma_start3A_468 = arith.constant 0 : i32
        %dma_start3A_469 = arith.constant 0 : i32
        %dma_start3A_470 = tpu.memref_slice %arg3[%add3A_462, %dma_start3A_468, %dma_start3A_469] : memref<2688x2x120xi32, #tpu.memory_space<hbm>> -> memref<1x2x120xi32, #tpu.memory_space<hbm>>
        %dma_start3A_471 = tpu.memref_squeeze %dma_start3A_470 : memref<1x2x120xi32, #tpu.memory_space<hbm>> -> memref<2x120xi32, #tpu.memory_space<hbm>>
        %dma_start3A_472 = arith.constant 0 : i32
        %dma_start3A_473 = arith.constant 0 : i32
        %dma_start3A_474 = tpu.memref_slice %arg5[%dma_start3A_463, %dma_start3A_472, %dma_start3A_473] : memref<6x2x120xi32, #tpu.memory_space<vmem>> -> memref<1x2x120xi32, #tpu.memory_space<vmem>>
        %dma_start3A_475 = tpu.memref_squeeze %dma_start3A_474 : memref<1x2x120xi32, #tpu.memory_space<vmem>> -> memref<2x120xi32, #tpu.memory_space<vmem>>
        %dma_start3A_476 = arith.constant 0 : i32
        %dma_start3A_477 = arith.constant 0 : i32
        %dma_start3A_478 = tpu.memref_slice %arg3[%add3A_462, %dma_start3A_476, %dma_start3A_477] : memref<2688x2x120xi32, #tpu.memory_space<hbm>> -> memref<1x2x120xi32, #tpu.memory_space<hbm>>
        %dma_start3A_479 = tpu.memref_squeeze %dma_start3A_478 : memref<1x2x120xi32, #tpu.memory_space<hbm>> -> memref<2x120xi32, #tpu.memory_space<hbm>>
        tpu.enqueue_dma source(%dma_start3A_479 : memref<2x120xi32, #tpu.memory_space<hbm>>) target(%dma_start3A_475 : memref<2x120xi32, #tpu.memory_space<vmem>>) target_semaphore(%arg19 : memref<!tpu.dma_semaphore, #tpu.memory_space<semaphore_mem>>)
      } else {
      }
      %add3A_292 = arith.constant 2 : i32
      %add3A_293 = arith.addi %mul3A_210, %add3A_292 : i32
      %dma_wait3A_294 = arith.constant 2 : i32
      %dma_wait3A_295 = arith.constant 0 : i32
      %dma_wait3A_296 = arith.constant 2 : i32
      %dma_wait3A_297 = arith.constant 0 : i32
      %dma_wait3A_298 = arith.constant 0 : i32
      %dma_wait3A_299 = tpu.memref_slice %arg6[%dma_wait3A_296, %dma_wait3A_297, %dma_wait3A_298] : memref<3x120x128xf32, #tpu.memory_space<vmem>> -> memref<1x120x128xf32, #tpu.memory_space<vmem>>
      %dma_wait3A_300 = tpu.memref_squeeze %dma_wait3A_299 : memref<1x120x128xf32, #tpu.memory_space<vmem>> -> memref<120x128xf32, #tpu.memory_space<vmem>>
      %dma_wait3A_301 = arith.constant 0 : i32
      %dma_wait3A_302 = tpu.memref_slice %arg5[%dma_wait3A_294, %dma_wait3A_295, %dma_wait3A_301] : memref<6x2x120xi32, #tpu.memory_space<vmem>> -> memref<1x1x120xi32, #tpu.memory_space<vmem>>
      %dma_wait3A_303 = tpu.memref_squeeze %dma_wait3A_302 : memref<1x1x120xi32, #tpu.memory_space<vmem>> -> memref<120xi32, #tpu.memory_space<vmem>>
      %dma_wait3A_304 = arith.constant 0 : i32
      %dma_wait3A_305 = arith.constant 0 : i32
      %dma_wait3A_306 = tpu.memref_slice %arg2[%dma_wait3A_304, %dma_wait3A_305] : memref<10240x128xf32, #tpu.memory_space<hbm>> -> memref<10240x128xf32, #tpu.memory_space<hbm>>
      tpu.wait_indirect_dma semaphore(%arg10 : memref<!tpu.dma_semaphore, #tpu.memory_space<semaphore_mem>>) src(%dma_wait3A_306 : memref<10240x128xf32, #tpu.memory_space<hbm>>) dst(%dma_wait3A_300 : memref<120x128xf32, #tpu.memory_space<vmem>>)
      %dma_start3A_307 = arith.constant 2 : i32
      %dma_start3A_308 = arith.constant 2 : i32
      %dma_start3A_309 = arith.constant 1 : i32
      %dma_start3A_310 = arith.constant 0 : i32
      %dma_start3A_311 = arith.constant 0 : i32
      %dma_start3A_312 = tpu.memref_slice %arg6[%dma_start3A_307, %dma_start3A_310, %dma_start3A_311] : memref<3x120x128xf32, #tpu.memory_space<vmem>> -> memref<1x120x128xf32, #tpu.memory_space<vmem>>
      %dma_start3A_313 = tpu.memref_squeeze %dma_start3A_312 : memref<1x120x128xf32, #tpu.memory_space<vmem>> -> memref<120x128xf32, #tpu.memory_space<vmem>>
      %dma_start3A_314 = arith.constant 0 : i32
      %dma_start3A_315 = tpu.memref_slice %arg5[%dma_start3A_308, %dma_start3A_309, %dma_start3A_314] : memref<6x2x120xi32, #tpu.memory_space<vmem>> -> memref<1x1x120xi32, #tpu.memory_space<vmem>>
      %dma_start3A_316 = tpu.memref_squeeze %dma_start3A_315 : memref<1x1x120xi32, #tpu.memory_space<vmem>> -> memref<120xi32, #tpu.memory_space<vmem>>
      %dma_start3A_317 = arith.constant 0 : i32
      %dma_start3A_318 = arith.constant 0 : i32
      %dma_start3A_319 = tpu.memref_slice %arg7[%dma_start3A_317, %dma_start3A_318] : memref<10240x128xf32, #tpu.memory_space<vmem_shared>> -> memref<10240x128xf32, #tpu.memory_space<vmem_shared>>
      tpu.enqueue_indirect_dma source(%dma_start3A_313 : memref<120x128xf32, #tpu.memory_space<vmem>>) target(%dma_start3A_319 : memref<10240x128xf32, #tpu.memory_space<vmem_shared>>) offsets(%dma_start3A_316 : memref<120xi32, #tpu.memory_space<vmem>>) semaphore(%arg13 : memref<!tpu.dma_semaphore, #tpu.memory_space<semaphore_mem>>) {add = true}
      %add3A_320 = arith.constant 2 : i32
      %add3A_321 = arith.addi %add3A_293, %add3A_320 : i32
      %lt3A_322 = arith.constant 84 : i32
      %lt3A_323 = arith.cmpi slt, %add3A_321, %lt3A_322 : i32
      %convert_element_type3A_324 = arith.extui %lt3A_323 : i1 to i32
      %cond3A_325 = arith.constant 0 : i32
      %cond3A_326 = arith.cmpi ne, %convert_element_type3A_324, %cond3A_325 : i32
      scf.if %cond3A_326 {
        %ge3A = arith.constant 1 : i32
        %ge3A_460 = arith.cmpi sge, %add3A_293, %ge3A : i32
        %convert_element_type3A_461 = arith.extui %ge3A_460 : i1 to i32
        %cond3A_462 = arith.constant 0 : i32
        %cond3A_463 = arith.cmpi ne, %convert_element_type3A_461, %cond3A_462 : i32
        scf.if %cond3A_463 {
          %dma_wait3A_497 = arith.constant 1 : i32
          %dma_wait3A_498 = arith.constant 2 : i32
          %dma_wait3A_499 = arith.constant 1 : i32
          %dma_wait3A_500 = arith.constant 0 : i32
          %dma_wait3A_501 = arith.constant 0 : i32
          %dma_wait3A_502 = tpu.memref_slice %arg6[%dma_wait3A_497, %dma_wait3A_500, %dma_wait3A_501] : memref<3x120x128xf32, #tpu.memory_space<vmem>> -> memref<1x120x128xf32, #tpu.memory_space<vmem>>
          %dma_wait3A_503 = tpu.memref_squeeze %dma_wait3A_502 : memref<1x120x128xf32, #tpu.memory_space<vmem>> -> memref<120x128xf32, #tpu.memory_space<vmem>>
          %dma_wait3A_504 = arith.constant 0 : i32
          %dma_wait3A_505 = tpu.memref_slice %arg5[%dma_wait3A_498, %dma_wait3A_499, %dma_wait3A_504] : memref<6x2x120xi32, #tpu.memory_space<vmem>> -> memref<1x1x120xi32, #tpu.memory_space<vmem>>
          %dma_wait3A_506 = tpu.memref_squeeze %dma_wait3A_505 : memref<1x1x120xi32, #tpu.memory_space<vmem>> -> memref<120xi32, #tpu.memory_space<vmem>>
          %dma_wait3A_507 = arith.constant 0 : i32
          %dma_wait3A_508 = arith.constant 0 : i32
          %dma_wait3A_509 = tpu.memref_slice %arg7[%dma_wait3A_507, %dma_wait3A_508] : memref<10240x128xf32, #tpu.memory_space<vmem_shared>> -> memref<10240x128xf32, #tpu.memory_space<vmem_shared>>
          tpu.wait_indirect_dma semaphore(%arg12 : memref<!tpu.dma_semaphore, #tpu.memory_space<semaphore_mem>>) src(%dma_wait3A_503 : memref<120x128xf32, #tpu.memory_space<vmem>>) dst(%dma_wait3A_509 : memref<10240x128xf32, #tpu.memory_space<vmem_shared>>)
        } else {
        }
        %add3A_464 = arith.addi %mul3A_2, %add3A_293 : i32
        %add3A_465 = arith.constant 2 : i32
        %add3A_466 = arith.addi %add3A_464, %add3A_465 : i32
        %dma_wait3A_467 = arith.constant 4 : i32
        %dma_wait3A_468 = arith.constant 0 : i32
        %dma_wait3A_469 = arith.constant 0 : i32
        %dma_wait3A_470 = tpu.memref_slice %arg5[%dma_wait3A_467, %dma_wait3A_468, %dma_wait3A_469] : memref<6x2x120xi32, #tpu.memory_space<vmem>> -> memref<1x2x120xi32, #tpu.memory_space<vmem>>
        %dma_wait3A_471 = tpu.memref_squeeze %dma_wait3A_470 : memref<1x2x120xi32, #tpu.memory_space<vmem>> -> memref<2x120xi32, #tpu.memory_space<vmem>>
        %dma_wait3A_472 = arith.constant 0 : i32
        %dma_wait3A_473 = arith.constant 0 : i32
        %dma_wait3A_474 = tpu.memref_slice %arg3[%add3A_466, %dma_wait3A_472, %dma_wait3A_473] : memref<2688x2x120xi32, #tpu.memory_space<hbm>> -> memref<1x2x120xi32, #tpu.memory_space<hbm>>
        %dma_wait3A_475 = tpu.memref_squeeze %dma_wait3A_474 : memref<1x2x120xi32, #tpu.memory_space<hbm>> -> memref<2x120xi32, #tpu.memory_space<hbm>>
        %dma_wait3A_476 = arith.constant 0 : i32
        %dma_wait3A_477 = arith.constant 0 : i32
        %dma_wait3A_478 = tpu.memref_slice %arg5[%dma_wait3A_467, %dma_wait3A_476, %dma_wait3A_477] : memref<6x2x120xi32, #tpu.memory_space<vmem>> -> memref<1x2x120xi32, #tpu.memory_space<vmem>>
        %dma_wait3A_479 = tpu.memref_squeeze %dma_wait3A_478 : memref<1x2x120xi32, #tpu.memory_space<vmem>> -> memref<2x120xi32, #tpu.memory_space<vmem>>
        %dma_wait3A_480 = arith.constant 0 : i32
        %dma_wait3A_481 = arith.constant 0 : i32
        %dma_wait3A_482 = tpu.memref_slice %arg3[%add3A_466, %dma_wait3A_480, %dma_wait3A_481] : memref<2688x2x120xi32, #tpu.memory_space<hbm>> -> memref<1x2x120xi32, #tpu.memory_space<hbm>>
        %dma_wait3A_483 = tpu.memref_squeeze %dma_wait3A_482 : memref<1x2x120xi32, #tpu.memory_space<hbm>> -> memref<2x120xi32, #tpu.memory_space<hbm>>
        tpu.wait_dma2 semaphore(%arg18 : memref<!tpu.dma_semaphore, #tpu.memory_space<semaphore_mem>>) src(%dma_wait3A_483 : memref<2x120xi32, #tpu.memory_space<hbm>>) dst(%dma_wait3A_479 : memref<2x120xi32, #tpu.memory_space<vmem>>)
        %dma_start3A_484 = arith.constant 4 : i32
        %dma_start3A_485 = arith.constant 0 : i32
        %dma_start3A_486 = arith.constant 1 : i32
        %dma_start3A_487 = arith.constant 0 : i32
        %dma_start3A_488 = arith.constant 0 : i32
        %dma_start3A_489 = tpu.memref_slice %arg6[%dma_start3A_486, %dma_start3A_487, %dma_start3A_488] : memref<3x120x128xf32, #tpu.memory_space<vmem>> -> memref<1x120x128xf32, #tpu.memory_space<vmem>>
        %dma_start3A_490 = tpu.memref_squeeze %dma_start3A_489 : memref<1x120x128xf32, #tpu.memory_space<vmem>> -> memref<120x128xf32, #tpu.memory_space<vmem>>
        %dma_start3A_491 = arith.constant 0 : i32
        %dma_start3A_492 = tpu.memref_slice %arg5[%dma_start3A_484, %dma_start3A_485, %dma_start3A_491] : memref<6x2x120xi32, #tpu.memory_space<vmem>> -> memref<1x1x120xi32, #tpu.memory_space<vmem>>
        %dma_start3A_493 = tpu.memref_squeeze %dma_start3A_492 : memref<1x1x120xi32, #tpu.memory_space<vmem>> -> memref<120xi32, #tpu.memory_space<vmem>>
        %dma_start3A_494 = arith.constant 0 : i32
        %dma_start3A_495 = arith.constant 0 : i32
        %dma_start3A_496 = tpu.memref_slice %arg2[%dma_start3A_494, %dma_start3A_495] : memref<10240x128xf32, #tpu.memory_space<hbm>> -> memref<10240x128xf32, #tpu.memory_space<hbm>>
        tpu.enqueue_indirect_dma source(%dma_start3A_496 : memref<10240x128xf32, #tpu.memory_space<hbm>>) target(%dma_start3A_490 : memref<120x128xf32, #tpu.memory_space<vmem>>) offsets(%dma_start3A_493 : memref<120xi32, #tpu.memory_space<vmem>>) semaphore(%arg9 : memref<!tpu.dma_semaphore, #tpu.memory_space<semaphore_mem>>)
      } else {
      }
      %add3A_327 = arith.constant 4 : i32
      %add3A_328 = arith.addi %add3A_293, %add3A_327 : i32
      %lt3A_329 = arith.constant 84 : i32
      %lt3A_330 = arith.cmpi slt, %add3A_328, %lt3A_329 : i32
      %convert_element_type3A_331 = arith.extui %lt3A_330 : i1 to i32
      %cond3A_332 = arith.constant 0 : i32
      %cond3A_333 = arith.cmpi ne, %convert_element_type3A_331, %cond3A_332 : i32
      scf.if %cond3A_333 {
        %add3A_460 = arith.addi %mul3A_2, %add3A_293 : i32
        %add3A_461 = arith.constant 4 : i32
        %add3A_462 = arith.addi %add3A_460, %add3A_461 : i32
        %dma_start3A_463 = arith.constant 0 : i32
        %dma_start3A_464 = arith.constant 0 : i32
        %dma_start3A_465 = arith.constant 0 : i32
        %dma_start3A_466 = tpu.memref_slice %arg5[%dma_start3A_463, %dma_start3A_464, %dma_start3A_465] : memref<6x2x120xi32, #tpu.memory_space<vmem>> -> memref<1x2x120xi32, #tpu.memory_space<vmem>>
        %dma_start3A_467 = tpu.memref_squeeze %dma_start3A_466 : memref<1x2x120xi32, #tpu.memory_space<vmem>> -> memref<2x120xi32, #tpu.memory_space<vmem>>
        %dma_start3A_468 = arith.constant 0 : i32
        %dma_start3A_469 = arith.constant 0 : i32
        %dma_start3A_470 = tpu.memref_slice %arg3[%add3A_462, %dma_start3A_468, %dma_start3A_469] : memref<2688x2x120xi32, #tpu.memory_space<hbm>> -> memref<1x2x120xi32, #tpu.memory_space<hbm>>
        %dma_start3A_471 = tpu.memref_squeeze %dma_start3A_470 : memref<1x2x120xi32, #tpu.memory_space<hbm>> -> memref<2x120xi32, #tpu.memory_space<hbm>>
        %dma_start3A_472 = arith.constant 0 : i32
        %dma_start3A_473 = arith.constant 0 : i32
        %dma_start3A_474 = tpu.memref_slice %arg5[%dma_start3A_463, %dma_start3A_472, %dma_start3A_473] : memref<6x2x120xi32, #tpu.memory_space<vmem>> -> memref<1x2x120xi32, #tpu.memory_space<vmem>>
        %dma_start3A_475 = tpu.memref_squeeze %dma_start3A_474 : memref<1x2x120xi32, #tpu.memory_space<vmem>> -> memref<2x120xi32, #tpu.memory_space<vmem>>
        %dma_start3A_476 = arith.constant 0 : i32
        %dma_start3A_477 = arith.constant 0 : i32
        %dma_start3A_478 = tpu.memref_slice %arg3[%add3A_462, %dma_start3A_476, %dma_start3A_477] : memref<2688x2x120xi32, #tpu.memory_space<hbm>> -> memref<1x2x120xi32, #tpu.memory_space<hbm>>
        %dma_start3A_479 = tpu.memref_squeeze %dma_start3A_478 : memref<1x2x120xi32, #tpu.memory_space<hbm>> -> memref<2x120xi32, #tpu.memory_space<hbm>>
        tpu.enqueue_dma source(%dma_start3A_479 : memref<2x120xi32, #tpu.memory_space<hbm>>) target(%dma_start3A_475 : memref<2x120xi32, #tpu.memory_space<vmem>>) target_semaphore(%arg14 : memref<!tpu.dma_semaphore, #tpu.memory_space<semaphore_mem>>)
      } else {
      }
      %add3A_334 = arith.constant 3 : i32
      %add3A_335 = arith.addi %mul3A_210, %add3A_334 : i32
      %dma_wait3A_336 = arith.constant 3 : i32
      %dma_wait3A_337 = arith.constant 0 : i32
      %dma_wait3A_338 = arith.constant 0 : i32
      %dma_wait3A_339 = arith.constant 0 : i32
      %dma_wait3A_340 = arith.constant 0 : i32
      %dma_wait3A_341 = tpu.memref_slice %arg6[%dma_wait3A_338, %dma_wait3A_339, %dma_wait3A_340] : memref<3x120x128xf32, #tpu.memory_space<vmem>> -> memref<1x120x128xf32, #tpu.memory_space<vmem>>
      %dma_wait3A_342 = tpu.memref_squeeze %dma_wait3A_341 : memref<1x120x128xf32, #tpu.memory_space<vmem>> -> memref<120x128xf32, #tpu.memory_space<vmem>>
      %dma_wait3A_343 = arith.constant 0 : i32
      %dma_wait3A_344 = tpu.memref_slice %arg5[%dma_wait3A_336, %dma_wait3A_337, %dma_wait3A_343] : memref<6x2x120xi32, #tpu.memory_space<vmem>> -> memref<1x1x120xi32, #tpu.memory_space<vmem>>
      %dma_wait3A_345 = tpu.memref_squeeze %dma_wait3A_344 : memref<1x1x120xi32, #tpu.memory_space<vmem>> -> memref<120xi32, #tpu.memory_space<vmem>>
      %dma_wait3A_346 = arith.constant 0 : i32
      %dma_wait3A_347 = arith.constant 0 : i32
      %dma_wait3A_348 = tpu.memref_slice %arg2[%dma_wait3A_346, %dma_wait3A_347] : memref<10240x128xf32, #tpu.memory_space<hbm>> -> memref<10240x128xf32, #tpu.memory_space<hbm>>
      tpu.wait_indirect_dma semaphore(%arg8 : memref<!tpu.dma_semaphore, #tpu.memory_space<semaphore_mem>>) src(%dma_wait3A_348 : memref<10240x128xf32, #tpu.memory_space<hbm>>) dst(%dma_wait3A_342 : memref<120x128xf32, #tpu.memory_space<vmem>>)
      %dma_start3A_349 = arith.constant 0 : i32
      %dma_start3A_350 = arith.constant 3 : i32
      %dma_start3A_351 = arith.constant 1 : i32
      %dma_start3A_352 = arith.constant 0 : i32
      %dma_start3A_353 = arith.constant 0 : i32
      %dma_start3A_354 = tpu.memref_slice %arg6[%dma_start3A_349, %dma_start3A_352, %dma_start3A_353] : memref<3x120x128xf32, #tpu.memory_space<vmem>> -> memref<1x120x128xf32, #tpu.memory_space<vmem>>
      %dma_start3A_355 = tpu.memref_squeeze %dma_start3A_354 : memref<1x120x128xf32, #tpu.memory_space<vmem>> -> memref<120x128xf32, #tpu.memory_space<vmem>>
      %dma_start3A_356 = arith.constant 0 : i32
      %dma_start3A_357 = tpu.memref_slice %arg5[%dma_start3A_350, %dma_start3A_351, %dma_start3A_356] : memref<6x2x120xi32, #tpu.memory_space<vmem>> -> memref<1x1x120xi32, #tpu.memory_space<vmem>>
      %dma_start3A_358 = tpu.memref_squeeze %dma_start3A_357 : memref<1x1x120xi32, #tpu.memory_space<vmem>> -> memref<120xi32, #tpu.memory_space<vmem>>
      %dma_start3A_359 = arith.constant 0 : i32
      %dma_start3A_360 = arith.constant 0 : i32
      %dma_start3A_361 = tpu.memref_slice %arg7[%dma_start3A_359, %dma_start3A_360] : memref<10240x128xf32, #tpu.memory_space<vmem_shared>> -> memref<10240x128xf32, #tpu.memory_space<vmem_shared>>
      tpu.enqueue_indirect_dma source(%dma_start3A_355 : memref<120x128xf32, #tpu.memory_space<vmem>>) target(%dma_start3A_361 : memref<10240x128xf32, #tpu.memory_space<vmem_shared>>) offsets(%dma_start3A_358 : memref<120xi32, #tpu.memory_space<vmem>>) semaphore(%arg11 : memref<!tpu.dma_semaphore, #tpu.memory_space<semaphore_mem>>) {add = true}
      %add3A_362 = arith.constant 2 : i32
      %add3A_363 = arith.addi %add3A_335, %add3A_362 : i32
      %lt3A_364 = arith.constant 84 : i32
      %lt3A_365 = arith.cmpi slt, %add3A_363, %lt3A_364 : i32
      %convert_element_type3A_366 = arith.extui %lt3A_365 : i1 to i32
      %cond3A_367 = arith.constant 0 : i32
      %cond3A_368 = arith.cmpi ne, %convert_element_type3A_366, %cond3A_367 : i32
      scf.if %cond3A_368 {
        %ge3A = arith.constant 1 : i32
        %ge3A_460 = arith.cmpi sge, %add3A_335, %ge3A : i32
        %convert_element_type3A_461 = arith.extui %ge3A_460 : i1 to i32
        %cond3A_462 = arith.constant 0 : i32
        %cond3A_463 = arith.cmpi ne, %convert_element_type3A_461, %cond3A_462 : i32
        scf.if %cond3A_463 {
          %dma_wait3A_497 = arith.constant 2 : i32
          %dma_wait3A_498 = arith.constant 3 : i32
          %dma_wait3A_499 = arith.constant 1 : i32
          %dma_wait3A_500 = arith.constant 0 : i32
          %dma_wait3A_501 = arith.constant 0 : i32
          %dma_wait3A_502 = tpu.memref_slice %arg6[%dma_wait3A_497, %dma_wait3A_500, %dma_wait3A_501] : memref<3x120x128xf32, #tpu.memory_space<vmem>> -> memref<1x120x128xf32, #tpu.memory_space<vmem>>
          %dma_wait3A_503 = tpu.memref_squeeze %dma_wait3A_502 : memref<1x120x128xf32, #tpu.memory_space<vmem>> -> memref<120x128xf32, #tpu.memory_space<vmem>>
          %dma_wait3A_504 = arith.constant 0 : i32
          %dma_wait3A_505 = tpu.memref_slice %arg5[%dma_wait3A_498, %dma_wait3A_499, %dma_wait3A_504] : memref<6x2x120xi32, #tpu.memory_space<vmem>> -> memref<1x1x120xi32, #tpu.memory_space<vmem>>
          %dma_wait3A_506 = tpu.memref_squeeze %dma_wait3A_505 : memref<1x1x120xi32, #tpu.memory_space<vmem>> -> memref<120xi32, #tpu.memory_space<vmem>>
          %dma_wait3A_507 = arith.constant 0 : i32
          %dma_wait3A_508 = arith.constant 0 : i32
          %dma_wait3A_509 = tpu.memref_slice %arg7[%dma_wait3A_507, %dma_wait3A_508] : memref<10240x128xf32, #tpu.memory_space<vmem_shared>> -> memref<10240x128xf32, #tpu.memory_space<vmem_shared>>
          tpu.wait_indirect_dma semaphore(%arg13 : memref<!tpu.dma_semaphore, #tpu.memory_space<semaphore_mem>>) src(%dma_wait3A_503 : memref<120x128xf32, #tpu.memory_space<vmem>>) dst(%dma_wait3A_509 : memref<10240x128xf32, #tpu.memory_space<vmem_shared>>)
        } else {
        }
        %add3A_464 = arith.addi %mul3A_2, %add3A_335 : i32
        %add3A_465 = arith.constant 2 : i32
        %add3A_466 = arith.addi %add3A_464, %add3A_465 : i32
        %dma_wait3A_467 = arith.constant 5 : i32
        %dma_wait3A_468 = arith.constant 0 : i32
        %dma_wait3A_469 = arith.constant 0 : i32
        %dma_wait3A_470 = tpu.memref_slice %arg5[%dma_wait3A_467, %dma_wait3A_468, %dma_wait3A_469] : memref<6x2x120xi32, #tpu.memory_space<vmem>> -> memref<1x2x120xi32, #tpu.memory_space<vmem>>
        %dma_wait3A_471 = tpu.memref_squeeze %dma_wait3A_470 : memref<1x2x120xi32, #tpu.memory_space<vmem>> -> memref<2x120xi32, #tpu.memory_space<vmem>>
        %dma_wait3A_472 = arith.constant 0 : i32
        %dma_wait3A_473 = arith.constant 0 : i32
        %dma_wait3A_474 = tpu.memref_slice %arg3[%add3A_466, %dma_wait3A_472, %dma_wait3A_473] : memref<2688x2x120xi32, #tpu.memory_space<hbm>> -> memref<1x2x120xi32, #tpu.memory_space<hbm>>
        %dma_wait3A_475 = tpu.memref_squeeze %dma_wait3A_474 : memref<1x2x120xi32, #tpu.memory_space<hbm>> -> memref<2x120xi32, #tpu.memory_space<hbm>>
        %dma_wait3A_476 = arith.constant 0 : i32
        %dma_wait3A_477 = arith.constant 0 : i32
        %dma_wait3A_478 = tpu.memref_slice %arg5[%dma_wait3A_467, %dma_wait3A_476, %dma_wait3A_477] : memref<6x2x120xi32, #tpu.memory_space<vmem>> -> memref<1x2x120xi32, #tpu.memory_space<vmem>>
        %dma_wait3A_479 = tpu.memref_squeeze %dma_wait3A_478 : memref<1x2x120xi32, #tpu.memory_space<vmem>> -> memref<2x120xi32, #tpu.memory_space<vmem>>
        %dma_wait3A_480 = arith.constant 0 : i32
        %dma_wait3A_481 = arith.constant 0 : i32
        %dma_wait3A_482 = tpu.memref_slice %arg3[%add3A_466, %dma_wait3A_480, %dma_wait3A_481] : memref<2688x2x120xi32, #tpu.memory_space<hbm>> -> memref<1x2x120xi32, #tpu.memory_space<hbm>>
        %dma_wait3A_483 = tpu.memref_squeeze %dma_wait3A_482 : memref<1x2x120xi32, #tpu.memory_space<hbm>> -> memref<2x120xi32, #tpu.memory_space<hbm>>
        tpu.wait_dma2 semaphore(%arg19 : memref<!tpu.dma_semaphore, #tpu.memory_space<semaphore_mem>>) src(%dma_wait3A_483 : memref<2x120xi32, #tpu.memory_space<hbm>>) dst(%dma_wait3A_479 : memref<2x120xi32, #tpu.memory_space<vmem>>)
        %dma_start3A_484 = arith.constant 5 : i32
        %dma_start3A_485 = arith.constant 0 : i32
        %dma_start3A_486 = arith.constant 2 : i32
        %dma_start3A_487 = arith.constant 0 : i32
        %dma_start3A_488 = arith.constant 0 : i32
        %dma_start3A_489 = tpu.memref_slice %arg6[%dma_start3A_486, %dma_start3A_487, %dma_start3A_488] : memref<3x120x128xf32, #tpu.memory_space<vmem>> -> memref<1x120x128xf32, #tpu.memory_space<vmem>>
        %dma_start3A_490 = tpu.memref_squeeze %dma_start3A_489 : memref<1x120x128xf32, #tpu.memory_space<vmem>> -> memref<120x128xf32, #tpu.memory_space<vmem>>
        %dma_start3A_491 = arith.constant 0 : i32
        %dma_start3A_492 = tpu.memref_slice %arg5[%dma_start3A_484, %dma_start3A_485, %dma_start3A_491] : memref<6x2x120xi32, #tpu.memory_space<vmem>> -> memref<1x1x120xi32, #tpu.memory_space<vmem>>
        %dma_start3A_493 = tpu.memref_squeeze %dma_start3A_492 : memref<1x1x120xi32, #tpu.memory_space<vmem>> -> memref<120xi32, #tpu.memory_space<vmem>>
        %dma_start3A_494 = arith.constant 0 : i32
        %dma_start3A_495 = arith.constant 0 : i32
        %dma_start3A_496 = tpu.memref_slice %arg2[%dma_start3A_494, %dma_start3A_495] : memref<10240x128xf32, #tpu.memory_space<hbm>> -> memref<10240x128xf32, #tpu.memory_space<hbm>>
        tpu.enqueue_indirect_dma source(%dma_start3A_496 : memref<10240x128xf32, #tpu.memory_space<hbm>>) target(%dma_start3A_490 : memref<120x128xf32, #tpu.memory_space<vmem>>) offsets(%dma_start3A_493 : memref<120xi32, #tpu.memory_space<vmem>>) semaphore(%arg10 : memref<!tpu.dma_semaphore, #tpu.memory_space<semaphore_mem>>)
      } else {
      }
      %add3A_369 = arith.constant 4 : i32
      %add3A_370 = arith.addi %add3A_335, %add3A_369 : i32
      %lt3A_371 = arith.constant 84 : i32
      %lt3A_372 = arith.cmpi slt, %add3A_370, %lt3A_371 : i32
      %convert_element_type3A_373 = arith.extui %lt3A_372 : i1 to i32
      %cond3A_374 = arith.constant 0 : i32
      %cond3A_375 = arith.cmpi ne, %convert_element_type3A_373, %cond3A_374 : i32
      scf.if %cond3A_375 {
        %add3A_460 = arith.addi %mul3A_2, %add3A_335 : i32
        %add3A_461 = arith.constant 4 : i32
        %add3A_462 = arith.addi %add3A_460, %add3A_461 : i32
        %dma_start3A_463 = arith.constant 1 : i32
        %dma_start3A_464 = arith.constant 0 : i32
        %dma_start3A_465 = arith.constant 0 : i32
        %dma_start3A_466 = tpu.memref_slice %arg5[%dma_start3A_463, %dma_start3A_464, %dma_start3A_465] : memref<6x2x120xi32, #tpu.memory_space<vmem>> -> memref<1x2x120xi32, #tpu.memory_space<vmem>>
        %dma_start3A_467 = tpu.memref_squeeze %dma_start3A_466 : memref<1x2x120xi32, #tpu.memory_space<vmem>> -> memref<2x120xi32, #tpu.memory_space<vmem>>
        %dma_start3A_468 = arith.constant 0 : i32
        %dma_start3A_469 = arith.constant 0 : i32
        %dma_start3A_470 = tpu.memref_slice %arg3[%add3A_462, %dma_start3A_468, %dma_start3A_469] : memref<2688x2x120xi32, #tpu.memory_space<hbm>> -> memref<1x2x120xi32, #tpu.memory_space<hbm>>
        %dma_start3A_471 = tpu.memref_squeeze %dma_start3A_470 : memref<1x2x120xi32, #tpu.memory_space<hbm>> -> memref<2x120xi32, #tpu.memory_space<hbm>>
        %dma_start3A_472 = arith.constant 0 : i32
        %dma_start3A_473 = arith.constant 0 : i32
        %dma_start3A_474 = tpu.memref_slice %arg5[%dma_start3A_463, %dma_start3A_472, %dma_start3A_473] : memref<6x2x120xi32, #tpu.memory_space<vmem>> -> memref<1x2x120xi32, #tpu.memory_space<vmem>>
        %dma_start3A_475 = tpu.memref_squeeze %dma_start3A_474 : memref<1x2x120xi32, #tpu.memory_space<vmem>> -> memref<2x120xi32, #tpu.memory_space<vmem>>
        %dma_start3A_476 = arith.constant 0 : i32
        %dma_start3A_477 = arith.constant 0 : i32
        %dma_start3A_478 = tpu.memref_slice %arg3[%add3A_462, %dma_start3A_476, %dma_start3A_477] : memref<2688x2x120xi32, #tpu.memory_space<hbm>> -> memref<1x2x120xi32, #tpu.memory_space<hbm>>
        %dma_start3A_479 = tpu.memref_squeeze %dma_start3A_478 : memref<1x2x120xi32, #tpu.memory_space<hbm>> -> memref<2x120xi32, #tpu.memory_space<hbm>>
        tpu.enqueue_dma source(%dma_start3A_479 : memref<2x120xi32, #tpu.memory_space<hbm>>) target(%dma_start3A_475 : memref<2x120xi32, #tpu.memory_space<vmem>>) target_semaphore(%arg15 : memref<!tpu.dma_semaphore, #tpu.memory_space<semaphore_mem>>)
      } else {
      }
      %add3A_376 = arith.constant 4 : i32
      %add3A_377 = arith.addi %mul3A_210, %add3A_376 : i32
      %dma_wait3A_378 = arith.constant 4 : i32
      %dma_wait3A_379 = arith.constant 0 : i32
      %dma_wait3A_380 = arith.constant 1 : i32
      %dma_wait3A_381 = arith.constant 0 : i32
      %dma_wait3A_382 = arith.constant 0 : i32
      %dma_wait3A_383 = tpu.memref_slice %arg6[%dma_wait3A_380, %dma_wait3A_381, %dma_wait3A_382] : memref<3x120x128xf32, #tpu.memory_space<vmem>> -> memref<1x120x128xf32, #tpu.memory_space<vmem>>
      %dma_wait3A_384 = tpu.memref_squeeze %dma_wait3A_383 : memref<1x120x128xf32, #tpu.memory_space<vmem>> -> memref<120x128xf32, #tpu.memory_space<vmem>>
      %dma_wait3A_385 = arith.constant 0 : i32
      %dma_wait3A_386 = tpu.memref_slice %arg5[%dma_wait3A_378, %dma_wait3A_379, %dma_wait3A_385] : memref<6x2x120xi32, #tpu.memory_space<vmem>> -> memref<1x1x120xi32, #tpu.memory_space<vmem>>
      %dma_wait3A_387 = tpu.memref_squeeze %dma_wait3A_386 : memref<1x1x120xi32, #tpu.memory_space<vmem>> -> memref<120xi32, #tpu.memory_space<vmem>>
      %dma_wait3A_388 = arith.constant 0 : i32
      %dma_wait3A_389 = arith.constant 0 : i32
      %dma_wait3A_390 = tpu.memref_slice %arg2[%dma_wait3A_388, %dma_wait3A_389] : memref<10240x128xf32, #tpu.memory_space<hbm>> -> memref<10240x128xf32, #tpu.memory_space<hbm>>
      tpu.wait_indirect_dma semaphore(%arg9 : memref<!tpu.dma_semaphore, #tpu.memory_space<semaphore_mem>>) src(%dma_wait3A_390 : memref<10240x128xf32, #tpu.memory_space<hbm>>) dst(%dma_wait3A_384 : memref<120x128xf32, #tpu.memory_space<vmem>>)
      %dma_start3A_391 = arith.constant 1 : i32
      %dma_start3A_392 = arith.constant 4 : i32
      %dma_start3A_393 = arith.constant 1 : i32
      %dma_start3A_394 = arith.constant 0 : i32
      %dma_start3A_395 = arith.constant 0 : i32
      %dma_start3A_396 = tpu.memref_slice %arg6[%dma_start3A_391, %dma_start3A_394, %dma_start3A_395] : memref<3x120x128xf32, #tpu.memory_space<vmem>> -> memref<1x120x128xf32, #tpu.memory_space<vmem>>
      %dma_start3A_397 = tpu.memref_squeeze %dma_start3A_396 : memref<1x120x128xf32, #tpu.memory_space<vmem>> -> memref<120x128xf32, #tpu.memory_space<vmem>>
      %dma_start3A_398 = arith.constant 0 : i32
      %dma_start3A_399 = tpu.memref_slice %arg5[%dma_start3A_392, %dma_start3A_393, %dma_start3A_398] : memref<6x2x120xi32, #tpu.memory_space<vmem>> -> memref<1x1x120xi32, #tpu.memory_space<vmem>>
      %dma_start3A_400 = tpu.memref_squeeze %dma_start3A_399 : memref<1x1x120xi32, #tpu.memory_space<vmem>> -> memref<120xi32, #tpu.memory_space<vmem>>
      %dma_start3A_401 = arith.constant 0 : i32
      %dma_start3A_402 = arith.constant 0 : i32
      %dma_start3A_403 = tpu.memref_slice %arg7[%dma_start3A_401, %dma_start3A_402] : memref<10240x128xf32, #tpu.memory_space<vmem_shared>> -> memref<10240x128xf32, #tpu.memory_space<vmem_shared>>
      tpu.enqueue_indirect_dma source(%dma_start3A_397 : memref<120x128xf32, #tpu.memory_space<vmem>>) target(%dma_start3A_403 : memref<10240x128xf32, #tpu.memory_space<vmem_shared>>) offsets(%dma_start3A_400 : memref<120xi32, #tpu.memory_space<vmem>>) semaphore(%arg12 : memref<!tpu.dma_semaphore, #tpu.memory_space<semaphore_mem>>) {add = true}
      %add3A_404 = arith.constant 2 : i32
      %add3A_405 = arith.addi %add3A_377, %add3A_404 : i32
      %lt3A_406 = arith.constant 84 : i32
      %lt3A_407 = arith.cmpi slt, %add3A_405, %lt3A_406 : i32
      %convert_element_type3A_408 = arith.extui %lt3A_407 : i1 to i32
      %cond3A_409 = arith.constant 0 : i32
      %cond3A_410 = arith.cmpi ne, %convert_element_type3A_408, %cond3A_409 : i32
      scf.if %cond3A_410 {
        %ge3A = arith.constant 1 : i32
        %ge3A_460 = arith.cmpi sge, %add3A_377, %ge3A : i32
        %convert_element_type3A_461 = arith.extui %ge3A_460 : i1 to i32
        %cond3A_462 = arith.constant 0 : i32
        %cond3A_463 = arith.cmpi ne, %convert_element_type3A_461, %cond3A_462 : i32
        scf.if %cond3A_463 {
          %dma_wait3A_497 = arith.constant 0 : i32
          %dma_wait3A_498 = arith.constant 4 : i32
          %dma_wait3A_499 = arith.constant 1 : i32
          %dma_wait3A_500 = arith.constant 0 : i32
          %dma_wait3A_501 = arith.constant 0 : i32
          %dma_wait3A_502 = tpu.memref_slice %arg6[%dma_wait3A_497, %dma_wait3A_500, %dma_wait3A_501] : memref<3x120x128xf32, #tpu.memory_space<vmem>> -> memref<1x120x128xf32, #tpu.memory_space<vmem>>
          %dma_wait3A_503 = tpu.memref_squeeze %dma_wait3A_502 : memref<1x120x128xf32, #tpu.memory_space<vmem>> -> memref<120x128xf32, #tpu.memory_space<vmem>>
          %dma_wait3A_504 = arith.constant 0 : i32
          %dma_wait3A_505 = tpu.memref_slice %arg5[%dma_wait3A_498, %dma_wait3A_499, %dma_wait3A_504] : memref<6x2x120xi32, #tpu.memory_space<vmem>> -> memref<1x1x120xi32, #tpu.memory_space<vmem>>
          %dma_wait3A_506 = tpu.memref_squeeze %dma_wait3A_505 : memref<1x1x120xi32, #tpu.memory_space<vmem>> -> memref<120xi32, #tpu.memory_space<vmem>>
          %dma_wait3A_507 = arith.constant 0 : i32
          %dma_wait3A_508 = arith.constant 0 : i32
          %dma_wait3A_509 = tpu.memref_slice %arg7[%dma_wait3A_507, %dma_wait3A_508] : memref<10240x128xf32, #tpu.memory_space<vmem_shared>> -> memref<10240x128xf32, #tpu.memory_space<vmem_shared>>
          tpu.wait_indirect_dma semaphore(%arg11 : memref<!tpu.dma_semaphore, #tpu.memory_space<semaphore_mem>>) src(%dma_wait3A_503 : memref<120x128xf32, #tpu.memory_space<vmem>>) dst(%dma_wait3A_509 : memref<10240x128xf32, #tpu.memory_space<vmem_shared>>)
        } else {
        }
        %add3A_464 = arith.addi %mul3A_2, %add3A_377 : i32
        %add3A_465 = arith.constant 2 : i32
        %add3A_466 = arith.addi %add3A_464, %add3A_465 : i32
        %dma_wait3A_467 = arith.constant 0 : i32
        %dma_wait3A_468 = arith.constant 0 : i32
        %dma_wait3A_469 = arith.constant 0 : i32
        %dma_wait3A_470 = tpu.memref_slice %arg5[%dma_wait3A_467, %dma_wait3A_468, %dma_wait3A_469] : memref<6x2x120xi32, #tpu.memory_space<vmem>> -> memref<1x2x120xi32, #tpu.memory_space<vmem>>
        %dma_wait3A_471 = tpu.memref_squeeze %dma_wait3A_470 : memref<1x2x120xi32, #tpu.memory_space<vmem>> -> memref<2x120xi32, #tpu.memory_space<vmem>>
        %dma_wait3A_472 = arith.constant 0 : i32
        %dma_wait3A_473 = arith.constant 0 : i32
        %dma_wait3A_474 = tpu.memref_slice %arg3[%add3A_466, %dma_wait3A_472, %dma_wait3A_473] : memref<2688x2x120xi32, #tpu.memory_space<hbm>> -> memref<1x2x120xi32, #tpu.memory_space<hbm>>
        %dma_wait3A_475 = tpu.memref_squeeze %dma_wait3A_474 : memref<1x2x120xi32, #tpu.memory_space<hbm>> -> memref<2x120xi32, #tpu.memory_space<hbm>>
        %dma_wait3A_476 = arith.constant 0 : i32
        %dma_wait3A_477 = arith.constant 0 : i32
        %dma_wait3A_478 = tpu.memref_slice %arg5[%dma_wait3A_467, %dma_wait3A_476, %dma_wait3A_477] : memref<6x2x120xi32, #tpu.memory_space<vmem>> -> memref<1x2x120xi32, #tpu.memory_space<vmem>>
        %dma_wait3A_479 = tpu.memref_squeeze %dma_wait3A_478 : memref<1x2x120xi32, #tpu.memory_space<vmem>> -> memref<2x120xi32, #tpu.memory_space<vmem>>
        %dma_wait3A_480 = arith.constant 0 : i32
        %dma_wait3A_481 = arith.constant 0 : i32
        %dma_wait3A_482 = tpu.memref_slice %arg3[%add3A_466, %dma_wait3A_480, %dma_wait3A_481] : memref<2688x2x120xi32, #tpu.memory_space<hbm>> -> memref<1x2x120xi32, #tpu.memory_space<hbm>>
        %dma_wait3A_483 = tpu.memref_squeeze %dma_wait3A_482 : memref<1x2x120xi32, #tpu.memory_space<hbm>> -> memref<2x120xi32, #tpu.memory_space<hbm>>
        tpu.wait_dma2 semaphore(%arg14 : memref<!tpu.dma_semaphore, #tpu.memory_space<semaphore_mem>>) src(%dma_wait3A_483 : memref<2x120xi32, #tpu.memory_space<hbm>>) dst(%dma_wait3A_479 : memref<2x120xi32, #tpu.memory_space<vmem>>)
        %dma_start3A_484 = arith.constant 0 : i32
        %dma_start3A_485 = arith.constant 0 : i32
        %dma_start3A_486 = arith.constant 0 : i32
        %dma_start3A_487 = arith.constant 0 : i32
        %dma_start3A_488 = arith.constant 0 : i32
        %dma_start3A_489 = tpu.memref_slice %arg6[%dma_start3A_486, %dma_start3A_487, %dma_start3A_488] : memref<3x120x128xf32, #tpu.memory_space<vmem>> -> memref<1x120x128xf32, #tpu.memory_space<vmem>>
        %dma_start3A_490 = tpu.memref_squeeze %dma_start3A_489 : memref<1x120x128xf32, #tpu.memory_space<vmem>> -> memref<120x128xf32, #tpu.memory_space<vmem>>
        %dma_start3A_491 = arith.constant 0 : i32
        %dma_start3A_492 = tpu.memref_slice %arg5[%dma_start3A_484, %dma_start3A_485, %dma_start3A_491] : memref<6x2x120xi32, #tpu.memory_space<vmem>> -> memref<1x1x120xi32, #tpu.memory_space<vmem>>
        %dma_start3A_493 = tpu.memref_squeeze %dma_start3A_492 : memref<1x1x120xi32, #tpu.memory_space<vmem>> -> memref<120xi32, #tpu.memory_space<vmem>>
        %dma_start3A_494 = arith.constant 0 : i32
        %dma_start3A_495 = arith.constant 0 : i32
        %dma_start3A_496 = tpu.memref_slice %arg2[%dma_start3A_494, %dma_start3A_495] : memref<10240x128xf32, #tpu.memory_space<hbm>> -> memref<10240x128xf32, #tpu.memory_space<hbm>>
        tpu.enqueue_indirect_dma source(%dma_start3A_496 : memref<10240x128xf32, #tpu.memory_space<hbm>>) target(%dma_start3A_490 : memref<120x128xf32, #tpu.memory_space<vmem>>) offsets(%dma_start3A_493 : memref<120xi32, #tpu.memory_space<vmem>>) semaphore(%arg8 : memref<!tpu.dma_semaphore, #tpu.memory_space<semaphore_mem>>)
      } else {
      }
      %add3A_411 = arith.constant 4 : i32
      %add3A_412 = arith.addi %add3A_377, %add3A_411 : i32
      %lt3A_413 = arith.constant 84 : i32
      %lt3A_414 = arith.cmpi slt, %add3A_412, %lt3A_413 : i32
      %convert_element_type3A_415 = arith.extui %lt3A_414 : i1 to i32
      %cond3A_416 = arith.constant 0 : i32
      %cond3A_417 = arith.cmpi ne, %convert_element_type3A_415, %cond3A_416 : i32
      scf.if %cond3A_417 {
        %add3A_460 = arith.addi %mul3A_2, %add3A_377 : i32
        %add3A_461 = arith.constant 4 : i32
        %add3A_462 = arith.addi %add3A_460, %add3A_461 : i32
        %dma_start3A_463 = arith.constant 2 : i32
        %dma_start3A_464 = arith.constant 0 : i32
        %dma_start3A_465 = arith.constant 0 : i32
        %dma_start3A_466 = tpu.memref_slice %arg5[%dma_start3A_463, %dma_start3A_464, %dma_start3A_465] : memref<6x2x120xi32, #tpu.memory_space<vmem>> -> memref<1x2x120xi32, #tpu.memory_space<vmem>>
        %dma_start3A_467 = tpu.memref_squeeze %dma_start3A_466 : memref<1x2x120xi32, #tpu.memory_space<vmem>> -> memref<2x120xi32, #tpu.memory_space<vmem>>
        %dma_start3A_468 = arith.constant 0 : i32
        %dma_start3A_469 = arith.constant 0 : i32
        %dma_start3A_470 = tpu.memref_slice %arg3[%add3A_462, %dma_start3A_468, %dma_start3A_469] : memref<2688x2x120xi32, #tpu.memory_space<hbm>> -> memref<1x2x120xi32, #tpu.memory_space<hbm>>
        %dma_start3A_471 = tpu.memref_squeeze %dma_start3A_470 : memref<1x2x120xi32, #tpu.memory_space<hbm>> -> memref<2x120xi32, #tpu.memory_space<hbm>>
        %dma_start3A_472 = arith.constant 0 : i32
        %dma_start3A_473 = arith.constant 0 : i32
        %dma_start3A_474 = tpu.memref_slice %arg5[%dma_start3A_463, %dma_start3A_472, %dma_start3A_473] : memref<6x2x120xi32, #tpu.memory_space<vmem>> -> memref<1x2x120xi32, #tpu.memory_space<vmem>>
        %dma_start3A_475 = tpu.memref_squeeze %dma_start3A_474 : memref<1x2x120xi32, #tpu.memory_space<vmem>> -> memref<2x120xi32, #tpu.memory_space<vmem>>
        %dma_start3A_476 = arith.constant 0 : i32
        %dma_start3A_477 = arith.constant 0 : i32
        %dma_start3A_478 = tpu.memref_slice %arg3[%add3A_462, %dma_start3A_476, %dma_start3A_477] : memref<2688x2x120xi32, #tpu.memory_space<hbm>> -> memref<1x2x120xi32, #tpu.memory_space<hbm>>
        %dma_start3A_479 = tpu.memref_squeeze %dma_start3A_478 : memref<1x2x120xi32, #tpu.memory_space<hbm>> -> memref<2x120xi32, #tpu.memory_space<hbm>>
        tpu.enqueue_dma source(%dma_start3A_479 : memref<2x120xi32, #tpu.memory_space<hbm>>) target(%dma_start3A_475 : memref<2x120xi32, #tpu.memory_space<vmem>>) target_semaphore(%arg16 : memref<!tpu.dma_semaphore, #tpu.memory_space<semaphore_mem>>)
      } else {
      }
      %add3A_418 = arith.constant 5 : i32
      %add3A_419 = arith.addi %mul3A_210, %add3A_418 : i32
      %dma_wait3A_420 = arith.constant 5 : i32
      %dma_wait3A_421 = arith.constant 0 : i32
      %dma_wait3A_422 = arith.constant 2 : i32
      %dma_wait3A_423 = arith.constant 0 : i32
      %dma_wait3A_424 = arith.constant 0 : i32
      %dma_wait3A_425 = tpu.memref_slice %arg6[%dma_wait3A_422, %dma_wait3A_423, %dma_wait3A_424] : memref<3x120x128xf32, #tpu.memory_space<vmem>> -> memref<1x120x128xf32, #tpu.memory_space<vmem>>
      %dma_wait3A_426 = tpu.memref_squeeze %dma_wait3A_425 : memref<1x120x128xf32, #tpu.memory_space<vmem>> -> memref<120x128xf32, #tpu.memory_space<vmem>>
      %dma_wait3A_427 = arith.constant 0 : i32
      %dma_wait3A_428 = tpu.memref_slice %arg5[%dma_wait3A_420, %dma_wait3A_421, %dma_wait3A_427] : memref<6x2x120xi32, #tpu.memory_space<vmem>> -> memref<1x1x120xi32, #tpu.memory_space<vmem>>
      %dma_wait3A_429 = tpu.memref_squeeze %dma_wait3A_428 : memref<1x1x120xi32, #tpu.memory_space<vmem>> -> memref<120xi32, #tpu.memory_space<vmem>>
      %dma_wait3A_430 = arith.constant 0 : i32
      %dma_wait3A_431 = arith.constant 0 : i32
      %dma_wait3A_432 = tpu.memref_slice %arg2[%dma_wait3A_430, %dma_wait3A_431] : memref<10240x128xf32, #tpu.memory_space<hbm>> -> memref<10240x128xf32, #tpu.memory_space<hbm>>
      tpu.wait_indirect_dma semaphore(%arg10 : memref<!tpu.dma_semaphore, #tpu.memory_space<semaphore_mem>>) src(%dma_wait3A_432 : memref<10240x128xf32, #tpu.memory_space<hbm>>) dst(%dma_wait3A_426 : memref<120x128xf32, #tpu.memory_space<vmem>>)
      %dma_start3A_433 = arith.constant 2 : i32
      %dma_start3A_434 = arith.constant 5 : i32
      %dma_start3A_435 = arith.constant 1 : i32
      %dma_start3A_436 = arith.constant 0 : i32
      %dma_start3A_437 = arith.constant 0 : i32
      %dma_start3A_438 = tpu.memref_slice %arg6[%dma_start3A_433, %dma_start3A_436, %dma_start3A_437] : memref<3x120x128xf32, #tpu.memory_space<vmem>> -> memref<1x120x128xf32, #tpu.memory_space<vmem>>
      %dma_start3A_439 = tpu.memref_squeeze %dma_start3A_438 : memref<1x120x128xf32, #tpu.memory_space<vmem>> -> memref<120x128xf32, #tpu.memory_space<vmem>>
      %dma_start3A_440 = arith.constant 0 : i32
      %dma_start3A_441 = tpu.memref_slice %arg5[%dma_start3A_434, %dma_start3A_435, %dma_start3A_440] : memref<6x2x120xi32, #tpu.memory_space<vmem>> -> memref<1x1x120xi32, #tpu.memory_space<vmem>>
      %dma_start3A_442 = tpu.memref_squeeze %dma_start3A_441 : memref<1x1x120xi32, #tpu.memory_space<vmem>> -> memref<120xi32, #tpu.memory_space<vmem>>
      %dma_start3A_443 = arith.constant 0 : i32
      %dma_start3A_444 = arith.constant 0 : i32
      %dma_start3A_445 = tpu.memref_slice %arg7[%dma_start3A_443, %dma_start3A_444] : memref<10240x128xf32, #tpu.memory_space<vmem_shared>> -> memref<10240x128xf32, #tpu.memory_space<vmem_shared>>
      tpu.enqueue_indirect_dma source(%dma_start3A_439 : memref<120x128xf32, #tpu.memory_space<vmem>>) target(%dma_start3A_445 : memref<10240x128xf32, #tpu.memory_space<vmem_shared>>) offsets(%dma_start3A_442 : memref<120xi32, #tpu.memory_space<vmem>>) semaphore(%arg13 : memref<!tpu.dma_semaphore, #tpu.memory_space<semaphore_mem>>) {add = true}
      %add3A_446 = arith.constant 2 : i32
      %add3A_447 = arith.addi %add3A_419, %add3A_446 : i32
      %lt3A_448 = arith.constant 84 : i32
      %lt3A_449 = arith.cmpi slt, %add3A_447, %lt3A_448 : i32
      %convert_element_type3A_450 = arith.extui %lt3A_449 : i1 to i32
      %cond3A_451 = arith.constant 0 : i32
      %cond3A_452 = arith.cmpi ne, %convert_element_type3A_450, %cond3A_451 : i32
      scf.if %cond3A_452 {
        %ge3A = arith.constant 1 : i32
        %ge3A_460 = arith.cmpi sge, %add3A_419, %ge3A : i32
        %convert_element_type3A_461 = arith.extui %ge3A_460 : i1 to i32
        %cond3A_462 = arith.constant 0 : i32
        %cond3A_463 = arith.cmpi ne, %convert_element_type3A_461, %cond3A_462 : i32
        scf.if %cond3A_463 {
          %dma_wait3A_497 = arith.constant 1 : i32
          %dma_wait3A_498 = arith.constant 5 : i32
          %dma_wait3A_499 = arith.constant 1 : i32
          %dma_wait3A_500 = arith.constant 0 : i32
          %dma_wait3A_501 = arith.constant 0 : i32
          %dma_wait3A_502 = tpu.memref_slice %arg6[%dma_wait3A_497, %dma_wait3A_500, %dma_wait3A_501] : memref<3x120x128xf32, #tpu.memory_space<vmem>> -> memref<1x120x128xf32, #tpu.memory_space<vmem>>
          %dma_wait3A_503 = tpu.memref_squeeze %dma_wait3A_502 : memref<1x120x128xf32, #tpu.memory_space<vmem>> -> memref<120x128xf32, #tpu.memory_space<vmem>>
          %dma_wait3A_504 = arith.constant 0 : i32
          %dma_wait3A_505 = tpu.memref_slice %arg5[%dma_wait3A_498, %dma_wait3A_499, %dma_wait3A_504] : memref<6x2x120xi32, #tpu.memory_space<vmem>> -> memref<1x1x120xi32, #tpu.memory_space<vmem>>
          %dma_wait3A_506 = tpu.memref_squeeze %dma_wait3A_505 : memref<1x1x120xi32, #tpu.memory_space<vmem>> -> memref<120xi32, #tpu.memory_space<vmem>>
          %dma_wait3A_507 = arith.constant 0 : i32
          %dma_wait3A_508 = arith.constant 0 : i32
          %dma_wait3A_509 = tpu.memref_slice %arg7[%dma_wait3A_507, %dma_wait3A_508] : memref<10240x128xf32, #tpu.memory_space<vmem_shared>> -> memref<10240x128xf32, #tpu.memory_space<vmem_shared>>
          tpu.wait_indirect_dma semaphore(%arg12 : memref<!tpu.dma_semaphore, #tpu.memory_space<semaphore_mem>>) src(%dma_wait3A_503 : memref<120x128xf32, #tpu.memory_space<vmem>>) dst(%dma_wait3A_509 : memref<10240x128xf32, #tpu.memory_space<vmem_shared>>)
        } else {
        }
        %add3A_464 = arith.addi %mul3A_2, %add3A_419 : i32
        %add3A_465 = arith.constant 2 : i32
        %add3A_466 = arith.addi %add3A_464, %add3A_465 : i32
        %dma_wait3A_467 = arith.constant 1 : i32
        %dma_wait3A_468 = arith.constant 0 : i32
        %dma_wait3A_469 = arith.constant 0 : i32
        %dma_wait3A_470 = tpu.memref_slice %arg5[%dma_wait3A_467, %dma_wait3A_468, %dma_wait3A_469] : memref<6x2x120xi32, #tpu.memory_space<vmem>> -> memref<1x2x120xi32, #tpu.memory_space<vmem>>
        %dma_wait3A_471 = tpu.memref_squeeze %dma_wait3A_470 : memref<1x2x120xi32, #tpu.memory_space<vmem>> -> memref<2x120xi32, #tpu.memory_space<vmem>>
        %dma_wait3A_472 = arith.constant 0 : i32
        %dma_wait3A_473 = arith.constant 0 : i32
        %dma_wait3A_474 = tpu.memref_slice %arg3[%add3A_466, %dma_wait3A_472, %dma_wait3A_473] : memref<2688x2x120xi32, #tpu.memory_space<hbm>> -> memref<1x2x120xi32, #tpu.memory_space<hbm>>
        %dma_wait3A_475 = tpu.memref_squeeze %dma_wait3A_474 : memref<1x2x120xi32, #tpu.memory_space<hbm>> -> memref<2x120xi32, #tpu.memory_space<hbm>>
        %dma_wait3A_476 = arith.constant 0 : i32
        %dma_wait3A_477 = arith.constant 0 : i32
        %dma_wait3A_478 = tpu.memref_slice %arg5[%dma_wait3A_467, %dma_wait3A_476, %dma_wait3A_477] : memref<6x2x120xi32, #tpu.memory_space<vmem>> -> memref<1x2x120xi32, #tpu.memory_space<vmem>>
        %dma_wait3A_479 = tpu.memref_squeeze %dma_wait3A_478 : memref<1x2x120xi32, #tpu.memory_space<vmem>> -> memref<2x120xi32, #tpu.memory_space<vmem>>
        %dma_wait3A_480 = arith.constant 0 : i32
        %dma_wait3A_481 = arith.constant 0 : i32
        %dma_wait3A_482 = tpu.memref_slice %arg3[%add3A_466, %dma_wait3A_480, %dma_wait3A_481] : memref<2688x2x120xi32, #tpu.memory_space<hbm>> -> memref<1x2x120xi32, #tpu.memory_space<hbm>>
        %dma_wait3A_483 = tpu.memref_squeeze %dma_wait3A_482 : memref<1x2x120xi32, #tpu.memory_space<hbm>> -> memref<2x120xi32, #tpu.memory_space<hbm>>
        tpu.wait_dma2 semaphore(%arg15 : memref<!tpu.dma_semaphore, #tpu.memory_space<semaphore_mem>>) src(%dma_wait3A_483 : memref<2x120xi32, #tpu.memory_space<hbm>>) dst(%dma_wait3A_479 : memref<2x120xi32, #tpu.memory_space<vmem>>)
        %dma_start3A_484 = arith.constant 1 : i32
        %dma_start3A_485 = arith.constant 0 : i32
        %dma_start3A_486 = arith.constant 1 : i32
        %dma_start3A_487 = arith.constant 0 : i32
        %dma_start3A_488 = arith.constant 0 : i32
        %dma_start3A_489 = tpu.memref_slice %arg6[%dma_start3A_486, %dma_start3A_487, %dma_start3A_488] : memref<3x120x128xf32, #tpu.memory_space<vmem>> -> memref<1x120x128xf32, #tpu.memory_space<vmem>>
        %dma_start3A_490 = tpu.memref_squeeze %dma_start3A_489 : memref<1x120x128xf32, #tpu.memory_space<vmem>> -> memref<120x128xf32, #tpu.memory_space<vmem>>
        %dma_start3A_491 = arith.constant 0 : i32
        %dma_start3A_492 = tpu.memref_slice %arg5[%dma_start3A_484, %dma_start3A_485, %dma_start3A_491] : memref<6x2x120xi32, #tpu.memory_space<vmem>> -> memref<1x1x120xi32, #tpu.memory_space<vmem>>
        %dma_start3A_493 = tpu.memref_squeeze %dma_start3A_492 : memref<1x1x120xi32, #tpu.memory_space<vmem>> -> memref<120xi32, #tpu.memory_space<vmem>>
        %dma_start3A_494 = arith.constant 0 : i32
        %dma_start3A_495 = arith.constant 0 : i32
        %dma_start3A_496 = tpu.memref_slice %arg2[%dma_start3A_494, %dma_start3A_495] : memref<10240x128xf32, #tpu.memory_space<hbm>> -> memref<10240x128xf32, #tpu.memory_space<hbm>>
        tpu.enqueue_indirect_dma source(%dma_start3A_496 : memref<10240x128xf32, #tpu.memory_space<hbm>>) target(%dma_start3A_490 : memref<120x128xf32, #tpu.memory_space<vmem>>) offsets(%dma_start3A_493 : memref<120xi32, #tpu.memory_space<vmem>>) semaphore(%arg9 : memref<!tpu.dma_semaphore, #tpu.memory_space<semaphore_mem>>)
      } else {
      }
      %add3A_453 = arith.constant 4 : i32
      %add3A_454 = arith.addi %add3A_419, %add3A_453 : i32
      %lt3A_455 = arith.constant 84 : i32
      %lt3A_456 = arith.cmpi slt, %add3A_454, %lt3A_455 : i32
      %convert_element_type3A_457 = arith.extui %lt3A_456 : i1 to i32
      %cond3A_458 = arith.constant 0 : i32
      %cond3A_459 = arith.cmpi ne, %convert_element_type3A_457, %cond3A_458 : i32
      scf.if %cond3A_459 {
        %add3A_460 = arith.addi %mul3A_2, %add3A_419 : i32
        %add3A_461 = arith.constant 4 : i32
        %add3A_462 = arith.addi %add3A_460, %add3A_461 : i32
        %dma_start3A_463 = arith.constant 3 : i32
        %dma_start3A_464 = arith.constant 0 : i32
        %dma_start3A_465 = arith.constant 0 : i32
        %dma_start3A_466 = tpu.memref_slice %arg5[%dma_start3A_463, %dma_start3A_464, %dma_start3A_465] : memref<6x2x120xi32, #tpu.memory_space<vmem>> -> memref<1x2x120xi32, #tpu.memory_space<vmem>>
        %dma_start3A_467 = tpu.memref_squeeze %dma_start3A_466 : memref<1x2x120xi32, #tpu.memory_space<vmem>> -> memref<2x120xi32, #tpu.memory_space<vmem>>
        %dma_start3A_468 = arith.constant 0 : i32
        %dma_start3A_469 = arith.constant 0 : i32
        %dma_start3A_470 = tpu.memref_slice %arg3[%add3A_462, %dma_start3A_468, %dma_start3A_469] : memref<2688x2x120xi32, #tpu.memory_space<hbm>> -> memref<1x2x120xi32, #tpu.memory_space<hbm>>
        %dma_start3A_471 = tpu.memref_squeeze %dma_start3A_470 : memref<1x2x120xi32, #tpu.memory_space<hbm>> -> memref<2x120xi32, #tpu.memory_space<hbm>>
        %dma_start3A_472 = arith.constant 0 : i32
        %dma_start3A_473 = arith.constant 0 : i32
        %dma_start3A_474 = tpu.memref_slice %arg5[%dma_start3A_463, %dma_start3A_472, %dma_start3A_473] : memref<6x2x120xi32, #tpu.memory_space<vmem>> -> memref<1x2x120xi32, #tpu.memory_space<vmem>>
        %dma_start3A_475 = tpu.memref_squeeze %dma_start3A_474 : memref<1x2x120xi32, #tpu.memory_space<vmem>> -> memref<2x120xi32, #tpu.memory_space<vmem>>
        %dma_start3A_476 = arith.constant 0 : i32
        %dma_start3A_477 = arith.constant 0 : i32
        %dma_start3A_478 = tpu.memref_slice %arg3[%add3A_462, %dma_start3A_476, %dma_start3A_477] : memref<2688x2x120xi32, #tpu.memory_space<hbm>> -> memref<1x2x120xi32, #tpu.memory_space<hbm>>
        %dma_start3A_479 = tpu.memref_squeeze %dma_start3A_478 : memref<1x2x120xi32, #tpu.memory_space<hbm>> -> memref<2x120xi32, #tpu.memory_space<hbm>>
        tpu.enqueue_dma source(%dma_start3A_479 : memref<2x120xi32, #tpu.memory_space<hbm>>) target(%dma_start3A_475 : memref<2x120xi32, #tpu.memory_space<vmem>>) target_semaphore(%arg17 : memref<!tpu.dma_semaphore, #tpu.memory_space<semaphore_mem>>)
      } else {
      }
    }
    %scan3A_161 = arith.constant 14 : i32
    %dma_wait3A_162 = arith.constant 0 : i32
    %dma_wait3A_163 = arith.constant 3 : i32
    %dma_wait3A_164 = arith.constant 1 : i32
    %dma_wait3A_165 = arith.constant 0 : i32
    %dma_wait3A_166 = arith.constant 0 : i32
    %dma_wait3A_167 = tpu.memref_slice %arg6[%dma_wait3A_162, %dma_wait3A_165, %dma_wait3A_166] : memref<3x120x128xf32, #tpu.memory_space<vmem>> -> memref<1x120x128xf32, #tpu.memory_space<vmem>>
    %dma_wait3A_168 = tpu.memref_squeeze %dma_wait3A_167 : memref<1x120x128xf32, #tpu.memory_space<vmem>> -> memref<120x128xf32, #tpu.memory_space<vmem>>
    %dma_wait3A_169 = arith.constant 0 : i32
    %dma_wait3A_170 = tpu.memref_slice %arg5[%dma_wait3A_163, %dma_wait3A_164, %dma_wait3A_169] : memref<6x2x120xi32, #tpu.memory_space<vmem>> -> memref<1x1x120xi32, #tpu.memory_space<vmem>>
    %dma_wait3A_171 = tpu.memref_squeeze %dma_wait3A_170 : memref<1x1x120xi32, #tpu.memory_space<vmem>> -> memref<120xi32, #tpu.memory_space<vmem>>
    %dma_wait3A_172 = arith.constant 0 : i32
    %dma_wait3A_173 = arith.constant 0 : i32
    %dma_wait3A_174 = tpu.memref_slice %arg7[%dma_wait3A_172, %dma_wait3A_173] : memref<10240x128xf32, #tpu.memory_space<vmem_shared>> -> memref<10240x128xf32, #tpu.memory_space<vmem_shared>>
    tpu.wait_indirect_dma semaphore(%arg11 : memref<!tpu.dma_semaphore, #tpu.memory_space<semaphore_mem>>) src(%dma_wait3A_168 : memref<120x128xf32, #tpu.memory_space<vmem>>) dst(%dma_wait3A_174 : memref<10240x128xf32, #tpu.memory_space<vmem_shared>>)
    %dma_wait3A_175 = arith.constant 1 : i32
    %dma_wait3A_176 = arith.constant 4 : i32
    %dma_wait3A_177 = arith.constant 1 : i32
    %dma_wait3A_178 = arith.constant 0 : i32
    %dma_wait3A_179 = arith.constant 0 : i32
    %dma_wait3A_180 = tpu.memref_slice %arg6[%dma_wait3A_175, %dma_wait3A_178, %dma_wait3A_179] : memref<3x120x128xf32, #tpu.memory_space<vmem>> -> memref<1x120x128xf32, #tpu.memory_space<vmem>>
    %dma_wait3A_181 = tpu.memref_squeeze %dma_wait3A_180 : memref<1x120x128xf32, #tpu.memory_space<vmem>> -> memref<120x128xf32, #tpu.memory_space<vmem>>
    %dma_wait3A_182 = arith.constant 0 : i32
    %dma_wait3A_183 = tpu.memref_slice %arg5[%dma_wait3A_176, %dma_wait3A_177, %dma_wait3A_182] : memref<6x2x120xi32, #tpu.memory_space<vmem>> -> memref<1x1x120xi32, #tpu.memory_space<vmem>>
    %dma_wait3A_184 = tpu.memref_squeeze %dma_wait3A_183 : memref<1x1x120xi32, #tpu.memory_space<vmem>> -> memref<120xi32, #tpu.memory_space<vmem>>
    %dma_wait3A_185 = arith.constant 0 : i32
    %dma_wait3A_186 = arith.constant 0 : i32
    %dma_wait3A_187 = tpu.memref_slice %arg7[%dma_wait3A_185, %dma_wait3A_186] : memref<10240x128xf32, #tpu.memory_space<vmem_shared>> -> memref<10240x128xf32, #tpu.memory_space<vmem_shared>>
    tpu.wait_indirect_dma semaphore(%arg12 : memref<!tpu.dma_semaphore, #tpu.memory_space<semaphore_mem>>) src(%dma_wait3A_181 : memref<120x128xf32, #tpu.memory_space<vmem>>) dst(%dma_wait3A_187 : memref<10240x128xf32, #tpu.memory_space<vmem_shared>>)
    %dma_wait3A_188 = arith.constant 2 : i32
    %dma_wait3A_189 = arith.constant 5 : i32
    %dma_wait3A_190 = arith.constant 1 : i32
    %dma_wait3A_191 = arith.constant 0 : i32
    %dma_wait3A_192 = arith.constant 0 : i32
    %dma_wait3A_193 = tpu.memref_slice %arg6[%dma_wait3A_188, %dma_wait3A_191, %dma_wait3A_192] : memref<3x120x128xf32, #tpu.memory_space<vmem>> -> memref<1x120x128xf32, #tpu.memory_space<vmem>>
    %dma_wait3A_194 = tpu.memref_squeeze %dma_wait3A_193 : memref<1x120x128xf32, #tpu.memory_space<vmem>> -> memref<120x128xf32, #tpu.memory_space<vmem>>
    %dma_wait3A_195 = arith.constant 0 : i32
    %dma_wait3A_196 = tpu.memref_slice %arg5[%dma_wait3A_189, %dma_wait3A_190, %dma_wait3A_195] : memref<6x2x120xi32, #tpu.memory_space<vmem>> -> memref<1x1x120xi32, #tpu.memory_space<vmem>>
    %dma_wait3A_197 = tpu.memref_squeeze %dma_wait3A_196 : memref<1x1x120xi32, #tpu.memory_space<vmem>> -> memref<120xi32, #tpu.memory_space<vmem>>
    %dma_wait3A_198 = arith.constant 0 : i32
    %dma_wait3A_199 = arith.constant 0 : i32
    %dma_wait3A_200 = tpu.memref_slice %arg7[%dma_wait3A_198, %dma_wait3A_199] : memref<10240x128xf32, #tpu.memory_space<vmem_shared>> -> memref<10240x128xf32, #tpu.memory_space<vmem_shared>>
    tpu.wait_indirect_dma semaphore(%arg13 : memref<!tpu.dma_semaphore, #tpu.memory_space<semaphore_mem>>) src(%dma_wait3A_194 : memref<120x128xf32, #tpu.memory_space<vmem>>) dst(%dma_wait3A_200 : memref<10240x128xf32, #tpu.memory_space<vmem_shared>>)
    %barrier3A_201 = arith.constant 0 : index
    tpu.barrier barrier_id(%barrier3A_201)
    %scan3A_202 = arith.constant 0 : i32
    %scan3A_203 = arith.constant 0 : i32
    %scan3A_204 = arith.constant 10 : i32
    %scan3A_205 = arith.addi %scan3A_203, %scan3A_204 : i32
    %scan3A_206 = arith.constant 1 : i32
    scf.for %scan3A_208 = %scan3A_203 to %scan3A_205 step %scan3A_206  : i32 {
      %mul3A_209 = arith.constant 640 : i32
      %mul3A_210 = arith.muli %arg1, %mul3A_209 : i32
      %mul3A_211 = arith.constant 64 : i32
      %mul3A_212 = arith.muli %scan3A_208, %mul3A_211 : i32
      %add3A_213 = arith.addi %mul3A_210, %mul3A_212 : i32
      "tpu.region"() ({
        %run_scoped3A_214 = tpu.sem_alloc : memref<!tpu.dma_semaphore, #tpu.memory_space<semaphore_mem>>
        %dma_start3A_215 = arith.constant 0 : i32
        %dma_start3A_216 = tpu.memref_slice %arg4[%arg0, %add3A_213, %dma_start3A_215] : memref<2x10240x128xf32, #tpu.memory_space<hbm>> -> memref<1x64x128xf32, #tpu.memory_space<hbm>>
        %dma_start3A_217 = tpu.memref_squeeze %dma_start3A_216 : memref<1x64x128xf32, #tpu.memory_space<hbm>> -> memref<64x128xf32, #tpu.memory_space<hbm>>
        %dma_start3A_218 = arith.constant 0 : i32
        %dma_start3A_219 = tpu.memref_slice %arg7[%add3A_213, %dma_start3A_218] : memref<10240x128xf32, #tpu.memory_space<vmem_shared>> -> memref<64x128xf32, #tpu.memory_space<vmem_shared>>
        tpu.enqueue_dma source(%dma_start3A_219 : memref<64x128xf32, #tpu.memory_space<vmem_shared>>) target(%dma_start3A_217 : memref<64x128xf32, #tpu.memory_space<hbm>>) target_semaphore(%run_scoped3A_214 : memref<!tpu.dma_semaphore, #tpu.memory_space<semaphore_mem>>)
        %dma_wait3A_220 = arith.constant 0 : i32
        %dma_wait3A_221 = tpu.memref_slice %arg4[%arg0, %add3A_213, %dma_wait3A_220] : memref<2x10240x128xf32, #tpu.memory_space<hbm>> -> memref<1x64x128xf32, #tpu.memory_space<hbm>>
        %dma_wait3A_222 = tpu.memref_squeeze %dma_wait3A_221 : memref<1x64x128xf32, #tpu.memory_space<hbm>> -> memref<64x128xf32, #tpu.memory_space<hbm>>
        %dma_wait3A_223 = arith.constant 0 : i32
        %dma_wait3A_224 = tpu.memref_slice %arg7[%add3A_213, %dma_wait3A_223] : memref<10240x128xf32, #tpu.memory_space<vmem_shared>> -> memref<64x128xf32, #tpu.memory_space<vmem_shared>>
        tpu.wait_dma2 semaphore(%run_scoped3A_214 : memref<!tpu.dma_semaphore, #tpu.memory_space<semaphore_mem>>) src(%dma_wait3A_224 : memref<64x128xf32, #tpu.memory_space<vmem_shared>>) dst(%dma_wait3A_222 : memref<64x128xf32, #tpu.memory_space<hbm>>)
        tpu.yield
      }) : () -> ()
    }
    %scan3A_207 = arith.constant 10 : i32
    return
  }
}

#map = affine_map<(d0, d1) -> (0, 0)>
#map1 = affine_map<(d0, d1) -> (0, 0, 0)>
module attributes {stable_mosaic.version = 14 : i64} {
  func.func @_scatter_body(%arg0: i32, %arg1: i32, %arg2: memref<10240x128xf32, #tpu.memory_space<hbm>>, %arg3: memref<2688x2x120xi32, #tpu.memory_space<hbm>>, %arg4: memref<2x10240x128xf32, #tpu.memory_space<hbm>>, %arg5: memref<6x2x120xi32, #tpu.memory_space<vmem>>, %arg6: memref<3x120x128xf32, #tpu.memory_space<vmem>>, %arg7: memref<10240x128xf32, #tpu.memory_space<vmem_shared>>, %arg8: memref<!tpu.dma_semaphore, #tpu.memory_space<semaphore_mem>>, %arg9: memref<!tpu.dma_semaphore, #tpu.memory_space<semaphore_mem>>, %arg10: memref<!tpu.dma_semaphore, #tpu.memory_space<semaphore_mem>>, %arg11: memref<!tpu.dma_semaphore, #tpu.memory_space<semaphore_mem>>, %arg12: memref<!tpu.dma_semaphore, #tpu.memory_space<semaphore_mem>>, %arg13: memref<!tpu.dma_semaphore, #tpu.memory_space<semaphore_mem>>, %arg14: memref<!tpu.dma_semaphore, #tpu.memory_space<semaphore_mem>>, %arg15: memref<!tpu.dma_semaphore, #tpu.memory_space<semaphore_mem>>, %arg16: memref<!tpu.dma_semaphore, #tpu.memory_space<semaphore_mem>>, %arg17: memref<!tpu.dma_semaphore, #tpu.memory_space<semaphore_mem>>, %arg18: memref<!tpu.dma_semaphore, #tpu.memory_space<semaphore_mem>>, %arg19: memref<!tpu.dma_semaphore, #tpu.memory_space<semaphore_mem>>) attributes {dimension_semantics = [#tpu.dimension_semantics<core_parallel>, #tpu.dimension_semantics<subcore_parallel>], iteration_bounds = array<i64: 2, 16>, scalar_prefetch = 0 : i64, scratch_operands = 15 : i64, tpu.core_type = #tpu.core_type<sc_vector_subcore>, window_params = [{transform_indices = #map}, {transform_indices = #map1}, {transform_indices = #map1}]} {
    %mul3A = arith.constant 2 : i32
    %mul3A_0 = arith.muli %arg1, %mul3A : i32
    %add3A = arith.addi %mul3A_0, %arg0 : i32
    %mul3A_1 = arith.constant 84 : i32
    %mul3A_2 = arith.muli %add3A, %mul3A_1 : i32
    %add3A_3 = arith.constant 0 : i32
    %add3A_4 = arith.addi %mul3A_2, %add3A_3 : i32
    %dma_start3A = arith.constant 0 : i32
    %dma_start3A_5 = arith.constant 0 : i32
    %dma_start3A_6 = arith.constant 0 : i32
    %dma_start3A_7 = tpu.memref_slice %arg5[%dma_start3A, %dma_start3A_5, %dma_start3A_6] : memref<6x2x120xi32, #tpu.memory_space<vmem>> -> memref<1x2x120xi32, #tpu.memory_space<vmem>>
    %dma_start3A_8 = tpu.memref_squeeze %dma_start3A_7 : memref<1x2x120xi32, #tpu.memory_space<vmem>> -> memref<2x120xi32, #tpu.memory_space<vmem>>
    %dma_start3A_9 = arith.constant 0 : i32
    %dma_start3A_10 = arith.constant 0 : i32
    %dma_start3A_11 = tpu.memref_slice %arg3[%add3A_4, %dma_start3A_9, %dma_start3A_10] : memref<2688x2x120xi32, #tpu.memory_space<hbm>> -> memref<1x2x120xi32, #tpu.memory_space<hbm>>
    %dma_start3A_12 = tpu.memref_squeeze %dma_start3A_11 : memref<1x2x120xi32, #tpu.memory_space<hbm>> -> memref<2x120xi32, #tpu.memory_space<hbm>>
    %dma_start3A_13 = arith.constant 0 : i32
    %dma_start3A_14 = arith.constant 0 : i32
    %dma_start3A_15 = tpu.memref_slice %arg5[%dma_start3A, %dma_start3A_13, %dma_start3A_14] : memref<6x2x120xi32, #tpu.memory_space<vmem>> -> memref<1x2x120xi32, #tpu.memory_space<vmem>>
    %dma_start3A_16 = tpu.memref_squeeze %dma_start3A_15 : memref<1x2x120xi32, #tpu.memory_space<vmem>> -> memref<2x120xi32, #tpu.memory_space<vmem>>
    %dma_start3A_17 = arith.constant 0 : i32
    %dma_start3A_18 = arith.constant 0 : i32
    %dma_start3A_19 = tpu.memref_slice %arg3[%add3A_4, %dma_start3A_17, %dma_start3A_18] : memref<2688x2x120xi32, #tpu.memory_space<hbm>> -> memref<1x2x120xi32, #tpu.memory_space<hbm>>
    %dma_start3A_20 = tpu.memref_squeeze %dma_start3A_19 : memref<1x2x120xi32, #tpu.memory_space<hbm>> -> memref<2x120xi32, #tpu.memory_space<hbm>>
    tpu.enqueue_dma source(%dma_start3A_20 : memref<2x120xi32, #tpu.memory_space<hbm>>) target(%dma_start3A_16 : memref<2x120xi32, #tpu.memory_space<vmem>>) target_semaphore(%arg14 : memref<!tpu.dma_semaphore, #tpu.memory_space<semaphore_mem>>)
    %add3A_21 = arith.constant 1 : i32
    %add3A_22 = arith.addi %mul3A_2, %add3A_21 : i32
    %dma_start3A_23 = arith.constant 1 : i32
    %dma_start3A_24 = arith.constant 0 : i32
    %dma_start3A_25 = arith.constant 0 : i32
    %dma_start3A_26 = tpu.memref_slice %arg5[%dma_start3A_23, %dma_start3A_24, %dma_start3A_25] : memref<6x2x120xi32, #tpu.memory_space<vmem>> -> memref<1x2x120xi32, #tpu.memory_space<vmem>>
    %dma_start3A_27 = tpu.memref_squeeze %dma_start3A_26 : memref<1x2x120xi32, #tpu.memory_space<vmem>> -> memref<2x120xi32, #tpu.memory_space<vmem>>
    %dma_start3A_28 = arith.constant 0 : i32
    %dma_start3A_29 = arith.constant 0 : i32
    %dma_start3A_30 = tpu.memref_slice %arg3[%add3A_22, %dma_start3A_28, %dma_start3A_29] : memref<2688x2x120xi32, #tpu.memory_space<hbm>> -> memref<1x2x120xi32, #tpu.memory_space<hbm>>
    %dma_start3A_31 = tpu.memref_squeeze %dma_start3A_30 : memref<1x2x120xi32, #tpu.memory_space<hbm>> -> memref<2x120xi32, #tpu.memory_space<hbm>>
    %dma_start3A_32 = arith.constant 0 : i32
    %dma_start3A_33 = arith.constant 0 : i32
    %dma_start3A_34 = tpu.memref_slice %arg5[%dma_start3A_23, %dma_start3A_32, %dma_start3A_33] : memref<6x2x120xi32, #tpu.memory_space<vmem>> -> memref<1x2x120xi32, #tpu.memory_space<vmem>>
    %dma_start3A_35 = tpu.memref_squeeze %dma_start3A_34 : memref<1x2x120xi32, #tpu.memory_space<vmem>> -> memref<2x120xi32, #tpu.memory_space<vmem>>
    %dma_start3A_36 = arith.constant 0 : i32
    %dma_start3A_37 = arith.constant 0 : i32
    %dma_start3A_38 = tpu.memref_slice %arg3[%add3A_22, %dma_start3A_36, %dma_start3A_37] : memref<2688x2x120xi32, #tpu.memory_space<hbm>> -> memref<1x2x120xi32, #tpu.memory_space<hbm>>
    %dma_start3A_39 = tpu.memref_squeeze %dma_start3A_38 : memref<1x2x120xi32, #tpu.memory_space<hbm>> -> memref<2x120xi32, #tpu.memory_space<hbm>>
    tpu.enqueue_dma source(%dma_start3A_39 : memref<2x120xi32, #tpu.memory_space<hbm>>) target(%dma_start3A_35 : memref<2x120xi32, #tpu.memory_space<vmem>>) target_semaphore(%arg15 : memref<!tpu.dma_semaphore, #tpu.memory_space<semaphore_mem>>)
    %add3A_40 = arith.constant 2 : i32
    %add3A_41 = arith.addi %mul3A_2, %add3A_40 : i32
    %dma_start3A_42 = arith.constant 2 : i32
    %dma_start3A_43 = arith.constant 0 : i32
    %dma_start3A_44 = arith.constant 0 : i32
    %dma_start3A_45 = tpu.memref_slice %arg5[%dma_start3A_42, %dma_start3A_43, %dma_start3A_44] : memref<6x2x120xi32, #tpu.memory_space<vmem>> -> memref<1x2x120xi32, #tpu.memory_space<vmem>>
    %dma_start3A_46 = tpu.memref_squeeze %dma_start3A_45 : memref<1x2x120xi32, #tpu.memory_space<vmem>> -> memref<2x120xi32, #tpu.memory_space<vmem>>
    %dma_start3A_47 = arith.constant 0 : i32
    %dma_start3A_48 = arith.constant 0 : i32
    %dma_start3A_49 = tpu.memref_slice %arg3[%add3A_41, %dma_start3A_47, %dma_start3A_48] : memref<2688x2x120xi32, #tpu.memory_space<hbm>> -> memref<1x2x120xi32, #tpu.memory_space<hbm>>
    %dma_start3A_50 = tpu.memref_squeeze %dma_start3A_49 : memref<1x2x120xi32, #tpu.memory_space<hbm>> -> memref<2x120xi32, #tpu.memory_space<hbm>>
    %dma_start3A_51 = arith.constant 0 : i32
    %dma_start3A_52 = arith.constant 0 : i32
    %dma_start3A_53 = tpu.memref_slice %arg5[%dma_start3A_42, %dma_start3A_51, %dma_start3A_52] : memref<6x2x120xi32, #tpu.memory_space<vmem>> -> memref<1x2x120xi32, #tpu.memory_space<vmem>>
    %dma_start3A_54 = tpu.memref_squeeze %dma_start3A_53 : memref<1x2x120xi32, #tpu.memory_space<vmem>> -> memref<2x120xi32, #tpu.memory_space<vmem>>
    %dma_start3A_55 = arith.constant 0 : i32
    %dma_start3A_56 = arith.constant 0 : i32
    %dma_start3A_57 = tpu.memref_slice %arg3[%add3A_41, %dma_start3A_55, %dma_start3A_56] : memref<2688x2x120xi32, #tpu.memory_space<hbm>> -> memref<1x2x120xi32, #tpu.memory_space<hbm>>
    %dma_start3A_58 = tpu.memref_squeeze %dma_start3A_57 : memref<1x2x120xi32, #tpu.memory_space<hbm>> -> memref<2x120xi32, #tpu.memory_space<hbm>>
    tpu.enqueue_dma source(%dma_start3A_58 : memref<2x120xi32, #tpu.memory_space<hbm>>) target(%dma_start3A_54 : memref<2x120xi32, #tpu.memory_space<vmem>>) target_semaphore(%arg16 : memref<!tpu.dma_semaphore, #tpu.memory_space<semaphore_mem>>)
    %add3A_59 = arith.constant 3 : i32
    %add3A_60 = arith.addi %mul3A_2, %add3A_59 : i32
    %dma_start3A_61 = arith.constant 3 : i32
    %dma_start3A_62 = arith.constant 0 : i32
    %dma_start3A_63 = arith.constant 0 : i32
    %dma_start3A_64 = tpu.memref_slice %arg5[%dma_start3A_61, %dma_start3A_62, %dma_start3A_63] : memref<6x2x120xi32, #tpu.memory_space<vmem>> -> memref<1x2x120xi32, #tpu.memory_space<vmem>>
    %dma_start3A_65 = tpu.memref_squeeze %dma_start3A_64 : memref<1x2x120xi32, #tpu.memory_space<vmem>> -> memref<2x120xi32, #tpu.memory_space<vmem>>
    %dma_start3A_66 = arith.constant 0 : i32
    %dma_start3A_67 = arith.constant 0 : i32
    %dma_start3A_68 = tpu.memref_slice %arg3[%add3A_60, %dma_start3A_66, %dma_start3A_67] : memref<2688x2x120xi32, #tpu.memory_space<hbm>> -> memref<1x2x120xi32, #tpu.memory_space<hbm>>
    %dma_start3A_69 = tpu.memref_squeeze %dma_start3A_68 : memref<1x2x120xi32, #tpu.memory_space<hbm>> -> memref<2x120xi32, #tpu.memory_space<hbm>>
    %dma_start3A_70 = arith.constant 0 : i32
    %dma_start3A_71 = arith.constant 0 : i32
    %dma_start3A_72 = tpu.memref_slice %arg5[%dma_start3A_61, %dma_start3A_70, %dma_start3A_71] : memref<6x2x120xi32, #tpu.memory_space<vmem>> -> memref<1x2x120xi32, #tpu.memory_space<vmem>>
    %dma_start3A_73 = tpu.memref_squeeze %dma_start3A_72 : memref<1x2x120xi32, #tpu.memory_space<vmem>> -> memref<2x120xi32, #tpu.memory_space<vmem>>
    %dma_start3A_74 = arith.constant 0 : i32
    %dma_start3A_75 = arith.constant 0 : i32
    %dma_start3A_76 = tpu.memref_slice %arg3[%add3A_60, %dma_start3A_74, %dma_start3A_75] : memref<2688x2x120xi32, #tpu.memory_space<hbm>> -> memref<1x2x120xi32, #tpu.memory_space<hbm>>
    %dma_start3A_77 = tpu.memref_squeeze %dma_start3A_76 : memref<1x2x120xi32, #tpu.memory_space<hbm>> -> memref<2x120xi32, #tpu.memory_space<hbm>>
    tpu.enqueue_dma source(%dma_start3A_77 : memref<2x120xi32, #tpu.memory_space<hbm>>) target(%dma_start3A_73 : memref<2x120xi32, #tpu.memory_space<vmem>>) target_semaphore(%arg17 : memref<!tpu.dma_semaphore, #tpu.memory_space<semaphore_mem>>)
    %scan3A = arith.constant 0 : i32
    %scan3A_78 = arith.constant 0 : i32
    %scan3A_79 = arith.constant 120 : i32
    %scan3A_80 = arith.addi %scan3A_78, %scan3A_79 : i32
    %scan3A_81 = arith.constant 1 : i32
    scf.for %scan3A_208 = %scan3A_78 to %scan3A_80 step %scan3A_81  : i32 {
      %scan3A_209 = arith.constant 0 : i32
      %scan3A_210 = arith.constant 8 : i32
      %scan3A_211 = arith.addi %scan3A_209, %scan3A_210 : i32
      %scan3A_212 = arith.constant 1 : i32
      scf.for %scan3A_214 = %scan3A_209 to %scan3A_211 step %scan3A_212  : i32 {
        %broadcast_in_dim3A = arith.constant 0.000000e+00 : f32
        %broadcast_in_dim3A_215 = vector.broadcast %broadcast_in_dim3A : f32 to vector<16xf32>
        %mul3A_216 = arith.constant 16 : i32
        %mul3A_217 = arith.muli %scan3A_214, %mul3A_216 : i32
        %swap3A = arith.constant 2 : i32
        %swap3A_218 = arith.index_cast %swap3A : i32 to index
        %swap3A_219 = arith.index_cast %scan3A_208 : i32 to index
        %swap3A_220 = arith.index_cast %mul3A_217 : i32 to index
        %swap3A_221 = tpu.vector_load %arg6[%swap3A_218, %swap3A_219, %swap3A_220] {strides = array<i32>} : memref<3x120x128xf32, #tpu.memory_space<vmem>>, vector<16xf32>,
        tpu.vector_store %arg6[%swap3A_218, %swap3A_219, %swap3A_220], %broadcast_in_dim3A_215 {strides = array<i32>} : memref<3x120x128xf32, #tpu.memory_space<vmem>>, vector<16xf32>,
      }
      %scan3A_213 = arith.constant 8 : i32
    }
    %scan3A_82 = arith.constant 120 : i32
    %scan3A_83 = arith.constant 0 : i32
    %scan3A_84 = arith.constant 0 : i32
    %scan3A_85 = arith.constant 5 : i32
    %scan3A_86 = arith.addi %scan3A_84, %scan3A_85 : i32
    %scan3A_87 = arith.constant 1 : i32
    scf.for %scan3A_208 = %scan3A_84 to %scan3A_86 step %scan3A_87  : i32 {
      %mul3A_209 = arith.constant 640 : i32
      %mul3A_210 = arith.muli %arg1, %mul3A_209 : i32
      %mul3A_211 = arith.constant 120 : i32
      %mul3A_212 = arith.muli %scan3A_208, %mul3A_211 : i32
      %add3A_213 = arith.addi %mul3A_210, %mul3A_212 : i32
      %run_scoped3A_214 = arith.constant 2 : i32
      "tpu.region"() ({
        %run_scoped3A_215 = tpu.sem_alloc : memref<!tpu.dma_semaphore, #tpu.memory_space<semaphore_mem>>
        %dma_start3A_216 = arith.constant 0 : i32
        %dma_start3A_217 = arith.constant 0 : i32
        %dma_start3A_218 = tpu.memref_slice %arg6[%run_scoped3A_214, %dma_start3A_216, %dma_start3A_217] : memref<3x120x128xf32, #tpu.memory_space<vmem>> -> memref<1x120x128xf32, #tpu.memory_space<vmem>>
        %dma_start3A_219 = tpu.memref_squeeze %dma_start3A_218 : memref<1x120x128xf32, #tpu.memory_space<vmem>> -> memref<120x128xf32, #tpu.memory_space<vmem>>
        %dma_start3A_220 = arith.constant 0 : i32
        %dma_start3A_221 = tpu.memref_slice %arg7[%add3A_213, %dma_start3A_220] : memref<10240x128xf32, #tpu.memory_space<vmem_shared>> -> memref<120x128xf32, #tpu.memory_space<vmem_shared>>
        %dma_start3A_222 = arith.constant 0 : i32
        %dma_start3A_223 = tpu.memref_slice %arg7[%add3A_213, %dma_start3A_222] : memref<10240x128xf32, #tpu.memory_space<vmem_shared>> -> memref<120x128xf32, #tpu.memory_space<vmem_shared>>
        %dma_start3A_224 = arith.constant 0 : i32
        %dma_start3A_225 = arith.constant 0 : i32
        %dma_start3A_226 = tpu.memref_slice %arg6[%run_scoped3A_214, %dma_start3A_224, %dma_start3A_225] : memref<3x120x128xf32, #tpu.memory_space<vmem>> -> memref<1x120x128xf32, #tpu.memory_space<vmem>>
        %dma_start3A_227 = tpu.memref_squeeze %dma_start3A_226 : memref<1x120x128xf32, #tpu.memory_space<vmem>> -> memref<120x128xf32, #tpu.memory_space<vmem>>
        tpu.enqueue_dma source(%dma_start3A_227 : memref<120x128xf32, #tpu.memory_space<vmem>>) target(%dma_start3A_223 : memref<120x128xf32, #tpu.memory_space<vmem_shared>>) target_semaphore(%run_scoped3A_215 : memref<!tpu.dma_semaphore, #tpu.memory_space<semaphore_mem>>)
        %dma_wait3A_228 = arith.constant 0 : i32
        %dma_wait3A_229 = arith.constant 0 : i32
        %dma_wait3A_230 = tpu.memref_slice %arg6[%run_scoped3A_214, %dma_wait3A_228, %dma_wait3A_229] : memref<3x120x128xf32, #tpu.memory_space<vmem>> -> memref<1x120x128xf32, #tpu.memory_space<vmem>>
        %dma_wait3A_231 = tpu.memref_squeeze %dma_wait3A_230 : memref<1x120x128xf32, #tpu.memory_space<vmem>> -> memref<120x128xf32, #tpu.memory_space<vmem>>
        %dma_wait3A_232 = arith.constant 0 : i32
        %dma_wait3A_233 = tpu.memref_slice %arg7[%add3A_213, %dma_wait3A_232] : memref<10240x128xf32, #tpu.memory_space<vmem_shared>> -> memref<120x128xf32, #tpu.memory_space<vmem_shared>>
        %dma_wait3A_234 = arith.constant 0 : i32
        %dma_wait3A_235 = tpu.memref_slice %arg7[%add3A_213, %dma_wait3A_234] : memref<10240x128xf32, #tpu.memory_space<vmem_shared>> -> memref<120x128xf32, #tpu.memory_space<vmem_shared>>
        %dma_wait3A_236 = arith.constant 0 : i32
        %dma_wait3A_237 = arith.constant 0 : i32
        %dma_wait3A_238 = tpu.memref_slice %arg6[%run_scoped3A_214, %dma_wait3A_236, %dma_wait3A_237] : memref<3x120x128xf32, #tpu.memory_space<vmem>> -> memref<1x120x128xf32, #tpu.memory_space<vmem>>
        %dma_wait3A_239 = tpu.memref_squeeze %dma_wait3A_238 : memref<1x120x128xf32, #tpu.memory_space<vmem>> -> memref<120x128xf32, #tpu.memory_space<vmem>>
        tpu.wait_dma2 semaphore(%run_scoped3A_215 : memref<!tpu.dma_semaphore, #tpu.memory_space<semaphore_mem>>) src(%dma_wait3A_239 : memref<120x128xf32, #tpu.memory_space<vmem>>) dst(%dma_wait3A_235 : memref<120x128xf32, #tpu.memory_space<vmem_shared>>)
        tpu.yield
      }) : () -> ()
    }
    %scan3A_88 = arith.constant 5 : i32
    %mul3A_89 = arith.constant 640 : i32
    %mul3A_90 = arith.muli %arg1, %mul3A_89 : i32
    %add3A_91 = arith.constant 600 : i32
    %add3A_92 = arith.addi %mul3A_90, %add3A_91 : i32
    %run_scoped3A = arith.constant 2 : i32
    "tpu.region"() ({
      %run_scoped3A_208 = tpu.sem_alloc : memref<!tpu.dma_semaphore, #tpu.memory_space<semaphore_mem>>
      %dma_start3A_209 = arith.constant 0 : i32
      %dma_start3A_210 = arith.constant 0 : i32
      %dma_start3A_211 = tpu.memref_slice %arg6[%run_scoped3A, %dma_start3A_209, %dma_start3A_210] : memref<3x120x128xf32, #tpu.memory_space<vmem>> -> memref<1x120x128xf32, #tpu.memory_space<vmem>>
      %dma_start3A_212 = tpu.memref_squeeze %dma_start3A_211 : memref<1x120x128xf32, #tpu.memory_space<vmem>> -> memref<120x128xf32, #tpu.memory_space<vmem>>
      %dma_start3A_213 = arith.constant 0 : i32
      %dma_start3A_214 = arith.constant 0 : i32
      %dma_start3A_215 = tpu.memref_slice %dma_start3A_212[%dma_start3A_213, %dma_start3A_214] : memref<120x128xf32, #tpu.memory_space<vmem>> -> memref<40x128xf32, #tpu.memory_space<vmem>>
      %dma_start3A_216 = arith.constant 0 : i32
      %dma_start3A_217 = tpu.memref_slice %arg7[%add3A_92, %dma_start3A_216] : memref<10240x128xf32, #tpu.memory_space<vmem_shared>> -> memref<40x128xf32, #tpu.memory_space<vmem_shared>>
      %dma_start3A_218 = arith.constant 0 : i32
      %dma_start3A_219 = tpu.memref_slice %arg7[%add3A_92, %dma_start3A_218] : memref<10240x128xf32, #tpu.memory_space<vmem_shared>> -> memref<40x128xf32, #tpu.memory_space<vmem_shared>>
      %dma_start3A_220 = arith.constant 0 : i32
      %dma_start3A_221 = arith.constant 0 : i32
      %dma_start3A_222 = tpu.memref_slice %arg6[%run_scoped3A, %dma_start3A_220, %dma_start3A_221] : memref<3x120x128xf32, #tpu.memory_space<vmem>> -> memref<1x120x128xf32, #tpu.memory_space<vmem>>
      %dma_start3A_223 = tpu.memref_squeeze %dma_start3A_222 : memref<1x120x128xf32, #tpu.memory_space<vmem>> -> memref<120x128xf32, #tpu.memory_space<vmem>>
      %dma_start3A_224 = arith.constant 0 : i32
      %dma_start3A_225 = arith.constant 0 : i32
      %dma_start3A_226 = tpu.memref_slice %dma_start3A_223[%dma_start3A_224, %dma_start3A_225] : memref<120x128xf32, #tpu.memory_space<vmem>> -> memref<40x128xf32, #tpu.memory_space<vmem>>
      tpu.enqueue_dma source(%dma_start3A_226 : memref<40x128xf32, #tpu.memory_space<vmem>>) target(%dma_start3A_219 : memref<40x128xf32, #tpu.memory_space<vmem_shared>>) target_semaphore(%run_scoped3A_208 : memref<!tpu.dma_semaphore, #tpu.memory_space<semaphore_mem>>)
      %dma_wait3A_227 = arith.constant 0 : i32
      %dma_wait3A_228 = arith.constant 0 : i32
      %dma_wait3A_229 = tpu.memref_slice %arg6[%run_scoped3A, %dma_wait3A_227, %dma_wait3A_228] : memref<3x120x128xf32, #tpu.memory_space<vmem>> -> memref<1x120x128xf32, #tpu.memory_space<vmem>>
      %dma_wait3A_230 = tpu.memref_squeeze %dma_wait3A_229 : memref<1x120x128xf32, #tpu.memory_space<vmem>> -> memref<120x128xf32, #tpu.memory_space<vmem>>
      %dma_wait3A_231 = arith.constant 0 : i32
      %dma_wait3A_232 = arith.constant 0 : i32
      %dma_wait3A_233 = tpu.memref_slice %dma_wait3A_230[%dma_wait3A_231, %dma_wait3A_232] : memref<120x128xf32, #tpu.memory_space<vmem>> -> memref<40x128xf32, #tpu.memory_space<vmem>>
      %dma_wait3A_234 = arith.constant 0 : i32
      %dma_wait3A_235 = tpu.memref_slice %arg7[%add3A_92, %dma_wait3A_234] : memref<10240x128xf32, #tpu.memory_space<vmem_shared>> -> memref<40x128xf32, #tpu.memory_space<vmem_shared>>
      %dma_wait3A_236 = arith.constant 0 : i32
      %dma_wait3A_237 = tpu.memref_slice %arg7[%add3A_92, %dma_wait3A_236] : memref<10240x128xf32, #tpu.memory_space<vmem_shared>> -> memref<40x128xf32, #tpu.memory_space<vmem_shared>>
      %dma_wait3A_238 = arith.constant 0 : i32
      %dma_wait3A_239 = arith.constant 0 : i32
      %dma_wait3A_240 = tpu.memref_slice %arg6[%run_scoped3A, %dma_wait3A_238, %dma_wait3A_239] : memref<3x120x128xf32, #tpu.memory_space<vmem>> -> memref<1x120x128xf32, #tpu.memory_space<vmem>>
      %dma_wait3A_241 = tpu.memref_squeeze %dma_wait3A_240 : memref<1x120x128xf32, #tpu.memory_space<vmem>> -> memref<120x128xf32, #tpu.memory_space<vmem>>
      %dma_wait3A_242 = arith.constant 0 : i32
      %dma_wait3A_243 = arith.constant 0 : i32
      %dma_wait3A_244 = tpu.memref_slice %dma_wait3A_241[%dma_wait3A_242, %dma_wait3A_243] : memref<120x128xf32, #tpu.memory_space<vmem>> -> memref<40x128xf32, #tpu.memory_space<vmem>>
      tpu.wait_dma2 semaphore(%run_scoped3A_208 : memref<!tpu.dma_semaphore, #tpu.memory_space<semaphore_mem>>) src(%dma_wait3A_244 : memref<40x128xf32, #tpu.memory_space<vmem>>) dst(%dma_wait3A_237 : memref<40x128xf32, #tpu.memory_space<vmem_shared>>)
      tpu.yield
    }) : () -> ()
    %add3A_93 = arith.constant 0 : i32
    %add3A_94 = arith.addi %mul3A_2, %add3A_93 : i32
    %dma_wait3A = arith.constant 0 : i32
    %dma_wait3A_95 = arith.constant 0 : i32
    %dma_wait3A_96 = arith.constant 0 : i32
    %dma_wait3A_97 = tpu.memref_slice %arg5[%dma_wait3A, %dma_wait3A_95, %dma_wait3A_96] : memref<6x2x120xi32, #tpu.memory_space<vmem>> -> memref<1x2x120xi32, #tpu.memory_space<vmem>>
    %dma_wait3A_98 = tpu.memref_squeeze %dma_wait3A_97 : memref<1x2x120xi32, #tpu.memory_space<vmem>> -> memref<2x120xi32, #tpu.memory_space<vmem>>
    %dma_wait3A_99 = arith.constant 0 : i32
    %dma_wait3A_100 = arith.constant 0 : i32
    %dma_wait3A_101 = tpu.memref_slice %arg3[%add3A_94, %dma_wait3A_99, %dma_wait3A_100] : memref<2688x2x120xi32, #tpu.memory_space<hbm>> -> memref<1x2x120xi32, #tpu.memory_space<hbm>>
    %dma_wait3A_102 = tpu.memref_squeeze %dma_wait3A_101 : memref<1x2x120xi32, #tpu.memory_space<hbm>> -> memref<2x120xi32, #tpu.memory_space<hbm>>
    %dma_wait3A_103 = arith.constant 0 : i32
    %dma_wait3A_104 = arith.constant 0 : i32
    %dma_wait3A_105 = tpu.memref_slice %arg5[%dma_wait3A, %dma_wait3A_103, %dma_wait3A_104] : memref<6x2x120xi32, #tpu.memory_space<vmem>> -> memref<1x2x120xi32, #tpu.memory_space<vmem>>
    %dma_wait3A_106 = tpu.memref_squeeze %dma_wait3A_105 : memref<1x2x120xi32, #tpu.memory_space<vmem>> -> memref<2x120xi32, #tpu.memory_space<vmem>>
    %dma_wait3A_107 = arith.constant 0 : i32
    %dma_wait3A_108 = arith.constant 0 : i32
    %dma_wait3A_109 = tpu.memref_slice %arg3[%add3A_94, %dma_wait3A_107, %dma_wait3A_108] : memref<2688x2x120xi32, #tpu.memory_space<hbm>> -> memref<1x2x120xi32, #tpu.memory_space<hbm>>
    %dma_wait3A_110 = tpu.memref_squeeze %dma_wait3A_109 : memref<1x2x120xi32, #tpu.memory_space<hbm>> -> memref<2x120xi32, #tpu.memory_space<hbm>>
    tpu.wait_dma2 semaphore(%arg14 : memref<!tpu.dma_semaphore, #tpu.memory_space<semaphore_mem>>) src(%dma_wait3A_110 : memref<2x120xi32, #tpu.memory_space<hbm>>) dst(%dma_wait3A_106 : memref<2x120xi32, #tpu.memory_space<vmem>>)
    %dma_start3A_111 = arith.constant 0 : i32
    %dma_start3A_112 = arith.constant 0 : i32
    %dma_start3A_113 = arith.constant 0 : i32
    %dma_start3A_114 = arith.constant 0 : i32
    %dma_start3A_115 = arith.constant 0 : i32
    %dma_start3A_116 = tpu.memref_slice %arg6[%dma_start3A_113, %dma_start3A_114, %dma_start3A_115] : memref<3x120x128xf32, #tpu.memory_space<vmem>> -> memref<1x120x128xf32, #tpu.memory_space<vmem>>
    %dma_start3A_117 = tpu.memref_squeeze %dma_start3A_116 : memref<1x120x128xf32, #tpu.memory_space<vmem>> -> memref<120x128xf32, #tpu.memory_space<vmem>>
    %dma_start3A_118 = arith.constant 0 : i32
    %dma_start3A_119 = tpu.memref_slice %arg5[%dma_start3A_111, %dma_start3A_112, %dma_start3A_118] : memref<6x2x120xi32, #tpu.memory_space<vmem>> -> memref<1x1x120xi32, #tpu.memory_space<vmem>>
    %dma_start3A_120 = tpu.memref_squeeze %dma_start3A_119 : memref<1x1x120xi32, #tpu.memory_space<vmem>> -> memref<120xi32, #tpu.memory_space<vmem>>
    %dma_start3A_121 = arith.constant 0 : i32
    %dma_start3A_122 = arith.constant 0 : i32
    %dma_start3A_123 = tpu.memref_slice %arg2[%dma_start3A_121, %dma_start3A_122] : memref<10240x128xf32, #tpu.memory_space<hbm>> -> memref<10240x128xf32, #tpu.memory_space<hbm>>
    tpu.enqueue_indirect_dma source(%dma_start3A_123 : memref<10240x128xf32, #tpu.memory_space<hbm>>) target(%dma_start3A_117 : memref<120x128xf32, #tpu.memory_space<vmem>>) offsets(%dma_start3A_120 : memref<120xi32, #tpu.memory_space<vmem>>) semaphore(%arg8 : memref<!tpu.dma_semaphore, #tpu.memory_space<semaphore_mem>>)
    %add3A_124 = arith.constant 1 : i32
    %add3A_125 = arith.addi %mul3A_2, %add3A_124 : i32
    %dma_wait3A_126 = arith.constant 1 : i32
    %dma_wait3A_127 = arith.constant 0 : i32
    %dma_wait3A_128 = arith.constant 0 : i32
    %dma_wait3A_129 = tpu.memref_slice %arg5[%dma_wait3A_126, %dma_wait3A_127, %dma_wait3A_128] : memref<6x2x120xi32, #tpu.memory_space<vmem>> -> memref<1x2x120xi32, #tpu.memory_space<vmem>>
    %dma_wait3A_130 = tpu.memref_squeeze %dma_wait3A_129 : memref<1x2x120xi32, #tpu.memory_space<vmem>> -> memref<2x120xi32, #tpu.memory_space<vmem>>
    %dma_wait3A_131 = arith.constant 0 : i32
    %dma_wait3A_132 = arith.constant 0 : i32
    %dma_wait3A_133 = tpu.memref_slice %arg3[%add3A_125, %dma_wait3A_131, %dma_wait3A_132] : memref<2688x2x120xi32, #tpu.memory_space<hbm>> -> memref<1x2x120xi32, #tpu.memory_space<hbm>>
    %dma_wait3A_134 = tpu.memref_squeeze %dma_wait3A_133 : memref<1x2x120xi32, #tpu.memory_space<hbm>> -> memref<2x120xi32, #tpu.memory_space<hbm>>
    %dma_wait3A_135 = arith.constant 0 : i32
    %dma_wait3A_136 = arith.constant 0 : i32
    %dma_wait3A_137 = tpu.memref_slice %arg5[%dma_wait3A_126, %dma_wait3A_135, %dma_wait3A_136] : memref<6x2x120xi32, #tpu.memory_space<vmem>> -> memref<1x2x120xi32, #tpu.memory_space<vmem>>
    %dma_wait3A_138 = tpu.memref_squeeze %dma_wait3A_137 : memref<1x2x120xi32, #tpu.memory_space<vmem>> -> memref<2x120xi32, #tpu.memory_space<vmem>>
    %dma_wait3A_139 = arith.constant 0 : i32
    %dma_wait3A_140 = arith.constant 0 : i32
    %dma_wait3A_141 = tpu.memref_slice %arg3[%add3A_125, %dma_wait3A_139, %dma_wait3A_140] : memref<2688x2x120xi32, #tpu.memory_space<hbm>> -> memref<1x2x120xi32, #tpu.memory_space<hbm>>
    %dma_wait3A_142 = tpu.memref_squeeze %dma_wait3A_141 : memref<1x2x120xi32, #tpu.memory_space<hbm>> -> memref<2x120xi32, #tpu.memory_space<hbm>>
    tpu.wait_dma2 semaphore(%arg15 : memref<!tpu.dma_semaphore, #tpu.memory_space<semaphore_mem>>) src(%dma_wait3A_142 : memref<2x120xi32, #tpu.memory_space<hbm>>) dst(%dma_wait3A_138 : memref<2x120xi32, #tpu.memory_space<vmem>>)
    %dma_start3A_143 = arith.constant 1 : i32
    %dma_start3A_144 = arith.constant 0 : i32
    %dma_start3A_145 = arith.constant 1 : i32
    %dma_start3A_146 = arith.constant 0 : i32
    %dma_start3A_147 = arith.constant 0 : i32
    %dma_start3A_148 = tpu.memref_slice %arg6[%dma_start3A_145, %dma_start3A_146, %dma_start3A_147] : memref<3x120x128xf32, #tpu.memory_space<vmem>> -> memref<1x120x128xf32, #tpu.memory_space<vmem>>
    %dma_start3A_149 = tpu.memref_squeeze %dma_start3A_148 : memref<1x120x128xf32, #tpu.memory_space<vmem>> -> memref<120x128xf32, #tpu.memory_space<vmem>>
    %dma_start3A_150 = arith.constant 0 : i32
    %dma_start3A_151 = tpu.memref_slice %arg5[%dma_start3A_143, %dma_start3A_144, %dma_start3A_150] : memref<6x2x120xi32, #tpu.memory_space<vmem>> -> memref<1x1x120xi32, #tpu.memory_space<vmem>>
    %dma_start3A_152 = tpu.memref_squeeze %dma_start3A_151 : memref<1x1x120xi32, #tpu.memory_space<vmem>> -> memref<120xi32, #tpu.memory_space<vmem>>
    %dma_start3A_153 = arith.constant 0 : i32
    %dma_start3A_154 = arith.constant 0 : i32
    %dma_start3A_155 = tpu.memref_slice %arg2[%dma_start3A_153, %dma_start3A_154] : memref<10240x128xf32, #tpu.memory_space<hbm>> -> memref<10240x128xf32, #tpu.memory_space<hbm>>
    tpu.enqueue_indirect_dma source(%dma_start3A_155 : memref<10240x128xf32, #tpu.memory_space<hbm>>) target(%dma_start3A_149 : memref<120x128xf32, #tpu.memory_space<vmem>>) offsets(%dma_start3A_152 : memref<120xi32, #tpu.memory_space<vmem>>) semaphore(%arg9 : memref<!tpu.dma_semaphore, #tpu.memory_space<semaphore_mem>>)
    %barrier3A = arith.constant 0 : index
    tpu.barrier barrier_id(%barrier3A)
    %scan3A_156 = arith.constant 0 : i32
    %scan3A_157 = arith.constant 0 : i32
    %scan3A_158 = arith.constant 14 : i32
    %scan3A_159 = arith.addi %scan3A_157, %scan3A_158 : i32
    %scan3A_160 = arith.constant 1 : i32
    scf.for %scan3A_208 = %scan3A_157 to %scan3A_159 step %scan3A_160  : i32 {
      %mul3A_209 = arith.constant 6 : i32
      %mul3A_210 = arith.muli %mul3A_209, %scan3A_208 : i32
      %add3A_211 = arith.constant 0 : i32
      %add3A_212 = arith.addi %mul3A_210, %add3A_211 : i32
      %dma_wait3A_213 = arith.constant 0 : i32
      %dma_wait3A_214 = arith.constant 0 : i32
      %dma_wait3A_215 = arith.constant 0 : i32
      %dma_wait3A_216 = arith.constant 0 : i32
      %dma_wait3A_217 = arith.constant 0 : i32
      %dma_wait3A_218 = tpu.memref_slice %arg6[%dma_wait3A_215, %dma_wait3A_216, %dma_wait3A_217] : memref<3x120x128xf32, #tpu.memory_space<vmem>> -> memref<1x120x128xf32, #tpu.memory_space<vmem>>
      %dma_wait3A_219 = tpu.memref_squeeze %dma_wait3A_218 : memref<1x120x128xf32, #tpu.memory_space<vmem>> -> memref<120x128xf32, #tpu.memory_space<vmem>>
      %dma_wait3A_220 = arith.constant 0 : i32
      %dma_wait3A_221 = tpu.memref_slice %arg5[%dma_wait3A_213, %dma_wait3A_214, %dma_wait3A_220] : memref<6x2x120xi32, #tpu.memory_space<vmem>> -> memref<1x1x120xi32, #tpu.memory_space<vmem>>
      %dma_wait3A_222 = tpu.memref_squeeze %dma_wait3A_221 : memref<1x1x120xi32, #tpu.memory_space<vmem>> -> memref<120xi32, #tpu.memory_space<vmem>>
      %dma_wait3A_223 = arith.constant 0 : i32
      %dma_wait3A_224 = arith.constant 0 : i32
      %dma_wait3A_225 = tpu.memref_slice %arg2[%dma_wait3A_223, %dma_wait3A_224] : memref<10240x128xf32, #tpu.memory_space<hbm>> -> memref<10240x128xf32, #tpu.memory_space<hbm>>
      tpu.wait_indirect_dma semaphore(%arg8 : memref<!tpu.dma_semaphore, #tpu.memory_space<semaphore_mem>>) src(%dma_wait3A_225 : memref<10240x128xf32, #tpu.memory_space<hbm>>) dst(%dma_wait3A_219 : memref<120x128xf32, #tpu.memory_space<vmem>>)
      %dma_start3A_226 = arith.constant 0 : i32
      %dma_start3A_227 = arith.constant 0 : i32
      %dma_start3A_228 = arith.constant 1 : i32
      %dma_start3A_229 = arith.constant 0 : i32
      %dma_start3A_230 = arith.constant 0 : i32
      %dma_start3A_231 = tpu.memref_slice %arg6[%dma_start3A_226, %dma_start3A_229, %dma_start3A_230] : memref<3x120x128xf32, #tpu.memory_space<vmem>> -> memref<1x120x128xf32, #tpu.memory_space<vmem>>
      %dma_start3A_232 = tpu.memref_squeeze %dma_start3A_231 : memref<1x120x128xf32, #tpu.memory_space<vmem>> -> memref<120x128xf32, #tpu.memory_space<vmem>>
      %dma_start3A_233 = arith.constant 0 : i32
      %dma_start3A_234 = tpu.memref_slice %arg5[%dma_start3A_227, %dma_start3A_228, %dma_start3A_233] : memref<6x2x120xi32, #tpu.memory_space<vmem>> -> memref<1x1x120xi32, #tpu.memory_space<vmem>>
      %dma_start3A_235 = tpu.memref_squeeze %dma_start3A_234 : memref<1x1x120xi32, #tpu.memory_space<vmem>> -> memref<120xi32, #tpu.memory_space<vmem>>
      %dma_start3A_236 = arith.constant 0 : i32
      %dma_start3A_237 = arith.constant 0 : i32
      %dma_start3A_238 = tpu.memref_slice %arg7[%dma_start3A_236, %dma_start3A_237] : memref<10240x128xf32, #tpu.memory_space<vmem_shared>> -> memref<10240x128xf32, #tpu.memory_space<vmem_shared>>
      tpu.enqueue_indirect_dma source(%dma_start3A_232 : memref<120x128xf32, #tpu.memory_space<vmem>>) target(%dma_start3A_238 : memref<10240x128xf32, #tpu.memory_space<vmem_shared>>) offsets(%dma_start3A_235 : memref<120xi32, #tpu.memory_space<vmem>>) semaphore(%arg11 : memref<!tpu.dma_semaphore, #tpu.memory_space<semaphore_mem>>) {add = true}
      %add3A_239 = arith.constant 2 : i32
      %add3A_240 = arith.addi %add3A_212, %add3A_239 : i32
      %lt3A = arith.constant 84 : i32
      %lt3A_241 = arith.cmpi slt, %add3A_240, %lt3A : i32
      %convert_element_type3A = arith.extui %lt3A_241 : i1 to i32
      %cond3A = arith.constant 0 : i32
      %cond3A_242 = arith.cmpi ne, %convert_element_type3A, %cond3A : i32
      scf.if %cond3A_242 {
        %ge3A = arith.constant 1 : i32
        %ge3A_460 = arith.cmpi sge, %add3A_212, %ge3A : i32
        %convert_element_type3A_461 = arith.extui %ge3A_460 : i1 to i32
        %cond3A_462 = arith.constant 0 : i32
        %cond3A_463 = arith.cmpi ne, %convert_element_type3A_461, %cond3A_462 : i32
        scf.if %cond3A_463 {
          %dma_wait3A_497 = arith.constant 2 : i32
          %dma_wait3A_498 = arith.constant 0 : i32
          %dma_wait3A_499 = arith.constant 1 : i32
          %dma_wait3A_500 = arith.constant 0 : i32
          %dma_wait3A_501 = arith.constant 0 : i32
          %dma_wait3A_502 = tpu.memref_slice %arg6[%dma_wait3A_497, %dma_wait3A_500, %dma_wait3A_501] : memref<3x120x128xf32, #tpu.memory_space<vmem>> -> memref<1x120x128xf32, #tpu.memory_space<vmem>>
          %dma_wait3A_503 = tpu.memref_squeeze %dma_wait3A_502 : memref<1x120x128xf32, #tpu.memory_space<vmem>> -> memref<120x128xf32, #tpu.memory_space<vmem>>
          %dma_wait3A_504 = arith.constant 0 : i32
          %dma_wait3A_505 = tpu.memref_slice %arg5[%dma_wait3A_498, %dma_wait3A_499, %dma_wait3A_504] : memref<6x2x120xi32, #tpu.memory_space<vmem>> -> memref<1x1x120xi32, #tpu.memory_space<vmem>>
          %dma_wait3A_506 = tpu.memref_squeeze %dma_wait3A_505 : memref<1x1x120xi32, #tpu.memory_space<vmem>> -> memref<120xi32, #tpu.memory_space<vmem>>
          %dma_wait3A_507 = arith.constant 0 : i32
          %dma_wait3A_508 = arith.constant 0 : i32
          %dma_wait3A_509 = tpu.memref_slice %arg7[%dma_wait3A_507, %dma_wait3A_508] : memref<10240x128xf32, #tpu.memory_space<vmem_shared>> -> memref<10240x128xf32, #tpu.memory_space<vmem_shared>>
          tpu.wait_indirect_dma semaphore(%arg13 : memref<!tpu.dma_semaphore, #tpu.memory_space<semaphore_mem>>) src(%dma_wait3A_503 : memref<120x128xf32, #tpu.memory_space<vmem>>) dst(%dma_wait3A_509 : memref<10240x128xf32, #tpu.memory_space<vmem_shared>>)
        } else {
        }
        %add3A_464 = arith.addi %mul3A_2, %add3A_212 : i32
        %add3A_465 = arith.constant 2 : i32
        %add3A_466 = arith.addi %add3A_464, %add3A_465 : i32
        %dma_wait3A_467 = arith.constant 2 : i32
        %dma_wait3A_468 = arith.constant 0 : i32
        %dma_wait3A_469 = arith.constant 0 : i32
        %dma_wait3A_470 = tpu.memref_slice %arg5[%dma_wait3A_467, %dma_wait3A_468, %dma_wait3A_469] : memref<6x2x120xi32, #tpu.memory_space<vmem>> -> memref<1x2x120xi32, #tpu.memory_space<vmem>>
        %dma_wait3A_471 = tpu.memref_squeeze %dma_wait3A_470 : memref<1x2x120xi32, #tpu.memory_space<vmem>> -> memref<2x120xi32, #tpu.memory_space<vmem>>
        %dma_wait3A_472 = arith.constant 0 : i32
        %dma_wait3A_473 = arith.constant 0 : i32
        %dma_wait3A_474 = tpu.memref_slice %arg3[%add3A_466, %dma_wait3A_472, %dma_wait3A_473] : memref<2688x2x120xi32, #tpu.memory_space<hbm>> -> memref<1x2x120xi32, #tpu.memory_space<hbm>>
        %dma_wait3A_475 = tpu.memref_squeeze %dma_wait3A_474 : memref<1x2x120xi32, #tpu.memory_space<hbm>> -> memref<2x120xi32, #tpu.memory_space<hbm>>
        %dma_wait3A_476 = arith.constant 0 : i32
        %dma_wait3A_477 = arith.constant 0 : i32
        %dma_wait3A_478 = tpu.memref_slice %arg5[%dma_wait3A_467, %dma_wait3A_476, %dma_wait3A_477] : memref<6x2x120xi32, #tpu.memory_space<vmem>> -> memref<1x2x120xi32, #tpu.memory_space<vmem>>
        %dma_wait3A_479 = tpu.memref_squeeze %dma_wait3A_478 : memref<1x2x120xi32, #tpu.memory_space<vmem>> -> memref<2x120xi32, #tpu.memory_space<vmem>>
        %dma_wait3A_480 = arith.constant 0 : i32
        %dma_wait3A_481 = arith.constant 0 : i32
        %dma_wait3A_482 = tpu.memref_slice %arg3[%add3A_466, %dma_wait3A_480, %dma_wait3A_481] : memref<2688x2x120xi32, #tpu.memory_space<hbm>> -> memref<1x2x120xi32, #tpu.memory_space<hbm>>
        %dma_wait3A_483 = tpu.memref_squeeze %dma_wait3A_482 : memref<1x2x120xi32, #tpu.memory_space<hbm>> -> memref<2x120xi32, #tpu.memory_space<hbm>>
        tpu.wait_dma2 semaphore(%arg16 : memref<!tpu.dma_semaphore, #tpu.memory_space<semaphore_mem>>) src(%dma_wait3A_483 : memref<2x120xi32, #tpu.memory_space<hbm>>) dst(%dma_wait3A_479 : memref<2x120xi32, #tpu.memory_space<vmem>>)
        %dma_start3A_484 = arith.constant 2 : i32
        %dma_start3A_485 = arith.constant 0 : i32
        %dma_start3A_486 = arith.constant 2 : i32
        %dma_start3A_487 = arith.constant 0 : i32
        %dma_start3A_488 = arith.constant 0 : i32
        %dma_start3A_489 = tpu.memref_slice %arg6[%dma_start3A_486, %dma_start3A_487, %dma_start3A_488] : memref<3x120x128xf32, #tpu.memory_space<vmem>> -> memref<1x120x128xf32, #tpu.memory_space<vmem>>
        %dma_start3A_490 = tpu.memref_squeeze %dma_start3A_489 : memref<1x120x128xf32, #tpu.memory_space<vmem>> -> memref<120x128xf32, #tpu.memory_space<vmem>>
        %dma_start3A_491 = arith.constant 0 : i32
        %dma_start3A_492 = tpu.memref_slice %arg5[%dma_start3A_484, %dma_start3A_485, %dma_start3A_491] : memref<6x2x120xi32, #tpu.memory_space<vmem>> -> memref<1x1x120xi32, #tpu.memory_space<vmem>>
        %dma_start3A_493 = tpu.memref_squeeze %dma_start3A_492 : memref<1x1x120xi32, #tpu.memory_space<vmem>> -> memref<120xi32, #tpu.memory_space<vmem>>
        %dma_start3A_494 = arith.constant 0 : i32
        %dma_start3A_495 = arith.constant 0 : i32
        %dma_start3A_496 = tpu.memref_slice %arg2[%dma_start3A_494, %dma_start3A_495] : memref<10240x128xf32, #tpu.memory_space<hbm>> -> memref<10240x128xf32, #tpu.memory_space<hbm>>
        tpu.enqueue_indirect_dma source(%dma_start3A_496 : memref<10240x128xf32, #tpu.memory_space<hbm>>) target(%dma_start3A_490 : memref<120x128xf32, #tpu.memory_space<vmem>>) offsets(%dma_start3A_493 : memref<120xi32, #tpu.memory_space<vmem>>) semaphore(%arg10 : memref<!tpu.dma_semaphore, #tpu.memory_space<semaphore_mem>>)
      } else {
      }
      %add3A_243 = arith.constant 4 : i32
      %add3A_244 = arith.addi %add3A_212, %add3A_243 : i32
      %lt3A_245 = arith.constant 84 : i32
      %lt3A_246 = arith.cmpi slt, %add3A_244, %lt3A_245 : i32
      %convert_element_type3A_247 = arith.extui %lt3A_246 : i1 to i32
      %cond3A_248 = arith.constant 0 : i32
      %cond3A_249 = arith.cmpi ne, %convert_element_type3A_247, %cond3A_248 : i32
      scf.if %cond3A_249 {
        %add3A_460 = arith.addi %mul3A_2, %add3A_212 : i32
        %add3A_461 = arith.constant 4 : i32
        %add3A_462 = arith.addi %add3A_460, %add3A_461 : i32
        %dma_start3A_463 = arith.constant 4 : i32
        %dma_start3A_464 = arith.constant 0 : i32
        %dma_start3A_465 = arith.constant 0 : i32
        %dma_start3A_466 = tpu.memref_slice %arg5[%dma_start3A_463, %dma_start3A_464, %dma_start3A_465] : memref<6x2x120xi32, #tpu.memory_space<vmem>> -> memref<1x2x120xi32, #tpu.memory_space<vmem>>
        %dma_start3A_467 = tpu.memref_squeeze %dma_start3A_466 : memref<1x2x120xi32, #tpu.memory_space<vmem>> -> memref<2x120xi32, #tpu.memory_space<vmem>>
        %dma_start3A_468 = arith.constant 0 : i32
        %dma_start3A_469 = arith.constant 0 : i32
        %dma_start3A_470 = tpu.memref_slice %arg3[%add3A_462, %dma_start3A_468, %dma_start3A_469] : memref<2688x2x120xi32, #tpu.memory_space<hbm>> -> memref<1x2x120xi32, #tpu.memory_space<hbm>>
        %dma_start3A_471 = tpu.memref_squeeze %dma_start3A_470 : memref<1x2x120xi32, #tpu.memory_space<hbm>> -> memref<2x120xi32, #tpu.memory_space<hbm>>
        %dma_start3A_472 = arith.constant 0 : i32
        %dma_start3A_473 = arith.constant 0 : i32
        %dma_start3A_474 = tpu.memref_slice %arg5[%dma_start3A_463, %dma_start3A_472, %dma_start3A_473] : memref<6x2x120xi32, #tpu.memory_space<vmem>> -> memref<1x2x120xi32, #tpu.memory_space<vmem>>
        %dma_start3A_475 = tpu.memref_squeeze %dma_start3A_474 : memref<1x2x120xi32, #tpu.memory_space<vmem>> -> memref<2x120xi32, #tpu.memory_space<vmem>>
        %dma_start3A_476 = arith.constant 0 : i32
        %dma_start3A_477 = arith.constant 0 : i32
        %dma_start3A_478 = tpu.memref_slice %arg3[%add3A_462, %dma_start3A_476, %dma_start3A_477] : memref<2688x2x120xi32, #tpu.memory_space<hbm>> -> memref<1x2x120xi32, #tpu.memory_space<hbm>>
        %dma_start3A_479 = tpu.memref_squeeze %dma_start3A_478 : memref<1x2x120xi32, #tpu.memory_space<hbm>> -> memref<2x120xi32, #tpu.memory_space<hbm>>
        tpu.enqueue_dma source(%dma_start3A_479 : memref<2x120xi32, #tpu.memory_space<hbm>>) target(%dma_start3A_475 : memref<2x120xi32, #tpu.memory_space<vmem>>) target_semaphore(%arg18 : memref<!tpu.dma_semaphore, #tpu.memory_space<semaphore_mem>>)
      } else {
      }
      %add3A_250 = arith.constant 1 : i32
      %add3A_251 = arith.addi %mul3A_210, %add3A_250 : i32
      %dma_wait3A_252 = arith.constant 1 : i32
      %dma_wait3A_253 = arith.constant 0 : i32
      %dma_wait3A_254 = arith.constant 1 : i32
      %dma_wait3A_255 = arith.constant 0 : i32
      %dma_wait3A_256 = arith.constant 0 : i32
      %dma_wait3A_257 = tpu.memref_slice %arg6[%dma_wait3A_254, %dma_wait3A_255, %dma_wait3A_256] : memref<3x120x128xf32, #tpu.memory_space<vmem>> -> memref<1x120x128xf32, #tpu.memory_space<vmem>>
      %dma_wait3A_258 = tpu.memref_squeeze %dma_wait3A_257 : memref<1x120x128xf32, #tpu.memory_space<vmem>> -> memref<120x128xf32, #tpu.memory_space<vmem>>
      %dma_wait3A_259 = arith.constant 0 : i32
      %dma_wait3A_260 = tpu.memref_slice %arg5[%dma_wait3A_252, %dma_wait3A_253, %dma_wait3A_259] : memref<6x2x120xi32, #tpu.memory_space<vmem>> -> memref<1x1x120xi32, #tpu.memory_space<vmem>>
      %dma_wait3A_261 = tpu.memref_squeeze %dma_wait3A_260 : memref<1x1x120xi32, #tpu.memory_space<vmem>> -> memref<120xi32, #tpu.memory_space<vmem>>
      %dma_wait3A_262 = arith.constant 0 : i32
      %dma_wait3A_263 = arith.constant 0 : i32
      %dma_wait3A_264 = tpu.memref_slice %arg2[%dma_wait3A_262, %dma_wait3A_263] : memref<10240x128xf32, #tpu.memory_space<hbm>> -> memref<10240x128xf32, #tpu.memory_space<hbm>>
      tpu.wait_indirect_dma semaphore(%arg9 : memref<!tpu.dma_semaphore, #tpu.memory_space<semaphore_mem>>) src(%dma_wait3A_264 : memref<10240x128xf32, #tpu.memory_space<hbm>>) dst(%dma_wait3A_258 : memref<120x128xf32, #tpu.memory_space<vmem>>)
      %dma_start3A_265 = arith.constant 1 : i32
      %dma_start3A_266 = arith.constant 1 : i32
      %dma_start3A_267 = arith.constant 1 : i32
      %dma_start3A_268 = arith.constant 0 : i32
      %dma_start3A_269 = arith.constant 0 : i32
      %dma_start3A_270 = tpu.memref_slice %arg6[%dma_start3A_265, %dma_start3A_268, %dma_start3A_269] : memref<3x120x128xf32, #tpu.memory_space<vmem>> -> memref<1x120x128xf32, #tpu.memory_space<vmem>>
      %dma_start3A_271 = tpu.memref_squeeze %dma_start3A_270 : memref<1x120x128xf32, #tpu.memory_space<vmem>> -> memref<120x128xf32, #tpu.memory_space<vmem>>
      %dma_start3A_272 = arith.constant 0 : i32
      %dma_start3A_273 = tpu.memref_slice %arg5[%dma_start3A_266, %dma_start3A_267, %dma_start3A_272] : memref<6x2x120xi32, #tpu.memory_space<vmem>> -> memref<1x1x120xi32, #tpu.memory_space<vmem>>
      %dma_start3A_274 = tpu.memref_squeeze %dma_start3A_273 : memref<1x1x120xi32, #tpu.memory_space<vmem>> -> memref<120xi32, #tpu.memory_space<vmem>>
      %dma_start3A_275 = arith.constant 0 : i32
      %dma_start3A_276 = arith.constant 0 : i32
      %dma_start3A_277 = tpu.memref_slice %arg7[%dma_start3A_275, %dma_start3A_276] : memref<10240x128xf32, #tpu.memory_space<vmem_shared>> -> memref<10240x128xf32, #tpu.memory_space<vmem_shared>>
      tpu.enqueue_indirect_dma source(%dma_start3A_271 : memref<120x128xf32, #tpu.memory_space<vmem>>) target(%dma_start3A_277 : memref<10240x128xf32, #tpu.memory_space<vmem_shared>>) offsets(%dma_start3A_274 : memref<120xi32, #tpu.memory_space<vmem>>) semaphore(%arg12 : memref<!tpu.dma_semaphore, #tpu.memory_space<semaphore_mem>>) {add = true}
      %add3A_278 = arith.constant 2 : i32
      %add3A_279 = arith.addi %add3A_251, %add3A_278 : i32
      %lt3A_280 = arith.constant 84 : i32
      %lt3A_281 = arith.cmpi slt, %add3A_279, %lt3A_280 : i32
      %convert_element_type3A_282 = arith.extui %lt3A_281 : i1 to i32
      %cond3A_283 = arith.constant 0 : i32
      %cond3A_284 = arith.cmpi ne, %convert_element_type3A_282, %cond3A_283 : i32
      scf.if %cond3A_284 {
        %ge3A = arith.constant 1 : i32
        %ge3A_460 = arith.cmpi sge, %add3A_251, %ge3A : i32
        %convert_element_type3A_461 = arith.extui %ge3A_460 : i1 to i32
        %cond3A_462 = arith.constant 0 : i32
        %cond3A_463 = arith.cmpi ne, %convert_element_type3A_461, %cond3A_462 : i32
        scf.if %cond3A_463 {
          %dma_wait3A_497 = arith.constant 0 : i32
          %dma_wait3A_498 = arith.constant 1 : i32
          %dma_wait3A_499 = arith.constant 1 : i32
          %dma_wait3A_500 = arith.constant 0 : i32
          %dma_wait3A_501 = arith.constant 0 : i32
          %dma_wait3A_502 = tpu.memref_slice %arg6[%dma_wait3A_497, %dma_wait3A_500, %dma_wait3A_501] : memref<3x120x128xf32, #tpu.memory_space<vmem>> -> memref<1x120x128xf32, #tpu.memory_space<vmem>>
          %dma_wait3A_503 = tpu.memref_squeeze %dma_wait3A_502 : memref<1x120x128xf32, #tpu.memory_space<vmem>> -> memref<120x128xf32, #tpu.memory_space<vmem>>
          %dma_wait3A_504 = arith.constant 0 : i32
          %dma_wait3A_505 = tpu.memref_slice %arg5[%dma_wait3A_498, %dma_wait3A_499, %dma_wait3A_504] : memref<6x2x120xi32, #tpu.memory_space<vmem>> -> memref<1x1x120xi32, #tpu.memory_space<vmem>>
          %dma_wait3A_506 = tpu.memref_squeeze %dma_wait3A_505 : memref<1x1x120xi32, #tpu.memory_space<vmem>> -> memref<120xi32, #tpu.memory_space<vmem>>
          %dma_wait3A_507 = arith.constant 0 : i32
          %dma_wait3A_508 = arith.constant 0 : i32
          %dma_wait3A_509 = tpu.memref_slice %arg7[%dma_wait3A_507, %dma_wait3A_508] : memref<10240x128xf32, #tpu.memory_space<vmem_shared>> -> memref<10240x128xf32, #tpu.memory_space<vmem_shared>>
          tpu.wait_indirect_dma semaphore(%arg11 : memref<!tpu.dma_semaphore, #tpu.memory_space<semaphore_mem>>) src(%dma_wait3A_503 : memref<120x128xf32, #tpu.memory_space<vmem>>) dst(%dma_wait3A_509 : memref<10240x128xf32, #tpu.memory_space<vmem_shared>>)
        } else {
        }
        %add3A_464 = arith.addi %mul3A_2, %add3A_251 : i32
        %add3A_465 = arith.constant 2 : i32
        %add3A_466 = arith.addi %add3A_464, %add3A_465 : i32
        %dma_wait3A_467 = arith.constant 3 : i32
        %dma_wait3A_468 = arith.constant 0 : i32
        %dma_wait3A_469 = arith.constant 0 : i32
        %dma_wait3A_470 = tpu.memref_slice %arg5[%dma_wait3A_467, %dma_wait3A_468, %dma_wait3A_469] : memref<6x2x120xi32, #tpu.memory_space<vmem>> -> memref<1x2x120xi32, #tpu.memory_space<vmem>>
        %dma_wait3A_471 = tpu.memref_squeeze %dma_wait3A_470 : memref<1x2x120xi32, #tpu.memory_space<vmem>> -> memref<2x120xi32, #tpu.memory_space<vmem>>
        %dma_wait3A_472 = arith.constant 0 : i32
        %dma_wait3A_473 = arith.constant 0 : i32
        %dma_wait3A_474 = tpu.memref_slice %arg3[%add3A_466, %dma_wait3A_472, %dma_wait3A_473] : memref<2688x2x120xi32, #tpu.memory_space<hbm>> -> memref<1x2x120xi32, #tpu.memory_space<hbm>>
        %dma_wait3A_475 = tpu.memref_squeeze %dma_wait3A_474 : memref<1x2x120xi32, #tpu.memory_space<hbm>> -> memref<2x120xi32, #tpu.memory_space<hbm>>
        %dma_wait3A_476 = arith.constant 0 : i32
        %dma_wait3A_477 = arith.constant 0 : i32
        %dma_wait3A_478 = tpu.memref_slice %arg5[%dma_wait3A_467, %dma_wait3A_476, %dma_wait3A_477] : memref<6x2x120xi32, #tpu.memory_space<vmem>> -> memref<1x2x120xi32, #tpu.memory_space<vmem>>
        %dma_wait3A_479 = tpu.memref_squeeze %dma_wait3A_478 : memref<1x2x120xi32, #tpu.memory_space<vmem>> -> memref<2x120xi32, #tpu.memory_space<vmem>>
        %dma_wait3A_480 = arith.constant 0 : i32
        %dma_wait3A_481 = arith.constant 0 : i32
        %dma_wait3A_482 = tpu.memref_slice %arg3[%add3A_466, %dma_wait3A_480, %dma_wait3A_481] : memref<2688x2x120xi32, #tpu.memory_space<hbm>> -> memref<1x2x120xi32, #tpu.memory_space<hbm>>
        %dma_wait3A_483 = tpu.memref_squeeze %dma_wait3A_482 : memref<1x2x120xi32, #tpu.memory_space<hbm>> -> memref<2x120xi32, #tpu.memory_space<hbm>>
        tpu.wait_dma2 semaphore(%arg17 : memref<!tpu.dma_semaphore, #tpu.memory_space<semaphore_mem>>) src(%dma_wait3A_483 : memref<2x120xi32, #tpu.memory_space<hbm>>) dst(%dma_wait3A_479 : memref<2x120xi32, #tpu.memory_space<vmem>>)
        %dma_start3A_484 = arith.constant 3 : i32
        %dma_start3A_485 = arith.constant 0 : i32
        %dma_start3A_486 = arith.constant 0 : i32
        %dma_start3A_487 = arith.constant 0 : i32
        %dma_start3A_488 = arith.constant 0 : i32
        %dma_start3A_489 = tpu.memref_slice %arg6[%dma_start3A_486, %dma_start3A_487, %dma_start3A_488] : memref<3x120x128xf32, #tpu.memory_space<vmem>> -> memref<1x120x128xf32, #tpu.memory_space<vmem>>
        %dma_start3A_490 = tpu.memref_squeeze %dma_start3A_489 : memref<1x120x128xf32, #tpu.memory_space<vmem>> -> memref<120x128xf32, #tpu.memory_space<vmem>>
        %dma_start3A_491 = arith.constant 0 : i32
        %dma_start3A_492 = tpu.memref_slice %arg5[%dma_start3A_484, %dma_start3A_485, %dma_start3A_491] : memref<6x2x120xi32, #tpu.memory_space<vmem>> -> memref<1x1x120xi32, #tpu.memory_space<vmem>>
        %dma_start3A_493 = tpu.memref_squeeze %dma_start3A_492 : memref<1x1x120xi32, #tpu.memory_space<vmem>> -> memref<120xi32, #tpu.memory_space<vmem>>
        %dma_start3A_494 = arith.constant 0 : i32
        %dma_start3A_495 = arith.constant 0 : i32
        %dma_start3A_496 = tpu.memref_slice %arg2[%dma_start3A_494, %dma_start3A_495] : memref<10240x128xf32, #tpu.memory_space<hbm>> -> memref<10240x128xf32, #tpu.memory_space<hbm>>
        tpu.enqueue_indirect_dma source(%dma_start3A_496 : memref<10240x128xf32, #tpu.memory_space<hbm>>) target(%dma_start3A_490 : memref<120x128xf32, #tpu.memory_space<vmem>>) offsets(%dma_start3A_493 : memref<120xi32, #tpu.memory_space<vmem>>) semaphore(%arg8 : memref<!tpu.dma_semaphore, #tpu.memory_space<semaphore_mem>>)
      } else {
      }
      %add3A_285 = arith.constant 4 : i32
      %add3A_286 = arith.addi %add3A_251, %add3A_285 : i32
      %lt3A_287 = arith.constant 84 : i32
      %lt3A_288 = arith.cmpi slt, %add3A_286, %lt3A_287 : i32
      %convert_element_type3A_289 = arith.extui %lt3A_288 : i1 to i32
      %cond3A_290 = arith.constant 0 : i32
      %cond3A_291 = arith.cmpi ne, %convert_element_type3A_289, %cond3A_290 : i32
      scf.if %cond3A_291 {
        %add3A_460 = arith.addi %mul3A_2, %add3A_251 : i32
        %add3A_461 = arith.constant 4 : i32
        %add3A_462 = arith.addi %add3A_460, %add3A_461 : i32
        %dma_start3A_463 = arith.constant 5 : i32
        %dma_start3A_464 = arith.constant 0 : i32
        %dma_start3A_465 = arith.constant 0 : i32
        %dma_start3A_466 = tpu.memref_slice %arg5[%dma_start3A_463, %dma_start3A_464, %dma_start3A_465] : memref<6x2x120xi32, #tpu.memory_space<vmem>> -> memref<1x2x120xi32, #tpu.memory_space<vmem>>
        %dma_start3A_467 = tpu.memref_squeeze %dma_start3A_466 : memref<1x2x120xi32, #tpu.memory_space<vmem>> -> memref<2x120xi32, #tpu.memory_space<vmem>>
        %dma_start3A_468 = arith.constant 0 : i32
        %dma_start3A_469 = arith.constant 0 : i32
        %dma_start3A_470 = tpu.memref_slice %arg3[%add3A_462, %dma_start3A_468, %dma_start3A_469] : memref<2688x2x120xi32, #tpu.memory_space<hbm>> -> memref<1x2x120xi32, #tpu.memory_space<hbm>>
        %dma_start3A_471 = tpu.memref_squeeze %dma_start3A_470 : memref<1x2x120xi32, #tpu.memory_space<hbm>> -> memref<2x120xi32, #tpu.memory_space<hbm>>
        %dma_start3A_472 = arith.constant 0 : i32
        %dma_start3A_473 = arith.constant 0 : i32
        %dma_start3A_474 = tpu.memref_slice %arg5[%dma_start3A_463, %dma_start3A_472, %dma_start3A_473] : memref<6x2x120xi32, #tpu.memory_space<vmem>> -> memref<1x2x120xi32, #tpu.memory_space<vmem>>
        %dma_start3A_475 = tpu.memref_squeeze %dma_start3A_474 : memref<1x2x120xi32, #tpu.memory_space<vmem>> -> memref<2x120xi32, #tpu.memory_space<vmem>>
        %dma_start3A_476 = arith.constant 0 : i32
        %dma_start3A_477 = arith.constant 0 : i32
        %dma_start3A_478 = tpu.memref_slice %arg3[%add3A_462, %dma_start3A_476, %dma_start3A_477] : memref<2688x2x120xi32, #tpu.memory_space<hbm>> -> memref<1x2x120xi32, #tpu.memory_space<hbm>>
        %dma_start3A_479 = tpu.memref_squeeze %dma_start3A_478 : memref<1x2x120xi32, #tpu.memory_space<hbm>> -> memref<2x120xi32, #tpu.memory_space<hbm>>
        tpu.enqueue_dma source(%dma_start3A_479 : memref<2x120xi32, #tpu.memory_space<hbm>>) target(%dma_start3A_475 : memref<2x120xi32, #tpu.memory_space<vmem>>) target_semaphore(%arg19 : memref<!tpu.dma_semaphore, #tpu.memory_space<semaphore_mem>>)
      } else {
      }
      %add3A_292 = arith.constant 2 : i32
      %add3A_293 = arith.addi %mul3A_210, %add3A_292 : i32
      %dma_wait3A_294 = arith.constant 2 : i32
      %dma_wait3A_295 = arith.constant 0 : i32
      %dma_wait3A_296 = arith.constant 2 : i32
      %dma_wait3A_297 = arith.constant 0 : i32
      %dma_wait3A_298 = arith.constant 0 : i32
      %dma_wait3A_299 = tpu.memref_slice %arg6[%dma_wait3A_296, %dma_wait3A_297, %dma_wait3A_298] : memref<3x120x128xf32, #tpu.memory_space<vmem>> -> memref<1x120x128xf32, #tpu.memory_space<vmem>>
      %dma_wait3A_300 = tpu.memref_squeeze %dma_wait3A_299 : memref<1x120x128xf32, #tpu.memory_space<vmem>> -> memref<120x128xf32, #tpu.memory_space<vmem>>
      %dma_wait3A_301 = arith.constant 0 : i32
      %dma_wait3A_302 = tpu.memref_slice %arg5[%dma_wait3A_294, %dma_wait3A_295, %dma_wait3A_301] : memref<6x2x120xi32, #tpu.memory_space<vmem>> -> memref<1x1x120xi32, #tpu.memory_space<vmem>>
      %dma_wait3A_303 = tpu.memref_squeeze %dma_wait3A_302 : memref<1x1x120xi32, #tpu.memory_space<vmem>> -> memref<120xi32, #tpu.memory_space<vmem>>
      %dma_wait3A_304 = arith.constant 0 : i32
      %dma_wait3A_305 = arith.constant 0 : i32
      %dma_wait3A_306 = tpu.memref_slice %arg2[%dma_wait3A_304, %dma_wait3A_305] : memref<10240x128xf32, #tpu.memory_space<hbm>> -> memref<10240x128xf32, #tpu.memory_space<hbm>>
      tpu.wait_indirect_dma semaphore(%arg10 : memref<!tpu.dma_semaphore, #tpu.memory_space<semaphore_mem>>) src(%dma_wait3A_306 : memref<10240x128xf32, #tpu.memory_space<hbm>>) dst(%dma_wait3A_300 : memref<120x128xf32, #tpu.memory_space<vmem>>)
      %dma_start3A_307 = arith.constant 2 : i32
      %dma_start3A_308 = arith.constant 2 : i32
      %dma_start3A_309 = arith.constant 1 : i32
      %dma_start3A_310 = arith.constant 0 : i32
      %dma_start3A_311 = arith.constant 0 : i32
      %dma_start3A_312 = tpu.memref_slice %arg6[%dma_start3A_307, %dma_start3A_310, %dma_start3A_311] : memref<3x120x128xf32, #tpu.memory_space<vmem>> -> memref<1x120x128xf32, #tpu.memory_space<vmem>>
      %dma_start3A_313 = tpu.memref_squeeze %dma_start3A_312 : memref<1x120x128xf32, #tpu.memory_space<vmem>> -> memref<120x128xf32, #tpu.memory_space<vmem>>
      %dma_start3A_314 = arith.constant 0 : i32
      %dma_start3A_315 = tpu.memref_slice %arg5[%dma_start3A_308, %dma_start3A_309, %dma_start3A_314] : memref<6x2x120xi32, #tpu.memory_space<vmem>> -> memref<1x1x120xi32, #tpu.memory_space<vmem>>
      %dma_start3A_316 = tpu.memref_squeeze %dma_start3A_315 : memref<1x1x120xi32, #tpu.memory_space<vmem>> -> memref<120xi32, #tpu.memory_space<vmem>>
      %dma_start3A_317 = arith.constant 0 : i32
      %dma_start3A_318 = arith.constant 0 : i32
      %dma_start3A_319 = tpu.memref_slice %arg7[%dma_start3A_317, %dma_start3A_318] : memref<10240x128xf32, #tpu.memory_space<vmem_shared>> -> memref<10240x128xf32, #tpu.memory_space<vmem_shared>>
      tpu.enqueue_indirect_dma source(%dma_start3A_313 : memref<120x128xf32, #tpu.memory_space<vmem>>) target(%dma_start3A_319 : memref<10240x128xf32, #tpu.memory_space<vmem_shared>>) offsets(%dma_start3A_316 : memref<120xi32, #tpu.memory_space<vmem>>) semaphore(%arg13 : memref<!tpu.dma_semaphore, #tpu.memory_space<semaphore_mem>>) {add = true}
      %add3A_320 = arith.constant 2 : i32
      %add3A_321 = arith.addi %add3A_293, %add3A_320 : i32
      %lt3A_322 = arith.constant 84 : i32
      %lt3A_323 = arith.cmpi slt, %add3A_321, %lt3A_322 : i32
      %convert_element_type3A_324 = arith.extui %lt3A_323 : i1 to i32
      %cond3A_325 = arith.constant 0 : i32
      %cond3A_326 = arith.cmpi ne, %convert_element_type3A_324, %cond3A_325 : i32
      scf.if %cond3A_326 {
        %ge3A = arith.constant 1 : i32
        %ge3A_460 = arith.cmpi sge, %add3A_293, %ge3A : i32
        %convert_element_type3A_461 = arith.extui %ge3A_460 : i1 to i32
        %cond3A_462 = arith.constant 0 : i32
        %cond3A_463 = arith.cmpi ne, %convert_element_type3A_461, %cond3A_462 : i32
        scf.if %cond3A_463 {
          %dma_wait3A_497 = arith.constant 1 : i32
          %dma_wait3A_498 = arith.constant 2 : i32
          %dma_wait3A_499 = arith.constant 1 : i32
          %dma_wait3A_500 = arith.constant 0 : i32
          %dma_wait3A_501 = arith.constant 0 : i32
          %dma_wait3A_502 = tpu.memref_slice %arg6[%dma_wait3A_497, %dma_wait3A_500, %dma_wait3A_501] : memref<3x120x128xf32, #tpu.memory_space<vmem>> -> memref<1x120x128xf32, #tpu.memory_space<vmem>>
          %dma_wait3A_503 = tpu.memref_squeeze %dma_wait3A_502 : memref<1x120x128xf32, #tpu.memory_space<vmem>> -> memref<120x128xf32, #tpu.memory_space<vmem>>
          %dma_wait3A_504 = arith.constant 0 : i32
          %dma_wait3A_505 = tpu.memref_slice %arg5[%dma_wait3A_498, %dma_wait3A_499, %dma_wait3A_504] : memref<6x2x120xi32, #tpu.memory_space<vmem>> -> memref<1x1x120xi32, #tpu.memory_space<vmem>>
          %dma_wait3A_506 = tpu.memref_squeeze %dma_wait3A_505 : memref<1x1x120xi32, #tpu.memory_space<vmem>> -> memref<120xi32, #tpu.memory_space<vmem>>
          %dma_wait3A_507 = arith.constant 0 : i32
          %dma_wait3A_508 = arith.constant 0 : i32
          %dma_wait3A_509 = tpu.memref_slice %arg7[%dma_wait3A_507, %dma_wait3A_508] : memref<10240x128xf32, #tpu.memory_space<vmem_shared>> -> memref<10240x128xf32, #tpu.memory_space<vmem_shared>>
          tpu.wait_indirect_dma semaphore(%arg12 : memref<!tpu.dma_semaphore, #tpu.memory_space<semaphore_mem>>) src(%dma_wait3A_503 : memref<120x128xf32, #tpu.memory_space<vmem>>) dst(%dma_wait3A_509 : memref<10240x128xf32, #tpu.memory_space<vmem_shared>>)
        } else {
        }
        %add3A_464 = arith.addi %mul3A_2, %add3A_293 : i32
        %add3A_465 = arith.constant 2 : i32
        %add3A_466 = arith.addi %add3A_464, %add3A_465 : i32
        %dma_wait3A_467 = arith.constant 4 : i32
        %dma_wait3A_468 = arith.constant 0 : i32
        %dma_wait3A_469 = arith.constant 0 : i32
        %dma_wait3A_470 = tpu.memref_slice %arg5[%dma_wait3A_467, %dma_wait3A_468, %dma_wait3A_469] : memref<6x2x120xi32, #tpu.memory_space<vmem>> -> memref<1x2x120xi32, #tpu.memory_space<vmem>>
        %dma_wait3A_471 = tpu.memref_squeeze %dma_wait3A_470 : memref<1x2x120xi32, #tpu.memory_space<vmem>> -> memref<2x120xi32, #tpu.memory_space<vmem>>
        %dma_wait3A_472 = arith.constant 0 : i32
        %dma_wait3A_473 = arith.constant 0 : i32
        %dma_wait3A_474 = tpu.memref_slice %arg3[%add3A_466, %dma_wait3A_472, %dma_wait3A_473] : memref<2688x2x120xi32, #tpu.memory_space<hbm>> -> memref<1x2x120xi32, #tpu.memory_space<hbm>>
        %dma_wait3A_475 = tpu.memref_squeeze %dma_wait3A_474 : memref<1x2x120xi32, #tpu.memory_space<hbm>> -> memref<2x120xi32, #tpu.memory_space<hbm>>
        %dma_wait3A_476 = arith.constant 0 : i32
        %dma_wait3A_477 = arith.constant 0 : i32
        %dma_wait3A_478 = tpu.memref_slice %arg5[%dma_wait3A_467, %dma_wait3A_476, %dma_wait3A_477] : memref<6x2x120xi32, #tpu.memory_space<vmem>> -> memref<1x2x120xi32, #tpu.memory_space<vmem>>
        %dma_wait3A_479 = tpu.memref_squeeze %dma_wait3A_478 : memref<1x2x120xi32, #tpu.memory_space<vmem>> -> memref<2x120xi32, #tpu.memory_space<vmem>>
        %dma_wait3A_480 = arith.constant 0 : i32
        %dma_wait3A_481 = arith.constant 0 : i32
        %dma_wait3A_482 = tpu.memref_slice %arg3[%add3A_466, %dma_wait3A_480, %dma_wait3A_481] : memref<2688x2x120xi32, #tpu.memory_space<hbm>> -> memref<1x2x120xi32, #tpu.memory_space<hbm>>
        %dma_wait3A_483 = tpu.memref_squeeze %dma_wait3A_482 : memref<1x2x120xi32, #tpu.memory_space<hbm>> -> memref<2x120xi32, #tpu.memory_space<hbm>>
        tpu.wait_dma2 semaphore(%arg18 : memref<!tpu.dma_semaphore, #tpu.memory_space<semaphore_mem>>) src(%dma_wait3A_483 : memref<2x120xi32, #tpu.memory_space<hbm>>) dst(%dma_wait3A_479 : memref<2x120xi32, #tpu.memory_space<vmem>>)
        %dma_start3A_484 = arith.constant 4 : i32
        %dma_start3A_485 = arith.constant 0 : i32
        %dma_start3A_486 = arith.constant 1 : i32
        %dma_start3A_487 = arith.constant 0 : i32
        %dma_start3A_488 = arith.constant 0 : i32
        %dma_start3A_489 = tpu.memref_slice %arg6[%dma_start3A_486, %dma_start3A_487, %dma_start3A_488] : memref<3x120x128xf32, #tpu.memory_space<vmem>> -> memref<1x120x128xf32, #tpu.memory_space<vmem>>
        %dma_start3A_490 = tpu.memref_squeeze %dma_start3A_489 : memref<1x120x128xf32, #tpu.memory_space<vmem>> -> memref<120x128xf32, #tpu.memory_space<vmem>>
        %dma_start3A_491 = arith.constant 0 : i32
        %dma_start3A_492 = tpu.memref_slice %arg5[%dma_start3A_484, %dma_start3A_485, %dma_start3A_491] : memref<6x2x120xi32, #tpu.memory_space<vmem>> -> memref<1x1x120xi32, #tpu.memory_space<vmem>>
        %dma_start3A_493 = tpu.memref_squeeze %dma_start3A_492 : memref<1x1x120xi32, #tpu.memory_space<vmem>> -> memref<120xi32, #tpu.memory_space<vmem>>
        %dma_start3A_494 = arith.constant 0 : i32
        %dma_start3A_495 = arith.constant 0 : i32
        %dma_start3A_496 = tpu.memref_slice %arg2[%dma_start3A_494, %dma_start3A_495] : memref<10240x128xf32, #tpu.memory_space<hbm>> -> memref<10240x128xf32, #tpu.memory_space<hbm>>
        tpu.enqueue_indirect_dma source(%dma_start3A_496 : memref<10240x128xf32, #tpu.memory_space<hbm>>) target(%dma_start3A_490 : memref<120x128xf32, #tpu.memory_space<vmem>>) offsets(%dma_start3A_493 : memref<120xi32, #tpu.memory_space<vmem>>) semaphore(%arg9 : memref<!tpu.dma_semaphore, #tpu.memory_space<semaphore_mem>>)
      } else {
      }
      %add3A_327 = arith.constant 4 : i32
      %add3A_328 = arith.addi %add3A_293, %add3A_327 : i32
      %lt3A_329 = arith.constant 84 : i32
      %lt3A_330 = arith.cmpi slt, %add3A_328, %lt3A_329 : i32
      %convert_element_type3A_331 = arith.extui %lt3A_330 : i1 to i32
      %cond3A_332 = arith.constant 0 : i32
      %cond3A_333 = arith.cmpi ne, %convert_element_type3A_331, %cond3A_332 : i32
      scf.if %cond3A_333 {
        %add3A_460 = arith.addi %mul3A_2, %add3A_293 : i32
        %add3A_461 = arith.constant 4 : i32
        %add3A_462 = arith.addi %add3A_460, %add3A_461 : i32
        %dma_start3A_463 = arith.constant 0 : i32
        %dma_start3A_464 = arith.constant 0 : i32
        %dma_start3A_465 = arith.constant 0 : i32
        %dma_start3A_466 = tpu.memref_slice %arg5[%dma_start3A_463, %dma_start3A_464, %dma_start3A_465] : memref<6x2x120xi32, #tpu.memory_space<vmem>> -> memref<1x2x120xi32, #tpu.memory_space<vmem>>
        %dma_start3A_467 = tpu.memref_squeeze %dma_start3A_466 : memref<1x2x120xi32, #tpu.memory_space<vmem>> -> memref<2x120xi32, #tpu.memory_space<vmem>>
        %dma_start3A_468 = arith.constant 0 : i32
        %dma_start3A_469 = arith.constant 0 : i32
        %dma_start3A_470 = tpu.memref_slice %arg3[%add3A_462, %dma_start3A_468, %dma_start3A_469] : memref<2688x2x120xi32, #tpu.memory_space<hbm>> -> memref<1x2x120xi32, #tpu.memory_space<hbm>>
        %dma_start3A_471 = tpu.memref_squeeze %dma_start3A_470 : memref<1x2x120xi32, #tpu.memory_space<hbm>> -> memref<2x120xi32, #tpu.memory_space<hbm>>
        %dma_start3A_472 = arith.constant 0 : i32
        %dma_start3A_473 = arith.constant 0 : i32
        %dma_start3A_474 = tpu.memref_slice %arg5[%dma_start3A_463, %dma_start3A_472, %dma_start3A_473] : memref<6x2x120xi32, #tpu.memory_space<vmem>> -> memref<1x2x120xi32, #tpu.memory_space<vmem>>
        %dma_start3A_475 = tpu.memref_squeeze %dma_start3A_474 : memref<1x2x120xi32, #tpu.memory_space<vmem>> -> memref<2x120xi32, #tpu.memory_space<vmem>>
        %dma_start3A_476 = arith.constant 0 : i32
        %dma_start3A_477 = arith.constant 0 : i32
        %dma_start3A_478 = tpu.memref_slice %arg3[%add3A_462, %dma_start3A_476, %dma_start3A_477] : memref<2688x2x120xi32, #tpu.memory_space<hbm>> -> memref<1x2x120xi32, #tpu.memory_space<hbm>>
        %dma_start3A_479 = tpu.memref_squeeze %dma_start3A_478 : memref<1x2x120xi32, #tpu.memory_space<hbm>> -> memref<2x120xi32, #tpu.memory_space<hbm>>
        tpu.enqueue_dma source(%dma_start3A_479 : memref<2x120xi32, #tpu.memory_space<hbm>>) target(%dma_start3A_475 : memref<2x120xi32, #tpu.memory_space<vmem>>) target_semaphore(%arg14 : memref<!tpu.dma_semaphore, #tpu.memory_space<semaphore_mem>>)
      } else {
      }
      %add3A_334 = arith.constant 3 : i32
      %add3A_335 = arith.addi %mul3A_210, %add3A_334 : i32
      %dma_wait3A_336 = arith.constant 3 : i32
      %dma_wait3A_337 = arith.constant 0 : i32
      %dma_wait3A_338 = arith.constant 0 : i32
      %dma_wait3A_339 = arith.constant 0 : i32
      %dma_wait3A_340 = arith.constant 0 : i32
      %dma_wait3A_341 = tpu.memref_slice %arg6[%dma_wait3A_338, %dma_wait3A_339, %dma_wait3A_340] : memref<3x120x128xf32, #tpu.memory_space<vmem>> -> memref<1x120x128xf32, #tpu.memory_space<vmem>>
      %dma_wait3A_342 = tpu.memref_squeeze %dma_wait3A_341 : memref<1x120x128xf32, #tpu.memory_space<vmem>> -> memref<120x128xf32, #tpu.memory_space<vmem>>
      %dma_wait3A_343 = arith.constant 0 : i32
      %dma_wait3A_344 = tpu.memref_slice %arg5[%dma_wait3A_336, %dma_wait3A_337, %dma_wait3A_343] : memref<6x2x120xi32, #tpu.memory_space<vmem>> -> memref<1x1x120xi32, #tpu.memory_space<vmem>>
      %dma_wait3A_345 = tpu.memref_squeeze %dma_wait3A_344 : memref<1x1x120xi32, #tpu.memory_space<vmem>> -> memref<120xi32, #tpu.memory_space<vmem>>
      %dma_wait3A_346 = arith.constant 0 : i32
      %dma_wait3A_347 = arith.constant 0 : i32
      %dma_wait3A_348 = tpu.memref_slice %arg2[%dma_wait3A_346, %dma_wait3A_347] : memref<10240x128xf32, #tpu.memory_space<hbm>> -> memref<10240x128xf32, #tpu.memory_space<hbm>>
      tpu.wait_indirect_dma semaphore(%arg8 : memref<!tpu.dma_semaphore, #tpu.memory_space<semaphore_mem>>) src(%dma_wait3A_348 : memref<10240x128xf32, #tpu.memory_space<hbm>>) dst(%dma_wait3A_342 : memref<120x128xf32, #tpu.memory_space<vmem>>)
      %dma_start3A_349 = arith.constant 0 : i32
      %dma_start3A_350 = arith.constant 3 : i32
      %dma_start3A_351 = arith.constant 1 : i32
      %dma_start3A_352 = arith.constant 0 : i32
      %dma_start3A_353 = arith.constant 0 : i32
      %dma_start3A_354 = tpu.memref_slice %arg6[%dma_start3A_349, %dma_start3A_352, %dma_start3A_353] : memref<3x120x128xf32, #tpu.memory_space<vmem>> -> memref<1x120x128xf32, #tpu.memory_space<vmem>>
      %dma_start3A_355 = tpu.memref_squeeze %dma_start3A_354 : memref<1x120x128xf32, #tpu.memory_space<vmem>> -> memref<120x128xf32, #tpu.memory_space<vmem>>
      %dma_start3A_356 = arith.constant 0 : i32
      %dma_start3A_357 = tpu.memref_slice %arg5[%dma_start3A_350, %dma_start3A_351, %dma_start3A_356] : memref<6x2x120xi32, #tpu.memory_space<vmem>> -> memref<1x1x120xi32, #tpu.memory_space<vmem>>
      %dma_start3A_358 = tpu.memref_squeeze %dma_start3A_357 : memref<1x1x120xi32, #tpu.memory_space<vmem>> -> memref<120xi32, #tpu.memory_space<vmem>>
      %dma_start3A_359 = arith.constant 0 : i32
      %dma_start3A_360 = arith.constant 0 : i32
      %dma_start3A_361 = tpu.memref_slice %arg7[%dma_start3A_359, %dma_start3A_360] : memref<10240x128xf32, #tpu.memory_space<vmem_shared>> -> memref<10240x128xf32, #tpu.memory_space<vmem_shared>>
      tpu.enqueue_indirect_dma source(%dma_start3A_355 : memref<120x128xf32, #tpu.memory_space<vmem>>) target(%dma_start3A_361 : memref<10240x128xf32, #tpu.memory_space<vmem_shared>>) offsets(%dma_start3A_358 : memref<120xi32, #tpu.memory_space<vmem>>) semaphore(%arg11 : memref<!tpu.dma_semaphore, #tpu.memory_space<semaphore_mem>>) {add = true}
      %add3A_362 = arith.constant 2 : i32
      %add3A_363 = arith.addi %add3A_335, %add3A_362 : i32
      %lt3A_364 = arith.constant 84 : i32
      %lt3A_365 = arith.cmpi slt, %add3A_363, %lt3A_364 : i32
      %convert_element_type3A_366 = arith.extui %lt3A_365 : i1 to i32
      %cond3A_367 = arith.constant 0 : i32
      %cond3A_368 = arith.cmpi ne, %convert_element_type3A_366, %cond3A_367 : i32
      scf.if %cond3A_368 {
        %ge3A = arith.constant 1 : i32
        %ge3A_460 = arith.cmpi sge, %add3A_335, %ge3A : i32
        %convert_element_type3A_461 = arith.extui %ge3A_460 : i1 to i32
        %cond3A_462 = arith.constant 0 : i32
        %cond3A_463 = arith.cmpi ne, %convert_element_type3A_461, %cond3A_462 : i32
        scf.if %cond3A_463 {
          %dma_wait3A_497 = arith.constant 2 : i32
          %dma_wait3A_498 = arith.constant 3 : i32
          %dma_wait3A_499 = arith.constant 1 : i32
          %dma_wait3A_500 = arith.constant 0 : i32
          %dma_wait3A_501 = arith.constant 0 : i32
          %dma_wait3A_502 = tpu.memref_slice %arg6[%dma_wait3A_497, %dma_wait3A_500, %dma_wait3A_501] : memref<3x120x128xf32, #tpu.memory_space<vmem>> -> memref<1x120x128xf32, #tpu.memory_space<vmem>>
          %dma_wait3A_503 = tpu.memref_squeeze %dma_wait3A_502 : memref<1x120x128xf32, #tpu.memory_space<vmem>> -> memref<120x128xf32, #tpu.memory_space<vmem>>
          %dma_wait3A_504 = arith.constant 0 : i32
          %dma_wait3A_505 = tpu.memref_slice %arg5[%dma_wait3A_498, %dma_wait3A_499, %dma_wait3A_504] : memref<6x2x120xi32, #tpu.memory_space<vmem>> -> memref<1x1x120xi32, #tpu.memory_space<vmem>>
          %dma_wait3A_506 = tpu.memref_squeeze %dma_wait3A_505 : memref<1x1x120xi32, #tpu.memory_space<vmem>> -> memref<120xi32, #tpu.memory_space<vmem>>
          %dma_wait3A_507 = arith.constant 0 : i32
          %dma_wait3A_508 = arith.constant 0 : i32
          %dma_wait3A_509 = tpu.memref_slice %arg7[%dma_wait3A_507, %dma_wait3A_508] : memref<10240x128xf32, #tpu.memory_space<vmem_shared>> -> memref<10240x128xf32, #tpu.memory_space<vmem_shared>>
          tpu.wait_indirect_dma semaphore(%arg13 : memref<!tpu.dma_semaphore, #tpu.memory_space<semaphore_mem>>) src(%dma_wait3A_503 : memref<120x128xf32, #tpu.memory_space<vmem>>) dst(%dma_wait3A_509 : memref<10240x128xf32, #tpu.memory_space<vmem_shared>>)
        } else {
        }
        %add3A_464 = arith.addi %mul3A_2, %add3A_335 : i32
        %add3A_465 = arith.constant 2 : i32
        %add3A_466 = arith.addi %add3A_464, %add3A_465 : i32
        %dma_wait3A_467 = arith.constant 5 : i32
        %dma_wait3A_468 = arith.constant 0 : i32
        %dma_wait3A_469 = arith.constant 0 : i32
        %dma_wait3A_470 = tpu.memref_slice %arg5[%dma_wait3A_467, %dma_wait3A_468, %dma_wait3A_469] : memref<6x2x120xi32, #tpu.memory_space<vmem>> -> memref<1x2x120xi32, #tpu.memory_space<vmem>>
        %dma_wait3A_471 = tpu.memref_squeeze %dma_wait3A_470 : memref<1x2x120xi32, #tpu.memory_space<vmem>> -> memref<2x120xi32, #tpu.memory_space<vmem>>
        %dma_wait3A_472 = arith.constant 0 : i32
        %dma_wait3A_473 = arith.constant 0 : i32
        %dma_wait3A_474 = tpu.memref_slice %arg3[%add3A_466, %dma_wait3A_472, %dma_wait3A_473] : memref<2688x2x120xi32, #tpu.memory_space<hbm>> -> memref<1x2x120xi32, #tpu.memory_space<hbm>>
        %dma_wait3A_475 = tpu.memref_squeeze %dma_wait3A_474 : memref<1x2x120xi32, #tpu.memory_space<hbm>> -> memref<2x120xi32, #tpu.memory_space<hbm>>
        %dma_wait3A_476 = arith.constant 0 : i32
        %dma_wait3A_477 = arith.constant 0 : i32
        %dma_wait3A_478 = tpu.memref_slice %arg5[%dma_wait3A_467, %dma_wait3A_476, %dma_wait3A_477] : memref<6x2x120xi32, #tpu.memory_space<vmem>> -> memref<1x2x120xi32, #tpu.memory_space<vmem>>
        %dma_wait3A_479 = tpu.memref_squeeze %dma_wait3A_478 : memref<1x2x120xi32, #tpu.memory_space<vmem>> -> memref<2x120xi32, #tpu.memory_space<vmem>>
        %dma_wait3A_480 = arith.constant 0 : i32
        %dma_wait3A_481 = arith.constant 0 : i32
        %dma_wait3A_482 = tpu.memref_slice %arg3[%add3A_466, %dma_wait3A_480, %dma_wait3A_481] : memref<2688x2x120xi32, #tpu.memory_space<hbm>> -> memref<1x2x120xi32, #tpu.memory_space<hbm>>
        %dma_wait3A_483 = tpu.memref_squeeze %dma_wait3A_482 : memref<1x2x120xi32, #tpu.memory_space<hbm>> -> memref<2x120xi32, #tpu.memory_space<hbm>>
        tpu.wait_dma2 semaphore(%arg19 : memref<!tpu.dma_semaphore, #tpu.memory_space<semaphore_mem>>) src(%dma_wait3A_483 : memref<2x120xi32, #tpu.memory_space<hbm>>) dst(%dma_wait3A_479 : memref<2x120xi32, #tpu.memory_space<vmem>>)
        %dma_start3A_484 = arith.constant 5 : i32
        %dma_start3A_485 = arith.constant 0 : i32
        %dma_start3A_486 = arith.constant 2 : i32
        %dma_start3A_487 = arith.constant 0 : i32
        %dma_start3A_488 = arith.constant 0 : i32
        %dma_start3A_489 = tpu.memref_slice %arg6[%dma_start3A_486, %dma_start3A_487, %dma_start3A_488] : memref<3x120x128xf32, #tpu.memory_space<vmem>> -> memref<1x120x128xf32, #tpu.memory_space<vmem>>
        %dma_start3A_490 = tpu.memref_squeeze %dma_start3A_489 : memref<1x120x128xf32, #tpu.memory_space<vmem>> -> memref<120x128xf32, #tpu.memory_space<vmem>>
        %dma_start3A_491 = arith.constant 0 : i32
        %dma_start3A_492 = tpu.memref_slice %arg5[%dma_start3A_484, %dma_start3A_485, %dma_start3A_491] : memref<6x2x120xi32, #tpu.memory_space<vmem>> -> memref<1x1x120xi32, #tpu.memory_space<vmem>>
        %dma_start3A_493 = tpu.memref_squeeze %dma_start3A_492 : memref<1x1x120xi32, #tpu.memory_space<vmem>> -> memref<120xi32, #tpu.memory_space<vmem>>
        %dma_start3A_494 = arith.constant 0 : i32
        %dma_start3A_495 = arith.constant 0 : i32
        %dma_start3A_496 = tpu.memref_slice %arg2[%dma_start3A_494, %dma_start3A_495] : memref<10240x128xf32, #tpu.memory_space<hbm>> -> memref<10240x128xf32, #tpu.memory_space<hbm>>
        tpu.enqueue_indirect_dma source(%dma_start3A_496 : memref<10240x128xf32, #tpu.memory_space<hbm>>) target(%dma_start3A_490 : memref<120x128xf32, #tpu.memory_space<vmem>>) offsets(%dma_start3A_493 : memref<120xi32, #tpu.memory_space<vmem>>) semaphore(%arg10 : memref<!tpu.dma_semaphore, #tpu.memory_space<semaphore_mem>>)
      } else {
      }
      %add3A_369 = arith.constant 4 : i32
      %add3A_370 = arith.addi %add3A_335, %add3A_369 : i32
      %lt3A_371 = arith.constant 84 : i32
      %lt3A_372 = arith.cmpi slt, %add3A_370, %lt3A_371 : i32
      %convert_element_type3A_373 = arith.extui %lt3A_372 : i1 to i32
      %cond3A_374 = arith.constant 0 : i32
      %cond3A_375 = arith.cmpi ne, %convert_element_type3A_373, %cond3A_374 : i32
      scf.if %cond3A_375 {
        %add3A_460 = arith.addi %mul3A_2, %add3A_335 : i32
        %add3A_461 = arith.constant 4 : i32
        %add3A_462 = arith.addi %add3A_460, %add3A_461 : i32
        %dma_start3A_463 = arith.constant 1 : i32
        %dma_start3A_464 = arith.constant 0 : i32
        %dma_start3A_465 = arith.constant 0 : i32
        %dma_start3A_466 = tpu.memref_slice %arg5[%dma_start3A_463, %dma_start3A_464, %dma_start3A_465] : memref<6x2x120xi32, #tpu.memory_space<vmem>> -> memref<1x2x120xi32, #tpu.memory_space<vmem>>
        %dma_start3A_467 = tpu.memref_squeeze %dma_start3A_466 : memref<1x2x120xi32, #tpu.memory_space<vmem>> -> memref<2x120xi32, #tpu.memory_space<vmem>>
        %dma_start3A_468 = arith.constant 0 : i32
        %dma_start3A_469 = arith.constant 0 : i32
        %dma_start3A_470 = tpu.memref_slice %arg3[%add3A_462, %dma_start3A_468, %dma_start3A_469] : memref<2688x2x120xi32, #tpu.memory_space<hbm>> -> memref<1x2x120xi32, #tpu.memory_space<hbm>>
        %dma_start3A_471 = tpu.memref_squeeze %dma_start3A_470 : memref<1x2x120xi32, #tpu.memory_space<hbm>> -> memref<2x120xi32, #tpu.memory_space<hbm>>
        %dma_start3A_472 = arith.constant 0 : i32
        %dma_start3A_473 = arith.constant 0 : i32
        %dma_start3A_474 = tpu.memref_slice %arg5[%dma_start3A_463, %dma_start3A_472, %dma_start3A_473] : memref<6x2x120xi32, #tpu.memory_space<vmem>> -> memref<1x2x120xi32, #tpu.memory_space<vmem>>
        %dma_start3A_475 = tpu.memref_squeeze %dma_start3A_474 : memref<1x2x120xi32, #tpu.memory_space<vmem>> -> memref<2x120xi32, #tpu.memory_space<vmem>>
        %dma_start3A_476 = arith.constant 0 : i32
        %dma_start3A_477 = arith.constant 0 : i32
        %dma_start3A_478 = tpu.memref_slice %arg3[%add3A_462, %dma_start3A_476, %dma_start3A_477] : memref<2688x2x120xi32, #tpu.memory_space<hbm>> -> memref<1x2x120xi32, #tpu.memory_space<hbm>>
        %dma_start3A_479 = tpu.memref_squeeze %dma_start3A_478 : memref<1x2x120xi32, #tpu.memory_space<hbm>> -> memref<2x120xi32, #tpu.memory_space<hbm>>
        tpu.enqueue_dma source(%dma_start3A_479 : memref<2x120xi32, #tpu.memory_space<hbm>>) target(%dma_start3A_475 : memref<2x120xi32, #tpu.memory_space<vmem>>) target_semaphore(%arg15 : memref<!tpu.dma_semaphore, #tpu.memory_space<semaphore_mem>>)
      } else {
      }
      %add3A_376 = arith.constant 4 : i32
      %add3A_377 = arith.addi %mul3A_210, %add3A_376 : i32
      %dma_wait3A_378 = arith.constant 4 : i32
      %dma_wait3A_379 = arith.constant 0 : i32
      %dma_wait3A_380 = arith.constant 1 : i32
      %dma_wait3A_381 = arith.constant 0 : i32
      %dma_wait3A_382 = arith.constant 0 : i32
      %dma_wait3A_383 = tpu.memref_slice %arg6[%dma_wait3A_380, %dma_wait3A_381, %dma_wait3A_382] : memref<3x120x128xf32, #tpu.memory_space<vmem>> -> memref<1x120x128xf32, #tpu.memory_space<vmem>>
      %dma_wait3A_384 = tpu.memref_squeeze %dma_wait3A_383 : memref<1x120x128xf32, #tpu.memory_space<vmem>> -> memref<120x128xf32, #tpu.memory_space<vmem>>
      %dma_wait3A_385 = arith.constant 0 : i32
      %dma_wait3A_386 = tpu.memref_slice %arg5[%dma_wait3A_378, %dma_wait3A_379, %dma_wait3A_385] : memref<6x2x120xi32, #tpu.memory_space<vmem>> -> memref<1x1x120xi32, #tpu.memory_space<vmem>>
      %dma_wait3A_387 = tpu.memref_squeeze %dma_wait3A_386 : memref<1x1x120xi32, #tpu.memory_space<vmem>> -> memref<120xi32, #tpu.memory_space<vmem>>
      %dma_wait3A_388 = arith.constant 0 : i32
      %dma_wait3A_389 = arith.constant 0 : i32
      %dma_wait3A_390 = tpu.memref_slice %arg2[%dma_wait3A_388, %dma_wait3A_389] : memref<10240x128xf32, #tpu.memory_space<hbm>> -> memref<10240x128xf32, #tpu.memory_space<hbm>>
      tpu.wait_indirect_dma semaphore(%arg9 : memref<!tpu.dma_semaphore, #tpu.memory_space<semaphore_mem>>) src(%dma_wait3A_390 : memref<10240x128xf32, #tpu.memory_space<hbm>>) dst(%dma_wait3A_384 : memref<120x128xf32, #tpu.memory_space<vmem>>)
      %dma_start3A_391 = arith.constant 1 : i32
      %dma_start3A_392 = arith.constant 4 : i32
      %dma_start3A_393 = arith.constant 1 : i32
      %dma_start3A_394 = arith.constant 0 : i32
      %dma_start3A_395 = arith.constant 0 : i32
      %dma_start3A_396 = tpu.memref_slice %arg6[%dma_start3A_391, %dma_start3A_394, %dma_start3A_395] : memref<3x120x128xf32, #tpu.memory_space<vmem>> -> memref<1x120x128xf32, #tpu.memory_space<vmem>>
      %dma_start3A_397 = tpu.memref_squeeze %dma_start3A_396 : memref<1x120x128xf32, #tpu.memory_space<vmem>> -> memref<120x128xf32, #tpu.memory_space<vmem>>
      %dma_start3A_398 = arith.constant 0 : i32
      %dma_start3A_399 = tpu.memref_slice %arg5[%dma_start3A_392, %dma_start3A_393, %dma_start3A_398] : memref<6x2x120xi32, #tpu.memory_space<vmem>> -> memref<1x1x120xi32, #tpu.memory_space<vmem>>
      %dma_start3A_400 = tpu.memref_squeeze %dma_start3A_399 : memref<1x1x120xi32, #tpu.memory_space<vmem>> -> memref<120xi32, #tpu.memory_space<vmem>>
      %dma_start3A_401 = arith.constant 0 : i32
      %dma_start3A_402 = arith.constant 0 : i32
      %dma_start3A_403 = tpu.memref_slice %arg7[%dma_start3A_401, %dma_start3A_402] : memref<10240x128xf32, #tpu.memory_space<vmem_shared>> -> memref<10240x128xf32, #tpu.memory_space<vmem_shared>>
      tpu.enqueue_indirect_dma source(%dma_start3A_397 : memref<120x128xf32, #tpu.memory_space<vmem>>) target(%dma_start3A_403 : memref<10240x128xf32, #tpu.memory_space<vmem_shared>>) offsets(%dma_start3A_400 : memref<120xi32, #tpu.memory_space<vmem>>) semaphore(%arg12 : memref<!tpu.dma_semaphore, #tpu.memory_space<semaphore_mem>>) {add = true}
      %add3A_404 = arith.constant 2 : i32
      %add3A_405 = arith.addi %add3A_377, %add3A_404 : i32
      %lt3A_406 = arith.constant 84 : i32
      %lt3A_407 = arith.cmpi slt, %add3A_405, %lt3A_406 : i32
      %convert_element_type3A_408 = arith.extui %lt3A_407 : i1 to i32
      %cond3A_409 = arith.constant 0 : i32
      %cond3A_410 = arith.cmpi ne, %convert_element_type3A_408, %cond3A_409 : i32
      scf.if %cond3A_410 {
        %ge3A = arith.constant 1 : i32
        %ge3A_460 = arith.cmpi sge, %add3A_377, %ge3A : i32
        %convert_element_type3A_461 = arith.extui %ge3A_460 : i1 to i32
        %cond3A_462 = arith.constant 0 : i32
        %cond3A_463 = arith.cmpi ne, %convert_element_type3A_461, %cond3A_462 : i32
        scf.if %cond3A_463 {
          %dma_wait3A_497 = arith.constant 0 : i32
          %dma_wait3A_498 = arith.constant 4 : i32
          %dma_wait3A_499 = arith.constant 1 : i32
          %dma_wait3A_500 = arith.constant 0 : i32
          %dma_wait3A_501 = arith.constant 0 : i32
          %dma_wait3A_502 = tpu.memref_slice %arg6[%dma_wait3A_497, %dma_wait3A_500, %dma_wait3A_501] : memref<3x120x128xf32, #tpu.memory_space<vmem>> -> memref<1x120x128xf32, #tpu.memory_space<vmem>>
          %dma_wait3A_503 = tpu.memref_squeeze %dma_wait3A_502 : memref<1x120x128xf32, #tpu.memory_space<vmem>> -> memref<120x128xf32, #tpu.memory_space<vmem>>
          %dma_wait3A_504 = arith.constant 0 : i32
          %dma_wait3A_505 = tpu.memref_slice %arg5[%dma_wait3A_498, %dma_wait3A_499, %dma_wait3A_504] : memref<6x2x120xi32, #tpu.memory_space<vmem>> -> memref<1x1x120xi32, #tpu.memory_space<vmem>>
          %dma_wait3A_506 = tpu.memref_squeeze %dma_wait3A_505 : memref<1x1x120xi32, #tpu.memory_space<vmem>> -> memref<120xi32, #tpu.memory_space<vmem>>
          %dma_wait3A_507 = arith.constant 0 : i32
          %dma_wait3A_508 = arith.constant 0 : i32
          %dma_wait3A_509 = tpu.memref_slice %arg7[%dma_wait3A_507, %dma_wait3A_508] : memref<10240x128xf32, #tpu.memory_space<vmem_shared>> -> memref<10240x128xf32, #tpu.memory_space<vmem_shared>>
          tpu.wait_indirect_dma semaphore(%arg11 : memref<!tpu.dma_semaphore, #tpu.memory_space<semaphore_mem>>) src(%dma_wait3A_503 : memref<120x128xf32, #tpu.memory_space<vmem>>) dst(%dma_wait3A_509 : memref<10240x128xf32, #tpu.memory_space<vmem_shared>>)
        } else {
        }
        %add3A_464 = arith.addi %mul3A_2, %add3A_377 : i32
        %add3A_465 = arith.constant 2 : i32
        %add3A_466 = arith.addi %add3A_464, %add3A_465 : i32
        %dma_wait3A_467 = arith.constant 0 : i32
        %dma_wait3A_468 = arith.constant 0 : i32
        %dma_wait3A_469 = arith.constant 0 : i32
        %dma_wait3A_470 = tpu.memref_slice %arg5[%dma_wait3A_467, %dma_wait3A_468, %dma_wait3A_469] : memref<6x2x120xi32, #tpu.memory_space<vmem>> -> memref<1x2x120xi32, #tpu.memory_space<vmem>>
        %dma_wait3A_471 = tpu.memref_squeeze %dma_wait3A_470 : memref<1x2x120xi32, #tpu.memory_space<vmem>> -> memref<2x120xi32, #tpu.memory_space<vmem>>
        %dma_wait3A_472 = arith.constant 0 : i32
        %dma_wait3A_473 = arith.constant 0 : i32
        %dma_wait3A_474 = tpu.memref_slice %arg3[%add3A_466, %dma_wait3A_472, %dma_wait3A_473] : memref<2688x2x120xi32, #tpu.memory_space<hbm>> -> memref<1x2x120xi32, #tpu.memory_space<hbm>>
        %dma_wait3A_475 = tpu.memref_squeeze %dma_wait3A_474 : memref<1x2x120xi32, #tpu.memory_space<hbm>> -> memref<2x120xi32, #tpu.memory_space<hbm>>
        %dma_wait3A_476 = arith.constant 0 : i32
        %dma_wait3A_477 = arith.constant 0 : i32
        %dma_wait3A_478 = tpu.memref_slice %arg5[%dma_wait3A_467, %dma_wait3A_476, %dma_wait3A_477] : memref<6x2x120xi32, #tpu.memory_space<vmem>> -> memref<1x2x120xi32, #tpu.memory_space<vmem>>
        %dma_wait3A_479 = tpu.memref_squeeze %dma_wait3A_478 : memref<1x2x120xi32, #tpu.memory_space<vmem>> -> memref<2x120xi32, #tpu.memory_space<vmem>>
        %dma_wait3A_480 = arith.constant 0 : i32
        %dma_wait3A_481 = arith.constant 0 : i32
        %dma_wait3A_482 = tpu.memref_slice %arg3[%add3A_466, %dma_wait3A_480, %dma_wait3A_481] : memref<2688x2x120xi32, #tpu.memory_space<hbm>> -> memref<1x2x120xi32, #tpu.memory_space<hbm>>
        %dma_wait3A_483 = tpu.memref_squeeze %dma_wait3A_482 : memref<1x2x120xi32, #tpu.memory_space<hbm>> -> memref<2x120xi32, #tpu.memory_space<hbm>>
        tpu.wait_dma2 semaphore(%arg14 : memref<!tpu.dma_semaphore, #tpu.memory_space<semaphore_mem>>) src(%dma_wait3A_483 : memref<2x120xi32, #tpu.memory_space<hbm>>) dst(%dma_wait3A_479 : memref<2x120xi32, #tpu.memory_space<vmem>>)
        %dma_start3A_484 = arith.constant 0 : i32
        %dma_start3A_485 = arith.constant 0 : i32
        %dma_start3A_486 = arith.constant 0 : i32
        %dma_start3A_487 = arith.constant 0 : i32
        %dma_start3A_488 = arith.constant 0 : i32
        %dma_start3A_489 = tpu.memref_slice %arg6[%dma_start3A_486, %dma_start3A_487, %dma_start3A_488] : memref<3x120x128xf32, #tpu.memory_space<vmem>> -> memref<1x120x128xf32, #tpu.memory_space<vmem>>
        %dma_start3A_490 = tpu.memref_squeeze %dma_start3A_489 : memref<1x120x128xf32, #tpu.memory_space<vmem>> -> memref<120x128xf32, #tpu.memory_space<vmem>>
        %dma_start3A_491 = arith.constant 0 : i32
        %dma_start3A_492 = tpu.memref_slice %arg5[%dma_start3A_484, %dma_start3A_485, %dma_start3A_491] : memref<6x2x120xi32, #tpu.memory_space<vmem>> -> memref<1x1x120xi32, #tpu.memory_space<vmem>>
        %dma_start3A_493 = tpu.memref_squeeze %dma_start3A_492 : memref<1x1x120xi32, #tpu.memory_space<vmem>> -> memref<120xi32, #tpu.memory_space<vmem>>
        %dma_start3A_494 = arith.constant 0 : i32
        %dma_start3A_495 = arith.constant 0 : i32
        %dma_start3A_496 = tpu.memref_slice %arg2[%dma_start3A_494, %dma_start3A_495] : memref<10240x128xf32, #tpu.memory_space<hbm>> -> memref<10240x128xf32, #tpu.memory_space<hbm>>
        tpu.enqueue_indirect_dma source(%dma_start3A_496 : memref<10240x128xf32, #tpu.memory_space<hbm>>) target(%dma_start3A_490 : memref<120x128xf32, #tpu.memory_space<vmem>>) offsets(%dma_start3A_493 : memref<120xi32, #tpu.memory_space<vmem>>) semaphore(%arg8 : memref<!tpu.dma_semaphore, #tpu.memory_space<semaphore_mem>>)
      } else {
      }
      %add3A_411 = arith.constant 4 : i32
      %add3A_412 = arith.addi %add3A_377, %add3A_411 : i32
      %lt3A_413 = arith.constant 84 : i32
      %lt3A_414 = arith.cmpi slt, %add3A_412, %lt3A_413 : i32
      %convert_element_type3A_415 = arith.extui %lt3A_414 : i1 to i32
      %cond3A_416 = arith.constant 0 : i32
      %cond3A_417 = arith.cmpi ne, %convert_element_type3A_415, %cond3A_416 : i32
      scf.if %cond3A_417 {
        %add3A_460 = arith.addi %mul3A_2, %add3A_377 : i32
        %add3A_461 = arith.constant 4 : i32
        %add3A_462 = arith.addi %add3A_460, %add3A_461 : i32
        %dma_start3A_463 = arith.constant 2 : i32
        %dma_start3A_464 = arith.constant 0 : i32
        %dma_start3A_465 = arith.constant 0 : i32
        %dma_start3A_466 = tpu.memref_slice %arg5[%dma_start3A_463, %dma_start3A_464, %dma_start3A_465] : memref<6x2x120xi32, #tpu.memory_space<vmem>> -> memref<1x2x120xi32, #tpu.memory_space<vmem>>
        %dma_start3A_467 = tpu.memref_squeeze %dma_start3A_466 : memref<1x2x120xi32, #tpu.memory_space<vmem>> -> memref<2x120xi32, #tpu.memory_space<vmem>>
        %dma_start3A_468 = arith.constant 0 : i32
        %dma_start3A_469 = arith.constant 0 : i32
        %dma_start3A_470 = tpu.memref_slice %arg3[%add3A_462, %dma_start3A_468, %dma_start3A_469] : memref<2688x2x120xi32, #tpu.memory_space<hbm>> -> memref<1x2x120xi32, #tpu.memory_space<hbm>>
        %dma_start3A_471 = tpu.memref_squeeze %dma_start3A_470 : memref<1x2x120xi32, #tpu.memory_space<hbm>> -> memref<2x120xi32, #tpu.memory_space<hbm>>
        %dma_start3A_472 = arith.constant 0 : i32
        %dma_start3A_473 = arith.constant 0 : i32
        %dma_start3A_474 = tpu.memref_slice %arg5[%dma_start3A_463, %dma_start3A_472, %dma_start3A_473] : memref<6x2x120xi32, #tpu.memory_space<vmem>> -> memref<1x2x120xi32, #tpu.memory_space<vmem>>
        %dma_start3A_475 = tpu.memref_squeeze %dma_start3A_474 : memref<1x2x120xi32, #tpu.memory_space<vmem>> -> memref<2x120xi32, #tpu.memory_space<vmem>>
        %dma_start3A_476 = arith.constant 0 : i32
        %dma_start3A_477 = arith.constant 0 : i32
        %dma_start3A_478 = tpu.memref_slice %arg3[%add3A_462, %dma_start3A_476, %dma_start3A_477] : memref<2688x2x120xi32, #tpu.memory_space<hbm>> -> memref<1x2x120xi32, #tpu.memory_space<hbm>>
        %dma_start3A_479 = tpu.memref_squeeze %dma_start3A_478 : memref<1x2x120xi32, #tpu.memory_space<hbm>> -> memref<2x120xi32, #tpu.memory_space<hbm>>
        tpu.enqueue_dma source(%dma_start3A_479 : memref<2x120xi32, #tpu.memory_space<hbm>>) target(%dma_start3A_475 : memref<2x120xi32, #tpu.memory_space<vmem>>) target_semaphore(%arg16 : memref<!tpu.dma_semaphore, #tpu.memory_space<semaphore_mem>>)
      } else {
      }
      %add3A_418 = arith.constant 5 : i32
      %add3A_419 = arith.addi %mul3A_210, %add3A_418 : i32
      %dma_wait3A_420 = arith.constant 5 : i32
      %dma_wait3A_421 = arith.constant 0 : i32
      %dma_wait3A_422 = arith.constant 2 : i32
      %dma_wait3A_423 = arith.constant 0 : i32
      %dma_wait3A_424 = arith.constant 0 : i32
      %dma_wait3A_425 = tpu.memref_slice %arg6[%dma_wait3A_422, %dma_wait3A_423, %dma_wait3A_424] : memref<3x120x128xf32, #tpu.memory_space<vmem>> -> memref<1x120x128xf32, #tpu.memory_space<vmem>>
      %dma_wait3A_426 = tpu.memref_squeeze %dma_wait3A_425 : memref<1x120x128xf32, #tpu.memory_space<vmem>> -> memref<120x128xf32, #tpu.memory_space<vmem>>
      %dma_wait3A_427 = arith.constant 0 : i32
      %dma_wait3A_428 = tpu.memref_slice %arg5[%dma_wait3A_420, %dma_wait3A_421, %dma_wait3A_427] : memref<6x2x120xi32, #tpu.memory_space<vmem>> -> memref<1x1x120xi32, #tpu.memory_space<vmem>>
      %dma_wait3A_429 = tpu.memref_squeeze %dma_wait3A_428 : memref<1x1x120xi32, #tpu.memory_space<vmem>> -> memref<120xi32, #tpu.memory_space<vmem>>
      %dma_wait3A_430 = arith.constant 0 : i32
      %dma_wait3A_431 = arith.constant 0 : i32
      %dma_wait3A_432 = tpu.memref_slice %arg2[%dma_wait3A_430, %dma_wait3A_431] : memref<10240x128xf32, #tpu.memory_space<hbm>> -> memref<10240x128xf32, #tpu.memory_space<hbm>>
      tpu.wait_indirect_dma semaphore(%arg10 : memref<!tpu.dma_semaphore, #tpu.memory_space<semaphore_mem>>) src(%dma_wait3A_432 : memref<10240x128xf32, #tpu.memory_space<hbm>>) dst(%dma_wait3A_426 : memref<120x128xf32, #tpu.memory_space<vmem>>)
      %dma_start3A_433 = arith.constant 2 : i32
      %dma_start3A_434 = arith.constant 5 : i32
      %dma_start3A_435 = arith.constant 1 : i32
      %dma_start3A_436 = arith.constant 0 : i32
      %dma_start3A_437 = arith.constant 0 : i32
      %dma_start3A_438 = tpu.memref_slice %arg6[%dma_start3A_433, %dma_start3A_436, %dma_start3A_437] : memref<3x120x128xf32, #tpu.memory_space<vmem>> -> memref<1x120x128xf32, #tpu.memory_space<vmem>>
      %dma_start3A_439 = tpu.memref_squeeze %dma_start3A_438 : memref<1x120x128xf32, #tpu.memory_space<vmem>> -> memref<120x128xf32, #tpu.memory_space<vmem>>
      %dma_start3A_440 = arith.constant 0 : i32
      %dma_start3A_441 = tpu.memref_slice %arg5[%dma_start3A_434, %dma_start3A_435, %dma_start3A_440] : memref<6x2x120xi32, #tpu.memory_space<vmem>> -> memref<1x1x120xi32, #tpu.memory_space<vmem>>
      %dma_start3A_442 = tpu.memref_squeeze %dma_start3A_441 : memref<1x1x120xi32, #tpu.memory_space<vmem>> -> memref<120xi32, #tpu.memory_space<vmem>>
      %dma_start3A_443 = arith.constant 0 : i32
      %dma_start3A_444 = arith.constant 0 : i32
      %dma_start3A_445 = tpu.memref_slice %arg7[%dma_start3A_443, %dma_start3A_444] : memref<10240x128xf32, #tpu.memory_space<vmem_shared>> -> memref<10240x128xf32, #tpu.memory_space<vmem_shared>>
      tpu.enqueue_indirect_dma source(%dma_start3A_439 : memref<120x128xf32, #tpu.memory_space<vmem>>) target(%dma_start3A_445 : memref<10240x128xf32, #tpu.memory_space<vmem_shared>>) offsets(%dma_start3A_442 : memref<120xi32, #tpu.memory_space<vmem>>) semaphore(%arg13 : memref<!tpu.dma_semaphore, #tpu.memory_space<semaphore_mem>>) {add = true}
      %add3A_446 = arith.constant 2 : i32
      %add3A_447 = arith.addi %add3A_419, %add3A_446 : i32
      %lt3A_448 = arith.constant 84 : i32
      %lt3A_449 = arith.cmpi slt, %add3A_447, %lt3A_448 : i32
      %convert_element_type3A_450 = arith.extui %lt3A_449 : i1 to i32
      %cond3A_451 = arith.constant 0 : i32
      %cond3A_452 = arith.cmpi ne, %convert_element_type3A_450, %cond3A_451 : i32
      scf.if %cond3A_452 {
        %ge3A = arith.constant 1 : i32
        %ge3A_460 = arith.cmpi sge, %add3A_419, %ge3A : i32
        %convert_element_type3A_461 = arith.extui %ge3A_460 : i1 to i32
        %cond3A_462 = arith.constant 0 : i32
        %cond3A_463 = arith.cmpi ne, %convert_element_type3A_461, %cond3A_462 : i32
        scf.if %cond3A_463 {
          %dma_wait3A_497 = arith.constant 1 : i32
          %dma_wait3A_498 = arith.constant 5 : i32
          %dma_wait3A_499 = arith.constant 1 : i32
          %dma_wait3A_500 = arith.constant 0 : i32
          %dma_wait3A_501 = arith.constant 0 : i32
          %dma_wait3A_502 = tpu.memref_slice %arg6[%dma_wait3A_497, %dma_wait3A_500, %dma_wait3A_501] : memref<3x120x128xf32, #tpu.memory_space<vmem>> -> memref<1x120x128xf32, #tpu.memory_space<vmem>>
          %dma_wait3A_503 = tpu.memref_squeeze %dma_wait3A_502 : memref<1x120x128xf32, #tpu.memory_space<vmem>> -> memref<120x128xf32, #tpu.memory_space<vmem>>
          %dma_wait3A_504 = arith.constant 0 : i32
          %dma_wait3A_505 = tpu.memref_slice %arg5[%dma_wait3A_498, %dma_wait3A_499, %dma_wait3A_504] : memref<6x2x120xi32, #tpu.memory_space<vmem>> -> memref<1x1x120xi32, #tpu.memory_space<vmem>>
          %dma_wait3A_506 = tpu.memref_squeeze %dma_wait3A_505 : memref<1x1x120xi32, #tpu.memory_space<vmem>> -> memref<120xi32, #tpu.memory_space<vmem>>
          %dma_wait3A_507 = arith.constant 0 : i32
          %dma_wait3A_508 = arith.constant 0 : i32
          %dma_wait3A_509 = tpu.memref_slice %arg7[%dma_wait3A_507, %dma_wait3A_508] : memref<10240x128xf32, #tpu.memory_space<vmem_shared>> -> memref<10240x128xf32, #tpu.memory_space<vmem_shared>>
          tpu.wait_indirect_dma semaphore(%arg12 : memref<!tpu.dma_semaphore, #tpu.memory_space<semaphore_mem>>) src(%dma_wait3A_503 : memref<120x128xf32, #tpu.memory_space<vmem>>) dst(%dma_wait3A_509 : memref<10240x128xf32, #tpu.memory_space<vmem_shared>>)
        } else {
        }
        %add3A_464 = arith.addi %mul3A_2, %add3A_419 : i32
        %add3A_465 = arith.constant 2 : i32
        %add3A_466 = arith.addi %add3A_464, %add3A_465 : i32
        %dma_wait3A_467 = arith.constant 1 : i32
        %dma_wait3A_468 = arith.constant 0 : i32
        %dma_wait3A_469 = arith.constant 0 : i32
        %dma_wait3A_470 = tpu.memref_slice %arg5[%dma_wait3A_467, %dma_wait3A_468, %dma_wait3A_469] : memref<6x2x120xi32, #tpu.memory_space<vmem>> -> memref<1x2x120xi32, #tpu.memory_space<vmem>>
        %dma_wait3A_471 = tpu.memref_squeeze %dma_wait3A_470 : memref<1x2x120xi32, #tpu.memory_space<vmem>> -> memref<2x120xi32, #tpu.memory_space<vmem>>
        %dma_wait3A_472 = arith.constant 0 : i32
        %dma_wait3A_473 = arith.constant 0 : i32
        %dma_wait3A_474 = tpu.memref_slice %arg3[%add3A_466, %dma_wait3A_472, %dma_wait3A_473] : memref<2688x2x120xi32, #tpu.memory_space<hbm>> -> memref<1x2x120xi32, #tpu.memory_space<hbm>>
        %dma_wait3A_475 = tpu.memref_squeeze %dma_wait3A_474 : memref<1x2x120xi32, #tpu.memory_space<hbm>> -> memref<2x120xi32, #tpu.memory_space<hbm>>
        %dma_wait3A_476 = arith.constant 0 : i32
        %dma_wait3A_477 = arith.constant 0 : i32
        %dma_wait3A_478 = tpu.memref_slice %arg5[%dma_wait3A_467, %dma_wait3A_476, %dma_wait3A_477] : memref<6x2x120xi32, #tpu.memory_space<vmem>> -> memref<1x2x120xi32, #tpu.memory_space<vmem>>
        %dma_wait3A_479 = tpu.memref_squeeze %dma_wait3A_478 : memref<1x2x120xi32, #tpu.memory_space<vmem>> -> memref<2x120xi32, #tpu.memory_space<vmem>>
        %dma_wait3A_480 = arith.constant 0 : i32
        %dma_wait3A_481 = arith.constant 0 : i32
        %dma_wait3A_482 = tpu.memref_slice %arg3[%add3A_466, %dma_wait3A_480, %dma_wait3A_481] : memref<2688x2x120xi32, #tpu.memory_space<hbm>> -> memref<1x2x120xi32, #tpu.memory_space<hbm>>
        %dma_wait3A_483 = tpu.memref_squeeze %dma_wait3A_482 : memref<1x2x120xi32, #tpu.memory_space<hbm>> -> memref<2x120xi32, #tpu.memory_space<hbm>>
        tpu.wait_dma2 semaphore(%arg15 : memref<!tpu.dma_semaphore, #tpu.memory_space<semaphore_mem>>) src(%dma_wait3A_483 : memref<2x120xi32, #tpu.memory_space<hbm>>) dst(%dma_wait3A_479 : memref<2x120xi32, #tpu.memory_space<vmem>>)
        %dma_start3A_484 = arith.constant 1 : i32
        %dma_start3A_485 = arith.constant 0 : i32
        %dma_start3A_486 = arith.constant 1 : i32
        %dma_start3A_487 = arith.constant 0 : i32
        %dma_start3A_488 = arith.constant 0 : i32
        %dma_start3A_489 = tpu.memref_slice %arg6[%dma_start3A_486, %dma_start3A_487, %dma_start3A_488] : memref<3x120x128xf32, #tpu.memory_space<vmem>> -> memref<1x120x128xf32, #tpu.memory_space<vmem>>
        %dma_start3A_490 = tpu.memref_squeeze %dma_start3A_489 : memref<1x120x128xf32, #tpu.memory_space<vmem>> -> memref<120x128xf32, #tpu.memory_space<vmem>>
        %dma_start3A_491 = arith.constant 0 : i32
        %dma_start3A_492 = tpu.memref_slice %arg5[%dma_start3A_484, %dma_start3A_485, %dma_start3A_491] : memref<6x2x120xi32, #tpu.memory_space<vmem>> -> memref<1x1x120xi32, #tpu.memory_space<vmem>>
        %dma_start3A_493 = tpu.memref_squeeze %dma_start3A_492 : memref<1x1x120xi32, #tpu.memory_space<vmem>> -> memref<120xi32, #tpu.memory_space<vmem>>
        %dma_start3A_494 = arith.constant 0 : i32
        %dma_start3A_495 = arith.constant 0 : i32
        %dma_start3A_496 = tpu.memref_slice %arg2[%dma_start3A_494, %dma_start3A_495] : memref<10240x128xf32, #tpu.memory_space<hbm>> -> memref<10240x128xf32, #tpu.memory_space<hbm>>
        tpu.enqueue_indirect_dma source(%dma_start3A_496 : memref<10240x128xf32, #tpu.memory_space<hbm>>) target(%dma_start3A_490 : memref<120x128xf32, #tpu.memory_space<vmem>>) offsets(%dma_start3A_493 : memref<120xi32, #tpu.memory_space<vmem>>) semaphore(%arg9 : memref<!tpu.dma_semaphore, #tpu.memory_space<semaphore_mem>>)
      } else {
      }
      %add3A_453 = arith.constant 4 : i32
      %add3A_454 = arith.addi %add3A_419, %add3A_453 : i32
      %lt3A_455 = arith.constant 84 : i32
      %lt3A_456 = arith.cmpi slt, %add3A_454, %lt3A_455 : i32
      %convert_element_type3A_457 = arith.extui %lt3A_456 : i1 to i32
      %cond3A_458 = arith.constant 0 : i32
      %cond3A_459 = arith.cmpi ne, %convert_element_type3A_457, %cond3A_458 : i32
      scf.if %cond3A_459 {
        %add3A_460 = arith.addi %mul3A_2, %add3A_419 : i32
        %add3A_461 = arith.constant 4 : i32
        %add3A_462 = arith.addi %add3A_460, %add3A_461 : i32
        %dma_start3A_463 = arith.constant 3 : i32
        %dma_start3A_464 = arith.constant 0 : i32
        %dma_start3A_465 = arith.constant 0 : i32
        %dma_start3A_466 = tpu.memref_slice %arg5[%dma_start3A_463, %dma_start3A_464, %dma_start3A_465] : memref<6x2x120xi32, #tpu.memory_space<vmem>> -> memref<1x2x120xi32, #tpu.memory_space<vmem>>
        %dma_start3A_467 = tpu.memref_squeeze %dma_start3A_466 : memref<1x2x120xi32, #tpu.memory_space<vmem>> -> memref<2x120xi32, #tpu.memory_space<vmem>>
        %dma_start3A_468 = arith.constant 0 : i32
        %dma_start3A_469 = arith.constant 0 : i32
        %dma_start3A_470 = tpu.memref_slice %arg3[%add3A_462, %dma_start3A_468, %dma_start3A_469] : memref<2688x2x120xi32, #tpu.memory_space<hbm>> -> memref<1x2x120xi32, #tpu.memory_space<hbm>>
        %dma_start3A_471 = tpu.memref_squeeze %dma_start3A_470 : memref<1x2x120xi32, #tpu.memory_space<hbm>> -> memref<2x120xi32, #tpu.memory_space<hbm>>
        %dma_start3A_472 = arith.constant 0 : i32
        %dma_start3A_473 = arith.constant 0 : i32
        %dma_start3A_474 = tpu.memref_slice %arg5[%dma_start3A_463, %dma_start3A_472, %dma_start3A_473] : memref<6x2x120xi32, #tpu.memory_space<vmem>> -> memref<1x2x120xi32, #tpu.memory_space<vmem>>
        %dma_start3A_475 = tpu.memref_squeeze %dma_start3A_474 : memref<1x2x120xi32, #tpu.memory_space<vmem>> -> memref<2x120xi32, #tpu.memory_space<vmem>>
        %dma_start3A_476 = arith.constant 0 : i32
        %dma_start3A_477 = arith.constant 0 : i32
        %dma_start3A_478 = tpu.memref_slice %arg3[%add3A_462, %dma_start3A_476, %dma_start3A_477] : memref<2688x2x120xi32, #tpu.memory_space<hbm>> -> memref<1x2x120xi32, #tpu.memory_space<hbm>>
        %dma_start3A_479 = tpu.memref_squeeze %dma_start3A_478 : memref<1x2x120xi32, #tpu.memory_space<hbm>> -> memref<2x120xi32, #tpu.memory_space<hbm>>
        tpu.enqueue_dma source(%dma_start3A_479 : memref<2x120xi32, #tpu.memory_space<hbm>>) target(%dma_start3A_475 : memref<2x120xi32, #tpu.memory_space<vmem>>) target_semaphore(%arg17 : memref<!tpu.dma_semaphore, #tpu.memory_space<semaphore_mem>>)
      } else {
      }
    }
    %scan3A_161 = arith.constant 14 : i32
    %dma_wait3A_162 = arith.constant 0 : i32
    %dma_wait3A_163 = arith.constant 3 : i32
    %dma_wait3A_164 = arith.constant 1 : i32
    %dma_wait3A_165 = arith.constant 0 : i32
    %dma_wait3A_166 = arith.constant 0 : i32
    %dma_wait3A_167 = tpu.memref_slice %arg6[%dma_wait3A_162, %dma_wait3A_165, %dma_wait3A_166] : memref<3x120x128xf32, #tpu.memory_space<vmem>> -> memref<1x120x128xf32, #tpu.memory_space<vmem>>
    %dma_wait3A_168 = tpu.memref_squeeze %dma_wait3A_167 : memref<1x120x128xf32, #tpu.memory_space<vmem>> -> memref<120x128xf32, #tpu.memory_space<vmem>>
    %dma_wait3A_169 = arith.constant 0 : i32
    %dma_wait3A_170 = tpu.memref_slice %arg5[%dma_wait3A_163, %dma_wait3A_164, %dma_wait3A_169] : memref<6x2x120xi32, #tpu.memory_space<vmem>> -> memref<1x1x120xi32, #tpu.memory_space<vmem>>
    %dma_wait3A_171 = tpu.memref_squeeze %dma_wait3A_170 : memref<1x1x120xi32, #tpu.memory_space<vmem>> -> memref<120xi32, #tpu.memory_space<vmem>>
    %dma_wait3A_172 = arith.constant 0 : i32
    %dma_wait3A_173 = arith.constant 0 : i32
    %dma_wait3A_174 = tpu.memref_slice %arg7[%dma_wait3A_172, %dma_wait3A_173] : memref<10240x128xf32, #tpu.memory_space<vmem_shared>> -> memref<10240x128xf32, #tpu.memory_space<vmem_shared>>
    tpu.wait_indirect_dma semaphore(%arg11 : memref<!tpu.dma_semaphore, #tpu.memory_space<semaphore_mem>>) src(%dma_wait3A_168 : memref<120x128xf32, #tpu.memory_space<vmem>>) dst(%dma_wait3A_174 : memref<10240x128xf32, #tpu.memory_space<vmem_shared>>)
    %dma_wait3A_175 = arith.constant 1 : i32
    %dma_wait3A_176 = arith.constant 4 : i32
    %dma_wait3A_177 = arith.constant 1 : i32
    %dma_wait3A_178 = arith.constant 0 : i32
    %dma_wait3A_179 = arith.constant 0 : i32
    %dma_wait3A_180 = tpu.memref_slice %arg6[%dma_wait3A_175, %dma_wait3A_178, %dma_wait3A_179] : memref<3x120x128xf32, #tpu.memory_space<vmem>> -> memref<1x120x128xf32, #tpu.memory_space<vmem>>
    %dma_wait3A_181 = tpu.memref_squeeze %dma_wait3A_180 : memref<1x120x128xf32, #tpu.memory_space<vmem>> -> memref<120x128xf32, #tpu.memory_space<vmem>>
    %dma_wait3A_182 = arith.constant 0 : i32
    %dma_wait3A_183 = tpu.memref_slice %arg5[%dma_wait3A_176, %dma_wait3A_177, %dma_wait3A_182] : memref<6x2x120xi32, #tpu.memory_space<vmem>> -> memref<1x1x120xi32, #tpu.memory_space<vmem>>
    %dma_wait3A_184 = tpu.memref_squeeze %dma_wait3A_183 : memref<1x1x120xi32, #tpu.memory_space<vmem>> -> memref<120xi32, #tpu.memory_space<vmem>>
    %dma_wait3A_185 = arith.constant 0 : i32
    %dma_wait3A_186 = arith.constant 0 : i32
    %dma_wait3A_187 = tpu.memref_slice %arg7[%dma_wait3A_185, %dma_wait3A_186] : memref<10240x128xf32, #tpu.memory_space<vmem_shared>> -> memref<10240x128xf32, #tpu.memory_space<vmem_shared>>
    tpu.wait_indirect_dma semaphore(%arg12 : memref<!tpu.dma_semaphore, #tpu.memory_space<semaphore_mem>>) src(%dma_wait3A_181 : memref<120x128xf32, #tpu.memory_space<vmem>>) dst(%dma_wait3A_187 : memref<10240x128xf32, #tpu.memory_space<vmem_shared>>)
    %dma_wait3A_188 = arith.constant 2 : i32
    %dma_wait3A_189 = arith.constant 5 : i32
    %dma_wait3A_190 = arith.constant 1 : i32
    %dma_wait3A_191 = arith.constant 0 : i32
    %dma_wait3A_192 = arith.constant 0 : i32
    %dma_wait3A_193 = tpu.memref_slice %arg6[%dma_wait3A_188, %dma_wait3A_191, %dma_wait3A_192] : memref<3x120x128xf32, #tpu.memory_space<vmem>> -> memref<1x120x128xf32, #tpu.memory_space<vmem>>
    %dma_wait3A_194 = tpu.memref_squeeze %dma_wait3A_193 : memref<1x120x128xf32, #tpu.memory_space<vmem>> -> memref<120x128xf32, #tpu.memory_space<vmem>>
    %dma_wait3A_195 = arith.constant 0 : i32
    %dma_wait3A_196 = tpu.memref_slice %arg5[%dma_wait3A_189, %dma_wait3A_190, %dma_wait3A_195] : memref<6x2x120xi32, #tpu.memory_space<vmem>> -> memref<1x1x120xi32, #tpu.memory_space<vmem>>
    %dma_wait3A_197 = tpu.memref_squeeze %dma_wait3A_196 : memref<1x1x120xi32, #tpu.memory_space<vmem>> -> memref<120xi32, #tpu.memory_space<vmem>>
    %dma_wait3A_198 = arith.constant 0 : i32
    %dma_wait3A_199 = arith.constant 0 : i32
    %dma_wait3A_200 = tpu.memref_slice %arg7[%dma_wait3A_198, %dma_wait3A_199] : memref<10240x128xf32, #tpu.memory_space<vmem_shared>> -> memref<10240x128xf32, #tpu.memory_space<vmem_shared>>
    tpu.wait_indirect_dma semaphore(%arg13 : memref<!tpu.dma_semaphore, #tpu.memory_space<semaphore_mem>>) src(%dma_wait3A_194 : memref<120x128xf32, #tpu.memory_space<vmem>>) dst(%dma_wait3A_200 : memref<10240x128xf32, #tpu.memory_space<vmem_shared>>)
    %barrier3A_201 = arith.constant 0 : index
    tpu.barrier barrier_id(%barrier3A_201)
    %scan3A_202 = arith.constant 0 : i32
    %scan3A_203 = arith.constant 0 : i32
    %scan3A_204 = arith.constant 10 : i32
    %scan3A_205 = arith.addi %scan3A_203, %scan3A_204 : i32
    %scan3A_206 = arith.constant 1 : i32
    scf.for %scan3A_208 = %scan3A_203 to %scan3A_205 step %scan3A_206  : i32 {
      %mul3A_209 = arith.constant 640 : i32
      %mul3A_210 = arith.muli %arg1, %mul3A_209 : i32
      %mul3A_211 = arith.constant 64 : i32
      %mul3A_212 = arith.muli %scan3A_208, %mul3A_211 : i32
      %add3A_213 = arith.addi %mul3A_210, %mul3A_212 : i32
      "tpu.region"() ({
        %run_scoped3A_214 = tpu.sem_alloc : memref<!tpu.dma_semaphore, #tpu.memory_space<semaphore_mem>>
        %dma_start3A_215 = arith.constant 0 : i32
        %dma_start3A_216 = tpu.memref_slice %arg4[%arg0, %add3A_213, %dma_start3A_215] : memref<2x10240x128xf32, #tpu.memory_space<hbm>> -> memref<1x64x128xf32, #tpu.memory_space<hbm>>
        %dma_start3A_217 = tpu.memref_squeeze %dma_start3A_216 : memref<1x64x128xf32, #tpu.memory_space<hbm>> -> memref<64x128xf32, #tpu.memory_space<hbm>>
        %dma_start3A_218 = arith.constant 0 : i32
        %dma_start3A_219 = tpu.memref_slice %arg7[%add3A_213, %dma_start3A_218] : memref<10240x128xf32, #tpu.memory_space<vmem_shared>> -> memref<64x128xf32, #tpu.memory_space<vmem_shared>>
        tpu.enqueue_dma source(%dma_start3A_219 : memref<64x128xf32, #tpu.memory_space<vmem_shared>>) target(%dma_start3A_217 : memref<64x128xf32, #tpu.memory_space<hbm>>) target_semaphore(%run_scoped3A_214 : memref<!tpu.dma_semaphore, #tpu.memory_space<semaphore_mem>>)
        %dma_wait3A_220 = arith.constant 0 : i32
        %dma_wait3A_221 = tpu.memref_slice %arg4[%arg0, %add3A_213, %dma_wait3A_220] : memref<2x10240x128xf32, #tpu.memory_space<hbm>> -> memref<1x64x128xf32, #tpu.memory_space<hbm>>
        %dma_wait3A_222 = tpu.memref_squeeze %dma_wait3A_221 : memref<1x64x128xf32, #tpu.memory_space<hbm>> -> memref<64x128xf32, #tpu.memory_space<hbm>>
        %dma_wait3A_223 = arith.constant 0 : i32
        %dma_wait3A_224 = tpu.memref_slice %arg7[%add3A_213, %dma_wait3A_223] : memref<10240x128xf32, #tpu.memory_space<vmem_shared>> -> memref<64x128xf32, #tpu.memory_space<vmem_shared>>
        tpu.wait_dma2 semaphore(%run_scoped3A_214 : memref<!tpu.dma_semaphore, #tpu.memory_space<semaphore_mem>>) src(%dma_wait3A_224 : memref<64x128xf32, #tpu.memory_space<vmem_shared>>) dst(%dma_wait3A_222 : memref<64x128xf32, #tpu.memory_space<hbm>>)
        tpu.yield
      }) : () -> ()
    }
    %scan3A_207 = arith.constant 10 : i32
    return
  }
}

#map = affine_map<(d0, d1) -> (0, 0)>
module attributes {stable_mosaic.version = 14 : i64} {
  func.func @_deg_body(%arg0: i32, %arg1: i32, %arg2: memref<32x10000xi32, #tpu.memory_space<hbm>>, %arg3: memref<32x10240xf32, #tpu.memory_space<hbm>>, %arg4: memref<10000xi32, #tpu.memory_space<vmem>>, %arg5: memref<10240xf32, #tpu.memory_space<vmem>>) attributes {dimension_semantics = [#tpu.dimension_semantics<core_parallel>, #tpu.dimension_semantics<subcore_parallel>], iteration_bounds = array<i64: 2, 16>, scalar_prefetch = 0 : i64, scratch_operands = 2 : i64, tpu.core_type = #tpu.core_type<sc_vector_subcore>, window_params = [{transform_indices = #map}, {transform_indices = #map}]} {
    %mul3A = arith.constant 2 : i32
    %mul3A_0 = arith.muli %arg1, %mul3A : i32
    %add3A = arith.addi %mul3A_0, %arg0 : i32
    "tpu.region"() ({
      %run_scoped3A = tpu.sem_alloc : memref<!tpu.dma_semaphore, #tpu.memory_space<semaphore_mem>>
      %dma_start3A = arith.constant 0 : i32
      %dma_start3A_13 = tpu.memref_slice %arg2[%add3A, %dma_start3A] : memref<32x10000xi32, #tpu.memory_space<hbm>> -> memref<1x10000xi32, #tpu.memory_space<hbm>>
      %dma_start3A_14 = tpu.memref_squeeze %dma_start3A_13 : memref<1x10000xi32, #tpu.memory_space<hbm>> -> memref<10000xi32, #tpu.memory_space<hbm>>
      %dma_start3A_15 = arith.constant 0 : i32
      %dma_start3A_16 = tpu.memref_slice %arg2[%add3A, %dma_start3A_15] : memref<32x10000xi32, #tpu.memory_space<hbm>> -> memref<1x10000xi32, #tpu.memory_space<hbm>>
      %dma_start3A_17 = tpu.memref_squeeze %dma_start3A_16 : memref<1x10000xi32, #tpu.memory_space<hbm>> -> memref<10000xi32, #tpu.memory_space<hbm>>
      tpu.enqueue_dma source(%dma_start3A_17 : memref<10000xi32, #tpu.memory_space<hbm>>) target(%arg4 : memref<10000xi32, #tpu.memory_space<vmem>>) target_semaphore(%run_scoped3A : memref<!tpu.dma_semaphore, #tpu.memory_space<semaphore_mem>>)
      %dma_wait3A = arith.constant 0 : i32
      %dma_wait3A_18 = tpu.memref_slice %arg2[%add3A, %dma_wait3A] : memref<32x10000xi32, #tpu.memory_space<hbm>> -> memref<1x10000xi32, #tpu.memory_space<hbm>>
      %dma_wait3A_19 = tpu.memref_squeeze %dma_wait3A_18 : memref<1x10000xi32, #tpu.memory_space<hbm>> -> memref<10000xi32, #tpu.memory_space<hbm>>
      %dma_wait3A_20 = arith.constant 0 : i32
      %dma_wait3A_21 = tpu.memref_slice %arg2[%add3A, %dma_wait3A_20] : memref<32x10000xi32, #tpu.memory_space<hbm>> -> memref<1x10000xi32, #tpu.memory_space<hbm>>
      %dma_wait3A_22 = tpu.memref_squeeze %dma_wait3A_21 : memref<1x10000xi32, #tpu.memory_space<hbm>> -> memref<10000xi32, #tpu.memory_space<hbm>>
      tpu.wait_dma2 semaphore(%run_scoped3A : memref<!tpu.dma_semaphore, #tpu.memory_space<semaphore_mem>>) src(%dma_wait3A_22 : memref<10000xi32, #tpu.memory_space<hbm>>) dst(%arg4 : memref<10000xi32, #tpu.memory_space<vmem>>)
      tpu.yield
    }) : () -> ()
    %scan3A = arith.constant 0 : i32
    %scan3A_1 = arith.constant 0 : i32
    %scan3A_2 = arith.constant 640 : i32
    %scan3A_3 = arith.addi %scan3A_1, %scan3A_2 : i32
    %scan3A_4 = arith.constant 1 : i32
    scf.for %scan3A_13 = %scan3A_1 to %scan3A_3 step %scan3A_4  : i32 {
      %broadcast_in_dim3A_14 = arith.constant 0.000000e+00 : f32
      %broadcast_in_dim3A_15 = vector.broadcast %broadcast_in_dim3A_14 : f32 to vector<16xf32>
      %mul3A_16 = arith.constant 16 : i32
      %mul3A_17 = arith.muli %scan3A_13, %mul3A_16 : i32
      %swap3A = arith.index_cast %mul3A_17 : i32 to index
      %swap3A_18 = tpu.vector_load %arg5[%swap3A] {strides = array<i32>} : memref<10240xf32, #tpu.memory_space<vmem>>, vector<16xf32>,
      tpu.vector_store %arg5[%swap3A], %broadcast_in_dim3A_15 {strides = array<i32>} : memref<10240xf32, #tpu.memory_space<vmem>>, vector<16xf32>,
    }
    %scan3A_5 = arith.constant 640 : i32
    %broadcast_in_dim3A = arith.constant 1.000000e+00 : f32
    %broadcast_in_dim3A_6 = vector.broadcast %broadcast_in_dim3A : f32 to vector<16xf32>
    %scan3A_7 = arith.constant 0 : i32
    %scan3A_8 = arith.constant 0 : i32
    %scan3A_9 = arith.constant 125 : i32
    %scan3A_10 = arith.addi %scan3A_8, %scan3A_9 : i32
    %scan3A_11 = arith.constant 1 : i32
    scf.for %scan3A_13 = %scan3A_8 to %scan3A_10 step %scan3A_11  : i32 {
      %mul3A_14 = arith.constant 5 : i32
      %mul3A_15 = arith.muli %mul3A_14, %scan3A_13 : i32
      %add3A_16 = arith.constant 0 : i32
      %add3A_17 = arith.addi %mul3A_15, %add3A_16 : i32
      %mul3A_18 = arith.constant 16 : i32
      %mul3A_19 = arith.muli %add3A_17, %mul3A_18 : i32
      %get3A = arith.index_cast %mul3A_19 : i32 to index
      %get3A_20 = tpu.vector_load %arg4[%get3A] {strides = array<i32>} : memref<10000xi32, #tpu.memory_space<vmem>>, vector<16xi32>,
      tpu.vector_store_idx %arg5[%get3A_20], %broadcast_in_dim3A_6 {add = true} : memref<10240xf32, #tpu.memory_space<vmem>>[vector<16xi32>], vector<16xf32>,
      %mul3A_21 = arith.constant 5 : i32
      %mul3A_22 = arith.muli %mul3A_21, %scan3A_13 : i32
      %add3A_23 = arith.constant 1 : i32
      %add3A_24 = arith.addi %mul3A_22, %add3A_23 : i32
      %mul3A_25 = arith.constant 16 : i32
      %mul3A_26 = arith.muli %add3A_24, %mul3A_25 : i32
      %get3A_27 = arith.index_cast %mul3A_26 : i32 to index
      %get3A_28 = tpu.vector_load %arg4[%get3A_27] {strides = array<i32>} : memref<10000xi32, #tpu.memory_space<vmem>>, vector<16xi32>,
      tpu.vector_store_idx %arg5[%get3A_28], %broadcast_in_dim3A_6 {add = true} : memref<10240xf32, #tpu.memory_space<vmem>>[vector<16xi32>], vector<16xf32>,
      %mul3A_29 = arith.constant 5 : i32
      %mul3A_30 = arith.muli %mul3A_29, %scan3A_13 : i32
      %add3A_31 = arith.constant 2 : i32
      %add3A_32 = arith.addi %mul3A_30, %add3A_31 : i32
      %mul3A_33 = arith.constant 16 : i32
      %mul3A_34 = arith.muli %add3A_32, %mul3A_33 : i32
      %get3A_35 = arith.index_cast %mul3A_34 : i32 to index
      %get3A_36 = tpu.vector_load %arg4[%get3A_35] {strides = array<i32>} : memref<10000xi32, #tpu.memory_space<vmem>>, vector<16xi32>,
      tpu.vector_store_idx %arg5[%get3A_36], %broadcast_in_dim3A_6 {add = true} : memref<10240xf32, #tpu.memory_space<vmem>>[vector<16xi32>], vector<16xf32>,
      %mul3A_37 = arith.constant 5 : i32
      %mul3A_38 = arith.muli %mul3A_37, %scan3A_13 : i32
      %add3A_39 = arith.constant 3 : i32
      %add3A_40 = arith.addi %mul3A_38, %add3A_39 : i32
      %mul3A_41 = arith.constant 16 : i32
      %mul3A_42 = arith.muli %add3A_40, %mul3A_41 : i32
      %get3A_43 = arith.index_cast %mul3A_42 : i32 to index
      %get3A_44 = tpu.vector_load %arg4[%get3A_43] {strides = array<i32>} : memref<10000xi32, #tpu.memory_space<vmem>>, vector<16xi32>,
      tpu.vector_store_idx %arg5[%get3A_44], %broadcast_in_dim3A_6 {add = true} : memref<10240xf32, #tpu.memory_space<vmem>>[vector<16xi32>], vector<16xf32>,
      %mul3A_45 = arith.constant 5 : i32
      %mul3A_46 = arith.muli %mul3A_45, %scan3A_13 : i32
      %add3A_47 = arith.constant 4 : i32
      %add3A_48 = arith.addi %mul3A_46, %add3A_47 : i32
      %mul3A_49 = arith.constant 16 : i32
      %mul3A_50 = arith.muli %add3A_48, %mul3A_49 : i32
      %get3A_51 = arith.index_cast %mul3A_50 : i32 to index
      %get3A_52 = tpu.vector_load %arg4[%get3A_51] {strides = array<i32>} : memref<10000xi32, #tpu.memory_space<vmem>>, vector<16xi32>,
      tpu.vector_store_idx %arg5[%get3A_52], %broadcast_in_dim3A_6 {add = true} : memref<10240xf32, #tpu.memory_space<vmem>>[vector<16xi32>], vector<16xf32>,
    }
    %scan3A_12 = arith.constant 125 : i32
    "tpu.region"() ({
      %run_scoped3A = tpu.sem_alloc : memref<!tpu.dma_semaphore, #tpu.memory_space<semaphore_mem>>
      %dma_start3A = arith.constant 0 : i32
      %dma_start3A_13 = tpu.memref_slice %arg3[%add3A, %dma_start3A] : memref<32x10240xf32, #tpu.memory_space<hbm>> -> memref<1x10240xf32, #tpu.memory_space<hbm>>
      %dma_start3A_14 = tpu.memref_squeeze %dma_start3A_13 : memref<1x10240xf32, #tpu.memory_space<hbm>> -> memref<10240xf32, #tpu.memory_space<hbm>>
      %dma_start3A_15 = arith.constant 0 : i32
      %dma_start3A_16 = tpu.memref_slice %arg3[%add3A, %dma_start3A_15] : memref<32x10240xf32, #tpu.memory_space<hbm>> -> memref<1x10240xf32, #tpu.memory_space<hbm>>
      %dma_start3A_17 = tpu.memref_squeeze %dma_start3A_16 : memref<1x10240xf32, #tpu.memory_space<hbm>> -> memref<10240xf32, #tpu.memory_space<hbm>>
      tpu.enqueue_dma source(%arg5 : memref<10240xf32, #tpu.memory_space<vmem>>) target(%dma_start3A_17 : memref<10240xf32, #tpu.memory_space<hbm>>) target_semaphore(%run_scoped3A : memref<!tpu.dma_semaphore, #tpu.memory_space<semaphore_mem>>)
      %dma_wait3A = arith.constant 0 : i32
      %dma_wait3A_18 = tpu.memref_slice %arg3[%add3A, %dma_wait3A] : memref<32x10240xf32, #tpu.memory_space<hbm>> -> memref<1x10240xf32, #tpu.memory_space<hbm>>
      %dma_wait3A_19 = tpu.memref_squeeze %dma_wait3A_18 : memref<1x10240xf32, #tpu.memory_space<hbm>> -> memref<10240xf32, #tpu.memory_space<hbm>>
      %dma_wait3A_20 = arith.constant 0 : i32
      %dma_wait3A_21 = tpu.memref_slice %arg3[%add3A, %dma_wait3A_20] : memref<32x10240xf32, #tpu.memory_space<hbm>> -> memref<1x10240xf32, #tpu.memory_space<hbm>>
      %dma_wait3A_22 = tpu.memref_squeeze %dma_wait3A_21 : memref<1x10240xf32, #tpu.memory_space<hbm>> -> memref<10240xf32, #tpu.memory_space<hbm>>
      tpu.wait_dma2 semaphore(%run_scoped3A : memref<!tpu.dma_semaphore, #tpu.memory_space<semaphore_mem>>) src(%arg5 : memref<10240xf32, #tpu.memory_space<vmem>>) dst(%dma_wait3A_22 : memref<10240xf32, #tpu.memory_space<hbm>>)
      tpu.yield
    }) : () -> ()
    return
  }
}

module attributes {stable_mosaic.version = 14 : i64} {
  func.func @_tc1_body(%arg0: i32, %arg1: memref<32x1024xf32, #tpu.memory_space<vmem>>, %arg2: memref<1024x128xf32, #tpu.memory_space<vmem>>, %arg3: memref<128x128xf32, #tpu.memory_space<vmem>>, %arg4: memref<1024x128xf32, #tpu.memory_space<vmem>>) attributes {dimension_semantics = [#tpu.dimension_semantics<arbitrary>], iteration_bounds = array<i64: 10>, scalar_prefetch = 0 : i64, scratch_operands = 0 : i64, tpu.core_type = #tpu.core_type<tc>, window_params = [{transform_indices = @transform_0, window_bounds = array<i64: 32, 1024>}, {transform_indices = @transform_1, window_bounds = array<i64: 1024, 128>}, {pipeline_mode = #tpu.pipeline_mode<synchronous>, transform_indices = @transform_2, window_bounds = array<i64: 128, 128>}, {transform_indices = @transform_3, window_bounds = array<i64: 1024, 128>}]} {
    %get3A = arith.constant 0 : index
    %get3A_0 = arith.constant 0 : index
    %get3A_1 = vector.load %arg2[%get3A, %get3A_0] : memref<1024x128xf32, #tpu.memory_space<vmem>>, vector<1024x128xf32>
    %get3A_2 = arith.constant 0 : index
    %get3A_3 = arith.constant 0 : index
    %get3A_4 = vector.load %arg3[%get3A_2, %get3A_3] : memref<128x128xf32, #tpu.memory_space<vmem>>, vector<128x128xf32>
    %dot_general3A = arith.constant dense<0.000000e+00> : vector<1024x128xf32>
    %dot_general3A_5 = tpu.matmul %get3A_1, %get3A_4, %dot_general3A {dimension_numbers = #tpu.dot_dimension_numbers<[1], [0], [0], [1], [0, 0, 1, 1], [], []>, transpose_lhs_hint = false} : vector<1024x128xf32>, vector<128x128xf32>, vector<1024x128xf32> -> vector<1024x128xf32>
    %get3A_6 = arith.constant 0 : index
    %get3A_7 = arith.constant 0 : index
    %get3A_8 = vector.load %arg1[%get3A_6, %get3A_7] : memref<32x1024xf32, #tpu.memory_space<vmem>>, vector<32x1024xf32>
    %reduce_sum3A = arith.constant dense<0.000000e+00> : vector<1024xf32>
    %reduce_sum3A_9 = vector.multi_reduction <add>, %get3A_8, %reduce_sum3A [0] : vector<32x1024xf32> to vector<1024xf32>
    %add3A = arith.constant 1.000000e+00 : f32
    %add3A_10 = vector.broadcast %add3A : f32 to vector<1024xf32>
    %add3A_11 = arith.addf %reduce_sum3A_9, %add3A_10 : vector<1024xf32>
    %rsqrt3A = math.rsqrt %add3A_11 : vector<1024xf32>
    %broadcast_in_dim3A = vector.shape_cast %rsqrt3A : vector<1024xf32> to vector<1024x1xf32>
    %mul3A = vector.broadcast %broadcast_in_dim3A : vector<1024x1xf32> to vector<1024x128xf32>
    %mul3A_12 = arith.mulf %dot_general3A_5, %mul3A : vector<1024x128xf32>
    %swap3A = arith.constant 0 : index
    %swap3A_13 = arith.constant 0 : index
    %swap3A_14 = vector.load %arg4[%swap3A, %swap3A_13] : memref<1024x128xf32, #tpu.memory_space<vmem>>, vector<1024x128xf32>
    tpu.vector_store %arg4[%swap3A, %swap3A_13], %mul3A_12 {strides = array<i32>} : memref<1024x128xf32, #tpu.memory_space<vmem>>, vector<1024x128xf32>,
    return
  }
  func.func @transform_0(%arg0: i32) -> (i32, i32) {
    %c0_i32 = arith.constant 0 : i32
    %c0_i32_0 = arith.constant 0 : i32
    return %c0_i32, %arg0 : i32, i32
  }
  func.func @transform_1(%arg0: i32) -> (i32, i32) {
    %c0_i32 = arith.constant 0 : i32
    %c0_i32_0 = arith.constant 0 : i32
    return %arg0, %c0_i32 : i32, i32
  }
  func.func @transform_2(%arg0: i32) -> (i32, i32) {
    %c0_i32 = arith.constant 0 : i32
    %c0_i32_0 = arith.constant 0 : i32
    %c0_i32_1 = arith.constant 0 : i32
    return %c0_i32, %c0_i32_0 : i32, i32
  }
  func.func @transform_3(%arg0: i32) -> (i32, i32) {
    %c0_i32 = arith.constant 0 : i32
    %c0_i32_0 = arith.constant 0 : i32
    return %arg0, %c0_i32 : i32, i32
  }
}

module attributes {stable_mosaic.version = 14 : i64} {
  func.func @_tc2_body(%arg0: i32, %arg1: memref<32x1024xf32, #tpu.memory_space<vmem>>, %arg2: memref<2x1024x128xf32, #tpu.memory_space<vmem>>, %arg3: memref<1024x128xf32, #tpu.memory_space<vmem>>, %arg4: memref<1x128xf32, #tpu.memory_space<vmem>>, %arg5: memref<128x128xf32, #tpu.memory_space<vmem>>, %arg6: memref<1024x128xf32, #tpu.memory_space<vmem>>) attributes {dimension_semantics = [#tpu.dimension_semantics<arbitrary>], iteration_bounds = array<i64: 10>, scalar_prefetch = 0 : i64, scratch_operands = 0 : i64, tpu.core_type = #tpu.core_type<tc>, window_params = [{transform_indices = @transform_0, window_bounds = array<i64: 32, 1024>}, {transform_indices = @transform_1, window_bounds = array<i64: 2, 1024, 128>}, {transform_indices = @transform_2, window_bounds = array<i64: 1024, 128>}, {pipeline_mode = #tpu.pipeline_mode<synchronous>, transform_indices = @transform_3, window_bounds = array<i64: 1, 128>}, {pipeline_mode = #tpu.pipeline_mode<synchronous>, transform_indices = @transform_4, window_bounds = array<i64: 128, 128>}, {transform_indices = @transform_5, window_bounds = array<i64: 1024, 128>}]} {
    %get3A = arith.constant 0 : index
    %get3A_0 = arith.constant 0 : index
    %get3A_1 = vector.load %arg1[%get3A, %get3A_0] : memref<32x1024xf32, #tpu.memory_space<vmem>>, vector<32x1024xf32>
    %reduce_sum3A = arith.constant dense<0.000000e+00> : vector<1024xf32>
    %reduce_sum3A_2 = vector.multi_reduction <add>, %get3A_1, %reduce_sum3A [0] : vector<32x1024xf32> to vector<1024xf32>
    %add3A = arith.constant 1.000000e+00 : f32
    %add3A_3 = vector.broadcast %add3A : f32 to vector<1024xf32>
    %add3A_4 = arith.addf %reduce_sum3A_2, %add3A_3 : vector<1024xf32>
    %rsqrt3A = math.rsqrt %add3A_4 : vector<1024xf32>
    %broadcast_in_dim3A = vector.shape_cast %rsqrt3A : vector<1024xf32> to vector<1024x1xf32>
    %get3A_5 = arith.constant 0 : index
    %get3A_6 = arith.constant 0 : index
    %get3A_7 = arith.constant 0 : index
    %get3A_8 = vector.load %arg2[%get3A_5, %get3A_6, %get3A_7] : memref<2x1024x128xf32, #tpu.memory_space<vmem>>, vector<1x1024x128xf32>
    %get3A_9 = vector.shape_cast %get3A_8 : vector<1x1024x128xf32> to vector<1024x128xf32>
    %get3A_10 = arith.constant 1 : index
    %get3A_11 = arith.constant 0 : index
    %get3A_12 = arith.constant 0 : index
    %get3A_13 = vector.load %arg2[%get3A_10, %get3A_11, %get3A_12] : memref<2x1024x128xf32, #tpu.memory_space<vmem>>, vector<1x1024x128xf32>
    %get3A_14 = vector.shape_cast %get3A_13 : vector<1x1024x128xf32> to vector<1024x128xf32>
    %add3A_15 = arith.addf %get3A_9, %get3A_14 : vector<1024x128xf32>
    %get3A_16 = arith.constant 0 : index
    %get3A_17 = arith.constant 0 : index
    %get3A_18 = vector.load %arg3[%get3A_16, %get3A_17] : memref<1024x128xf32, #tpu.memory_space<vmem>>, vector<1024x128xf32>
    %add3A_19 = arith.addf %add3A_15, %get3A_18 : vector<1024x128xf32>
    %mul3A = vector.broadcast %broadcast_in_dim3A : vector<1024x1xf32> to vector<1024x128xf32>
    %mul3A_20 = arith.mulf %add3A_19, %mul3A : vector<1024x128xf32>
    %get3A_21 = arith.constant 0 : index
    %get3A_22 = arith.constant 0 : index
    %get3A_23 = vector.load %arg4[%get3A_21, %get3A_22] : memref<1x128xf32, #tpu.memory_space<vmem>>, vector<1x128xf32>
    %add3A_24 = vector.broadcast %get3A_23 : vector<1x128xf32> to vector<1024x128xf32>
    %add3A_25 = arith.addf %mul3A_20, %add3A_24 : vector<1024x128xf32>
    %max3A = arith.constant 0.000000e+00 : f32
    %max3A_26 = vector.broadcast %max3A : f32 to vector<1024x128xf32>
    %max3A_27 = arith.maximumf %add3A_25, %max3A_26 : vector<1024x128xf32>
    %get3A_28 = arith.constant 0 : index
    %get3A_29 = arith.constant 0 : index
    %get3A_30 = vector.load %arg5[%get3A_28, %get3A_29] : memref<128x128xf32, #tpu.memory_space<vmem>>, vector<128x128xf32>
    %dot_general3A = arith.constant dense<0.000000e+00> : vector<1024x128xf32>
    %dot_general3A_31 = tpu.matmul %max3A_27, %get3A_30, %dot_general3A {dimension_numbers = #tpu.dot_dimension_numbers<[1], [0], [0], [1], [0, 0, 1, 1], [], []>, transpose_lhs_hint = false} : vector<1024x128xf32>, vector<128x128xf32>, vector<1024x128xf32> -> vector<1024x128xf32>
    %mul3A_32 = vector.broadcast %broadcast_in_dim3A : vector<1024x1xf32> to vector<1024x128xf32>
    %mul3A_33 = arith.mulf %dot_general3A_31, %mul3A_32 : vector<1024x128xf32>
    %swap3A = arith.constant 0 : index
    %swap3A_34 = arith.constant 0 : index
    %swap3A_35 = vector.load %arg6[%swap3A, %swap3A_34] : memref<1024x128xf32, #tpu.memory_space<vmem>>, vector<1024x128xf32>
    tpu.vector_store %arg6[%swap3A, %swap3A_34], %mul3A_33 {strides = array<i32>} : memref<1024x128xf32, #tpu.memory_space<vmem>>, vector<1024x128xf32>,
    return
  }
  func.func @transform_0(%arg0: i32) -> (i32, i32) {
    %c0_i32 = arith.constant 0 : i32
    %c0_i32_0 = arith.constant 0 : i32
    return %c0_i32, %arg0 : i32, i32
  }
  func.func @transform_1(%arg0: i32) -> (i32, i32, i32) {
    %c0_i32 = arith.constant 0 : i32
    %c0_i32_0 = arith.constant 0 : i32
    %c0_i32_1 = arith.constant 0 : i32
    return %c0_i32, %arg0, %c0_i32_0 : i32, i32, i32
  }
  func.func @transform_2(%arg0: i32) -> (i32, i32) {
    %c0_i32 = arith.constant 0 : i32
    %c0_i32_0 = arith.constant 0 : i32
    return %arg0, %c0_i32 : i32, i32
  }
  func.func @transform_3(%arg0: i32) -> (i32, i32) {
    %c0_i32 = arith.constant 0 : i32
    %c0_i32_0 = arith.constant 0 : i32
    %c0_i32_1 = arith.constant 0 : i32
    return %c0_i32, %c0_i32_0 : i32, i32
  }
  func.func @transform_4(%arg0: i32) -> (i32, i32) {
    %c0_i32 = arith.constant 0 : i32
    %c0_i32_0 = arith.constant 0 : i32
    %c0_i32_1 = arith.constant 0 : i32
    return %c0_i32, %c0_i32_0 : i32, i32
  }
  func.func @transform_5(%arg0: i32) -> (i32, i32) {
    %c0_i32 = arith.constant 0 : i32
    %c0_i32_0 = arith.constant 0 : i32
    return %arg0, %c0_i32 : i32, i32
  }
}

module attributes {stable_mosaic.version = 14 : i64} {
  func.func @_tc3_body(%arg0: i32, %arg1: memref<32x1024xf32, #tpu.memory_space<vmem>>, %arg2: memref<2x1024x128xf32, #tpu.memory_space<vmem>>, %arg3: memref<1024x128xf32, #tpu.memory_space<vmem>>, %arg4: memref<1x64xf32, #tpu.memory_space<vmem>>, %arg5: memref<1024x64xf32, #tpu.memory_space<vmem>>) attributes {dimension_semantics = [#tpu.dimension_semantics<arbitrary>], iteration_bounds = array<i64: 10>, scalar_prefetch = 0 : i64, scratch_operands = 0 : i64, tpu.core_type = #tpu.core_type<tc>, window_params = [{transform_indices = @transform_0, window_bounds = array<i64: 32, 1024>}, {transform_indices = @transform_1, window_bounds = array<i64: 2, 1024, 128>}, {transform_indices = @transform_2, window_bounds = array<i64: 1024, 128>}, {pipeline_mode = #tpu.pipeline_mode<synchronous>, transform_indices = @transform_3, window_bounds = array<i64: 1, 64>}, {transform_indices = @transform_4, window_bounds = array<i64: 1024, 64>}]} {
    %get3A = arith.constant 0 : index
    %get3A_0 = arith.constant 0 : index
    %get3A_1 = arith.constant 0 : index
    %get3A_2 = vector.load %arg2[%get3A, %get3A_0, %get3A_1] : memref<2x1024x128xf32, #tpu.memory_space<vmem>>, vector<1x1024x128xf32>
    %get3A_3 = vector.shape_cast %get3A_2 : vector<1x1024x128xf32> to vector<1024x128xf32>
    %get3A_4 = arith.constant 1 : index
    %get3A_5 = arith.constant 0 : index
    %get3A_6 = arith.constant 0 : index
    %get3A_7 = vector.load %arg2[%get3A_4, %get3A_5, %get3A_6] : memref<2x1024x128xf32, #tpu.memory_space<vmem>>, vector<1x1024x128xf32>
    %get3A_8 = vector.shape_cast %get3A_7 : vector<1x1024x128xf32> to vector<1024x128xf32>
    %add3A = arith.addf %get3A_3, %get3A_8 : vector<1024x128xf32>
    %get3A_9 = arith.constant 0 : index
    %get3A_10 = arith.constant 0 : index
    %get3A_11 = vector.load %arg3[%get3A_9, %get3A_10] : memref<1024x128xf32, #tpu.memory_space<vmem>>, vector<1024x128xf32>
    %add3A_12 = arith.addf %add3A, %get3A_11 : vector<1024x128xf32>
    %get3A_13 = arith.constant 0 : index
    %get3A_14 = arith.constant 0 : index
    %get3A_15 = vector.load %arg1[%get3A_13, %get3A_14] : memref<32x1024xf32, #tpu.memory_space<vmem>>, vector<32x1024xf32>
    %reduce_sum3A = arith.constant dense<0.000000e+00> : vector<1024xf32>
    %reduce_sum3A_16 = vector.multi_reduction <add>, %get3A_15, %reduce_sum3A [0] : vector<32x1024xf32> to vector<1024xf32>
    %add3A_17 = arith.constant 1.000000e+00 : f32
    %add3A_18 = vector.broadcast %add3A_17 : f32 to vector<1024xf32>
    %add3A_19 = arith.addf %reduce_sum3A_16, %add3A_18 : vector<1024xf32>
    %rsqrt3A = math.rsqrt %add3A_19 : vector<1024xf32>
    %broadcast_in_dim3A = vector.shape_cast %rsqrt3A : vector<1024xf32> to vector<1024x1xf32>
    %mul3A = vector.broadcast %broadcast_in_dim3A : vector<1024x1xf32> to vector<1024x128xf32>
    %mul3A_20 = arith.mulf %add3A_12, %mul3A : vector<1024x128xf32>
    %slice3A = vector.extract_strided_slice %mul3A_20 {offsets = [0, 0], sizes = [1024, 64], strides = [1, 1]} : vector<1024x128xf32> to vector<1024x64xf32>
    %get3A_21 = arith.constant 0 : index
    %get3A_22 = arith.constant 0 : index
    %get3A_23 = vector.load %arg4[%get3A_21, %get3A_22] : memref<1x64xf32, #tpu.memory_space<vmem>>, vector<1x64xf32>
    %add3A_24 = vector.broadcast %get3A_23 : vector<1x64xf32> to vector<1024x64xf32>
    %add3A_25 = arith.addf %slice3A, %add3A_24 : vector<1024x64xf32>
    %swap3A = arith.constant 0 : index
    %swap3A_26 = arith.constant 0 : index
    %swap3A_27 = vector.load %arg5[%swap3A, %swap3A_26] : memref<1024x64xf32, #tpu.memory_space<vmem>>, vector<1024x64xf32>
    tpu.vector_store %arg5[%swap3A, %swap3A_26], %add3A_25 {strides = array<i32>} : memref<1024x64xf32, #tpu.memory_space<vmem>>, vector<1024x64xf32>,
    return
  }
  func.func @transform_0(%arg0: i32) -> (i32, i32) {
    %c0_i32 = arith.constant 0 : i32
    %c0_i32_0 = arith.constant 0 : i32
    return %c0_i32, %arg0 : i32, i32
  }
  func.func @transform_1(%arg0: i32) -> (i32, i32, i32) {
    %c0_i32 = arith.constant 0 : i32
    %c0_i32_0 = arith.constant 0 : i32
    %c0_i32_1 = arith.constant 0 : i32
    return %c0_i32, %arg0, %c0_i32_0 : i32, i32, i32
  }
  func.func @transform_2(%arg0: i32) -> (i32, i32) {
    %c0_i32 = arith.constant 0 : i32
    %c0_i32_0 = arith.constant 0 : i32
    return %arg0, %c0_i32 : i32, i32
  }
  func.func @transform_3(%arg0: i32) -> (i32, i32) {
    %c0_i32 = arith.constant 0 : i32
    %c0_i32_0 = arith.constant 0 : i32
    %c0_i32_1 = arith.constant 0 : i32
    return %c0_i32, %c0_i32_0 : i32, i32
  }
  func.func @transform_4(%arg0: i32) -> (i32, i32) {
    %c0_i32 = arith.constant 0 : i32
    %c0_i32_0 = arith.constant 0 : i32
    return %arg0, %c0_i32 : i32, i32
  }
}

</mosaic_0001>

<sc_bundles>
// kernel: kernel.11.cloned.1.call-start
scs
__scs_entry_jumppad:
0x0: {  	(pc) =	sbr.rel $0x88, $3  }
0x1: {  	(tag) =	ssettag $0x0;
	lr =	simm.s32 $0x1  }
0x2: {  	[smem:$0x3F9B] =	sst lr;
	_ =	strace $0xD0000000  }
0x3: {  	_ = 	snop  }
0x4: {  	_ = 	snop  }
0x5: {  	_ = 	snop  }
0x6: {  	_ = 	snop  }
0x7: {  	_ = 	snop  }
__scs_overlays_trampoline_lowered:
0x8: {  	[smem:$0x3FAA] =	sst s0  }
0x9: {  	[smem:$0x3FAB] =	sst s1  }
0xa: {  	[smem:$0x3FAC] =	sst s2  }
0xb: {  	[smem:$0x3FAD] =	sst s3  }
0xc: {  	[smem:$0x3FAE] =	sst s4  }
0xd: {  	[smem:$0x3FAF] =	sst s5  }
0xe: {  	[smem:$0x3FB0] =	sst s6  }
0xf: {  	[smem:$0x3FB1] =	sst s7  }
0x10: {  	[smem:$0x3FB2] =	sst s8  }
0x11: {  	[smem:$0x3FB3] =	sst s9;
	s0 =	simm.s32 @!p0 $0x0  }
0x12: {  	s1 =	sld [smem:$0x3F99];
	s0 =	simm.s32 @p0 $0x1  }
0x13: {  	[smem:$0x3FB4] =	sst s0;
	s0 =	simm.s32 @!p1 $0x0  }
0x14: {  	s2 =	sld [smem:$0x3F98];
	s0 =	simm.s32 @p1 $0x1  }
0x15: {  	[smem:$0x3FB5] =	sst s0;
	s0 =	simm.s32 @!p2 $0x0  }
0x16: {  	s3 =	sld [smem:$0x3FDB];
	s0 =	simm.s32 @p2 $0x1  }
0x17: {  	s4 =	simm.s32 $0x1BF5;
	[smem:$0x3FB7] =	sst s0  }
0x18: {  	s0 =	sld [smem:$0x3F9A];
	_ =	swait.ge [sflag:s4], $0x0  }
0x19: {  	s7 =	sld [smem:$0x3F9B]  }
0x1a: {  	s8 =	sadd.s32 $0xFFFFE003, lr  }
0x1b: {  	s9 =	sadd.s32 $0xFFFFFEF7, lr;
	s5 =	simm.s32 $0xFFFFFFFF;
	p2 =	slt.u32 s8, $0xFFFFF086  }
0x1c: {  	p1 =	slt.u32 s9, $0xF7A;
	s5 =	simm.s32 @!p2 $0x0  }
0x1d: {  	s5 =	simm.s32 @p1 $0x1;
	p0 =	seq.s32 s7, s2  }
0x1e: {  	s7 =	smul.u32 @!p0 $0xF7A, s2;
	p2 =	seq.s32 @!p0 s5, $0x0  }
0x1f: {  	s9 =	smul.u32 $0xF7A, s1;
	s8 =	simm.s32 @!p0 $0x1BF5;
	p2 =	por !p2, p0  }
0x20: {  	[sflag:s8] =	ssyncset.s32 @!p0 $0xFFFFF086;
	s6 =	sadd.s32 @!p0 s3, s7;
	s7 =	simm.s32 @!p0 $0x108  }
0x21: {  	s3 =	sadd.s32 s3, s9;
	s6 =	sadd.s32 @!p0 $0x88, s6;
	s7 =	simm.s32 @p2 $0x1082  }
0x22: {  	[simem:s7], [sflag:s8] =	dma.local @!p0 [hbm:s6], $0xF7A  }
0x23: {  	s9 =	sor.u32 $0xD0000000, s2;
	s6 =	simm.s32 $0x108;
	_ =	swait.ge @!p0 [sflag:s8], $0x0  }
0x24: {  	s3 =	sadd.s32 $0x88, s3;
	s6 =	simm.s32 @!p1 $0x1082;
	[sflag:s4] =	ssyncset.s32 $0xFFFFF086  }
0x25: {  	[simem:s6], [sflag:s4] =	dma.local [hbm:s3], $0xF7A  }
0x26: {  	[smem:$0x3F9B] =	sst s1;
	(tag) =	ssettag s2;
	_ =	strace s9  }
0x27: {  	s1 =	sld [smem:$0x3FAB]  }
0x28: {  	s2 =	sld [smem:$0x3FAC]  }
0x29: {  	s4 =	sld [smem:$0x3FAE]  }
0x2a: {  	p0 =	seq.s32 s5, $0x0;
	s5 =	sld [smem:$0x3FAF]  }
0x2b: {  	s6 =	sld [smem:$0x3FB0]  }
0x2c: {  	s7 =	sld [smem:$0x3FB1]  }
0x2d: {  	s3 =	simm.s32 $0x108;
	s8 =	sld [smem:$0x3FB2]  }
0x2e: {  	s3 =	simm.s32 @!p0 $0x1082;
	s9 =	sld [smem:$0x3FB3]  }
0x2f: {  	lr =	sadd.s32 s0, s3;
	s0 =	sld [smem:$0x3FAA]  }
0x30: {  	s3 =	sld [smem:$0x3FAD]  }
0x31: {  	[smem:$0x3FB6] =	sst s10  }
0x32: {  	s10 =	sld [smem:$0x3FB4];
	_ =	sdelay $0x3  }
0x33: {  	p0 =	seq.s32 s10, $0x1;
	s10 =	sld [smem:$0x3FB6];
	_ =	sdelay $0x3  }
0x34: {  	[smem:$0x3FB6] =	sst s10  }
0x35: {  	s10 =	sld [smem:$0x3FB5];
	_ =	sdelay $0x3  }
0x36: {  	p1 =	seq.s32 s10, $0x1;
	s10 =	sld [smem:$0x3FB6];
	_ =	sdelay $0x3  }
0x37: {  	[smem:$0x3FB6] =	sst s10  }
0x38: {  	s10 =	sld [smem:$0x3FB7]  }
0x39: {  	_ = 	snop;
	(pc) =	sbr.ind lr, $3  }
0x3a: {  	_ = 	snop  }
0x3b: {  	_ = 	snop  }
0x3c: {  	p2 =	seq.s32 s10, $0x1;
	s10 =	sld [smem:$0x3FB6]  }
0x3d: {  	_ =	shalt  }
0x3e: {  	_ =	shalt  }
0x3f: {  	_ =	shalt  }
0x40: {  	_ =	shalt  }
0x41: {  	_ =	shalt  }
0x42: {  	_ =	shalt  }
0x43: {  	_ =	shalt  }
0x44: {  	_ =	shalt  }
0x45: {  	_ =	shalt  }
0x46: {  	_ =	shalt  }
0x47: {  	_ =	shalt  }
0x48: {  	_ =	shalt  }
0x49: {  	_ =	shalt  }
0x4a: {  	_ =	shalt  }
0x4b: {  	_ =	shalt  }
0x4c: {  	_ =	shalt  }
0x4d: {  	_ =	shalt  }
0x4e: {  	_ =	shalt  }
0x4f: {  	_ =	shalt  }
0x50: {  	_ =	shalt  }
0x51: {  	_ =	shalt  }
0x52: {  	_ =	shalt  }
0x53: {  	_ =	shalt  }
0x54: {  	_ =	shalt  }
0x55: {  	_ =	shalt  }
0x56: {  	_ =	shalt  }
0x57: {  	_ =	shalt  }
0x58: {  	_ =	shalt  }
0x59: {  	_ =	shalt  }
0x5a: {  	_ =	shalt  }
0x5b: {  	_ =	shalt  }
0x5c: {  	_ =	shalt  }
0x5d: {  	_ =	shalt  }
0x5e: {  	_ =	shalt  }
0x5f: {  	_ =	shalt  }
0x60: {  	_ =	shalt  }
0x61: {  	_ =	shalt  }
0x62: {  	_ =	shalt  }
0x63: {  	_ =	shalt  }
0x64: {  	_ =	shalt  }
0x65: {  	_ =	shalt  }
0x66: {  	_ =	shalt  }
0x67: {  	_ =	shalt  }
0x68: {  	_ =	shalt  }
0x69: {  	_ =	shalt  }
0x6a: {  	_ =	shalt  }
0x6b: {  	_ =	shalt  }
0x6c: {  	_ =	shalt  }
0x6d: {  	_ =	shalt  }
0x6e: {  	_ =	shalt  }
0x6f: {  	_ =	shalt  }
0x70: {  	_ =	shalt  }
0x71: {  	_ =	shalt  }
0x72: {  	_ =	shalt  }
0x73: {  	_ =	shalt  }
0x74: {  	_ =	shalt  }
0x75: {  	_ =	shalt  }
0x76: {  	_ =	shalt  }
0x77: {  	_ =	shalt  }
0x78: {  	_ =	shalt  }
0x79: {  	_ =	shalt  }
0x7a: {  	_ =	shalt  }
0x7b: {  	_ =	shalt  }
0x7c: {  	_ =	shalt  }
0x7d: {  	_ =	shalt  }
0x7e: {  	_ =	shalt  }
0x7f: {  	_ =	shalt  }
0x80: {  	_ =	shalt  }
0x81: {  	_ =	shalt  }
0x82: {  	_ =	shalt  }
0x83: {  	_ =	shalt  }
0x84: {  	_ =	shalt  }
0x85: {  	_ =	shalt  }
0x86: {  	_ =	shalt  }
0x87: {  	_ =	shalt  }
.Lfunc_end0:
.L_simem_size_0:
called_computation.1_lowered:
.L_overlay_start_0:
0x88: {  	s2 =	sld [smem:$0x3FD9]  }
0x89: {  	s3 =	sld [smem:$0x3FFE];
	_ =	sdelay $0x1  }
0x8a: {  	s1 =	srdreg.scid  }
0x8b: {  	s0 =	sand.u32 $0x1, s1  }
0x8c: {  	s16 =	sshll.u32 s0, $0xA;
	s2 =	sadd.s32 s3, s2  }
0x8d: {  	s2 =	sadd.s32 s2, s16  }
0x8e: {  	[smem:$0x3FC2] =	sst s2  }
0x8f: {  	_ = 	snop  }
0x90: {  	(tm) =	ssettm $0x1  }
0x91: {  	s17 =	sld [smem:$0x3FFB];
	_ =	sdelay $0x3  }
0x92: {  	_ =	strace s17  }
0x93: {  	s2 =	sld [smem:$0x3FFC];
	_ =	sdelay $0x3  }
0x94: {  	_ =	strace s2  }
0x95: {  	s2 =	sld [smem:$0x3FFD];
	_ =	sdelay $0x3  }
0x96: {  	_ =	strace s2  }
0x97: {  	_ =	strace $0x8FFFFFFF  }
0x98: {  	s18 =	sld [smem:$0x3FDB];
	_ =	sdelay $0x1  }
0x99: {  	s19 =	simm.s32 $_scs_section_size  }
0x9a: {  	s4 =	simm.s32 $_size__tile_overlayer_lowered;
	s5 =	simm.s32 $_tile_overlayer_lowered  }
0x9b: {  	s22 =	simm.s32 $0x1BFF;
	s21 =	sshll.u32 s5, $0x1;
	s2 =	sadd.s32 s19, s18  }
0x9c: {  	s6 =	simm.s32 $0x0;
	s20 =	sshll.u32 s4, $0x1;
	s4 =	sadd.s32 s21, s2  }
0x9d: {  	[timem:s6], [sflag:s22] =	dma.local [hbm:s4], s20  }
0x9e: {  	_ =	swait.ge [sflag:s22], s20  }
0x9f: {  	s3 =	ssub.s32 $0x0, s20;
	[sflag:s22] =	ssyncset.done $0x0  }
0xa0: {  	[sflag:s22] =	ssyncadd.s32 s3;
	_ =	sdelay $0x1  }
0xa1: {  	s23 =	simm.s32 $0x1B8B  }
0xa2: {  	_ =	swait.ge [sflag:s23], $0x1  }
0xa3: {  	[sflag:s23] =	ssyncset.done $0x0  }
0xa4: {  	s25 =	simm.s32 $0x1B8E;
	s24 =	sld [smem:$0x3FFE];
	[sflag:s23] =	ssyncadd.s32 $0xFFFFFFFF  }
0xa5: {  	s26 =	simm.s32 $execute0_lowered;
	[smem:$0x3FD2] =	sst s25  }
0xa6: {  	s4 =	sshll.u32 s26, $0x1;
	_ =	strace $0x80000049;
	[dreg:$0x1] =	wrdreg $0xFFFFFFFF  }
0xa7: {  	s28 =	simm.s32 $_size_execute0_lowered;
	s2 =	sadd.s32 s2, s4;
	[dreg:$0x0] =	wrdreg $0x0  }
0xa8: {  	s4 =	sshll.u32 s28, $0x1;
	[dreg:$0x2] =	wrdreg s2  }
0xa9: {  	[dreg:$0x3] =	wrdreg s4  }
0xaa: {  	[dreg:$0x4] =	wrdreg $0xC0  }
0xab: {  	_ =	task [dreg:s6], $0x5FFFF  }
0xac: {  	[dreg:$0x1] =	wrdreg $0xFFFFFFFF  }
0xad: {  	[dreg:$0x0] =	wrdreg $0x60  }
0xae: {  	[dreg:$0x2] =	wrdreg s24  }
0xaf: {  	[dreg:$0x3] =	wrdreg $0xBA000  }
0xb0: {  	[dreg:$0x4] =	wrdreg $0x9  }
0xb1: {  	_ =	task.clear_ibuf [dreg:s6], $0x5FFFF;
	_ =	strace $0x90000049  }
0xb2: {  	s29 =	simm.s32 $0x9;
	_ =	strace $0x8000004B  }
0xb3: {  	_ =	swait.ge [sflag:s29], $0x1  }
0xb4: {  	[sflag:s29] =	ssyncadd.s32 $0xFFFFFFFF  }
0xb5: {  	_ =	strace $0x9000004B  }
0xb6: {  	_ =	sfence  }
0xb7: {  	s30 =	sld [smem:$0x0];
	_ =	sdelay $0x2  }
0xb8: {  	s31 =	sshll.u32 s1, $0xD;
	s1 =	sshrl.u32 s1, $0x2  }
0xb9: {  	s3 =	sand.u32 $0x4000, s31;
	s1 =	sadd.s32 s1, s30  }
0xba: {  	s0 =	sor.u32 s3, s0;
	s1 =	sshll.u32 s1, $0x11  }
0xbb: {  	s0 =	sor.u32 s1, s0  }
0xbc: {  	s0 =	sadd.s32 $0x8F2B, s0  }
0xbd: {  	[sflag:s0] =	ssyncadd.remote.s32 $0x1  }
0xbe: {  	_ =	sfence.sel $0xFFFF  }
0xbf: {  	[dreg:$0x0] =	wrdreg $0xFFFFFFFF;
	(pc) =	sbr.abs _section_cstart, $3  }
0xc0: {  	[dreg:$0x1] =	wrdreg $0xFFFFFFFF  }
0xc1: {  	_ =	task.clear_ibuf [dreg:s6], $0x2FFFF;
	_ =	strace $0x9FFFFFFF  }
0xc2: {  	(tm) =	ssettm $0x7FFFFFFF  }
0xc3: {  	_ =	shalt  }
tec
execute0_lowered:
.L_overlay_start_1:
0x0: {  	(tag) =	ssettag $0x1  }
0x1: {  	s1 =	srdreg.scid;
	s15 =	stileid.u32  }
0x2: {  	s0 =	rddreg [dreg:$0x0];
	s2 =	sand.u32 $0x1, s1;
	s5 =	smul.u32 $0x14000, s15  }
0x3: {  	s1 =	simm.s32 $0x0;
	s6 =	sadd.s32 $0x49C00, s0;
	s25 =	smul.u32 $0x1500, s15  }
0x4: {  	s8 =	sshll.u32 s15, $0x1;
	s26 =	sadd.s32 $0xCC00, s0;
	s31 =	smul.u32 $0x50000, s15  }
0x5: {  	s3 =	smul.u32 $0x140000, s2;
	s4 =	ssub.s32 $0x2, s2;
	s11 =	sor.u32 s2, s8  }
0x6: {  	[smem:$0x7FF] =	sst s1;
	s2 =	smul.u32 $0xA80, s2;
	s7 =	sshrl.u32 s4, $0x1  }
0x7: {  	s9 =	sor.u32 $0x2000, s5;
	s10 =	sadd.s32 $0x4000, s5;
	s4 =	ssub.s32 s4, s7  }
0x8: {  	s12 =	sadd.s32 s3, s5;
	s7 =	smul.u32 $0xA80, s11;
	s13 =	sadd.s32 s3, s9  }
0x9: {  	s11 =	sadd.s32 s3, s10;
	s8 =	sshrl.u32 s12, $0x3;
	s12 =	sadd.s32 $0x6000, s5  }
0xa: {  	s14 =	sshrl.u32 s11, $0x3;
	s11 =	sadd.s32 $0x8000, s5;
	s8 =	sadd.s32 s6, s8  }
0xb: {  	s16 =	sadd.s32 s3, s12;
	[dreg:$0x3] =	wrdreg s8;
	s8 =	sshrl.u32 s13, $0x3  }
0xc: {  	s18 =	sadd.s32 s3, s11;
	s17 =	sshrl.u32 s16, $0x3;
	s8 =	sadd.s32 s6, s8  }
0xd: {  	s16 =	sadd.s32 $0x21C00, s0;
	[dreg:$0x4] =	wrdreg s8;
	s8 =	sadd.s32 s6, s14  }
0xe: {  	s14 =	sadd.s32 $0xA000, s5;
	[dreg:$0x5] =	wrdreg s8;
	s8 =	sadd.s32 s6, s17  }
0xf: {  	s13 =	sadd.s32 s3, s14;
	s17 =	sadd.s32 $0xC000, s5;
	[dreg:$0x6] =	wrdreg s8  }
0x10: {  	s8 =	sshrl.u32 s18, $0x3;
	s19 =	sshrl.u32 s13, $0x3;
	s20 =	sadd.s32 s3, s17  }
0x11: {  	s18 =	sadd.s32 $0xE000, s5;
	s13 =	rddreg [dreg:$0x1];
	s8 =	sadd.s32 s6, s8  }
0x12: {  	s21 =	sshrl.u32 s20, $0x3;
	s22 =	sadd.s32 s3, s18;
	s20 =	sadd.s32 s26, s7  }
0x13: {  	s7 =	sshrl.u32 s31, $0x2;
	s9 =	sadd.s32 s9, s13;
	[dreg:$0x7] =	wrdreg s8  }
0x14: {  	s8 =	sadd.s32 s6, s19;
	s19 =	sadd.s32 $0x10000, s5;
	s5 =	sadd.s32 $0x12000, s5  }
0x15: {  	[dreg:$0x8] =	wrdreg s8;
	s8 =	sadd.s32 s6, s21;
	s23 =	sadd.s32 s3, s19  }
0x16: {  	s3 =	sadd.s32 s3, s5;
	[dreg:$0x9] =	wrdreg s8;
	s8 =	sshrl.u32 s22, $0x3  }
0x17: {  	s10 =	sadd.s32 s10, s13;
	s3 =	sshrl.u32 s3, $0x3;
	s8 =	sadd.s32 s6, s8  }
0x18: {  	s24 =	sshrl.u32 s23, $0x3;
	s3 =	sadd.s32 s6, s3;
	[dreg:$0xa] =	wrdreg s8  }
0x19: {  	s0 =	sshrl.u32 s9, $0x3;
	s8 =	sadd.s32 s6, s24;
	[dreg:$0xc] =	wrdreg s3  }
0x1a: {  	s21 =	sadd.s32 s12, s13;
	[dreg:$0xb] =	wrdreg s8;
	s8 =	smax.u32 s4, $0x1  }
0x1b: {  	s3 =	sadd.s32 s25, s26;
	_ =	strace $0x8000004A;
	[dreg:$0xf] =	wrdreg s8  }
0x1c: {  	s15 =	sadd.s32 s2, s3;
	s2 =	sshrl.u32 s10, $0x3;
	[dreg:$0x10] =	wrdreg s0  }
0x1d: {  	s23 =	sadd.s32 s11, s13;
	s3 =	sshrl.u32 s21, $0x3;
	[dreg:$0x11] =	wrdreg s2  }
0x1e: {  	s24 =	sadd.s32 s14, s13;
	s4 =	sshrl.u32 s23, $0x3;
	[dreg:$0x12] =	wrdreg s3  }
0x1f: {  	s25 =	sadd.s32 s17, s13;
	s10 =	sshrl.u32 s24, $0x3;
	[dreg:$0x13] =	wrdreg s4  }
0x20: {  	s26 =	sadd.s32 s18, s13;
	s11 =	sshrl.u32 s25, $0x3;
	[dreg:$0x14] =	wrdreg s10  }
0x21: {  	s31 =	sadd.s32 s19, s13;
	s12 =	sshrl.u32 s26, $0x3;
	[dreg:$0x15] =	wrdreg s11  }
0x22: {  	s5 =	sadd.s32 s5, s13;
	s14 =	sshrl.u32 s31, $0x3;
	[dreg:$0x16] =	wrdreg s12  }
0x23: {  	s17 =	sshrl.u32 s5, $0x3;
	[dreg:$0x17] =	wrdreg s14  }
0x24: {  	s18 =	sadd.s32 $0x20, s20;
	[dreg:$0x18] =	wrdreg s17  }
0x25: {  	s19 =	sadd.s32 $0x40, s20;
	[dreg:$0x19] =	wrdreg s18  }
0x26: {  	s28 =	simm.s32 $0x4;
	[dreg:$0x1a] =	wrdreg s19  }
0x27: {  	s22 =	sadd.s32 s7, s13;
	s21 =	sadd.s32 $0x60, s20;
	[dreg:$0xd] =	wrdreg s20  }
0x28: {  	s29 =	simm.s32 $0xA;
	s23 =	sadd.s32 $0x12C00, s22;
	[dreg:$0x1b] =	wrdreg s21  }
0x29: {  	s30 =	simm.s32 $0x3;
	s24 =	sadd.s32 $0x3C00, s22;
	[dreg:$0x1c] =	wrdreg s23  }
0x2a: {  	s9 =	simm.s32 $0xD;
	s25 =	sadd.s32 $0x7800, s22;
	[dreg:$0x1d] =	wrdreg s24  }
0x2b: {  	s7 =	simm.s32 $0x300;
	s26 =	sadd.s32 $0xB400, s22;
	[dreg:$0x1e] =	wrdreg s25  }
0x2c: {  	s31 =	sadd.s32 $0xF000, s22;
	s5 =	simm.s32 $0x0;
	[dreg:$0x1f] =	wrdreg s26  }
0x2d: {  	[smem:$0x7FD] =	sst s31;
	s8 =	simm.s32 $0x7E00;
	s11 =	simm.s32 $0x78  }
.Ltmp0:
0x2e: {  	s18 =	simm.s32 $0x600;
	s19 =	simm.s32 $0x8;
	(pc) =	sbr.rel .LBB2_1-.Ltmp0, $4  }
0x2f: {  	s20 =	simm.s32 $0x4200;
	s21 =	simm.s32 $0x1;
	s23 =	simm.s32 $0x9  }
0x30: {  	s24 =	simm.s32 $0x400;
	s25 =	simm.s32 $0x2;
	s14 =	simm.s32 $0x500  }
0x31: {  	s12 =	simm.s32 $0x5;
	s0 =	simm.s32 $0xB;
	s3 =	simm.s32 $0x6  }
0x32: {  	v0 =	vimm.f32 $0.0e+00;
	s4 =	simm.s32 $0xC;
	s10 =	simm.s32 $0x580;
	[dreg:$0xe] =	wrdreg s22  }
.LBB2_6:
0x33: {  	_ =	swait.ge [sflag:s28], $0x3C00  }
0x34: {  	[sflag:s28] =	ssyncset.done $0x0  }
0x35: {  	[sflag:s28] =	ssyncadd.s32 $0xFFFFC400  }
0x36: {  	_ =	swait.ge [sflag:s12], $0x3C00  }
0x37: {  	[sflag:s12] =	ssyncset.done $0x0  }
0x38: {  	[sflag:s12] =	ssyncadd.s32 $0xFFFFC400  }
0x39: {  	_ =	swait.ge [sflag:s3], $0x3C00  }
0x3a: {  	[sflag:s3] =	ssyncset.done $0x0  }
0x3b: {  	[sflag:s3] =	ssyncadd.s32 $0xFFFFC400  }
0x3c: {  	s2 =	stileid.u32;
	[bflag:$0x0] =	sbarrier.arrive $0xFFFF  }
0x3d: {  	s2 =	sshll.u32 s2, $0x6;
	s22 =	rddreg [dreg:$0xe]  }
0x3e: {  	s2 =	sor.u32 $0x1C0D, s2;
	s6 =	rddreg [dreg:$0x3];
	s5 =	sshrl.u32 s22, $0x3  }
0x3f: {  	[hbm:s6], [sflag:s2] =	dma.local [spmem:s5], $0x400  }
0x40: {  	_ =	swait.ge [sflag:s9], $0x400  }
0x41: {  	[sflag:s9] =	ssyncset.done $0x0;
	s6 =	rddreg [dreg:$0x4]  }
0x42: {  	s17 =	rddreg [dreg:$0x10];
	[sflag:s9] =	ssyncadd.s32 $0xFFFFFC00  }
0x43: {  	[hbm:s6], [sflag:s2] =	dma.local [spmem:s17], $0x400  }
0x44: {  	_ =	swait.ge [sflag:s9], $0x400  }
0x45: {  	[sflag:s9] =	ssyncset.done $0x0;
	s26 =	rddreg [dreg:$0x5]  }
0x46: {  	s31 =	rddreg [dreg:$0x11];
	[sflag:s9] =	ssyncadd.s32 $0xFFFFFC00  }
0x47: {  	[hbm:s26], [sflag:s2] =	dma.local [spmem:s31], $0x400  }
0x48: {  	_ =	swait.ge [sflag:s9], $0x400  }
0x49: {  	[sflag:s9] =	ssyncset.done $0x0;
	s6 =	rddreg [dreg:$0x6]  }
0x4a: {  	s17 =	rddreg [dreg:$0x12];
	[sflag:s9] =	ssyncadd.s32 $0xFFFFFC00  }
0x4b: {  	[hbm:s6], [sflag:s2] =	dma.local [spmem:s17], $0x400  }
0x4c: {  	_ =	swait.ge [sflag:s9], $0x400  }
0x4d: {  	[sflag:s9] =	ssyncset.done $0x0;
	s26 =	rddreg [dreg:$0x7]  }
0x4e: {  	s31 =	rddreg [dreg:$0x13];
	[sflag:s9] =	ssyncadd.s32 $0xFFFFFC00  }
0x4f: {  	[hbm:s26], [sflag:s2] =	dma.local [spmem:s31], $0x400  }
0x50: {  	_ =	swait.ge [sflag:s9], $0x400  }
0x51: {  	[sflag:s9] =	ssyncset.done $0x0;
	s6 =	rddreg [dreg:$0x8]  }
0x52: {  	s17 =	rddreg [dreg:$0x14];
	[sflag:s9] =	ssyncadd.s32 $0xFFFFFC00  }
0x53: {  	[hbm:s6], [sflag:s2] =	dma.local [spmem:s17], $0x400  }
0x54: {  	_ =	swait.ge [sflag:s9], $0x400  }
0x55: {  	[sflag:s9] =	ssyncset.done $0x0;
	s26 =	rddreg [dreg:$0x9]  }
0x56: {  	s31 =	rddreg [dreg:$0x15];
	[sflag:s9] =	ssyncadd.s32 $0xFFFFFC00  }
0x57: {  	[hbm:s26], [sflag:s2] =	dma.local [spmem:s31], $0x400  }
0x58: {  	_ =	swait.ge [sflag:s9], $0x400  }
0x59: {  	[sflag:s9] =	ssyncset.done $0x0;
	s6 =	rddreg [dreg:$0xa]  }
0x5a: {  	s17 =	rddreg [dreg:$0x16];
	[sflag:s9] =	ssyncadd.s32 $0xFFFFFC00  }
0x5b: {  	[hbm:s6], [sflag:s2] =	dma.local [spmem:s17], $0x400  }
0x5c: {  	_ =	swait.ge [sflag:s9], $0x400  }
0x5d: {  	[sflag:s9] =	ssyncset.done $0x0;
	s26 =	rddreg [dreg:$0xb]  }
0x5e: {  	s31 =	rddreg [dreg:$0x17];
	[sflag:s9] =	ssyncadd.s32 $0xFFFFFC00  }
0x5f: {  	[hbm:s26], [sflag:s2] =	dma.local [spmem:s31], $0x400  }
0x60: {  	_ =	swait.ge [sflag:s9], $0x400  }
0x61: {  	[sflag:s9] =	ssyncset.done $0x0;
	s6 =	rddreg [dreg:$0xc]  }
0x62: {  	s17 =	rddreg [dreg:$0x18];
	[sflag:s9] =	ssyncadd.s32 $0xFFFFFC00  }
0x63: {  	[hbm:s6], [sflag:s2] =	dma.local [spmem:s17], $0x400  }
0x64: {  	_ =	swait.ge [sflag:s9], $0x400  }
0x65: {  	s26 =	sld [smem:$0x7FC];
	_ =	sdelay $0x2  }
0x66: {  	s31 =	rddreg [dreg:$0xf];
	s5 =	sadd.s32 $0x1, s26  }
0x67: {  	p0 =	sne.s32 s5, s31  }
.Ltmp1:
0x68: {  	_ = 	snop;
	(pc) =	sbr.rel @!p0 .LBB2_7-.Ltmp1, $3  }
0x69: {  	_ =	sdelay $0x1  }
0x6a: {  	[sflag:s9] =	ssyncset.done $0x0  }
0x6b: {  	[sflag:s9] =	ssyncadd.s32 $0xFFFFFC00  }
.LBB2_1:
0x6c: {  	[smem:$0x7FC] =	sst s5  }
0x6d: {  	s2 =	rddreg [dreg:$0xd]  }
0x6e: {  	[tilespmem:s1], [sflag:$0x7] =	stream.linear.gather [hbm4b:s2+s1], $0x100, $0x38;
	[tilespmem:$0x1FA00] =	vst v63  }
0x6f: {  	s5 =	rddreg [dreg:$0x19];
	s6 =	simm.s32 $0x100  }
0x70: {  	[tilespmem:s6], [sflag:$0x8] =	stream.linear.gather [hbm4b:s5+s1], $0x100, $0x38;
	[tilespmem:$0x1FA00] =	vst v63  }
0x71: {  	s17 =	rddreg [dreg:$0x1a];
	s26 =	simm.s32 $0x200  }
0x72: {  	[tilespmem:s26], [sflag:$0x9] =	stream.linear.gather [hbm4b:s17+s1], $0x100, $0x38;
	[tilespmem:$0x1FA00] =	vst v63  }
0x73: {  	s31 =	rddreg [dreg:$0x1b];
	s5 =	simm.s32 $0x0;
	s17 =	simm.s32 $0x200  }
0x74: {  	[tilespmem:s7], [sflag:$0xA] =	stream.linear.gather [hbm4b:s31+s1], $0x100, $0x38;
	[tilespmem:$0x1FA00] =	vst v63  }
.LBB2_2:
0x75: {  	p0 =	sne.s32 s17, $0xEE00;
	[tilespmem:s5+$0x7E70] =	vst v0  }
0x76: {  	[tilespmem:s5+$0x7E00] =	vst v0  }
0x77: {  	[tilespmem:s5+$0x7E10] =	vst v0  }
.Ltmp2:
0x78: {  	[tilespmem:s5+$0x7E20] =	vst v0;
	(pc) =	sbr.rel @p0 .LBB2_2-.Ltmp2, $4  }
0x79: {  	[tilespmem:s5+$0x7E30] =	vst v0  }
0x7a: {  	[tilespmem:s5+$0x7E40] =	vst v0  }
0x7b: {  	[tilespmem:s5+$0x7E50] =	vst v0  }
0x7c: {  	[tilespmem:s5+$0x7E60] =	vst v0;
	s5 =	sshra.s32 s17, $0x2;
	s17 =	sadd.s32 $0x200, s17  }
0x7d: {  	[tilespmem:s5+$0x7E70] =	vst v0  }
0x7e: {  	[tilespmem:s5+$0x7E00] =	vst v0  }
0x7f: {  	[tilespmem:s5+$0x7E10] =	vst v0  }
0x80: {  	[tilespmem:s5+$0x7E20] =	vst v0  }
0x81: {  	[tilespmem:s5+$0x7E30] =	vst v0  }
0x82: {  	[tilespmem:s5+$0x7E40] =	vst v0  }
0x83: {  	[tilespmem:s5+$0x7E50] =	vst v0  }
0x84: {  	[tilespmem:s5+$0x7E60] =	vst v0  }
0x85: {  	[spmem:s22] =	stream.linear.scatter [tilespmem:s8], [sflag:$0xD], $0x3C00, $0x38;
	[tilespmem:$0x1FA00] =	vst v63  }
0x86: {  	_ =	swait.ge [sflag:s9], $0x3C00  }
0x87: {  	[sflag:s9] =	ssyncset.done $0x0  }
0x88: {  	s2 =	rddreg [dreg:$0x1d];
	[sflag:s9] =	ssyncadd.s32 $0xFFFFC400  }
0x89: {  	[spmem:s2] =	stream.linear.scatter [tilespmem:s8], [sflag:$0xD], $0x3C00, $0x38;
	[tilespmem:$0x1FA00] =	vst v63  }
0x8a: {  	_ =	swait.ge [sflag:s9], $0x3C00  }
0x8b: {  	[sflag:s9] =	ssyncset.done $0x0  }
0x8c: {  	s5 =	rddreg [dreg:$0x1e];
	[sflag:s9] =	ssyncadd.s32 $0xFFFFC400  }
0x8d: {  	[spmem:s5] =	stream.linear.scatter [tilespmem:s8], [sflag:$0xD], $0x3C00, $0x38;
	[tilespmem:$0x1FA00] =	vst v63  }
0x8e: {  	_ =	swait.ge [sflag:s9], $0x3C00  }
0x8f: {  	[sflag:s9] =	ssyncset.done $0x0  }
0x90: {  	s6 =	rddreg [dreg:$0x1f];
	[sflag:s9] =	ssyncadd.s32 $0xFFFFC400  }
0x91: {  	[spmem:s6] =	stream.linear.scatter [tilespmem:s8], [sflag:$0xD], $0x3C00, $0x38;
	[tilespmem:$0x1FA00] =	vst v63  }
0x92: {  	_ =	swait.ge [sflag:s9], $0x3C00  }
0x93: {  	s17 =	sld [smem:$0x7FD]  }
0x94: {  	[sflag:s9] =	ssyncset.done $0x0  }
0x95: {  	[sflag:s9] =	ssyncadd.s32 $0xFFFFC400  }
0x96: {  	[spmem:s17] =	stream.linear.scatter [tilespmem:s8], [sflag:$0xD], $0x3C00, $0x38;
	[tilespmem:$0x1FA00] =	vst v63  }
0x97: {  	_ =	swait.ge [sflag:s9], $0x3C00  }
0x98: {  	[sflag:s9] =	ssyncset.done $0x0  }
0x99: {  	s22 =	rddreg [dreg:$0x1c];
	[sflag:s9] =	ssyncadd.s32 $0xFFFFC400  }
0x9a: {  	[spmem:s22] =	stream.linear.scatter [tilespmem:s8], [sflag:$0xD], $0x1400, $0x38;
	[tilespmem:$0x1FA00] =	vst v63  }
0x9b: {  	_ =	swait.ge [sflag:s9], $0x1400  }
0x9c: {  	[sflag:s9] =	ssyncset.done $0x0  }
0x9d: {  	s26 =	simm.s32 $0x7;
	[sflag:s9] =	ssyncadd.s32 $0xFFFFEC00  }
0x9e: {  	_ =	swait.ge [sflag:s26], $0x100  }
0x9f: {  	[sflag:s26] =	ssyncset.done $0x0  }
0xa0: {  	s17 =	simm.s32 $0x0;
	[sflag:s26] =	ssyncadd.s32 $0xFFFFFF00  }
0xa1: {  	[tilespmem:s18], [sflag:$0x1] =	stream.indirect.gather [hbm4b:s16+s11], $0x80, s17, s11, $0xb8;
	[tilespmem:$0x1FA00] =	vst v63  }
0xa2: {  	_ =	swait.ge [sflag:s19], $0x100  }
0xa3: {  	[sflag:s19] =	ssyncset.done $0x0  }
0xa4: {  	s31 =	simm.s32 $0x100;
	[sflag:s19] =	ssyncadd.s32 $0xFFFFFF00  }
0xa5: {  	[tilespmem:s20], [sflag:$0x2] =	stream.indirect.gather [hbm4b:s16+s11], $0x80, s31, s11, $0xb8;
	[tilespmem:$0x1FA00] =	vst v63  }
0xa6: {  	[bflag:$0x0] =	sbarrier.arrive $0xFFFF  }
.LBB2_4:
0xa7: {  	_ =	swait.ge [sflag:s21], $0x3C00  }
0xa8: {  	p0 =	seq.s32 s17, $0x0;
	[sflag:s21] =	ssyncset.done $0x0  }
0xa9: {  	s2 =	simm.s32 $0x80;
	s5 =	simm.s32 @!p0 $0x6;
	[sflag:s21] =	ssyncadd.s32 $0xFFFFC400  }
0xaa: {  	[spmem:s13] =	stream.indirect.scatter.add.f32 [tilespmem:s18], [sflag:$0x4], $0x80, s2, s11, $0xb8;
	[tilespmem:$0x1FA00] =	vst v63  }
0xab: {  	_ =	swait.ge @!p0 [sflag:s5], $0x3C00  }
0xac: {  	[sflag:s5] =	ssyncset.done @!p0 $0x0  }
0xad: {  	[sflag:s5] =	ssyncadd.s32 @!p0 $0xFFFFC400  }
0xae: {  	_ =	swait.ge [sflag:s23], $0x100  }
0xaf: {  	[sflag:s23] =	ssyncset.done $0x0  }
0xb0: {  	s5 =	simm.s32 $0x200;
	[sflag:s23] =	ssyncadd.s32 $0xFFFFFF00  }
0xb1: {  	[tilespmem:s8], [sflag:$0x3] =	stream.indirect.gather [hbm4b:s16+s11], $0x80, s5, s11, $0xb8;
	[tilespmem:$0x1FA00] =	vst v63  }
0xb2: {  	s5 =	sadd.s32 s17, s15  }
0xb3: {  	s6 =	sadd.s32 $0x80, s5  }
0xb4: {  	[tilespmem:s24], [sflag:$0xB] =	stream.linear.gather [hbm4b:s6+s1], $0x100, $0x38;
	[tilespmem:$0x1FA00] =	vst v63  }
0xb5: {  	_ =	swait.ge [sflag:s25], $0x3C00  }
0xb6: {  	[sflag:s25] =	ssyncset.done $0x0  }
0xb7: {  	s6 =	simm.s32 $0x180;
	[sflag:s25] =	ssyncadd.s32 $0xFFFFC400  }
0xb8: {  	[spmem:s13] =	stream.indirect.scatter.add.f32 [tilespmem:s20], [sflag:$0x5], $0x80, s6, s11, $0xb8;
	[tilespmem:$0x1FA00] =	vst v63  }
0xb9: {  	_ =	swait.ge [sflag:s28], $0x3C00  }
0xba: {  	[sflag:s28] =	ssyncset.done $0x0  }
0xbb: {  	[sflag:s28] =	ssyncadd.s32 $0xFFFFC400  }
0xbc: {  	_ =	swait.ge [sflag:s29], $0x100  }
0xbd: {  	[sflag:s29] =	ssyncset.done $0x0  }
0xbe: {  	[sflag:s29] =	ssyncadd.s32 $0xFFFFFF00  }
0xbf: {  	[tilespmem:s18], [sflag:$0x1] =	stream.indirect.gather [hbm4b:s16+s11], $0x80, s7, s11, $0xb8;
	[tilespmem:$0x1FA00] =	vst v63  }
0xc0: {  	s22 =	sadd.s32 $0xA0, s5  }
0xc1: {  	[tilespmem:s14], [sflag:$0xC] =	stream.linear.gather [hbm4b:s22+s1], $0x100, $0x38;
	[tilespmem:$0x1FA00] =	vst v63  }
0xc2: {  	_ =	swait.ge [sflag:s30], $0x3C00  }
0xc3: {  	[sflag:s30] =	ssyncset.done $0x0  }
0xc4: {  	s26 =	simm.s32 $0x280;
	[sflag:s30] =	ssyncadd.s32 $0xFFFFC400  }
0xc5: {  	[spmem:s13] =	stream.indirect.scatter.add.f32 [tilespmem:s8], [sflag:$0x6], $0x80, s26, s11, $0xb8;
	[tilespmem:$0x1FA00] =	vst v63  }
0xc6: {  	_ =	swait.ge [sflag:s12], $0x3C00  }
0xc7: {  	[sflag:s12] =	ssyncset.done $0x0  }
0xc8: {  	[sflag:s12] =	ssyncadd.s32 $0xFFFFC400  }
0xc9: {  	_ =	swait.ge [sflag:s0], $0x100  }
0xca: {  	p0 =	seq.s32 s17, $0x9C0;
	[sflag:s0] =	ssyncset.done $0x0  }
0xcb: {  	s6 =	sadd.s32 @!p0 s17, s15;
	[sflag:s0] =	ssyncadd.s32 $0xFFFFFF00  }
0xcc: {  	[tilespmem:s20], [sflag:$0x2] =	stream.indirect.gather [hbm4b:s16+s11], $0x80, s24, s11, $0xb8;
	[tilespmem:$0x1FA00] =	vst v63  }
0xcd: {  	s22 =	sadd.s32 @!p0 $0xC0, s6;
	s26 =	simm.s32 @!p0 $0x0  }
0xce: {  	[tilespmem:s26], [sflag:$0x7] =	stream.linear.gather @!p0 [hbm4b:s22+s26], $0x100, $0x38;
	[tilespmem:$0x1FA00] =	vst v63  }
0xcf: {  	_ =	swait.ge [sflag:s21], $0x3C00  }
0xd0: {  	[sflag:s21] =	ssyncset.done $0x0  }
0xd1: {  	s31 =	simm.s32 $0x380;
	[sflag:s21] =	ssyncadd.s32 $0xFFFFC400  }
0xd2: {  	[spmem:s13] =	stream.indirect.scatter.add.f32 [tilespmem:s18], [sflag:$0x4], $0x80, s31, s11, $0xb8;
	[tilespmem:$0x1FA00] =	vst v63  }
0xd3: {  	_ =	swait.ge [sflag:s3], $0x3C00  }
0xd4: {  	[sflag:s3] =	ssyncset.done $0x0  }
0xd5: {  	[sflag:s3] =	ssyncadd.s32 $0xFFFFC400  }
0xd6: {  	_ =	swait.ge [sflag:s4], $0x100  }
0xd7: {  	[sflag:s4] =	ssyncset.done $0x0  }
0xd8: {  	s22 =	simm.s32 @p0 $0x2;
	[sflag:s4] =	ssyncadd.s32 $0xFFFFFF00  }
0xd9: {  	[tilespmem:s8], [sflag:$0x3] =	stream.indirect.gather [hbm4b:s16+s11], $0x80, s14, s11, $0xb8;
	[tilespmem:$0x1FA00] =	vst v63  }
0xda: {  	_ =	swait.ge @p0 [sflag:s22], $0x3C00  }
0xdb: {  	s2 =	simm.s32 @p0 $0x4200;
	[sflag:s22] =	ssyncset.done @p0 $0x0  }
0xdc: {  	s31 =	simm.s32 @p0 $0x480;
	[sflag:s22] =	ssyncadd.s32 @p0 $0xFFFFC400;
	s22 =	simm.s32 @p0 $0x78  }
0xdd: {  	[spmem:s13] =	stream.indirect.scatter.add.f32 @p0 [tilespmem:s2], [sflag:$0x5], $0x80, s31, s22, $0xb8;
	[tilespmem:$0x1FA00] =	vst v63  }
0xde: {  	s2 =	sadd.s32 @!p0 $0xE0, s6;
	s22 =	simm.s32 @!p0 $0x100  }
0xdf: {  	[tilespmem:s22], [sflag:$0x8] =	stream.linear.gather @!p0 [hbm4b:s2+s26], $0x100, $0x38;
	[tilespmem:$0x1FA00] =	vst v63  }
0xe0: {  	s2 =	simm.s32 @!p0 $0x2  }
0xe1: {  	_ =	swait.ge @!p0 [sflag:s2], $0x3C00  }
0xe2: {  	s31 =	simm.s32 @!p0 $0x4200;
	[sflag:s2] =	ssyncset.done @!p0 $0x0  }
0xe3: {  	s22 =	simm.s32 @!p0 $0x480;
	[sflag:s2] =	ssyncadd.s32 @!p0 $0xFFFFC400;
	s2 =	simm.s32 @!p0 $0x78  }
0xe4: {  	[spmem:s13] =	stream.indirect.scatter.add.f32 @!p0 [tilespmem:s31], [sflag:$0x5], $0x80, s22, s2, $0xb8;
	[tilespmem:$0x1FA00] =	vst v63  }
0xe5: {  	s22 =	simm.s32 @!p0 $0x4  }
0xe6: {  	_ =	swait.ge @!p0 [sflag:s22], $0x3C00  }
0xe7: {  	[sflag:s22] =	ssyncset.done @!p0 $0x0  }
0xe8: {  	[sflag:s22] =	ssyncadd.s32 @!p0 $0xFFFFC400;
	s22 =	simm.s32 @!p0 $0x7  }
0xe9: {  	_ =	swait.ge @!p0 [sflag:s22], $0x100  }
0xea: {  	[sflag:s22] =	ssyncset.done @!p0 $0x0  }
0xeb: {  	[sflag:s22] =	ssyncadd.s32 @!p0 $0xFFFFFF00;
	s22 =	simm.s32 @!p0 $0x600  }
0xec: {  	[tilespmem:s22], [sflag:$0x1] =	stream.indirect.gather @!p0 [hbm4b:s16+s2], $0x80, s26, s2, $0xb8;
	[tilespmem:$0x1FA00] =	vst v63  }
0xed: {  	s2 =	sadd.s32 @!p0 $0x100, s6;
	s6 =	simm.s32 @!p0 $0x200  }
0xee: {  	[tilespmem:s6], [sflag:$0x9] =	stream.linear.gather @!p0 [hbm4b:s2+s26], $0x100, $0x38;
	[tilespmem:$0x1FA00] =	vst v63  }
.Ltmp3:
0xef: {  	_ = 	snop;
	(pc) =	sbr.rel @p0 .LBB2_6-.Ltmp3, $4  }
0xf0: {  	_ =	swait.ge [sflag:s30], $0x3C00  }
0xf1: {  	[sflag:s30] =	ssyncset.done $0x0  }
0xf2: {  	[sflag:s30] =	ssyncadd.s32 $0xFFFFC400  }
0xf3: {  	[spmem:s13] =	stream.indirect.scatter.add.f32 [tilespmem:s8], [sflag:$0x6], $0x80, s10, s11, $0xb8;
	[tilespmem:$0x1FA00] =	vst v63  }
0xf4: {  	_ =	swait.ge [sflag:s12], $0x3C00  }
0xf5: {  	[sflag:s12] =	ssyncset.done $0x0  }
0xf6: {  	[sflag:s12] =	ssyncadd.s32 $0xFFFFC400  }
0xf7: {  	_ =	swait.ge [sflag:s19], $0x100  }
.Ltmp4:
0xf8: {  	[sflag:s19] =	ssyncset.done $0x0;
	(pc) =	sbr.rel .LBB2_4-.Ltmp4, $4  }
0xf9: {  	s2 =	simm.s32 $0x100;
	[sflag:s19] =	ssyncadd.s32 $0xFFFFFF00  }
0xfa: {  	[tilespmem:s20], [sflag:$0x2] =	stream.indirect.gather [hbm4b:s16+s11], $0x80, s2, s11, $0xb8;
	[tilespmem:$0x1FA00] =	vst v63  }
0xfb: {  	s31 =	sadd.s32 $0x120, s5;
	s17 =	sadd.s32 $0xC0, s17  }
0xfc: {  	[tilespmem:s7], [sflag:$0xA] =	stream.linear.gather [hbm4b:s31+s1], $0x100, $0x38;
	[tilespmem:$0x1FA00] =	vst v63  }
.LBB2_7:
0xfd: {  	_ =	sfence.sel $0x180000  }
0xfe: {  	[bflag:$0x0] =	sbarrier.arrive $0xFFFF  }
0xff: {  	_ =	strace $0x9000004A  }
0x100: {  	s0 =	stileid.u32;
	[bflag:$0x2] =	sbarrier.arrive $0xFFFF  }
0x101: {  	p0 =	sne.s32 s0, $0x0;
	s0 =	rddreg [dreg:$0x2]  }
0x102: {  	s0 =	sadd.s32 @!p0 $0x100000, s0  }
0x103: {  	[sflag:s0] =	ssyncadd.tile.s32 @!p0 $0x1;
	_ =	shalt  }
.Lfunc_end2:
_tile_overlayer_lowered:
.L_overlay_start_2:
0x104: {  	(tag) =	ssettag $0x2  }
0x105: {  	s0 =	rddreg [dreg:$0x0];
	s2 =	stileid.u32  }
0x106: {  	s1 =	rddreg [dreg:$0x1];
	p0 =	sne.s32 s2, $0x0  }
0x107: {  	s3 =	rddreg [dreg:$0x2];
	[bflag:$0x3] =	sbarrier.arrive $0xFFFF;
	s2 =	simm.s32 @!p0 $0x1C0D  }
0x108: {  	[timem:s3], [sflag:s2] =	dma.local @!p0 [hbm:s0], s1  }
0x109: {  	s0 =	simm.s32 @!p0 $0xD  }
0x10a: {  	_ =	swait.ge @!p0 [sflag:s0], s1  }
0x10b: {  	s1 =	ssub.s32 @!p0 $0x0, s1;
	[sflag:s0] =	ssyncset.done @!p0 $0x0  }
0x10c: {  	[sflag:s0] =	ssyncadd.s32 @!p0 s1  }
0x10d: {  	[bflag:$0x3] =	sbarrier.arrive $0xFFFF  }
0x10e: {  	_ =	shalt  }

// kernel: kernel.14.cloned.1.call-start
scs
__scs_entry_jumppad:
0x0: {  	(pc) =	sbr.rel $0x88, $3  }
0x1: {  	(tag) =	ssettag $0x0;
	lr =	simm.s32 $0x1  }
0x2: {  	[smem:$0x3F9B] =	sst lr;
	_ =	strace $0xD0000000  }
0x3: {  	_ = 	snop  }
0x4: {  	_ = 	snop  }
0x5: {  	_ = 	snop  }
0x6: {  	_ = 	snop  }
0x7: {  	_ = 	snop  }
__scs_overlays_trampoline_lowered:
0x8: {  	[smem:$0x3FAA] =	sst s0  }
0x9: {  	[smem:$0x3FAB] =	sst s1  }
0xa: {  	[smem:$0x3FAC] =	sst s2  }
0xb: {  	[smem:$0x3FAD] =	sst s3  }
0xc: {  	[smem:$0x3FAE] =	sst s4  }
0xd: {  	[smem:$0x3FAF] =	sst s5  }
0xe: {  	[smem:$0x3FB0] =	sst s6  }
0xf: {  	[smem:$0x3FB1] =	sst s7  }
0x10: {  	[smem:$0x3FB2] =	sst s8  }
0x11: {  	[smem:$0x3FB3] =	sst s9;
	s0 =	simm.s32 @!p0 $0x0  }
0x12: {  	s1 =	sld [smem:$0x3F99];
	s0 =	simm.s32 @p0 $0x1  }
0x13: {  	[smem:$0x3FB4] =	sst s0;
	s0 =	simm.s32 @!p1 $0x0  }
0x14: {  	s2 =	sld [smem:$0x3F98];
	s0 =	simm.s32 @p1 $0x1  }
0x15: {  	[smem:$0x3FB5] =	sst s0;
	s0 =	simm.s32 @!p2 $0x0  }
0x16: {  	s3 =	sld [smem:$0x3FDB];
	s0 =	simm.s32 @p2 $0x1  }
0x17: {  	s4 =	simm.s32 $0x1BF5;
	[smem:$0x3FB7] =	sst s0  }
0x18: {  	s0 =	sld [smem:$0x3F9A];
	_ =	swait.ge [sflag:s4], $0x0  }
0x19: {  	s7 =	sld [smem:$0x3F9B]  }
0x1a: {  	s8 =	sadd.s32 $0xFFFFE003, lr  }
0x1b: {  	s9 =	sadd.s32 $0xFFFFFEF7, lr;
	s5 =	simm.s32 $0xFFFFFFFF;
	p2 =	slt.u32 s8, $0xFFFFF086  }
0x1c: {  	p1 =	slt.u32 s9, $0xF7A;
	s5 =	simm.s32 @!p2 $0x0  }
0x1d: {  	s5 =	simm.s32 @p1 $0x1;
	p0 =	seq.s32 s7, s2  }
0x1e: {  	s7 =	smul.u32 @!p0 $0xF7A, s2;
	p2 =	seq.s32 @!p0 s5, $0x0  }
0x1f: {  	s9 =	smul.u32 $0xF7A, s1;
	s8 =	simm.s32 @!p0 $0x1BF5;
	p2 =	por !p2, p0  }
0x20: {  	[sflag:s8] =	ssyncset.s32 @!p0 $0xFFFFF086;
	s6 =	sadd.s32 @!p0 s3, s7;
	s7 =	simm.s32 @!p0 $0x108  }
0x21: {  	s3 =	sadd.s32 s3, s9;
	s6 =	sadd.s32 @!p0 $0x88, s6;
	s7 =	simm.s32 @p2 $0x1082  }
0x22: {  	[simem:s7], [sflag:s8] =	dma.local @!p0 [hbm:s6], $0xF7A  }
0x23: {  	s9 =	sor.u32 $0xD0000000, s2;
	s6 =	simm.s32 $0x108;
	_ =	swait.ge @!p0 [sflag:s8], $0x0  }
0x24: {  	s3 =	sadd.s32 $0x88, s3;
	s6 =	simm.s32 @!p1 $0x1082;
	[sflag:s4] =	ssyncset.s32 $0xFFFFF086  }
0x25: {  	[simem:s6], [sflag:s4] =	dma.local [hbm:s3], $0xF7A  }
0x26: {  	[smem:$0x3F9B] =	sst s1;
	(tag) =	ssettag s2;
	_ =	strace s9  }
0x27: {  	s1 =	sld [smem:$0x3FAB]  }
0x28: {  	s2 =	sld [smem:$0x3FAC]  }
0x29: {  	s4 =	sld [smem:$0x3FAE]  }
0x2a: {  	p0 =	seq.s32 s5, $0x0;
	s5 =	sld [smem:$0x3FAF]  }
0x2b: {  	s6 =	sld [smem:$0x3FB0]  }
0x2c: {  	s7 =	sld [smem:$0x3FB1]  }
0x2d: {  	s3 =	simm.s32 $0x108;
	s8 =	sld [smem:$0x3FB2]  }
0x2e: {  	s3 =	simm.s32 @!p0 $0x1082;
	s9 =	sld [smem:$0x3FB3]  }
0x2f: {  	lr =	sadd.s32 s0, s3;
	s0 =	sld [smem:$0x3FAA]  }
0x30: {  	s3 =	sld [smem:$0x3FAD]  }
0x31: {  	[smem:$0x3FB6] =	sst s10  }
0x32: {  	s10 =	sld [smem:$0x3FB4];
	_ =	sdelay $0x3  }
0x33: {  	p0 =	seq.s32 s10, $0x1;
	s10 =	sld [smem:$0x3FB6];
	_ =	sdelay $0x3  }
0x34: {  	[smem:$0x3FB6] =	sst s10  }
0x35: {  	s10 =	sld [smem:$0x3FB5];
	_ =	sdelay $0x3  }
0x36: {  	p1 =	seq.s32 s10, $0x1;
	s10 =	sld [smem:$0x3FB6];
	_ =	sdelay $0x3  }
0x37: {  	[smem:$0x3FB6] =	sst s10  }
0x38: {  	s10 =	sld [smem:$0x3FB7]  }
0x39: {  	_ = 	snop;
	(pc) =	sbr.ind lr, $3  }
0x3a: {  	_ = 	snop  }
0x3b: {  	_ = 	snop  }
0x3c: {  	p2 =	seq.s32 s10, $0x1;
	s10 =	sld [smem:$0x3FB6]  }
0x3d: {  	_ =	shalt  }
0x3e: {  	_ =	shalt  }
0x3f: {  	_ =	shalt  }
0x40: {  	_ =	shalt  }
0x41: {  	_ =	shalt  }
0x42: {  	_ =	shalt  }
0x43: {  	_ =	shalt  }
0x44: {  	_ =	shalt  }
0x45: {  	_ =	shalt  }
0x46: {  	_ =	shalt  }
0x47: {  	_ =	shalt  }
0x48: {  	_ =	shalt  }
0x49: {  	_ =	shalt  }
0x4a: {  	_ =	shalt  }
0x4b: {  	_ =	shalt  }
0x4c: {  	_ =	shalt  }
0x4d: {  	_ =	shalt  }
0x4e: {  	_ =	shalt  }
0x4f: {  	_ =	shalt  }
0x50: {  	_ =	shalt  }
0x51: {  	_ =	shalt  }
0x52: {  	_ =	shalt  }
0x53: {  	_ =	shalt  }
0x54: {  	_ =	shalt  }
0x55: {  	_ =	shalt  }
0x56: {  	_ =	shalt  }
0x57: {  	_ =	shalt  }
0x58: {  	_ =	shalt  }
0x59: {  	_ =	shalt  }
0x5a: {  	_ =	shalt  }
0x5b: {  	_ =	shalt  }
0x5c: {  	_ =	shalt  }
0x5d: {  	_ =	shalt  }
0x5e: {  	_ =	shalt  }
0x5f: {  	_ =	shalt  }
0x60: {  	_ =	shalt  }
0x61: {  	_ =	shalt  }
0x62: {  	_ =	shalt  }
0x63: {  	_ =	shalt  }
0x64: {  	_ =	shalt  }
0x65: {  	_ =	shalt  }
0x66: {  	_ =	shalt  }
0x67: {  	_ =	shalt  }
0x68: {  	_ =	shalt  }
0x69: {  	_ =	shalt  }
0x6a: {  	_ =	shalt  }
0x6b: {  	_ =	shalt  }
0x6c: {  	_ =	shalt  }
0x6d: {  	_ =	shalt  }
0x6e: {  	_ =	shalt  }
0x6f: {  	_ =	shalt  }
0x70: {  	_ =	shalt  }
0x71: {  	_ =	shalt  }
0x72: {  	_ =	shalt  }
0x73: {  	_ =	shalt  }
0x74: {  	_ =	shalt  }
0x75: {  	_ =	shalt  }
0x76: {  	_ =	shalt  }
0x77: {  	_ =	shalt  }
0x78: {  	_ =	shalt  }
0x79: {  	_ =	shalt  }
0x7a: {  	_ =	shalt  }
0x7b: {  	_ =	shalt  }
0x7c: {  	_ =	shalt  }
0x7d: {  	_ =	shalt  }
0x7e: {  	_ =	shalt  }
0x7f: {  	_ =	shalt  }
0x80: {  	_ =	shalt  }
0x81: {  	_ =	shalt  }
0x82: {  	_ =	shalt  }
0x83: {  	_ =	shalt  }
0x84: {  	_ =	shalt  }
0x85: {  	_ =	shalt  }
0x86: {  	_ =	shalt  }
0x87: {  	_ =	shalt  }
.Lfunc_end0:
.L_simem_size_0:
called_computation.2_lowered:
.L_overlay_start_0:
0x88: {  	s2 =	sld [smem:$0x3FD9]  }
0x89: {  	s3 =	sld [smem:$0x3FFE];
	_ =	sdelay $0x1  }
0x8a: {  	s1 =	srdreg.scid  }
0x8b: {  	s0 =	sand.u32 $0x1, s1  }
0x8c: {  	s16 =	sshll.u32 s0, $0xA;
	s2 =	sadd.s32 s3, s2  }
0x8d: {  	s2 =	sadd.s32 s2, s16  }
0x8e: {  	[smem:$0x3FC2] =	sst s2  }
0x8f: {  	_ = 	snop  }
0x90: {  	(tm) =	ssettm $0x1  }
0x91: {  	s17 =	sld [smem:$0x3FFB];
	_ =	sdelay $0x3  }
0x92: {  	_ =	strace s17  }
0x93: {  	s2 =	sld [smem:$0x3FFC];
	_ =	sdelay $0x3  }
0x94: {  	_ =	strace s2  }
0x95: {  	s2 =	sld [smem:$0x3FFD];
	_ =	sdelay $0x3  }
0x96: {  	_ =	strace s2  }
0x97: {  	_ =	strace $0x8FFFFFFF  }
0x98: {  	s18 =	sld [smem:$0x3FDB];
	_ =	sdelay $0x1  }
0x99: {  	s19 =	simm.s32 $_scs_section_size  }
0x9a: {  	s4 =	simm.s32 $_size__tile_overlayer_lowered;
	s5 =	simm.s32 $_tile_overlayer_lowered  }
0x9b: {  	s22 =	simm.s32 $0x1BFF;
	s21 =	sshll.u32 s5, $0x1;
	s2 =	sadd.s32 s19, s18  }
0x9c: {  	s6 =	simm.s32 $0x0;
	s20 =	sshll.u32 s4, $0x1;
	s4 =	sadd.s32 s21, s2  }
0x9d: {  	[timem:s6], [sflag:s22] =	dma.local [hbm:s4], s20  }
0x9e: {  	_ =	swait.ge [sflag:s22], s20  }
0x9f: {  	s3 =	ssub.s32 $0x0, s20;
	[sflag:s22] =	ssyncset.done $0x0  }
0xa0: {  	[sflag:s22] =	ssyncadd.s32 s3;
	_ =	sdelay $0x1  }
0xa1: {  	s23 =	simm.s32 $0x1B8B  }
0xa2: {  	_ =	swait.ge [sflag:s23], $0x1  }
0xa3: {  	[sflag:s23] =	ssyncset.done $0x0  }
0xa4: {  	s25 =	simm.s32 $0x1B8E;
	s24 =	sld [smem:$0x3FFE];
	[sflag:s23] =	ssyncadd.s32 $0xFFFFFFFF  }
0xa5: {  	s26 =	simm.s32 $execute0_lowered;
	[smem:$0x3FD2] =	sst s25  }
0xa6: {  	s4 =	sshll.u32 s26, $0x1;
	_ =	strace $0x8000004C;
	[dreg:$0x1] =	wrdreg $0xFFFFFFFF  }
0xa7: {  	s28 =	simm.s32 $_size_execute0_lowered;
	s2 =	sadd.s32 s2, s4;
	[dreg:$0x0] =	wrdreg $0x0  }
0xa8: {  	s4 =	sshll.u32 s28, $0x1;
	[dreg:$0x2] =	wrdreg s2  }
0xa9: {  	[dreg:$0x3] =	wrdreg s4  }
0xaa: {  	[dreg:$0x4] =	wrdreg $0xC0  }
0xab: {  	_ =	task [dreg:s6], $0x5FFFF  }
0xac: {  	[dreg:$0x1] =	wrdreg $0xFFFFFFFF  }
0xad: {  	[dreg:$0x0] =	wrdreg $0x60  }
0xae: {  	[dreg:$0x2] =	wrdreg s24  }
0xaf: {  	[dreg:$0x3] =	wrdreg $0xBA000  }
0xb0: {  	[dreg:$0x4] =	wrdreg $0x9  }
0xb1: {  	_ =	task.clear_ibuf [dreg:s6], $0x5FFFF;
	_ =	strace $0x9000004C  }
0xb2: {  	s29 =	simm.s32 $0x9;
	_ =	strace $0x8000004E  }
0xb3: {  	_ =	swait.ge [sflag:s29], $0x1  }
0xb4: {  	[sflag:s29] =	ssyncadd.s32 $0xFFFFFFFF  }
0xb5: {  	_ =	strace $0x9000004E  }
0xb6: {  	_ =	sfence  }
0xb7: {  	s30 =	sld [smem:$0x0];
	_ =	sdelay $0x2  }
0xb8: {  	s31 =	sshll.u32 s1, $0xD;
	s1 =	sshrl.u32 s1, $0x2  }
0xb9: {  	s3 =	sand.u32 $0x4000, s31;
	s1 =	sadd.s32 s1, s30  }
0xba: {  	s0 =	sor.u32 s3, s0;
	s1 =	sshll.u32 s1, $0x11  }
0xbb: {  	s0 =	sor.u32 s1, s0  }
0xbc: {  	s0 =	sadd.s32 $0x8F2B, s0  }
0xbd: {  	[sflag:s0] =	ssyncadd.remote.s32 $0x1  }
0xbe: {  	_ =	sfence.sel $0xFFFF  }
0xbf: {  	[dreg:$0x0] =	wrdreg $0xFFFFFFFF;
	(pc) =	sbr.abs _section_cstart, $3  }
0xc0: {  	[dreg:$0x1] =	wrdreg $0xFFFFFFFF  }
0xc1: {  	_ =	task.clear_ibuf [dreg:s6], $0x2FFFF;
	_ =	strace $0x9FFFFFFF  }
0xc2: {  	(tm) =	ssettm $0x7FFFFFFF  }
0xc3: {  	_ =	shalt  }
tec
execute0_lowered:
.L_overlay_start_1:
0x0: {  	(tag) =	ssettag $0x1  }
0x1: {  	s1 =	srdreg.scid;
	s15 =	stileid.u32  }
0x2: {  	s0 =	rddreg [dreg:$0x0];
	s2 =	sand.u32 $0x1, s1;
	s5 =	smul.u32 $0x14000, s15  }
0x3: {  	s1 =	simm.s32 $0x0;
	s6 =	sadd.s32 $0x49C00, s0;
	s25 =	smul.u32 $0x1500, s15  }
0x4: {  	s8 =	sshll.u32 s15, $0x1;
	s26 =	sadd.s32 $0xCC00, s0;
	s31 =	smul.u32 $0x50000, s15  }
0x5: {  	s3 =	smul.u32 $0x140000, s2;
	s4 =	ssub.s32 $0x2, s2;
	s11 =	sor.u32 s2, s8  }
0x6: {  	[smem:$0x7FF] =	sst s1;
	s2 =	smul.u32 $0xA80, s2;
	s7 =	sshrl.u32 s4, $0x1  }
0x7: {  	s9 =	sor.u32 $0x2000, s5;
	s10 =	sadd.s32 $0x4000, s5;
	s4 =	ssub.s32 s4, s7  }
0x8: {  	s12 =	sadd.s32 s3, s5;
	s7 =	smul.u32 $0xA80, s11;
	s13 =	sadd.s32 s3, s9  }
0x9: {  	s11 =	sadd.s32 s3, s10;
	s8 =	sshrl.u32 s12, $0x3;
	s12 =	sadd.s32 $0x6000, s5  }
0xa: {  	s14 =	sshrl.u32 s11, $0x3;
	s11 =	sadd.s32 $0x8000, s5;
	s8 =	sadd.s32 s6, s8  }
0xb: {  	s16 =	sadd.s32 s3, s12;
	[dreg:$0x3] =	wrdreg s8;
	s8 =	sshrl.u32 s13, $0x3  }
0xc: {  	s18 =	sadd.s32 s3, s11;
	s17 =	sshrl.u32 s16, $0x3;
	s8 =	sadd.s32 s6, s8  }
0xd: {  	s16 =	sadd.s32 $0x21C00, s0;
	[dreg:$0x4] =	wrdreg s8;
	s8 =	sadd.s32 s6, s14  }
0xe: {  	s14 =	sadd.s32 $0xA000, s5;
	[dreg:$0x5] =	wrdreg s8;
	s8 =	sadd.s32 s6, s17  }
0xf: {  	s13 =	sadd.s32 s3, s14;
	s17 =	sadd.s32 $0xC000, s5;
	[dreg:$0x6] =	wrdreg s8  }
0x10: {  	s8 =	sshrl.u32 s18, $0x3;
	s19 =	sshrl.u32 s13, $0x3;
	s20 =	sadd.s32 s3, s17  }
0x11: {  	s18 =	sadd.s32 $0xE000, s5;
	s13 =	rddreg [dreg:$0x1];
	s8 =	sadd.s32 s6, s8  }
0x12: {  	s21 =	sshrl.u32 s20, $0x3;
	s22 =	sadd.s32 s3, s18;
	s20 =	sadd.s32 s26, s7  }
0x13: {  	s7 =	sshrl.u32 s31, $0x2;
	s9 =	sadd.s32 s9, s13;
	[dreg:$0x7] =	wrdreg s8  }
0x14: {  	s8 =	sadd.s32 s6, s19;
	s19 =	sadd.s32 $0x10000, s5;
	s5 =	sadd.s32 $0x12000, s5  }
0x15: {  	[dreg:$0x8] =	wrdreg s8;
	s8 =	sadd.s32 s6, s21;
	s23 =	sadd.s32 s3, s19  }
0x16: {  	s3 =	sadd.s32 s3, s5;
	[dreg:$0x9] =	wrdreg s8;
	s8 =	sshrl.u32 s22, $0x3  }
0x17: {  	s10 =	sadd.s32 s10, s13;
	s3 =	sshrl.u32 s3, $0x3;
	s8 =	sadd.s32 s6, s8  }
0x18: {  	s24 =	sshrl.u32 s23, $0x3;
	s3 =	sadd.s32 s6, s3;
	[dreg:$0xa] =	wrdreg s8  }
0x19: {  	s0 =	sshrl.u32 s9, $0x3;
	s8 =	sadd.s32 s6, s24;
	[dreg:$0xc] =	wrdreg s3  }
0x1a: {  	s21 =	sadd.s32 s12, s13;
	[dreg:$0xb] =	wrdreg s8;
	s8 =	smax.u32 s4, $0x1  }
0x1b: {  	s3 =	sadd.s32 s25, s26;
	_ =	strace $0x8000004D;
	[dreg:$0xf] =	wrdreg s8  }
0x1c: {  	s15 =	sadd.s32 s2, s3;
	s2 =	sshrl.u32 s10, $0x3;
	[dreg:$0x10] =	wrdreg s0  }
0x1d: {  	s23 =	sadd.s32 s11, s13;
	s3 =	sshrl.u32 s21, $0x3;
	[dreg:$0x11] =	wrdreg s2  }
0x1e: {  	s24 =	sadd.s32 s14, s13;
	s4 =	sshrl.u32 s23, $0x3;
	[dreg:$0x12] =	wrdreg s3  }
0x1f: {  	s25 =	sadd.s32 s17, s13;
	s10 =	sshrl.u32 s24, $0x3;
	[dreg:$0x13] =	wrdreg s4  }
0x20: {  	s26 =	sadd.s32 s18, s13;
	s11 =	sshrl.u32 s25, $0x3;
	[dreg:$0x14] =	wrdreg s10  }
0x21: {  	s31 =	sadd.s32 s19, s13;
	s12 =	sshrl.u32 s26, $0x3;
	[dreg:$0x15] =	wrdreg s11  }
0x22: {  	s5 =	sadd.s32 s5, s13;
	s14 =	sshrl.u32 s31, $0x3;
	[dreg:$0x16] =	wrdreg s12  }
0x23: {  	s17 =	sshrl.u32 s5, $0x3;
	[dreg:$0x17] =	wrdreg s14  }
0x24: {  	s18 =	sadd.s32 $0x20, s20;
	[dreg:$0x18] =	wrdreg s17  }
0x25: {  	s19 =	sadd.s32 $0x40, s20;
	[dreg:$0x19] =	wrdreg s18  }
0x26: {  	s28 =	simm.s32 $0x4;
	[dreg:$0x1a] =	wrdreg s19  }
0x27: {  	s22 =	sadd.s32 s7, s13;
	s21 =	sadd.s32 $0x60, s20;
	[dreg:$0xd] =	wrdreg s20  }
0x28: {  	s29 =	simm.s32 $0xA;
	s23 =	sadd.s32 $0x12C00, s22;
	[dreg:$0x1b] =	wrdreg s21  }
0x29: {  	s30 =	simm.s32 $0x3;
	s24 =	sadd.s32 $0x3C00, s22;
	[dreg:$0x1c] =	wrdreg s23  }
0x2a: {  	s9 =	simm.s32 $0xD;
	s25 =	sadd.s32 $0x7800, s22;
	[dreg:$0x1d] =	wrdreg s24  }
0x2b: {  	s7 =	simm.s32 $0x300;
	s26 =	sadd.s32 $0xB400, s22;
	[dreg:$0x1e] =	wrdreg s25  }
0x2c: {  	s31 =	sadd.s32 $0xF000, s22;
	s5 =	simm.s32 $0x0;
	[dreg:$0x1f] =	wrdreg s26  }
0x2d: {  	[smem:$0x7FD] =	sst s31;
	s8 =	simm.s32 $0x7E00;
	s11 =	simm.s32 $0x78  }
.Ltmp0:
0x2e: {  	s18 =	simm.s32 $0x600;
	s19 =	simm.s32 $0x8;
	(pc) =	sbr.rel .LBB2_1-.Ltmp0, $4  }
0x2f: {  	s20 =	simm.s32 $0x4200;
	s21 =	simm.s32 $0x1;
	s23 =	simm.s32 $0x9  }
0x30: {  	s24 =	simm.s32 $0x400;
	s25 =	simm.s32 $0x2;
	s14 =	simm.s32 $0x500  }
0x31: {  	s12 =	simm.s32 $0x5;
	s0 =	simm.s32 $0xB;
	s3 =	simm.s32 $0x6  }
0x32: {  	v0 =	vimm.f32 $0.0e+00;
	s4 =	simm.s32 $0xC;
	s10 =	simm.s32 $0x580;
	[dreg:$0xe] =	wrdreg s22  }
.LBB2_6:
0x33: {  	_ =	swait.ge [sflag:s28], $0x3C00  }
0x34: {  	[sflag:s28] =	ssyncset.done $0x0  }
0x35: {  	[sflag:s28] =	ssyncadd.s32 $0xFFFFC400  }
0x36: {  	_ =	swait.ge [sflag:s12], $0x3C00  }
0x37: {  	[sflag:s12] =	ssyncset.done $0x0  }
0x38: {  	[sflag:s12] =	ssyncadd.s32 $0xFFFFC400  }
0x39: {  	_ =	swait.ge [sflag:s3], $0x3C00  }
0x3a: {  	[sflag:s3] =	ssyncset.done $0x0  }
0x3b: {  	[sflag:s3] =	ssyncadd.s32 $0xFFFFC400  }
0x3c: {  	s2 =	stileid.u32;
	[bflag:$0x0] =	sbarrier.arrive $0xFFFF  }
0x3d: {  	s2 =	sshll.u32 s2, $0x6;
	s22 =	rddreg [dreg:$0xe]  }
0x3e: {  	s2 =	sor.u32 $0x1C0D, s2;
	s6 =	rddreg [dreg:$0x3];
	s5 =	sshrl.u32 s22, $0x3  }
0x3f: {  	[hbm:s6], [sflag:s2] =	dma.local [spmem:s5], $0x400  }
0x40: {  	_ =	swait.ge [sflag:s9], $0x400  }
0x41: {  	[sflag:s9] =	ssyncset.done $0x0;
	s6 =	rddreg [dreg:$0x4]  }
0x42: {  	s17 =	rddreg [dreg:$0x10];
	[sflag:s9] =	ssyncadd.s32 $0xFFFFFC00  }
0x43: {  	[hbm:s6], [sflag:s2] =	dma.local [spmem:s17], $0x400  }
0x44: {  	_ =	swait.ge [sflag:s9], $0x400  }
0x45: {  	[sflag:s9] =	ssyncset.done $0x0;
	s26 =	rddreg [dreg:$0x5]  }
0x46: {  	s31 =	rddreg [dreg:$0x11];
	[sflag:s9] =	ssyncadd.s32 $0xFFFFFC00  }
0x47: {  	[hbm:s26], [sflag:s2] =	dma.local [spmem:s31], $0x400  }
0x48: {  	_ =	swait.ge [sflag:s9], $0x400  }
0x49: {  	[sflag:s9] =	ssyncset.done $0x0;
	s6 =	rddreg [dreg:$0x6]  }
0x4a: {  	s17 =	rddreg [dreg:$0x12];
	[sflag:s9] =	ssyncadd.s32 $0xFFFFFC00  }
0x4b: {  	[hbm:s6], [sflag:s2] =	dma.local [spmem:s17], $0x400  }
0x4c: {  	_ =	swait.ge [sflag:s9], $0x400  }
0x4d: {  	[sflag:s9] =	ssyncset.done $0x0;
	s26 =	rddreg [dreg:$0x7]  }
0x4e: {  	s31 =	rddreg [dreg:$0x13];
	[sflag:s9] =	ssyncadd.s32 $0xFFFFFC00  }
0x4f: {  	[hbm:s26], [sflag:s2] =	dma.local [spmem:s31], $0x400  }
0x50: {  	_ =	swait.ge [sflag:s9], $0x400  }
0x51: {  	[sflag:s9] =	ssyncset.done $0x0;
	s6 =	rddreg [dreg:$0x8]  }
0x52: {  	s17 =	rddreg [dreg:$0x14];
	[sflag:s9] =	ssyncadd.s32 $0xFFFFFC00  }
0x53: {  	[hbm:s6], [sflag:s2] =	dma.local [spmem:s17], $0x400  }
0x54: {  	_ =	swait.ge [sflag:s9], $0x400  }
0x55: {  	[sflag:s9] =	ssyncset.done $0x0;
	s26 =	rddreg [dreg:$0x9]  }
0x56: {  	s31 =	rddreg [dreg:$0x15];
	[sflag:s9] =	ssyncadd.s32 $0xFFFFFC00  }
0x57: {  	[hbm:s26], [sflag:s2] =	dma.local [spmem:s31], $0x400  }
0x58: {  	_ =	swait.ge [sflag:s9], $0x400  }
0x59: {  	[sflag:s9] =	ssyncset.done $0x0;
	s6 =	rddreg [dreg:$0xa]  }
0x5a: {  	s17 =	rddreg [dreg:$0x16];
	[sflag:s9] =	ssyncadd.s32 $0xFFFFFC00  }
0x5b: {  	[hbm:s6], [sflag:s2] =	dma.local [spmem:s17], $0x400  }
0x5c: {  	_ =	swait.ge [sflag:s9], $0x400  }
0x5d: {  	[sflag:s9] =	ssyncset.done $0x0;
	s26 =	rddreg [dreg:$0xb]  }
0x5e: {  	s31 =	rddreg [dreg:$0x17];
	[sflag:s9] =	ssyncadd.s32 $0xFFFFFC00  }
0x5f: {  	[hbm:s26], [sflag:s2] =	dma.local [spmem:s31], $0x400  }
0x60: {  	_ =	swait.ge [sflag:s9], $0x400  }
0x61: {  	[sflag:s9] =	ssyncset.done $0x0;
	s6 =	rddreg [dreg:$0xc]  }
0x62: {  	s17 =	rddreg [dreg:$0x18];
	[sflag:s9] =	ssyncadd.s32 $0xFFFFFC00  }
0x63: {  	[hbm:s6], [sflag:s2] =	dma.local [spmem:s17], $0x400  }
0x64: {  	_ =	swait.ge [sflag:s9], $0x400  }
0x65: {  	s26 =	sld [smem:$0x7FC];
	_ =	sdelay $0x2  }
0x66: {  	s31 =	rddreg [dreg:$0xf];
	s5 =	sadd.s32 $0x1, s26  }
0x67: {  	p0 =	sne.s32 s5, s31  }
.Ltmp1:
0x68: {  	_ = 	snop;
	(pc) =	sbr.rel @!p0 .LBB2_7-.Ltmp1, $3  }
0x69: {  	_ =	sdelay $0x1  }
0x6a: {  	[sflag:s9] =	ssyncset.done $0x0  }
0x6b: {  	[sflag:s9] =	ssyncadd.s32 $0xFFFFFC00  }
.LBB2_1:
0x6c: {  	[smem:$0x7FC] =	sst s5  }
0x6d: {  	s2 =	rddreg [dreg:$0xd]  }
0x6e: {  	[tilespmem:s1], [sflag:$0x7] =	stream.linear.gather [hbm4b:s2+s1], $0x100, $0x38;
	[tilespmem:$0x1FA00] =	vst v63  }
0x6f: {  	s5 =	rddreg [dreg:$0x19];
	s6 =	simm.s32 $0x100  }
0x70: {  	[tilespmem:s6], [sflag:$0x8] =	stream.linear.gather [hbm4b:s5+s1], $0x100, $0x38;
	[tilespmem:$0x1FA00] =	vst v63  }
0x71: {  	s17 =	rddreg [dreg:$0x1a];
	s26 =	simm.s32 $0x200  }
0x72: {  	[tilespmem:s26], [sflag:$0x9] =	stream.linear.gather [hbm4b:s17+s1], $0x100, $0x38;
	[tilespmem:$0x1FA00] =	vst v63  }
0x73: {  	s31 =	rddreg [dreg:$0x1b];
	s5 =	simm.s32 $0x0;
	s17 =	simm.s32 $0x200  }
0x74: {  	[tilespmem:s7], [sflag:$0xA] =	stream.linear.gather [hbm4b:s31+s1], $0x100, $0x38;
	[tilespmem:$0x1FA00] =	vst v63  }
.LBB2_2:
0x75: {  	p0 =	sne.s32 s17, $0xEE00;
	[tilespmem:s5+$0x7E70] =	vst v0  }
0x76: {  	[tilespmem:s5+$0x7E00] =	vst v0  }
0x77: {  	[tilespmem:s5+$0x7E10] =	vst v0  }
.Ltmp2:
0x78: {  	[tilespmem:s5+$0x7E20] =	vst v0;
	(pc) =	sbr.rel @p0 .LBB2_2-.Ltmp2, $4  }
0x79: {  	[tilespmem:s5+$0x7E30] =	vst v0  }
0x7a: {  	[tilespmem:s5+$0x7E40] =	vst v0  }
0x7b: {  	[tilespmem:s5+$0x7E50] =	vst v0  }
0x7c: {  	[tilespmem:s5+$0x7E60] =	vst v0;
	s5 =	sshra.s32 s17, $0x2;
	s17 =	sadd.s32 $0x200, s17  }
0x7d: {  	[tilespmem:s5+$0x7E70] =	vst v0  }
0x7e: {  	[tilespmem:s5+$0x7E00] =	vst v0  }
0x7f: {  	[tilespmem:s5+$0x7E10] =	vst v0  }
0x80: {  	[tilespmem:s5+$0x7E20] =	vst v0  }
0x81: {  	[tilespmem:s5+$0x7E30] =	vst v0  }
0x82: {  	[tilespmem:s5+$0x7E40] =	vst v0  }
0x83: {  	[tilespmem:s5+$0x7E50] =	vst v0  }
0x84: {  	[tilespmem:s5+$0x7E60] =	vst v0  }
0x85: {  	[spmem:s22] =	stream.linear.scatter [tilespmem:s8], [sflag:$0xD], $0x3C00, $0x38;
	[tilespmem:$0x1FA00] =	vst v63  }
0x86: {  	_ =	swait.ge [sflag:s9], $0x3C00  }
0x87: {  	[sflag:s9] =	ssyncset.done $0x0  }
0x88: {  	s2 =	rddreg [dreg:$0x1d];
	[sflag:s9] =	ssyncadd.s32 $0xFFFFC400  }
0x89: {  	[spmem:s2] =	stream.linear.scatter [tilespmem:s8], [sflag:$0xD], $0x3C00, $0x38;
	[tilespmem:$0x1FA00] =	vst v63  }
0x8a: {  	_ =	swait.ge [sflag:s9], $0x3C00  }
0x8b: {  	[sflag:s9] =	ssyncset.done $0x0  }
0x8c: {  	s5 =	rddreg [dreg:$0x1e];
	[sflag:s9] =	ssyncadd.s32 $0xFFFFC400  }
0x8d: {  	[spmem:s5] =	stream.linear.scatter [tilespmem:s8], [sflag:$0xD], $0x3C00, $0x38;
	[tilespmem:$0x1FA00] =	vst v63  }
0x8e: {  	_ =	swait.ge [sflag:s9], $0x3C00  }
0x8f: {  	[sflag:s9] =	ssyncset.done $0x0  }
0x90: {  	s6 =	rddreg [dreg:$0x1f];
	[sflag:s9] =	ssyncadd.s32 $0xFFFFC400  }
0x91: {  	[spmem:s6] =	stream.linear.scatter [tilespmem:s8], [sflag:$0xD], $0x3C00, $0x38;
	[tilespmem:$0x1FA00] =	vst v63  }
0x92: {  	_ =	swait.ge [sflag:s9], $0x3C00  }
0x93: {  	s17 =	sld [smem:$0x7FD]  }
0x94: {  	[sflag:s9] =	ssyncset.done $0x0  }
0x95: {  	[sflag:s9] =	ssyncadd.s32 $0xFFFFC400  }
0x96: {  	[spmem:s17] =	stream.linear.scatter [tilespmem:s8], [sflag:$0xD], $0x3C00, $0x38;
	[tilespmem:$0x1FA00] =	vst v63  }
0x97: {  	_ =	swait.ge [sflag:s9], $0x3C00  }
0x98: {  	[sflag:s9] =	ssyncset.done $0x0  }
0x99: {  	s22 =	rddreg [dreg:$0x1c];
	[sflag:s9] =	ssyncadd.s32 $0xFFFFC400  }
0x9a: {  	[spmem:s22] =	stream.linear.scatter [tilespmem:s8], [sflag:$0xD], $0x1400, $0x38;
	[tilespmem:$0x1FA00] =	vst v63  }
0x9b: {  	_ =	swait.ge [sflag:s9], $0x1400  }
0x9c: {  	[sflag:s9] =	ssyncset.done $0x0  }
0x9d: {  	s26 =	simm.s32 $0x7;
	[sflag:s9] =	ssyncadd.s32 $0xFFFFEC00  }
0x9e: {  	_ =	swait.ge [sflag:s26], $0x100  }
0x9f: {  	[sflag:s26] =	ssyncset.done $0x0  }
0xa0: {  	s17 =	simm.s32 $0x0;
	[sflag:s26] =	ssyncadd.s32 $0xFFFFFF00  }
0xa1: {  	[tilespmem:s18], [sflag:$0x1] =	stream.indirect.gather [hbm4b:s16+s11], $0x80, s17, s11, $0xb8;
	[tilespmem:$0x1FA00] =	vst v63  }
0xa2: {  	_ =	swait.ge [sflag:s19], $0x100  }
0xa3: {  	[sflag:s19] =	ssyncset.done $0x0  }
0xa4: {  	s31 =	simm.s32 $0x100;
	[sflag:s19] =	ssyncadd.s32 $0xFFFFFF00  }
0xa5: {  	[tilespmem:s20], [sflag:$0x2] =	stream.indirect.gather [hbm4b:s16+s11], $0x80, s31, s11, $0xb8;
	[tilespmem:$0x1FA00] =	vst v63  }
0xa6: {  	[bflag:$0x0] =	sbarrier.arrive $0xFFFF  }
.LBB2_4:
0xa7: {  	_ =	swait.ge [sflag:s21], $0x3C00  }
0xa8: {  	p0 =	seq.s32 s17, $0x0;
	[sflag:s21] =	ssyncset.done $0x0  }
0xa9: {  	s2 =	simm.s32 $0x80;
	s5 =	simm.s32 @!p0 $0x6;
	[sflag:s21] =	ssyncadd.s32 $0xFFFFC400  }
0xaa: {  	[spmem:s13] =	stream.indirect.scatter.add.f32 [tilespmem:s18], [sflag:$0x4], $0x80, s2, s11, $0xb8;
	[tilespmem:$0x1FA00] =	vst v63  }
0xab: {  	_ =	swait.ge @!p0 [sflag:s5], $0x3C00  }
0xac: {  	[sflag:s5] =	ssyncset.done @!p0 $0x0  }
0xad: {  	[sflag:s5] =	ssyncadd.s32 @!p0 $0xFFFFC400  }
0xae: {  	_ =	swait.ge [sflag:s23], $0x100  }
0xaf: {  	[sflag:s23] =	ssyncset.done $0x0  }
0xb0: {  	s5 =	simm.s32 $0x200;
	[sflag:s23] =	ssyncadd.s32 $0xFFFFFF00  }
0xb1: {  	[tilespmem:s8], [sflag:$0x3] =	stream.indirect.gather [hbm4b:s16+s11], $0x80, s5, s11, $0xb8;
	[tilespmem:$0x1FA00] =	vst v63  }
0xb2: {  	s5 =	sadd.s32 s17, s15  }
0xb3: {  	s6 =	sadd.s32 $0x80, s5  }
0xb4: {  	[tilespmem:s24], [sflag:$0xB] =	stream.linear.gather [hbm4b:s6+s1], $0x100, $0x38;
	[tilespmem:$0x1FA00] =	vst v63  }
0xb5: {  	_ =	swait.ge [sflag:s25], $0x3C00  }
0xb6: {  	[sflag:s25] =	ssyncset.done $0x0  }
0xb7: {  	s6 =	simm.s32 $0x180;
	[sflag:s25] =	ssyncadd.s32 $0xFFFFC400  }
0xb8: {  	[spmem:s13] =	stream.indirect.scatter.add.f32 [tilespmem:s20], [sflag:$0x5], $0x80, s6, s11, $0xb8;
	[tilespmem:$0x1FA00] =	vst v63  }
0xb9: {  	_ =	swait.ge [sflag:s28], $0x3C00  }
0xba: {  	[sflag:s28] =	ssyncset.done $0x0  }
0xbb: {  	[sflag:s28] =	ssyncadd.s32 $0xFFFFC400  }
0xbc: {  	_ =	swait.ge [sflag:s29], $0x100  }
0xbd: {  	[sflag:s29] =	ssyncset.done $0x0  }
0xbe: {  	[sflag:s29] =	ssyncadd.s32 $0xFFFFFF00  }
0xbf: {  	[tilespmem:s18], [sflag:$0x1] =	stream.indirect.gather [hbm4b:s16+s11], $0x80, s7, s11, $0xb8;
	[tilespmem:$0x1FA00] =	vst v63  }
0xc0: {  	s22 =	sadd.s32 $0xA0, s5  }
0xc1: {  	[tilespmem:s14], [sflag:$0xC] =	stream.linear.gather [hbm4b:s22+s1], $0x100, $0x38;
	[tilespmem:$0x1FA00] =	vst v63  }
0xc2: {  	_ =	swait.ge [sflag:s30], $0x3C00  }
0xc3: {  	[sflag:s30] =	ssyncset.done $0x0  }
0xc4: {  	s26 =	simm.s32 $0x280;
	[sflag:s30] =	ssyncadd.s32 $0xFFFFC400  }
0xc5: {  	[spmem:s13] =	stream.indirect.scatter.add.f32 [tilespmem:s8], [sflag:$0x6], $0x80, s26, s11, $0xb8;
	[tilespmem:$0x1FA00] =	vst v63  }
0xc6: {  	_ =	swait.ge [sflag:s12], $0x3C00  }
0xc7: {  	[sflag:s12] =	ssyncset.done $0x0  }
0xc8: {  	[sflag:s12] =	ssyncadd.s32 $0xFFFFC400  }
0xc9: {  	_ =	swait.ge [sflag:s0], $0x100  }
0xca: {  	p0 =	seq.s32 s17, $0x9C0;
	[sflag:s0] =	ssyncset.done $0x0  }
0xcb: {  	s6 =	sadd.s32 @!p0 s17, s15;
	[sflag:s0] =	ssyncadd.s32 $0xFFFFFF00  }
0xcc: {  	[tilespmem:s20], [sflag:$0x2] =	stream.indirect.gather [hbm4b:s16+s11], $0x80, s24, s11, $0xb8;
	[tilespmem:$0x1FA00] =	vst v63  }
0xcd: {  	s22 =	sadd.s32 @!p0 $0xC0, s6;
	s26 =	simm.s32 @!p0 $0x0  }
0xce: {  	[tilespmem:s26], [sflag:$0x7] =	stream.linear.gather @!p0 [hbm4b:s22+s26], $0x100, $0x38;
	[tilespmem:$0x1FA00] =	vst v63  }
0xcf: {  	_ =	swait.ge [sflag:s21], $0x3C00  }
0xd0: {  	[sflag:s21] =	ssyncset.done $0x0  }
0xd1: {  	s31 =	simm.s32 $0x380;
	[sflag:s21] =	ssyncadd.s32 $0xFFFFC400  }
0xd2: {  	[spmem:s13] =	stream.indirect.scatter.add.f32 [tilespmem:s18], [sflag:$0x4], $0x80, s31, s11, $0xb8;
	[tilespmem:$0x1FA00] =	vst v63  }
0xd3: {  	_ =	swait.ge [sflag:s3], $0x3C00  }
0xd4: {  	[sflag:s3] =	ssyncset.done $0x0  }
0xd5: {  	[sflag:s3] =	ssyncadd.s32 $0xFFFFC400  }
0xd6: {  	_ =	swait.ge [sflag:s4], $0x100  }
0xd7: {  	[sflag:s4] =	ssyncset.done $0x0  }
0xd8: {  	s22 =	simm.s32 @p0 $0x2;
	[sflag:s4] =	ssyncadd.s32 $0xFFFFFF00  }
0xd9: {  	[tilespmem:s8], [sflag:$0x3] =	stream.indirect.gather [hbm4b:s16+s11], $0x80, s14, s11, $0xb8;
	[tilespmem:$0x1FA00] =	vst v63  }
0xda: {  	_ =	swait.ge @p0 [sflag:s22], $0x3C00  }
0xdb: {  	s2 =	simm.s32 @p0 $0x4200;
	[sflag:s22] =	ssyncset.done @p0 $0x0  }
0xdc: {  	s31 =	simm.s32 @p0 $0x480;
	[sflag:s22] =	ssyncadd.s32 @p0 $0xFFFFC400;
	s22 =	simm.s32 @p0 $0x78  }
0xdd: {  	[spmem:s13] =	stream.indirect.scatter.add.f32 @p0 [tilespmem:s2], [sflag:$0x5], $0x80, s31, s22, $0xb8;
	[tilespmem:$0x1FA00] =	vst v63  }
0xde: {  	s2 =	sadd.s32 @!p0 $0xE0, s6;
	s22 =	simm.s32 @!p0 $0x100  }
0xdf: {  	[tilespmem:s22], [sflag:$0x8] =	stream.linear.gather @!p0 [hbm4b:s2+s26], $0x100, $0x38;
	[tilespmem:$0x1FA00] =	vst v63  }
0xe0: {  	s2 =	simm.s32 @!p0 $0x2  }
0xe1: {  	_ =	swait.ge @!p0 [sflag:s2], $0x3C00  }
0xe2: {  	s31 =	simm.s32 @!p0 $0x4200;
	[sflag:s2] =	ssyncset.done @!p0 $0x0  }
0xe3: {  	s22 =	simm.s32 @!p0 $0x480;
	[sflag:s2] =	ssyncadd.s32 @!p0 $0xFFFFC400;
	s2 =	simm.s32 @!p0 $0x78  }
0xe4: {  	[spmem:s13] =	stream.indirect.scatter.add.f32 @!p0 [tilespmem:s31], [sflag:$0x5], $0x80, s22, s2, $0xb8;
	[tilespmem:$0x1FA00] =	vst v63  }
0xe5: {  	s22 =	simm.s32 @!p0 $0x4  }
0xe6: {  	_ =	swait.ge @!p0 [sflag:s22], $0x3C00  }
0xe7: {  	[sflag:s22] =	ssyncset.done @!p0 $0x0  }
0xe8: {  	[sflag:s22] =	ssyncadd.s32 @!p0 $0xFFFFC400;
	s22 =	simm.s32 @!p0 $0x7  }
0xe9: {  	_ =	swait.ge @!p0 [sflag:s22], $0x100  }
0xea: {  	[sflag:s22] =	ssyncset.done @!p0 $0x0  }
0xeb: {  	[sflag:s22] =	ssyncadd.s32 @!p0 $0xFFFFFF00;
	s22 =	simm.s32 @!p0 $0x600  }
0xec: {  	[tilespmem:s22], [sflag:$0x1] =	stream.indirect.gather @!p0 [hbm4b:s16+s2], $0x80, s26, s2, $0xb8;
	[tilespmem:$0x1FA00] =	vst v63  }
0xed: {  	s2 =	sadd.s32 @!p0 $0x100, s6;
	s6 =	simm.s32 @!p0 $0x200  }
0xee: {  	[tilespmem:s6], [sflag:$0x9] =	stream.linear.gather @!p0 [hbm4b:s2+s26], $0x100, $0x38;
	[tilespmem:$0x1FA00] =	vst v63  }
.Ltmp3:
0xef: {  	_ = 	snop;
	(pc) =	sbr.rel @p0 .LBB2_6-.Ltmp3, $4  }
0xf0: {  	_ =	swait.ge [sflag:s30], $0x3C00  }
0xf1: {  	[sflag:s30] =	ssyncset.done $0x0  }
0xf2: {  	[sflag:s30] =	ssyncadd.s32 $0xFFFFC400  }
0xf3: {  	[spmem:s13] =	stream.indirect.scatter.add.f32 [tilespmem:s8], [sflag:$0x6], $0x80, s10, s11, $0xb8;
	[tilespmem:$0x1FA00] =	vst v63  }
0xf4: {  	_ =	swait.ge [sflag:s12], $0x3C00  }
0xf5: {  	[sflag:s12] =	ssyncset.done $0x0  }
0xf6: {  	[sflag:s12] =	ssyncadd.s32 $0xFFFFC400  }
0xf7: {  	_ =	swait.ge [sflag:s19], $0x100  }
.Ltmp4:
0xf8: {  	[sflag:s19] =	ssyncset.done $0x0;
	(pc) =	sbr.rel .LBB2_4-.Ltmp4, $4  }
0xf9: {  	s2 =	simm.s32 $0x100;
	[sflag:s19] =	ssyncadd.s32 $0xFFFFFF00  }
0xfa: {  	[tilespmem:s20], [sflag:$0x2] =	stream.indirect.gather [hbm4b:s16+s11], $0x80, s2, s11, $0xb8;
	[tilespmem:$0x1FA00] =	vst v63  }
0xfb: {  	s31 =	sadd.s32 $0x120, s5;
	s17 =	sadd.s32 $0xC0, s17  }
0xfc: {  	[tilespmem:s7], [sflag:$0xA] =	stream.linear.gather [hbm4b:s31+s1], $0x100, $0x38;
	[tilespmem:$0x1FA00] =	vst v63  }
.LBB2_7:
0xfd: {  	_ =	sfence.sel $0x180000  }
0xfe: {  	[bflag:$0x0] =	sbarrier.arrive $0xFFFF  }
0xff: {  	_ =	strace $0x9000004D  }
0x100: {  	s0 =	stileid.u32;
	[bflag:$0x2] =	sbarrier.arrive $0xFFFF  }
0x101: {  	p0 =	sne.s32 s0, $0x0;
	s0 =	rddreg [dreg:$0x2]  }
0x102: {  	s0 =	sadd.s32 @!p0 $0x100000, s0  }
0x103: {  	[sflag:s0] =	ssyncadd.tile.s32 @!p0 $0x1;
	_ =	shalt  }
.Lfunc_end2:
_tile_overlayer_lowered:
.L_overlay_start_2:
0x104: {  	(tag) =	ssettag $0x2  }
0x105: {  	s0 =	rddreg [dreg:$0x0];
	s2 =	stileid.u32  }
0x106: {  	s1 =	rddreg [dreg:$0x1];
	p0 =	sne.s32 s2, $0x0  }
0x107: {  	s3 =	rddreg [dreg:$0x2];
	[bflag:$0x3] =	sbarrier.arrive $0xFFFF;
	s2 =	simm.s32 @!p0 $0x1C0D  }
0x108: {  	[timem:s3], [sflag:s2] =	dma.local @!p0 [hbm:s0], s1  }
0x109: {  	s0 =	simm.s32 @!p0 $0xD  }
0x10a: {  	_ =	swait.ge @!p0 [sflag:s0], s1  }
0x10b: {  	s1 =	ssub.s32 @!p0 $0x0, s1;
	[sflag:s0] =	ssyncset.done @!p0 $0x0  }
0x10c: {  	[sflag:s0] =	ssyncadd.s32 @!p0 s1  }
0x10d: {  	[bflag:$0x3] =	sbarrier.arrive $0xFFFF  }
0x10e: {  	_ =	shalt  }

// kernel: kernel.8.cloned.1.call-start
scs
__scs_entry_jumppad:
0x0: {  	(pc) =	sbr.rel $0x88, $3  }
0x1: {  	(tag) =	ssettag $0x0;
	lr =	simm.s32 $0x1  }
0x2: {  	[smem:$0x3F9B] =	sst lr;
	_ =	strace $0xD0000000  }
0x3: {  	_ = 	snop  }
0x4: {  	_ = 	snop  }
0x5: {  	_ = 	snop  }
0x6: {  	_ = 	snop  }
0x7: {  	_ = 	snop  }
__scs_overlays_trampoline_lowered:
0x8: {  	[smem:$0x3FAA] =	sst s0  }
0x9: {  	[smem:$0x3FAB] =	sst s1  }
0xa: {  	[smem:$0x3FAC] =	sst s2  }
0xb: {  	[smem:$0x3FAD] =	sst s3  }
0xc: {  	[smem:$0x3FAE] =	sst s4  }
0xd: {  	[smem:$0x3FAF] =	sst s5  }
0xe: {  	[smem:$0x3FB0] =	sst s6  }
0xf: {  	[smem:$0x3FB1] =	sst s7  }
0x10: {  	[smem:$0x3FB2] =	sst s8  }
0x11: {  	[smem:$0x3FB3] =	sst s9;
	s0 =	simm.s32 @!p0 $0x0  }
0x12: {  	s1 =	sld [smem:$0x3F99];
	s0 =	simm.s32 @p0 $0x1  }
0x13: {  	[smem:$0x3FB4] =	sst s0;
	s0 =	simm.s32 @!p1 $0x0  }
0x14: {  	s2 =	sld [smem:$0x3F98];
	s0 =	simm.s32 @p1 $0x1  }
0x15: {  	[smem:$0x3FB5] =	sst s0;
	s0 =	simm.s32 @!p2 $0x0  }
0x16: {  	s3 =	sld [smem:$0x3FDB];
	s0 =	simm.s32 @p2 $0x1  }
0x17: {  	s4 =	simm.s32 $0x1BF5;
	[smem:$0x3FB7] =	sst s0  }
0x18: {  	s0 =	sld [smem:$0x3F9A];
	_ =	swait.ge [sflag:s4], $0x0  }
0x19: {  	s7 =	sld [smem:$0x3F9B]  }
0x1a: {  	s8 =	sadd.s32 $0xFFFFE003, lr  }
0x1b: {  	s9 =	sadd.s32 $0xFFFFFEF7, lr;
	s5 =	simm.s32 $0xFFFFFFFF;
	p2 =	slt.u32 s8, $0xFFFFF086  }
0x1c: {  	p1 =	slt.u32 s9, $0xF7A;
	s5 =	simm.s32 @!p2 $0x0  }
0x1d: {  	s5 =	simm.s32 @p1 $0x1;
	p0 =	seq.s32 s7, s2  }
0x1e: {  	s7 =	smul.u32 @!p0 $0xF7A, s2;
	p2 =	seq.s32 @!p0 s5, $0x0  }
0x1f: {  	s9 =	smul.u32 $0xF7A, s1;
	s8 =	simm.s32 @!p0 $0x1BF5;
	p2 =	por !p2, p0  }
0x20: {  	[sflag:s8] =	ssyncset.s32 @!p0 $0xFFFFF086;
	s6 =	sadd.s32 @!p0 s3, s7;
	s7 =	simm.s32 @!p0 $0x108  }
0x21: {  	s3 =	sadd.s32 s3, s9;
	s6 =	sadd.s32 @!p0 $0x88, s6;
	s7 =	simm.s32 @p2 $0x1082  }
0x22: {  	[simem:s7], [sflag:s8] =	dma.local @!p0 [hbm:s6], $0xF7A  }
0x23: {  	s9 =	sor.u32 $0xD0000000, s2;
	s6 =	simm.s32 $0x108;
	_ =	swait.ge @!p0 [sflag:s8], $0x0  }
0x24: {  	s3 =	sadd.s32 $0x88, s3;
	s6 =	simm.s32 @!p1 $0x1082;
	[sflag:s4] =	ssyncset.s32 $0xFFFFF086  }
0x25: {  	[simem:s6], [sflag:s4] =	dma.local [hbm:s3], $0xF7A  }
0x26: {  	[smem:$0x3F9B] =	sst s1;
	(tag) =	ssettag s2;
	_ =	strace s9  }
0x27: {  	s1 =	sld [smem:$0x3FAB]  }
0x28: {  	s2 =	sld [smem:$0x3FAC]  }
0x29: {  	s4 =	sld [smem:$0x3FAE]  }
0x2a: {  	p0 =	seq.s32 s5, $0x0;
	s5 =	sld [smem:$0x3FAF]  }
0x2b: {  	s6 =	sld [smem:$0x3FB0]  }
0x2c: {  	s7 =	sld [smem:$0x3FB1]  }
0x2d: {  	s3 =	simm.s32 $0x108;
	s8 =	sld [smem:$0x3FB2]  }
0x2e: {  	s3 =	simm.s32 @!p0 $0x1082;
	s9 =	sld [smem:$0x3FB3]  }
0x2f: {  	lr =	sadd.s32 s0, s3;
	s0 =	sld [smem:$0x3FAA]  }
0x30: {  	s3 =	sld [smem:$0x3FAD]  }
0x31: {  	[smem:$0x3FB6] =	sst s10  }
0x32: {  	s10 =	sld [smem:$0x3FB4];
	_ =	sdelay $0x3  }
0x33: {  	p0 =	seq.s32 s10, $0x1;
	s10 =	sld [smem:$0x3FB6];
	_ =	sdelay $0x3  }
0x34: {  	[smem:$0x3FB6] =	sst s10  }
0x35: {  	s10 =	sld [smem:$0x3FB5];
	_ =	sdelay $0x3  }
0x36: {  	p1 =	seq.s32 s10, $0x1;
	s10 =	sld [smem:$0x3FB6];
	_ =	sdelay $0x3  }
0x37: {  	[smem:$0x3FB6] =	sst s10  }
0x38: {  	s10 =	sld [smem:$0x3FB7]  }
0x39: {  	_ = 	snop;
	(pc) =	sbr.ind lr, $3  }
0x3a: {  	_ = 	snop  }
0x3b: {  	_ = 	snop  }
0x3c: {  	p2 =	seq.s32 s10, $0x1;
	s10 =	sld [smem:$0x3FB6]  }
0x3d: {  	_ =	shalt  }
0x3e: {  	_ =	shalt  }
0x3f: {  	_ =	shalt  }
0x40: {  	_ =	shalt  }
0x41: {  	_ =	shalt  }
0x42: {  	_ =	shalt  }
0x43: {  	_ =	shalt  }
0x44: {  	_ =	shalt  }
0x45: {  	_ =	shalt  }
0x46: {  	_ =	shalt  }
0x47: {  	_ =	shalt  }
0x48: {  	_ =	shalt  }
0x49: {  	_ =	shalt  }
0x4a: {  	_ =	shalt  }
0x4b: {  	_ =	shalt  }
0x4c: {  	_ =	shalt  }
0x4d: {  	_ =	shalt  }
0x4e: {  	_ =	shalt  }
0x4f: {  	_ =	shalt  }
0x50: {  	_ =	shalt  }
0x51: {  	_ =	shalt  }
0x52: {  	_ =	shalt  }
0x53: {  	_ =	shalt  }
0x54: {  	_ =	shalt  }
0x55: {  	_ =	shalt  }
0x56: {  	_ =	shalt  }
0x57: {  	_ =	shalt  }
0x58: {  	_ =	shalt  }
0x59: {  	_ =	shalt  }
0x5a: {  	_ =	shalt  }
0x5b: {  	_ =	shalt  }
0x5c: {  	_ =	shalt  }
0x5d: {  	_ =	shalt  }
0x5e: {  	_ =	shalt  }
0x5f: {  	_ =	shalt  }
0x60: {  	_ =	shalt  }
0x61: {  	_ =	shalt  }
0x62: {  	_ =	shalt  }
0x63: {  	_ =	shalt  }
0x64: {  	_ =	shalt  }
0x65: {  	_ =	shalt  }
0x66: {  	_ =	shalt  }
0x67: {  	_ =	shalt  }
0x68: {  	_ =	shalt  }
0x69: {  	_ =	shalt  }
0x6a: {  	_ =	shalt  }
0x6b: {  	_ =	shalt  }
0x6c: {  	_ =	shalt  }
0x6d: {  	_ =	shalt  }
0x6e: {  	_ =	shalt  }
0x6f: {  	_ =	shalt  }
0x70: {  	_ =	shalt  }
0x71: {  	_ =	shalt  }
0x72: {  	_ =	shalt  }
0x73: {  	_ =	shalt  }
0x74: {  	_ =	shalt  }
0x75: {  	_ =	shalt  }
0x76: {  	_ =	shalt  }
0x77: {  	_ =	shalt  }
0x78: {  	_ =	shalt  }
0x79: {  	_ =	shalt  }
0x7a: {  	_ =	shalt  }
0x7b: {  	_ =	shalt  }
0x7c: {  	_ =	shalt  }
0x7d: {  	_ =	shalt  }
0x7e: {  	_ =	shalt  }
0x7f: {  	_ =	shalt  }
0x80: {  	_ =	shalt  }
0x81: {  	_ =	shalt  }
0x82: {  	_ =	shalt  }
0x83: {  	_ =	shalt  }
0x84: {  	_ =	shalt  }
0x85: {  	_ =	shalt  }
0x86: {  	_ =	shalt  }
0x87: {  	_ =	shalt  }
.Lfunc_end0:
.L_simem_size_0:
called_computation_lowered:
.L_overlay_start_0:
0x88: {  	s2 =	sld [smem:$0x3FD9]  }
0x89: {  	s3 =	sld [smem:$0x3FFE];
	_ =	sdelay $0x1  }
0x8a: {  	s1 =	srdreg.scid  }
0x8b: {  	s0 =	sand.u32 $0x1, s1  }
0x8c: {  	s17 =	sshll.u32 s0, $0xA;
	s2 =	sadd.s32 s3, s2  }
0x8d: {  	s2 =	sadd.s32 s2, s17  }
0x8e: {  	[smem:$0x3FC2] =	sst s2  }
0x8f: {  	_ = 	snop  }
0x90: {  	s2 =	sld [smem:$0x3FD0];
	(tm) =	ssettm $0x1  }
0x91: {  	s18 =	sld [smem:$0x3FFB];
	_ =	sdelay $0x3  }
0x92: {  	_ =	strace s18  }
0x93: {  	s3 =	sld [smem:$0x3FFC];
	_ =	sdelay $0x3  }
0x94: {  	_ =	strace s3  }
0x95: {  	s3 =	sld [smem:$0x3FFD];
	_ =	sdelay $0x3  }
0x96: {  	_ =	strace s3  }
0x97: {  	_ =	strace $0x8FFFFFFF  }
0x98: {  	s19 =	sld [smem:$0x3FDB];
	_ =	sdelay $0x1  }
0x99: {  	s4 =	simm.s32 $_scs_section_size  }
0x9a: {  	s5 =	simm.s32 $_size__tile_overlayer_lowered;
	s6 =	simm.s32 $_tile_overlayer_lowered  }
0x9b: {  	s22 =	simm.s32 $0x1BFF;
	s21 =	sshll.u32 s6, $0x1;
	s3 =	sadd.s32 s4, s19  }
0x9c: {  	s7 =	simm.s32 $0x0;
	s20 =	sshll.u32 s5, $0x1;
	s5 =	sadd.s32 s21, s3  }
0x9d: {  	[timem:s7], [sflag:s22] =	dma.local [hbm:s5], s20  }
0x9e: {  	_ =	swait.ge [sflag:s22], s20  }
0x9f: {  	s4 =	ssub.s32 $0x0, s20;
	[sflag:s22] =	ssyncset.done $0x0  }
0xa0: {  	[sflag:s22] =	ssyncadd.s32 s4;
	_ =	sdelay $0x1  }
0xa1: {  	s23 =	simm.s32 $0x1B8B  }
0xa2: {  	_ =	swait.ge [sflag:s23], $0x1  }
0xa3: {  	[sflag:s23] =	ssyncset.done $0x0  }
0xa4: {  	s25 =	simm.s32 $0x1B8E;
	s24 =	sld [smem:$0x3FFE];
	[sflag:s23] =	ssyncadd.s32 $0xFFFFFFFF  }
0xa5: {  	s26 =	simm.s32 $execute0_lowered;
	[smem:$0x3FD2] =	sst s25  }
0xa6: {  	s5 =	sshll.u32 s26, $0x1;
	_ =	strace $0x80000046;
	[dreg:$0x1] =	wrdreg $0xFFFFFFFF  }
0xa7: {  	s28 =	simm.s32 $_size_execute0_lowered;
	s3 =	sadd.s32 s3, s5;
	[dreg:$0x0] =	wrdreg $0x0  }
0xa8: {  	s5 =	sshll.u32 s28, $0x1;
	[dreg:$0x2] =	wrdreg s3  }
0xa9: {  	[dreg:$0x3] =	wrdreg s5  }
0xaa: {  	[dreg:$0x4] =	wrdreg $0xC0  }
0xab: {  	_ =	task [dreg:s7], $0x5FFFF  }
0xac: {  	[dreg:$0x1] =	wrdreg $0xFFFFFFFF  }
0xad: {  	[dreg:$0x0] =	wrdreg $0x60  }
0xae: {  	[dreg:$0x2] =	wrdreg s24  }
0xaf: {  	[dreg:$0x3] =	wrdreg s2  }
0xb0: {  	[dreg:$0x4] =	wrdreg $0x9  }
0xb1: {  	_ =	task.clear_ibuf [dreg:s7], $0x5FFFF;
	_ =	strace $0x90000046  }
0xb2: {  	s29 =	simm.s32 $0x9;
	_ =	strace $0x80000048  }
0xb3: {  	_ =	swait.ge [sflag:s29], $0x1  }
0xb4: {  	[sflag:s29] =	ssyncadd.s32 $0xFFFFFFFF  }
0xb5: {  	_ =	strace $0x90000048  }
0xb6: {  	_ =	sfence  }
0xb7: {  	s30 =	sld [smem:$0x0];
	_ =	sdelay $0x2  }
0xb8: {  	s31 =	sshll.u32 s1, $0xD;
	s1 =	sshrl.u32 s1, $0x2  }
0xb9: {  	s3 =	sand.u32 $0x4000, s31;
	s1 =	sadd.s32 s1, s30  }
0xba: {  	s0 =	sor.u32 s3, s0;
	s1 =	sshll.u32 s1, $0x11  }
0xbb: {  	s0 =	sor.u32 s1, s0  }
0xbc: {  	s0 =	sadd.s32 $0x8F2B, s0  }
0xbd: {  	[sflag:s0] =	ssyncadd.remote.s32 $0x1  }
0xbe: {  	_ =	sfence.sel $0xFFFF  }
0xbf: {  	[dreg:$0x0] =	wrdreg $0xFFFFFFFF;
	(pc) =	sbr.abs _section_cstart, $3  }
0xc0: {  	[dreg:$0x1] =	wrdreg $0xFFFFFFFF  }
0xc1: {  	_ =	task.clear_ibuf [dreg:s7], $0x2FFFF;
	_ =	strace $0x9FFFFFFF  }
0xc2: {  	(tm) =	ssettm $0x7FFFFFFF  }
0xc3: {  	_ =	shalt  }
tec
execute0_lowered:
.L_overlay_start_1:
0x0: {  	(tag) =	ssettag $0x1  }
0x1: {  	s3 =	rddreg [dreg:$0x0]  }
0x2: {  	s4 =	rddreg [dreg:$0x1]  }
0x3: {  	s0 =	rddreg [dreg:$0x2];
	s2 =	simm.s32 $0x0;
	s5 =	srdreg.scid  }
0x4: {  	s1 =	stileid.u32;
	s10 =	simm.s32 $0x0;
	s5 =	sand.u32 $0x1, s5  }
0x5: {  	s6 =	sshrl.u32 s1, $0x2;
	s7 =	sshll.u32 s1, $0x8;
	[smem:$0x7FF] =	sst s2  }
0x6: {  	s8 =	sshll.u32 s5, $0x7;
	s7 =	sand.u32 $0x300, s7;
	s9 =	smul.u32 $0x13C00, s6  }
0x7: {  	s6 =	smul.u32 $0x14000, s6;
	s5 =	ssub.s32 $0x2, s5;
	s7 =	sor.u32 s8, s7  }
0x8: {  	_ =	strace $0x80000047;
	s31 =	sshrl.u32 s5, $0x1;
	s8 =	sor.u32 s9, s7  }
0x9: {  	s6 =	sor.u32 s6, s7;
	s5 =	ssub.s32 s5, s31;
	s7 =	simm.s32 $0x400  }
0xa: {  	s9 =	simm.s32 $0x2780;
	s8 =	sshrl.u32 s8, $0x3;
	s6 =	sshrl.u32 s6, $0x3  }
0xb: {  	s5 =	smax.u32 s5, $0x1;
	s3 =	sadd.s32 s8, s3;
	s4 =	sadd.s32 s4, s6  }
0xc: {  	v0 =	vimm.f32 $0.0e+00;
	v1 =	vimm.f32 $1.000000000e+00;
	s6 =	simm.s32 $0x80;
	s8 =	simm.s32 $0x1;
	s3 =	sadd.s32 $0x2E00, s3  }
.LBB2_1:
0xd: {  	[tilespmem:s2], [sflag:$0x1] =	stream.strided.gather [hbm4b:s3+s6], $0x2780, s7, s6, $0x38;
	[tilespmem:$0x4F80] =	vst v63  }
0xe: {  	_ =	swait.ge [sflag:s8], $0x2780  }
0xf: {  	[sflag:s8] =	ssyncset.done $0x0  }
0x10: {  	s11 =	simm.s32 $0x0;
	[sflag:s8] =	ssyncadd.s32 $0xFFFFD880  }
.LBB2_2:
0x11: {  	p0 =	sne.s32 s11, $0x9FC0  }
.Ltmp0:
0x12: {  	_ = 	snop;
	(pc) =	sbr.rel @p0 .LBB2_2-.Ltmp0, $3  }
0x13: {  	_ =	sdelay $0x1  }
0x14: {  	s12 =	sshra.s32 s11, $0x2  }
0x15: {  	s11 =	sadd.s32 $0x40, s11;
	[tilespmem:s12+$0x2780] =	vst v0  }
0x16: {  	s11 =	simm.s32 $0x0  }
.LBB2_4:
0x17: {  	s12 =	sshra.s32 s11, $0x2  }
0x18: {  	v2 =	vld [tilespmem:s12+$0x0];
	_ =	sdelay $0x7  }
0x19: {  	[tilespmem:v2+s9+$0x0] =	vst.idx.add.f32.msk $0xffff, v1  }
0x1a: {  	v2 =	vld [tilespmem:s12+$0x10];
	_ =	sdelay $0x7  }
0x1b: {  	[tilespmem:v2+s9+$0x0] =	vst.idx.add.f32.msk $0xffff, v1  }
0x1c: {  	v2 =	vld [tilespmem:s12+$0x20];
	_ =	sdelay $0x7  }
0x1d: {  	[tilespmem:v2+s9+$0x0] =	vst.idx.add.f32.msk $0xffff, v1  }
0x1e: {  	v2 =	vld [tilespmem:s12+$0x30];
	_ =	sdelay $0x7  }
0x1f: {  	[tilespmem:v2+s9+$0x0] =	vst.idx.add.f32.msk $0xffff, v1  }
0x20: {  	v2 =	vld [tilespmem:s12+$0x40];
	_ =	sdelay $0x2  }
0x21: {  	p0 =	sne.s32 s11, $0x9B00  }
.Ltmp1:
0x22: {  	_ = 	snop;
	(pc) =	sbr.rel @p0 .LBB2_4-.Ltmp1, $2  }
0x23: {  	_ =	sdelay $0x2  }
0x24: {  	s11 =	sadd.s32 $0x140, s11;
	[tilespmem:v2+s9+$0x0] =	vst.idx.add.f32.msk $0xffff, v1  }
0x25: {  	s10 =	sadd.s32 $0x1, s10  }
0x26: {  	p0 =	sne.s32 s10, s5  }
.Ltmp2:
0x27: {  	_ = 	snop;
	(pc) =	sbr.rel @p0 .LBB2_1-.Ltmp2, $4  }
0x28: {  	[hbm4b:s4+s6] =	stream.strided.scatter [tilespmem:s9], [sflag:$0x1], $0x2800, s7, s6, $0x38;
	[tilespmem:$0x4F80] =	vst v63  }
0x29: {  	_ =	swait.ge [sflag:s8], $0x2800  }
0x2a: {  	[sflag:s8] =	ssyncset.done $0x0  }
0x2b: {  	[sflag:s8] =	ssyncadd.s32 $0xFFFFD800  }
0x2c: {  	_ =	sfence.sel $0x180000  }
0x2d: {  	[bflag:$0x0] =	sbarrier.arrive $0xFFFF  }
0x2e: {  	p0 =	sne.s32 s1, $0x0;
	_ =	strace $0x90000047  }
0x2f: {  	s0 =	sadd.s32 @!p0 $0x100000, s0;
	[bflag:$0x2] =	sbarrier.arrive $0xFFFF  }
0x30: {  	[sflag:s0] =	ssyncadd.tile.s32 @!p0 $0x1;
	_ =	shalt  }
.Lfunc_end2:
_tile_overlayer_lowered:
.L_overlay_start_2:
0x31: {  	(tag) =	ssettag $0x2  }
0x32: {  	s0 =	rddreg [dreg:$0x0];
	s2 =	stileid.u32  }
0x33: {  	s1 =	rddreg [dreg:$0x1];
	p0 =	sne.s32 s2, $0x0  }
0x34: {  	s3 =	rddreg [dreg:$0x2];
	[bflag:$0x3] =	sbarrier.arrive $0xFFFF;
	s2 =	simm.s32 @!p0 $0x1C01  }
0x35: {  	[timem:s3], [sflag:s2] =	dma.local @!p0 [hbm:s0], s1  }
0x36: {  	s0 =	simm.s32 @!p0 $0x1  }
0x37: {  	_ =	swait.ge @!p0 [sflag:s0], s1  }
0x38: {  	s1 =	ssub.s32 @!p0 $0x0, s1;
	[sflag:s0] =	ssyncset.done @!p0 $0x0  }
0x39: {  	[sflag:s0] =	ssyncadd.s32 @!p0 s1  }
0x3a: {  	[bflag:$0x3] =	sbarrier.arrive $0xFFFF  }
0x3b: {  	_ =	shalt  }

</sc_bundles>
